<compile_context>
chip_gen: v7x
topology: tpu7x:2x2x1
jax: 0.10.2.dev20260603
libtpu: 0.0.44.dev20260713+nightly
codegen_flags: <defaults>
</compile_context>

<pallas_src>
import functools

import jax
import jax.numpy as jnp
from jax import lax
from jax.experimental import pallas as pl
from jax.experimental.pallas import tpu as pltpu
from jax.experimental.pallas import tpu_sc as plsc

_VOCAB = 100000
_EMBED = 128
_SEQ = 200
_BATCH = 4096
_HALF = _SEQ // 2
_LANES = 16
_NB = 4


def _make_kernel():
    info = plsc.get_sparse_core_info()
    nc, ns = info.num_cores, info.num_subcores
    nw = nc * ns
    rows = _BATCH * _SEQ
    per_w = rows // nw
    nseq_w = per_w // _SEQ

    mesh = plsc.VectorSubcoreMesh(core_axis_name="c", subcore_axis_name="s")

    @functools.partial(
        pl.kernel,
        mesh=mesh,
        out_type=jax.ShapeDtypeStruct((rows, _EMBED), jnp.float32),
        scratch_types=[
            pltpu.VMEM((_SEQ, _EMBED), jnp.float32),
            pltpu.VMEM((_NB, 2, _HALF), jnp.int32),
            pltpu.VMEM((_NB, _SEQ, _EMBED), jnp.float32),
        ] + [pltpu.SemaphoreType.DMA] * (3 * _NB),
    )
    def kern(ids_hbm, tok_hbm, pos_hbm, out_hbm, pos_v, idx_v, rows_v,
             *sems):
        sem_i = sems[0:_NB]
        sem_g = sems[_NB:2 * _NB]
        sem_s = sems[2 * _NB:3 * _NB]
        wid = lax.axis_index("s") * nc + lax.axis_index("c")
        row0 = wid * per_w
        irow0 = wid * (per_w // _HALF)

        def idx_dma(g, b):
            return pltpu.make_async_copy(
                ids_hbm.at[pl.ds(irow0 + 2 * g, 2)], idx_v.at[b], sem_i[b])

        def gather_dma(b, h):
            return pltpu.make_async_copy(
                tok_hbm.at[idx_v.at[b, h]],
                rows_v.at[b, pl.ds(h * _HALF, _HALF)], sem_g[b])

        def scatter_dma(g, b):
            return pltpu.make_async_copy(
                rows_v.at[b], out_hbm.at[pl.ds(row0 + g * _SEQ, _SEQ)],
                sem_s[b])

        def gather_start(b):
            gather_dma(b, 0).start()
            gather_dma(b, 1).start()

        def gather_wait(b):
            gather_dma(b, 0).wait()
            gather_dma(b, 1).wait()

        def add_pos(b):
            @plsc.parallel_loop(0, _SEQ, step=1, unroll=4)
            def _rbody(r):
                for c in range(_EMBED // _LANES):
                    sl = pl.ds(c * _LANES, _LANES)
                    plsc.addupdate(rows_v.at[b, r, sl], pos_v[r, sl])

        pltpu.sync_copy(pos_hbm.at[pl.ds(0, _SEQ)], pos_v)

        def step(g, b, w_scat, g_next, i_next):
            if w_scat:
                scatter_dma(0, (b + 1) % _NB).wait()
            if g_next:
                idx_dma(0, (b + 1) % _NB).wait()
                gather_start((b + 1) % _NB)
            if i_next:
                idx_dma(g + 2, (b + 2) % _NB).start()
            gather_wait(b)
            add_pos(b)
            scatter_dma(g, b).start()

        idx_dma(0, 0).start()
        idx_dma(0, 0).wait()
        gather_start(0)
        idx_dma(1, 1).start()

        step(0, 0, False, True, True)
        step(1, 1, False, True, True)
        step(2, 2, False, True, True)
        step(3, 3, True, True, True)

        def loop_body(k, _):
            g = 4 * k + 4
            step(g + 0, 0, True, True, True)
            step(g + 1, 1, True, True, True)
            step(g + 2, 2, True, True, True)
            step(g + 3, 3, True, True, True)
            return _
        lax.fori_loop(0, (nseq_w - 8) // 4, loop_body, 0)

        step(nseq_w - 4, 0, True, True, True)
        step(nseq_w - 3, 1, True, True, True)
        step(nseq_w - 2, 2, True, True, False)
        step(nseq_w - 1, 3, True, False, False)
        scatter_dma(0, 1).wait()
        scatter_dma(0, 2).wait()
        scatter_dma(0, 3).wait()

    return kern


_kern = _make_kernel()


def kernel(input_ids, token_table, position_table):
    rows = _BATCH * _SEQ
    ids = jnp.reshape(input_ids.astype(jnp.int32), (rows // _HALF, _HALF))
    out = _kern(ids, token_table, position_table)
    return jnp.reshape(out, (_BATCH, _SEQ, _EMBED))

# --- scband reference (transcript-rebuilt; emitter-appended) ---
"""Pipeline reference for scband-cliptext-embedding-6330781794798 (READ-ONLY COPY).

The authoritative reference and input builder live on the scoring server;
editing this copy changes nothing except your own understanding.
"""

import jax, jax.numpy as jnp
import numpy as np

VOCAB = 100000
EMBED = 128
MAX_POS = 256
BATCH = 4096
SEQ = 200

def setup_inputs(seed: int = 0) -> dict:
    key = jax.random.key(seed)
    k1, k2, k3 = jax.random.split(key, 3)
    input_ids = jax.random.randint(k1, (BATCH, SEQ), 0, VOCAB, dtype=jnp.int64 if jax.config.jax_enable_x64 else jnp.int32)
    token_table = jax.random.normal(k2, (VOCAB, EMBED), dtype=jnp.float32) * 0.02
    position_table = jax.random.normal(k3, (MAX_POS, EMBED), dtype=jnp.float32) * 0.02
    return {"input_ids": input_ids, "token_table": token_table, "position_table": position_table}

def reference(input_ids, token_table, position_table):
    seq_length = input_ids.shape[-1]
    # position_ids = arange(max_pos)[None, :seq]
    position_ids = jnp.arange(MAX_POS)[None, :][:, :seq_length]
    inputs_embeds = jnp.take(token_table, input_ids, axis=0)
    position_embeddings = jnp.take(position_table, position_ids, axis=0)
    embeddings = inputs_embeds + position_embeddings
    return embeddings

if __name__ == "__main__":
    import jax
    _d = setup_inputs()
    print(jax.jit(kernel)(*tuple(_d.values())))

</pallas_src>

<mosaic_0001>
#map = affine_map<(d0, d1) -> (0, 0)>
module attributes {stable_mosaic.version = 14 : i64} {
  func.func @kern(%arg0: i32, %arg1: i32, %arg2: memref<8192x100xi32, #tpu.memory_space<hbm>>, %arg3: memref<100000x128xf32, #tpu.memory_space<hbm>>, %arg4: memref<256x128xf32, #tpu.memory_space<hbm>>, %arg5: memref<819200x128xf32, #tpu.memory_space<hbm>>, %arg6: memref<200x128xf32, #tpu.memory_space<vmem>>, %arg7: memref<4x2x100xi32, #tpu.memory_space<vmem>>, %arg8: memref<4x200x128xf32, #tpu.memory_space<vmem>>, %arg9: memref<!tpu.dma_semaphore, #tpu.memory_space<semaphore_mem>>, %arg10: memref<!tpu.dma_semaphore, #tpu.memory_space<semaphore_mem>>, %arg11: memref<!tpu.dma_semaphore, #tpu.memory_space<semaphore_mem>>, %arg12: memref<!tpu.dma_semaphore, #tpu.memory_space<semaphore_mem>>, %arg13: memref<!tpu.dma_semaphore, #tpu.memory_space<semaphore_mem>>, %arg14: memref<!tpu.dma_semaphore, #tpu.memory_space<semaphore_mem>>, %arg15: memref<!tpu.dma_semaphore, #tpu.memory_space<semaphore_mem>>, %arg16: memref<!tpu.dma_semaphore, #tpu.memory_space<semaphore_mem>>, %arg17: memref<!tpu.dma_semaphore, #tpu.memory_space<semaphore_mem>>, %arg18: memref<!tpu.dma_semaphore, #tpu.memory_space<semaphore_mem>>, %arg19: memref<!tpu.dma_semaphore, #tpu.memory_space<semaphore_mem>>, %arg20: memref<!tpu.dma_semaphore, #tpu.memory_space<semaphore_mem>>) attributes {dimension_semantics = [#tpu.dimension_semantics<core_parallel>, #tpu.dimension_semantics<subcore_parallel>], iteration_bounds = array<i64: 2, 16>, scalar_prefetch = 0 : i64, scratch_operands = 15 : i64, tpu.core_type = #tpu.core_type<sc_vector_subcore>, window_params = [{transform_indices = #map}, {transform_indices = #map}, {transform_indices = #map}, {transform_indices = #map}]} {
    %mul3A = arith.constant 2 : i32
    %mul3A_0 = arith.muli %arg1, %mul3A : i32
    %add3A = arith.addi %mul3A_0, %arg0 : i32
    %mul3A_1 = arith.constant 25600 : i32
    %mul3A_2 = arith.muli %add3A, %mul3A_1 : i32
    %mul3A_3 = arith.constant 256 : i32
    %mul3A_4 = arith.muli %add3A, %mul3A_3 : i32
    "tpu.region"() ({
      %run_scoped3A = tpu.sem_alloc : memref<!tpu.dma_semaphore, #tpu.memory_space<semaphore_mem>>
      %dma_start3A_927 = arith.constant 0 : i32
      %dma_start3A_928 = arith.constant 0 : i32
      %dma_start3A_929 = tpu.memref_slice %arg4[%dma_start3A_927, %dma_start3A_928] : memref<256x128xf32, #tpu.memory_space<hbm>> -> memref<200x128xf32, #tpu.memory_space<hbm>>
      %dma_start3A_930 = arith.constant 0 : i32
      %dma_start3A_931 = arith.constant 0 : i32
      %dma_start3A_932 = tpu.memref_slice %arg4[%dma_start3A_930, %dma_start3A_931] : memref<256x128xf32, #tpu.memory_space<hbm>> -> memref<200x128xf32, #tpu.memory_space<hbm>>
      tpu.enqueue_dma source(%dma_start3A_932 : memref<200x128xf32, #tpu.memory_space<hbm>>) target(%arg6 : memref<200x128xf32, #tpu.memory_space<vmem>>) target_semaphore(%run_scoped3A : memref<!tpu.dma_semaphore, #tpu.memory_space<semaphore_mem>>)
      %dma_wait3A_933 = arith.constant 0 : i32
      %dma_wait3A_934 = arith.constant 0 : i32
      %dma_wait3A_935 = tpu.memref_slice %arg4[%dma_wait3A_933, %dma_wait3A_934] : memref<256x128xf32, #tpu.memory_space<hbm>> -> memref<200x128xf32, #tpu.memory_space<hbm>>
      %dma_wait3A_936 = arith.constant 0 : i32
      %dma_wait3A_937 = arith.constant 0 : i32
      %dma_wait3A_938 = tpu.memref_slice %arg4[%dma_wait3A_936, %dma_wait3A_937] : memref<256x128xf32, #tpu.memory_space<hbm>> -> memref<200x128xf32, #tpu.memory_space<hbm>>
      tpu.wait_dma2 semaphore(%run_scoped3A : memref<!tpu.dma_semaphore, #tpu.memory_space<semaphore_mem>>) src(%dma_wait3A_938 : memref<200x128xf32, #tpu.memory_space<hbm>>) dst(%arg6 : memref<200x128xf32, #tpu.memory_space<vmem>>)
      tpu.yield
    }) : () -> ()
    %add3A_5 = arith.constant 0 : i32
    %add3A_6 = arith.addi %mul3A_4, %add3A_5 : i32
    %dma_start3A = arith.constant 0 : i32
    %dma_start3A_7 = arith.constant 0 : i32
    %dma_start3A_8 = arith.constant 0 : i32
    %dma_start3A_9 = tpu.memref_slice %arg7[%dma_start3A, %dma_start3A_7, %dma_start3A_8] : memref<4x2x100xi32, #tpu.memory_space<vmem>> -> memref<1x2x100xi32, #tpu.memory_space<vmem>>
    %dma_start3A_10 = tpu.memref_squeeze %dma_start3A_9 : memref<1x2x100xi32, #tpu.memory_space<vmem>> -> memref<2x100xi32, #tpu.memory_space<vmem>>
    %dma_start3A_11 = arith.constant 0 : i32
    %dma_start3A_12 = tpu.memref_slice %arg2[%add3A_6, %dma_start3A_11] : memref<8192x100xi32, #tpu.memory_space<hbm>> -> memref<2x100xi32, #tpu.memory_space<hbm>>
    %dma_start3A_13 = arith.constant 0 : i32
    %dma_start3A_14 = arith.constant 0 : i32
    %dma_start3A_15 = tpu.memref_slice %arg7[%dma_start3A, %dma_start3A_13, %dma_start3A_14] : memref<4x2x100xi32, #tpu.memory_space<vmem>> -> memref<1x2x100xi32, #tpu.memory_space<vmem>>
    %dma_start3A_16 = tpu.memref_squeeze %dma_start3A_15 : memref<1x2x100xi32, #tpu.memory_space<vmem>> -> memref<2x100xi32, #tpu.memory_space<vmem>>
    %dma_start3A_17 = arith.constant 0 : i32
    %dma_start3A_18 = tpu.memref_slice %arg2[%add3A_6, %dma_start3A_17] : memref<8192x100xi32, #tpu.memory_space<hbm>> -> memref<2x100xi32, #tpu.memory_space<hbm>>
    tpu.enqueue_dma source(%dma_start3A_18 : memref<2x100xi32, #tpu.memory_space<hbm>>) target(%dma_start3A_16 : memref<2x100xi32, #tpu.memory_space<vmem>>) target_semaphore(%arg9 : memref<!tpu.dma_semaphore, #tpu.memory_space<semaphore_mem>>)
    %add3A_19 = arith.constant 0 : i32
    %add3A_20 = arith.addi %mul3A_4, %add3A_19 : i32
    %dma_wait3A = arith.constant 0 : i32
    %dma_wait3A_21 = arith.constant 0 : i32
    %dma_wait3A_22 = arith.constant 0 : i32
    %dma_wait3A_23 = tpu.memref_slice %arg7[%dma_wait3A, %dma_wait3A_21, %dma_wait3A_22] : memref<4x2x100xi32, #tpu.memory_space<vmem>> -> memref<1x2x100xi32, #tpu.memory_space<vmem>>
    %dma_wait3A_24 = tpu.memref_squeeze %dma_wait3A_23 : memref<1x2x100xi32, #tpu.memory_space<vmem>> -> memref<2x100xi32, #tpu.memory_space<vmem>>
    %dma_wait3A_25 = arith.constant 0 : i32
    %dma_wait3A_26 = tpu.memref_slice %arg2[%add3A_20, %dma_wait3A_25] : memref<8192x100xi32, #tpu.memory_space<hbm>> -> memref<2x100xi32, #tpu.memory_space<hbm>>
    %dma_wait3A_27 = arith.constant 0 : i32
    %dma_wait3A_28 = arith.constant 0 : i32
    %dma_wait3A_29 = tpu.memref_slice %arg7[%dma_wait3A, %dma_wait3A_27, %dma_wait3A_28] : memref<4x2x100xi32, #tpu.memory_space<vmem>> -> memref<1x2x100xi32, #tpu.memory_space<vmem>>
    %dma_wait3A_30 = tpu.memref_squeeze %dma_wait3A_29 : memref<1x2x100xi32, #tpu.memory_space<vmem>> -> memref<2x100xi32, #tpu.memory_space<vmem>>
    %dma_wait3A_31 = arith.constant 0 : i32
    %dma_wait3A_32 = tpu.memref_slice %arg2[%add3A_20, %dma_wait3A_31] : memref<8192x100xi32, #tpu.memory_space<hbm>> -> memref<2x100xi32, #tpu.memory_space<hbm>>
    tpu.wait_dma2 semaphore(%arg9 : memref<!tpu.dma_semaphore, #tpu.memory_space<semaphore_mem>>) src(%dma_wait3A_32 : memref<2x100xi32, #tpu.memory_space<hbm>>) dst(%dma_wait3A_30 : memref<2x100xi32, #tpu.memory_space<vmem>>)
    %dma_start3A_33 = arith.constant 0 : i32
    %dma_start3A_34 = arith.constant 0 : i32
    %dma_start3A_35 = arith.constant 0 : i32
    %dma_start3A_36 = arith.constant 0 : i32
    %dma_start3A_37 = arith.constant 0 : i32
    %dma_start3A_38 = tpu.memref_slice %arg8[%dma_start3A_35, %dma_start3A_36, %dma_start3A_37] : memref<4x200x128xf32, #tpu.memory_space<vmem>> -> memref<1x100x128xf32, #tpu.memory_space<vmem>>
    %dma_start3A_39 = tpu.memref_squeeze %dma_start3A_38 : memref<1x100x128xf32, #tpu.memory_space<vmem>> -> memref<100x128xf32, #tpu.memory_space<vmem>>
    %dma_start3A_40 = arith.constant 0 : i32
    %dma_start3A_41 = tpu.memref_slice %arg7[%dma_start3A_33, %dma_start3A_34, %dma_start3A_40] : memref<4x2x100xi32, #tpu.memory_space<vmem>> -> memref<1x1x100xi32, #tpu.memory_space<vmem>>
    %dma_start3A_42 = tpu.memref_squeeze %dma_start3A_41 : memref<1x1x100xi32, #tpu.memory_space<vmem>> -> memref<100xi32, #tpu.memory_space<vmem>>
    %dma_start3A_43 = arith.constant 0 : i32
    %dma_start3A_44 = arith.constant 0 : i32
    %dma_start3A_45 = tpu.memref_slice %arg3[%dma_start3A_43, %dma_start3A_44] : memref<100000x128xf32, #tpu.memory_space<hbm>> -> memref<100000x128xf32, #tpu.memory_space<hbm>>
    tpu.enqueue_indirect_dma source(%dma_start3A_45 : memref<100000x128xf32, #tpu.memory_space<hbm>>) target(%dma_start3A_39 : memref<100x128xf32, #tpu.memory_space<vmem>>) offsets(%dma_start3A_42 : memref<100xi32, #tpu.memory_space<vmem>>) semaphore(%arg13 : memref<!tpu.dma_semaphore, #tpu.memory_space<semaphore_mem>>)
    %dma_start3A_46 = arith.constant 0 : i32
    %dma_start3A_47 = arith.constant 1 : i32
    %dma_start3A_48 = arith.constant 0 : i32
    %dma_start3A_49 = arith.constant 100 : i32
    %dma_start3A_50 = arith.constant 0 : i32
    %dma_start3A_51 = tpu.memref_slice %arg8[%dma_start3A_48, %dma_start3A_49, %dma_start3A_50] : memref<4x200x128xf32, #tpu.memory_space<vmem>> -> memref<1x100x128xf32, #tpu.memory_space<vmem>>
    %dma_start3A_52 = tpu.memref_squeeze %dma_start3A_51 : memref<1x100x128xf32, #tpu.memory_space<vmem>> -> memref<100x128xf32, #tpu.memory_space<vmem>>
    %dma_start3A_53 = arith.constant 0 : i32
    %dma_start3A_54 = tpu.memref_slice %arg7[%dma_start3A_46, %dma_start3A_47, %dma_start3A_53] : memref<4x2x100xi32, #tpu.memory_space<vmem>> -> memref<1x1x100xi32, #tpu.memory_space<vmem>>
    %dma_start3A_55 = tpu.memref_squeeze %dma_start3A_54 : memref<1x1x100xi32, #tpu.memory_space<vmem>> -> memref<100xi32, #tpu.memory_space<vmem>>
    %dma_start3A_56 = arith.constant 0 : i32
    %dma_start3A_57 = arith.constant 0 : i32
    %dma_start3A_58 = tpu.memref_slice %arg3[%dma_start3A_56, %dma_start3A_57] : memref<100000x128xf32, #tpu.memory_space<hbm>> -> memref<100000x128xf32, #tpu.memory_space<hbm>>
    tpu.enqueue_indirect_dma source(%dma_start3A_58 : memref<100000x128xf32, #tpu.memory_space<hbm>>) target(%dma_start3A_52 : memref<100x128xf32, #tpu.memory_space<vmem>>) offsets(%dma_start3A_55 : memref<100xi32, #tpu.memory_space<vmem>>) semaphore(%arg13 : memref<!tpu.dma_semaphore, #tpu.memory_space<semaphore_mem>>)
    %add3A_59 = arith.constant 2 : i32
    %add3A_60 = arith.addi %mul3A_4, %add3A_59 : i32
    %dma_start3A_61 = arith.constant 1 : i32
    %dma_start3A_62 = arith.constant 0 : i32
    %dma_start3A_63 = arith.constant 0 : i32
    %dma_start3A_64 = tpu.memref_slice %arg7[%dma_start3A_61, %dma_start3A_62, %dma_start3A_63] : memref<4x2x100xi32, #tpu.memory_space<vmem>> -> memref<1x2x100xi32, #tpu.memory_space<vmem>>
    %dma_start3A_65 = tpu.memref_squeeze %dma_start3A_64 : memref<1x2x100xi32, #tpu.memory_space<vmem>> -> memref<2x100xi32, #tpu.memory_space<vmem>>
    %dma_start3A_66 = arith.constant 0 : i32
    %dma_start3A_67 = tpu.memref_slice %arg2[%add3A_60, %dma_start3A_66] : memref<8192x100xi32, #tpu.memory_space<hbm>> -> memref<2x100xi32, #tpu.memory_space<hbm>>
    %dma_start3A_68 = arith.constant 0 : i32
    %dma_start3A_69 = arith.constant 0 : i32
    %dma_start3A_70 = tpu.memref_slice %arg7[%dma_start3A_61, %dma_start3A_68, %dma_start3A_69] : memref<4x2x100xi32, #tpu.memory_space<vmem>> -> memref<1x2x100xi32, #tpu.memory_space<vmem>>
    %dma_start3A_71 = tpu.memref_squeeze %dma_start3A_70 : memref<1x2x100xi32, #tpu.memory_space<vmem>> -> memref<2x100xi32, #tpu.memory_space<vmem>>
    %dma_start3A_72 = arith.constant 0 : i32
    %dma_start3A_73 = tpu.memref_slice %arg2[%add3A_60, %dma_start3A_72] : memref<8192x100xi32, #tpu.memory_space<hbm>> -> memref<2x100xi32, #tpu.memory_space<hbm>>
    tpu.enqueue_dma source(%dma_start3A_73 : memref<2x100xi32, #tpu.memory_space<hbm>>) target(%dma_start3A_71 : memref<2x100xi32, #tpu.memory_space<vmem>>) target_semaphore(%arg10 : memref<!tpu.dma_semaphore, #tpu.memory_space<semaphore_mem>>)
    %add3A_74 = arith.constant 0 : i32
    %add3A_75 = arith.addi %mul3A_4, %add3A_74 : i32
    %dma_wait3A_76 = arith.constant 1 : i32
    %dma_wait3A_77 = arith.constant 0 : i32
    %dma_wait3A_78 = arith.constant 0 : i32
    %dma_wait3A_79 = tpu.memref_slice %arg7[%dma_wait3A_76, %dma_wait3A_77, %dma_wait3A_78] : memref<4x2x100xi32, #tpu.memory_space<vmem>> -> memref<1x2x100xi32, #tpu.memory_space<vmem>>
    %dma_wait3A_80 = tpu.memref_squeeze %dma_wait3A_79 : memref<1x2x100xi32, #tpu.memory_space<vmem>> -> memref<2x100xi32, #tpu.memory_space<vmem>>
    %dma_wait3A_81 = arith.constant 0 : i32
    %dma_wait3A_82 = tpu.memref_slice %arg2[%add3A_75, %dma_wait3A_81] : memref<8192x100xi32, #tpu.memory_space<hbm>> -> memref<2x100xi32, #tpu.memory_space<hbm>>
    %dma_wait3A_83 = arith.constant 0 : i32
    %dma_wait3A_84 = arith.constant 0 : i32
    %dma_wait3A_85 = tpu.memref_slice %arg7[%dma_wait3A_76, %dma_wait3A_83, %dma_wait3A_84] : memref<4x2x100xi32, #tpu.memory_space<vmem>> -> memref<1x2x100xi32, #tpu.memory_space<vmem>>
    %dma_wait3A_86 = tpu.memref_squeeze %dma_wait3A_85 : memref<1x2x100xi32, #tpu.memory_space<vmem>> -> memref<2x100xi32, #tpu.memory_space<vmem>>
    %dma_wait3A_87 = arith.constant 0 : i32
    %dma_wait3A_88 = tpu.memref_slice %arg2[%add3A_75, %dma_wait3A_87] : memref<8192x100xi32, #tpu.memory_space<hbm>> -> memref<2x100xi32, #tpu.memory_space<hbm>>
    tpu.wait_dma2 semaphore(%arg10 : memref<!tpu.dma_semaphore, #tpu.memory_space<semaphore_mem>>) src(%dma_wait3A_88 : memref<2x100xi32, #tpu.memory_space<hbm>>) dst(%dma_wait3A_86 : memref<2x100xi32, #tpu.memory_space<vmem>>)
    %dma_start3A_89 = arith.constant 1 : i32
    %dma_start3A_90 = arith.constant 0 : i32
    %dma_start3A_91 = arith.constant 1 : i32
    %dma_start3A_92 = arith.constant 0 : i32
    %dma_start3A_93 = arith.constant 0 : i32
    %dma_start3A_94 = tpu.memref_slice %arg8[%dma_start3A_91, %dma_start3A_92, %dma_start3A_93] : memref<4x200x128xf32, #tpu.memory_space<vmem>> -> memref<1x100x128xf32, #tpu.memory_space<vmem>>
    %dma_start3A_95 = tpu.memref_squeeze %dma_start3A_94 : memref<1x100x128xf32, #tpu.memory_space<vmem>> -> memref<100x128xf32, #tpu.memory_space<vmem>>
    %dma_start3A_96 = arith.constant 0 : i32
    %dma_start3A_97 = tpu.memref_slice %arg7[%dma_start3A_89, %dma_start3A_90, %dma_start3A_96] : memref<4x2x100xi32, #tpu.memory_space<vmem>> -> memref<1x1x100xi32, #tpu.memory_space<vmem>>
    %dma_start3A_98 = tpu.memref_squeeze %dma_start3A_97 : memref<1x1x100xi32, #tpu.memory_space<vmem>> -> memref<100xi32, #tpu.memory_space<vmem>>
    %dma_start3A_99 = arith.constant 0 : i32
    %dma_start3A_100 = arith.constant 0 : i32
    %dma_start3A_101 = tpu.memref_slice %arg3[%dma_start3A_99, %dma_start3A_100] : memref<100000x128xf32, #tpu.memory_space<hbm>> -> memref<100000x128xf32, #tpu.memory_space<hbm>>
    tpu.enqueue_indirect_dma source(%dma_start3A_101 : memref<100000x128xf32, #tpu.memory_space<hbm>>) target(%dma_start3A_95 : memref<100x128xf32, #tpu.memory_space<vmem>>) offsets(%dma_start3A_98 : memref<100xi32, #tpu.memory_space<vmem>>) semaphore(%arg14 : memref<!tpu.dma_semaphore, #tpu.memory_space<semaphore_mem>>)
    %dma_start3A_102 = arith.constant 1 : i32
    %dma_start3A_103 = arith.constant 1 : i32
    %dma_start3A_104 = arith.constant 1 : i32
    %dma_start3A_105 = arith.constant 100 : i32
    %dma_start3A_106 = arith.constant 0 : i32
    %dma_start3A_107 = tpu.memref_slice %arg8[%dma_start3A_104, %dma_start3A_105, %dma_start3A_106] : memref<4x200x128xf32, #tpu.memory_space<vmem>> -> memref<1x100x128xf32, #tpu.memory_space<vmem>>
    %dma_start3A_108 = tpu.memref_squeeze %dma_start3A_107 : memref<1x100x128xf32, #tpu.memory_space<vmem>> -> memref<100x128xf32, #tpu.memory_space<vmem>>
    %dma_start3A_109 = arith.constant 0 : i32
    %dma_start3A_110 = tpu.memref_slice %arg7[%dma_start3A_102, %dma_start3A_103, %dma_start3A_109] : memref<4x2x100xi32, #tpu.memory_space<vmem>> -> memref<1x1x100xi32, #tpu.memory_space<vmem>>
    %dma_start3A_111 = tpu.memref_squeeze %dma_start3A_110 : memref<1x1x100xi32, #tpu.memory_space<vmem>> -> memref<100xi32, #tpu.memory_space<vmem>>
    %dma_start3A_112 = arith.constant 0 : i32
    %dma_start3A_113 = arith.constant 0 : i32
    %dma_start3A_114 = tpu.memref_slice %arg3[%dma_start3A_112, %dma_start3A_113] : memref<100000x128xf32, #tpu.memory_space<hbm>> -> memref<100000x128xf32, #tpu.memory_space<hbm>>
    tpu.enqueue_indirect_dma source(%dma_start3A_114 : memref<100000x128xf32, #tpu.memory_space<hbm>>) target(%dma_start3A_108 : memref<100x128xf32, #tpu.memory_space<vmem>>) offsets(%dma_start3A_111 : memref<100xi32, #tpu.memory_space<vmem>>) semaphore(%arg14 : memref<!tpu.dma_semaphore, #tpu.memory_space<semaphore_mem>>)
    %add3A_115 = arith.constant 4 : i32
    %add3A_116 = arith.addi %mul3A_4, %add3A_115 : i32
    %dma_start3A_117 = arith.constant 2 : i32
    %dma_start3A_118 = arith.constant 0 : i32
    %dma_start3A_119 = arith.constant 0 : i32
    %dma_start3A_120 = tpu.memref_slice %arg7[%dma_start3A_117, %dma_start3A_118, %dma_start3A_119] : memref<4x2x100xi32, #tpu.memory_space<vmem>> -> memref<1x2x100xi32, #tpu.memory_space<vmem>>
    %dma_start3A_121 = tpu.memref_squeeze %dma_start3A_120 : memref<1x2x100xi32, #tpu.memory_space<vmem>> -> memref<2x100xi32, #tpu.memory_space<vmem>>
    %dma_start3A_122 = arith.constant 0 : i32
    %dma_start3A_123 = tpu.memref_slice %arg2[%add3A_116, %dma_start3A_122] : memref<8192x100xi32, #tpu.memory_space<hbm>> -> memref<2x100xi32, #tpu.memory_space<hbm>>
    %dma_start3A_124 = arith.constant 0 : i32
    %dma_start3A_125 = arith.constant 0 : i32
    %dma_start3A_126 = tpu.memref_slice %arg7[%dma_start3A_117, %dma_start3A_124, %dma_start3A_125] : memref<4x2x100xi32, #tpu.memory_space<vmem>> -> memref<1x2x100xi32, #tpu.memory_space<vmem>>
    %dma_start3A_127 = tpu.memref_squeeze %dma_start3A_126 : memref<1x2x100xi32, #tpu.memory_space<vmem>> -> memref<2x100xi32, #tpu.memory_space<vmem>>
    %dma_start3A_128 = arith.constant 0 : i32
    %dma_start3A_129 = tpu.memref_slice %arg2[%add3A_116, %dma_start3A_128] : memref<8192x100xi32, #tpu.memory_space<hbm>> -> memref<2x100xi32, #tpu.memory_space<hbm>>
    tpu.enqueue_dma source(%dma_start3A_129 : memref<2x100xi32, #tpu.memory_space<hbm>>) target(%dma_start3A_127 : memref<2x100xi32, #tpu.memory_space<vmem>>) target_semaphore(%arg11 : memref<!tpu.dma_semaphore, #tpu.memory_space<semaphore_mem>>)
    %dma_wait3A_130 = arith.constant 0 : i32
    %dma_wait3A_131 = arith.constant 0 : i32
    %dma_wait3A_132 = arith.constant 0 : i32
    %dma_wait3A_133 = arith.constant 0 : i32
    %dma_wait3A_134 = arith.constant 0 : i32
    %dma_wait3A_135 = tpu.memref_slice %arg8[%dma_wait3A_132, %dma_wait3A_133, %dma_wait3A_134] : memref<4x200x128xf32, #tpu.memory_space<vmem>> -> memref<1x100x128xf32, #tpu.memory_space<vmem>>
    %dma_wait3A_136 = tpu.memref_squeeze %dma_wait3A_135 : memref<1x100x128xf32, #tpu.memory_space<vmem>> -> memref<100x128xf32, #tpu.memory_space<vmem>>
    %dma_wait3A_137 = arith.constant 0 : i32
    %dma_wait3A_138 = tpu.memref_slice %arg7[%dma_wait3A_130, %dma_wait3A_131, %dma_wait3A_137] : memref<4x2x100xi32, #tpu.memory_space<vmem>> -> memref<1x1x100xi32, #tpu.memory_space<vmem>>
    %dma_wait3A_139 = tpu.memref_squeeze %dma_wait3A_138 : memref<1x1x100xi32, #tpu.memory_space<vmem>> -> memref<100xi32, #tpu.memory_space<vmem>>
    %dma_wait3A_140 = arith.constant 0 : i32
    %dma_wait3A_141 = arith.constant 0 : i32
    %dma_wait3A_142 = tpu.memref_slice %arg3[%dma_wait3A_140, %dma_wait3A_141] : memref<100000x128xf32, #tpu.memory_space<hbm>> -> memref<100000x128xf32, #tpu.memory_space<hbm>>
    tpu.wait_indirect_dma semaphore(%arg13 : memref<!tpu.dma_semaphore, #tpu.memory_space<semaphore_mem>>) src(%dma_wait3A_142 : memref<100000x128xf32, #tpu.memory_space<hbm>>) dst(%dma_wait3A_136 : memref<100x128xf32, #tpu.memory_space<vmem>>)
    %dma_wait3A_143 = arith.constant 0 : i32
    %dma_wait3A_144 = arith.constant 1 : i32
    %dma_wait3A_145 = arith.constant 0 : i32
    %dma_wait3A_146 = arith.constant 100 : i32
    %dma_wait3A_147 = arith.constant 0 : i32
    %dma_wait3A_148 = tpu.memref_slice %arg8[%dma_wait3A_145, %dma_wait3A_146, %dma_wait3A_147] : memref<4x200x128xf32, #tpu.memory_space<vmem>> -> memref<1x100x128xf32, #tpu.memory_space<vmem>>
    %dma_wait3A_149 = tpu.memref_squeeze %dma_wait3A_148 : memref<1x100x128xf32, #tpu.memory_space<vmem>> -> memref<100x128xf32, #tpu.memory_space<vmem>>
    %dma_wait3A_150 = arith.constant 0 : i32
    %dma_wait3A_151 = tpu.memref_slice %arg7[%dma_wait3A_143, %dma_wait3A_144, %dma_wait3A_150] : memref<4x2x100xi32, #tpu.memory_space<vmem>> -> memref<1x1x100xi32, #tpu.memory_space<vmem>>
    %dma_wait3A_152 = tpu.memref_squeeze %dma_wait3A_151 : memref<1x1x100xi32, #tpu.memory_space<vmem>> -> memref<100xi32, #tpu.memory_space<vmem>>
    %dma_wait3A_153 = arith.constant 0 : i32
    %dma_wait3A_154 = arith.constant 0 : i32
    %dma_wait3A_155 = tpu.memref_slice %arg3[%dma_wait3A_153, %dma_wait3A_154] : memref<100000x128xf32, #tpu.memory_space<hbm>> -> memref<100000x128xf32, #tpu.memory_space<hbm>>
    tpu.wait_indirect_dma semaphore(%arg13 : memref<!tpu.dma_semaphore, #tpu.memory_space<semaphore_mem>>) src(%dma_wait3A_155 : memref<100000x128xf32, #tpu.memory_space<hbm>>) dst(%dma_wait3A_149 : memref<100x128xf32, #tpu.memory_space<vmem>>)
    %parallel_loop3A = arith.constant 0 : i32
    %parallel_loop3A_156 = arith.constant 200 : i32
    %parallel_loop3A_157 = arith.constant 1 : i32
    scf.for %parallel_loop3A_927 = %parallel_loop3A to %parallel_loop3A_156 step %parallel_loop3A_157  : i32 {
      %parallel_loop3A_928 = arith.index_cast %parallel_loop3A_927 : i32 to index
      %parallel_loop3A_929 = arith.constant 0 : index
      %parallel_loop3A_930 = tpu.vector_load %arg6[%parallel_loop3A_928, %parallel_loop3A_929] {strides = array<i32>} : memref<200x128xf32, #tpu.memory_space<vmem>>, vector<1x16xf32>,
      %parallel_loop3A_931 = vector.shape_cast %parallel_loop3A_930 : vector<1x16xf32> to vector<16xf32>
      %parallel_loop3A_932 = arith.constant 0 : i32
      %parallel_loop3A_933 = arith.index_cast %parallel_loop3A_932 : i32 to index
      %parallel_loop3A_934 = arith.index_cast %parallel_loop3A_927 : i32 to index
      %parallel_loop3A_935 = arith.constant 0 : index
      %parallel_loop3A_936 = tpu.vector_load %arg8[%parallel_loop3A_933, %parallel_loop3A_934, %parallel_loop3A_935] {strides = array<i32>} : memref<4x200x128xf32, #tpu.memory_space<vmem>>, vector<1x1x16xf32>,
      %parallel_loop3A_937 = vector.shape_cast %parallel_loop3A_936 : vector<1x1x16xf32> to vector<16xf32>
      %parallel_loop3A_938 = vector.shape_cast %parallel_loop3A_931 : vector<16xf32> to vector<1x1x16xf32>
      tpu.vector_store %arg8[%parallel_loop3A_933, %parallel_loop3A_934, %parallel_loop3A_935], %parallel_loop3A_938 {add = true, strides = array<i32>} : memref<4x200x128xf32, #tpu.memory_space<vmem>>, vector<1x1x16xf32>,
      %parallel_loop3A_939 = arith.index_cast %parallel_loop3A_927 : i32 to index
      %parallel_loop3A_940 = arith.constant 16 : index
      %parallel_loop3A_941 = tpu.vector_load %arg6[%parallel_loop3A_939, %parallel_loop3A_940] {strides = array<i32>} : memref<200x128xf32, #tpu.memory_space<vmem>>, vector<1x16xf32>,
      %parallel_loop3A_942 = vector.shape_cast %parallel_loop3A_941 : vector<1x16xf32> to vector<16xf32>
      %parallel_loop3A_943 = arith.constant 0 : i32
      %parallel_loop3A_944 = arith.index_cast %parallel_loop3A_943 : i32 to index
      %parallel_loop3A_945 = arith.index_cast %parallel_loop3A_927 : i32 to index
      %parallel_loop3A_946 = arith.constant 16 : index
      %parallel_loop3A_947 = tpu.vector_load %arg8[%parallel_loop3A_944, %parallel_loop3A_945, %parallel_loop3A_946] {strides = array<i32>} : memref<4x200x128xf32, #tpu.memory_space<vmem>>, vector<1x1x16xf32>,
      %parallel_loop3A_948 = vector.shape_cast %parallel_loop3A_947 : vector<1x1x16xf32> to vector<16xf32>
      %parallel_loop3A_949 = vector.shape_cast %parallel_loop3A_942 : vector<16xf32> to vector<1x1x16xf32>
      tpu.vector_store %arg8[%parallel_loop3A_944, %parallel_loop3A_945, %parallel_loop3A_946], %parallel_loop3A_949 {add = true, strides = array<i32>} : memref<4x200x128xf32, #tpu.memory_space<vmem>>, vector<1x1x16xf32>,
      %parallel_loop3A_950 = arith.index_cast %parallel_loop3A_927 : i32 to index
      %parallel_loop3A_951 = arith.constant 32 : index
      %parallel_loop3A_952 = tpu.vector_load %arg6[%parallel_loop3A_950, %parallel_loop3A_951] {strides = array<i32>} : memref<200x128xf32, #tpu.memory_space<vmem>>, vector<1x16xf32>,
      %parallel_loop3A_953 = vector.shape_cast %parallel_loop3A_952 : vector<1x16xf32> to vector<16xf32>
      %parallel_loop3A_954 = arith.constant 0 : i32
      %parallel_loop3A_955 = arith.index_cast %parallel_loop3A_954 : i32 to index
      %parallel_loop3A_956 = arith.index_cast %parallel_loop3A_927 : i32 to index
      %parallel_loop3A_957 = arith.constant 32 : index
      %parallel_loop3A_958 = tpu.vector_load %arg8[%parallel_loop3A_955, %parallel_loop3A_956, %parallel_loop3A_957] {strides = array<i32>} : memref<4x200x128xf32, #tpu.memory_space<vmem>>, vector<1x1x16xf32>,
      %parallel_loop3A_959 = vector.shape_cast %parallel_loop3A_958 : vector<1x1x16xf32> to vector<16xf32>
      %parallel_loop3A_960 = vector.shape_cast %parallel_loop3A_953 : vector<16xf32> to vector<1x1x16xf32>
      tpu.vector_store %arg8[%parallel_loop3A_955, %parallel_loop3A_956, %parallel_loop3A_957], %parallel_loop3A_960 {add = true, strides = array<i32>} : memref<4x200x128xf32, #tpu.memory_space<vmem>>, vector<1x1x16xf32>,
      %parallel_loop3A_961 = arith.index_cast %parallel_loop3A_927 : i32 to index
      %parallel_loop3A_962 = arith.constant 48 : index
      %parallel_loop3A_963 = tpu.vector_load %arg6[%parallel_loop3A_961, %parallel_loop3A_962] {strides = array<i32>} : memref<200x128xf32, #tpu.memory_space<vmem>>, vector<1x16xf32>,
      %parallel_loop3A_964 = vector.shape_cast %parallel_loop3A_963 : vector<1x16xf32> to vector<16xf32>
      %parallel_loop3A_965 = arith.constant 0 : i32
      %parallel_loop3A_966 = arith.index_cast %parallel_loop3A_965 : i32 to index
      %parallel_loop3A_967 = arith.index_cast %parallel_loop3A_927 : i32 to index
      %parallel_loop3A_968 = arith.constant 48 : index
      %parallel_loop3A_969 = tpu.vector_load %arg8[%parallel_loop3A_966, %parallel_loop3A_967, %parallel_loop3A_968] {strides = array<i32>} : memref<4x200x128xf32, #tpu.memory_space<vmem>>, vector<1x1x16xf32>,
      %parallel_loop3A_970 = vector.shape_cast %parallel_loop3A_969 : vector<1x1x16xf32> to vector<16xf32>
      %parallel_loop3A_971 = vector.shape_cast %parallel_loop3A_964 : vector<16xf32> to vector<1x1x16xf32>
      tpu.vector_store %arg8[%parallel_loop3A_966, %parallel_loop3A_967, %parallel_loop3A_968], %parallel_loop3A_971 {add = true, strides = array<i32>} : memref<4x200x128xf32, #tpu.memory_space<vmem>>, vector<1x1x16xf32>,
      %parallel_loop3A_972 = arith.index_cast %parallel_loop3A_927 : i32 to index
      %parallel_loop3A_973 = arith.constant 64 : index
      %parallel_loop3A_974 = tpu.vector_load %arg6[%parallel_loop3A_972, %parallel_loop3A_973] {strides = array<i32>} : memref<200x128xf32, #tpu.memory_space<vmem>>, vector<1x16xf32>,
      %parallel_loop3A_975 = vector.shape_cast %parallel_loop3A_974 : vector<1x16xf32> to vector<16xf32>
      %parallel_loop3A_976 = arith.constant 0 : i32
      %parallel_loop3A_977 = arith.index_cast %parallel_loop3A_976 : i32 to index
      %parallel_loop3A_978 = arith.index_cast %parallel_loop3A_927 : i32 to index
      %parallel_loop3A_979 = arith.constant 64 : index
      %parallel_loop3A_980 = tpu.vector_load %arg8[%parallel_loop3A_977, %parallel_loop3A_978, %parallel_loop3A_979] {strides = array<i32>} : memref<4x200x128xf32, #tpu.memory_space<vmem>>, vector<1x1x16xf32>,
      %parallel_loop3A_981 = vector.shape_cast %parallel_loop3A_980 : vector<1x1x16xf32> to vector<16xf32>
      %parallel_loop3A_982 = vector.shape_cast %parallel_loop3A_975 : vector<16xf32> to vector<1x1x16xf32>
      tpu.vector_store %arg8[%parallel_loop3A_977, %parallel_loop3A_978, %parallel_loop3A_979], %parallel_loop3A_982 {add = true, strides = array<i32>} : memref<4x200x128xf32, #tpu.memory_space<vmem>>, vector<1x1x16xf32>,
      %parallel_loop3A_983 = arith.index_cast %parallel_loop3A_927 : i32 to index
      %parallel_loop3A_984 = arith.constant 80 : index
      %parallel_loop3A_985 = tpu.vector_load %arg6[%parallel_loop3A_983, %parallel_loop3A_984] {strides = array<i32>} : memref<200x128xf32, #tpu.memory_space<vmem>>, vector<1x16xf32>,
      %parallel_loop3A_986 = vector.shape_cast %parallel_loop3A_985 : vector<1x16xf32> to vector<16xf32>
      %parallel_loop3A_987 = arith.constant 0 : i32
      %parallel_loop3A_988 = arith.index_cast %parallel_loop3A_987 : i32 to index
      %parallel_loop3A_989 = arith.index_cast %parallel_loop3A_927 : i32 to index
      %parallel_loop3A_990 = arith.constant 80 : index
      %parallel_loop3A_991 = tpu.vector_load %arg8[%parallel_loop3A_988, %parallel_loop3A_989, %parallel_loop3A_990] {strides = array<i32>} : memref<4x200x128xf32, #tpu.memory_space<vmem>>, vector<1x1x16xf32>,
      %parallel_loop3A_992 = vector.shape_cast %parallel_loop3A_991 : vector<1x1x16xf32> to vector<16xf32>
      %parallel_loop3A_993 = vector.shape_cast %parallel_loop3A_986 : vector<16xf32> to vector<1x1x16xf32>
      tpu.vector_store %arg8[%parallel_loop3A_988, %parallel_loop3A_989, %parallel_loop3A_990], %parallel_loop3A_993 {add = true, strides = array<i32>} : memref<4x200x128xf32, #tpu.memory_space<vmem>>, vector<1x1x16xf32>,
      %parallel_loop3A_994 = arith.index_cast %parallel_loop3A_927 : i32 to index
      %parallel_loop3A_995 = arith.constant 96 : index
      %parallel_loop3A_996 = tpu.vector_load %arg6[%parallel_loop3A_994, %parallel_loop3A_995] {strides = array<i32>} : memref<200x128xf32, #tpu.memory_space<vmem>>, vector<1x16xf32>,
      %parallel_loop3A_997 = vector.shape_cast %parallel_loop3A_996 : vector<1x16xf32> to vector<16xf32>
      %parallel_loop3A_998 = arith.constant 0 : i32
      %parallel_loop3A_999 = arith.index_cast %parallel_loop3A_998 : i32 to index
      %parallel_loop3A_1000 = arith.index_cast %parallel_loop3A_927 : i32 to index
      %parallel_loop3A_1001 = arith.constant 96 : index
      %parallel_loop3A_1002 = tpu.vector_load %arg8[%parallel_loop3A_999, %parallel_loop3A_1000, %parallel_loop3A_1001] {strides = array<i32>} : memref<4x200x128xf32, #tpu.memory_space<vmem>>, vector<1x1x16xf32>,
      %parallel_loop3A_1003 = vector.shape_cast %parallel_loop3A_1002 : vector<1x1x16xf32> to vector<16xf32>
      %parallel_loop3A_1004 = vector.shape_cast %parallel_loop3A_997 : vector<16xf32> to vector<1x1x16xf32>
      tpu.vector_store %arg8[%parallel_loop3A_999, %parallel_loop3A_1000, %parallel_loop3A_1001], %parallel_loop3A_1004 {add = true, strides = array<i32>} : memref<4x200x128xf32, #tpu.memory_space<vmem>>, vector<1x1x16xf32>,
      %parallel_loop3A_1005 = arith.index_cast %parallel_loop3A_927 : i32 to index
      %parallel_loop3A_1006 = arith.constant 112 : index
      %parallel_loop3A_1007 = tpu.vector_load %arg6[%parallel_loop3A_1005, %parallel_loop3A_1006] {strides = array<i32>} : memref<200x128xf32, #tpu.memory_space<vmem>>, vector<1x16xf32>,
      %parallel_loop3A_1008 = vector.shape_cast %parallel_loop3A_1007 : vector<1x16xf32> to vector<16xf32>
      %parallel_loop3A_1009 = arith.constant 0 : i32
      %parallel_loop3A_1010 = arith.index_cast %parallel_loop3A_1009 : i32 to index
      %parallel_loop3A_1011 = arith.index_cast %parallel_loop3A_927 : i32 to index
      %parallel_loop3A_1012 = arith.constant 112 : index
      %parallel_loop3A_1013 = tpu.vector_load %arg8[%parallel_loop3A_1010, %parallel_loop3A_1011, %parallel_loop3A_1012] {strides = array<i32>} : memref<4x200x128xf32, #tpu.memory_space<vmem>>, vector<1x1x16xf32>,
      %parallel_loop3A_1014 = vector.shape_cast %parallel_loop3A_1013 : vector<1x1x16xf32> to vector<16xf32>
      %parallel_loop3A_1015 = vector.shape_cast %parallel_loop3A_1008 : vector<16xf32> to vector<1x1x16xf32>
      tpu.vector_store %arg8[%parallel_loop3A_1010, %parallel_loop3A_1011, %parallel_loop3A_1012], %parallel_loop3A_1015 {add = true, strides = array<i32>} : memref<4x200x128xf32, #tpu.memory_space<vmem>>, vector<1x1x16xf32>,
    } {sc.loop_unroll_factor = 4 : i64, sc.parallel_access}
    %add3A_158 = arith.constant 0 : i32
    %add3A_159 = arith.addi %mul3A_2, %add3A_158 : i32
    %dma_start3A_160 = arith.constant 0 : i32
    %dma_start3A_161 = arith.constant 0 : i32
    %dma_start3A_162 = arith.constant 0 : i32
    %dma_start3A_163 = tpu.memref_slice %arg8[%dma_start3A_160, %dma_start3A_161, %dma_start3A_162] : memref<4x200x128xf32, #tpu.memory_space<vmem>> -> memref<1x200x128xf32, #tpu.memory_space<vmem>>
    %dma_start3A_164 = tpu.memref_squeeze %dma_start3A_163 : memref<1x200x128xf32, #tpu.memory_space<vmem>> -> memref<200x128xf32, #tpu.memory_space<vmem>>
    %dma_start3A_165 = arith.constant 0 : i32
    %dma_start3A_166 = tpu.memref_slice %arg5[%add3A_159, %dma_start3A_165] : memref<819200x128xf32, #tpu.memory_space<hbm>> -> memref<200x128xf32, #tpu.memory_space<hbm>>
    %dma_start3A_167 = arith.constant 0 : i32
    %dma_start3A_168 = tpu.memref_slice %arg5[%add3A_159, %dma_start3A_167] : memref<819200x128xf32, #tpu.memory_space<hbm>> -> memref<200x128xf32, #tpu.memory_space<hbm>>
    %dma_start3A_169 = arith.constant 0 : i32
    %dma_start3A_170 = arith.constant 0 : i32
    %dma_start3A_171 = tpu.memref_slice %arg8[%dma_start3A_160, %dma_start3A_169, %dma_start3A_170] : memref<4x200x128xf32, #tpu.memory_space<vmem>> -> memref<1x200x128xf32, #tpu.memory_space<vmem>>
    %dma_start3A_172 = tpu.memref_squeeze %dma_start3A_171 : memref<1x200x128xf32, #tpu.memory_space<vmem>> -> memref<200x128xf32, #tpu.memory_space<vmem>>
    tpu.enqueue_dma source(%dma_start3A_172 : memref<200x128xf32, #tpu.memory_space<vmem>>) target(%dma_start3A_168 : memref<200x128xf32, #tpu.memory_space<hbm>>) target_semaphore(%arg17 : memref<!tpu.dma_semaphore, #tpu.memory_space<semaphore_mem>>)
    %add3A_173 = arith.constant 0 : i32
    %add3A_174 = arith.addi %mul3A_4, %add3A_173 : i32
    %dma_wait3A_175 = arith.constant 2 : i32
    %dma_wait3A_176 = arith.constant 0 : i32
    %dma_wait3A_177 = arith.constant 0 : i32
    %dma_wait3A_178 = tpu.memref_slice %arg7[%dma_wait3A_175, %dma_wait3A_176, %dma_wait3A_177] : memref<4x2x100xi32, #tpu.memory_space<vmem>> -> memref<1x2x100xi32, #tpu.memory_space<vmem>>
    %dma_wait3A_179 = tpu.memref_squeeze %dma_wait3A_178 : memref<1x2x100xi32, #tpu.memory_space<vmem>> -> memref<2x100xi32, #tpu.memory_space<vmem>>
    %dma_wait3A_180 = arith.constant 0 : i32
    %dma_wait3A_181 = tpu.memref_slice %arg2[%add3A_174, %dma_wait3A_180] : memref<8192x100xi32, #tpu.memory_space<hbm>> -> memref<2x100xi32, #tpu.memory_space<hbm>>
    %dma_wait3A_182 = arith.constant 0 : i32
    %dma_wait3A_183 = arith.constant 0 : i32
    %dma_wait3A_184 = tpu.memref_slice %arg7[%dma_wait3A_175, %dma_wait3A_182, %dma_wait3A_183] : memref<4x2x100xi32, #tpu.memory_space<vmem>> -> memref<1x2x100xi32, #tpu.memory_space<vmem>>
    %dma_wait3A_185 = tpu.memref_squeeze %dma_wait3A_184 : memref<1x2x100xi32, #tpu.memory_space<vmem>> -> memref<2x100xi32, #tpu.memory_space<vmem>>
    %dma_wait3A_186 = arith.constant 0 : i32
    %dma_wait3A_187 = tpu.memref_slice %arg2[%add3A_174, %dma_wait3A_186] : memref<8192x100xi32, #tpu.memory_space<hbm>> -> memref<2x100xi32, #tpu.memory_space<hbm>>
    tpu.wait_dma2 semaphore(%arg11 : memref<!tpu.dma_semaphore, #tpu.memory_space<semaphore_mem>>) src(%dma_wait3A_187 : memref<2x100xi32, #tpu.memory_space<hbm>>) dst(%dma_wait3A_185 : memref<2x100xi32, #tpu.memory_space<vmem>>)
    %dma_start3A_188 = arith.constant 2 : i32
    %dma_start3A_189 = arith.constant 0 : i32
    %dma_start3A_190 = arith.constant 2 : i32
    %dma_start3A_191 = arith.constant 0 : i32
    %dma_start3A_192 = arith.constant 0 : i32
    %dma_start3A_193 = tpu.memref_slice %arg8[%dma_start3A_190, %dma_start3A_191, %dma_start3A_192] : memref<4x200x128xf32, #tpu.memory_space<vmem>> -> memref<1x100x128xf32, #tpu.memory_space<vmem>>
    %dma_start3A_194 = tpu.memref_squeeze %dma_start3A_193 : memref<1x100x128xf32, #tpu.memory_space<vmem>> -> memref<100x128xf32, #tpu.memory_space<vmem>>
    %dma_start3A_195 = arith.constant 0 : i32
    %dma_start3A_196 = tpu.memref_slice %arg7[%dma_start3A_188, %dma_start3A_189, %dma_start3A_195] : memref<4x2x100xi32, #tpu.memory_space<vmem>> -> memref<1x1x100xi32, #tpu.memory_space<vmem>>
    %dma_start3A_197 = tpu.memref_squeeze %dma_start3A_196 : memref<1x1x100xi32, #tpu.memory_space<vmem>> -> memref<100xi32, #tpu.memory_space<vmem>>
    %dma_start3A_198 = arith.constant 0 : i32
    %dma_start3A_199 = arith.constant 0 : i32
    %dma_start3A_200 = tpu.memref_slice %arg3[%dma_start3A_198, %dma_start3A_199] : memref<100000x128xf32, #tpu.memory_space<hbm>> -> memref<100000x128xf32, #tpu.memory_space<hbm>>
    tpu.enqueue_indirect_dma source(%dma_start3A_200 : memref<100000x128xf32, #tpu.memory_space<hbm>>) target(%dma_start3A_194 : memref<100x128xf32, #tpu.memory_space<vmem>>) offsets(%dma_start3A_197 : memref<100xi32, #tpu.memory_space<vmem>>) semaphore(%arg15 : memref<!tpu.dma_semaphore, #tpu.memory_space<semaphore_mem>>)
    %dma_start3A_201 = arith.constant 2 : i32
    %dma_start3A_202 = arith.constant 1 : i32
    %dma_start3A_203 = arith.constant 2 : i32
    %dma_start3A_204 = arith.constant 100 : i32
    %dma_start3A_205 = arith.constant 0 : i32
    %dma_start3A_206 = tpu.memref_slice %arg8[%dma_start3A_203, %dma_start3A_204, %dma_start3A_205] : memref<4x200x128xf32, #tpu.memory_space<vmem>> -> memref<1x100x128xf32, #tpu.memory_space<vmem>>
    %dma_start3A_207 = tpu.memref_squeeze %dma_start3A_206 : memref<1x100x128xf32, #tpu.memory_space<vmem>> -> memref<100x128xf32, #tpu.memory_space<vmem>>
    %dma_start3A_208 = arith.constant 0 : i32
    %dma_start3A_209 = tpu.memref_slice %arg7[%dma_start3A_201, %dma_start3A_202, %dma_start3A_208] : memref<4x2x100xi32, #tpu.memory_space<vmem>> -> memref<1x1x100xi32, #tpu.memory_space<vmem>>
    %dma_start3A_210 = tpu.memref_squeeze %dma_start3A_209 : memref<1x1x100xi32, #tpu.memory_space<vmem>> -> memref<100xi32, #tpu.memory_space<vmem>>
    %dma_start3A_211 = arith.constant 0 : i32
    %dma_start3A_212 = arith.constant 0 : i32
    %dma_start3A_213 = tpu.memref_slice %arg3[%dma_start3A_211, %dma_start3A_212] : memref<100000x128xf32, #tpu.memory_space<hbm>> -> memref<100000x128xf32, #tpu.memory_space<hbm>>
    tpu.enqueue_indirect_dma source(%dma_start3A_213 : memref<100000x128xf32, #tpu.memory_space<hbm>>) target(%dma_start3A_207 : memref<100x128xf32, #tpu.memory_space<vmem>>) offsets(%dma_start3A_210 : memref<100xi32, #tpu.memory_space<vmem>>) semaphore(%arg15 : memref<!tpu.dma_semaphore, #tpu.memory_space<semaphore_mem>>)
    %add3A_214 = arith.constant 6 : i32
    %add3A_215 = arith.addi %mul3A_4, %add3A_214 : i32
    %dma_start3A_216 = arith.constant 3 : i32
    %dma_start3A_217 = arith.constant 0 : i32
    %dma_start3A_218 = arith.constant 0 : i32
    %dma_start3A_219 = tpu.memref_slice %arg7[%dma_start3A_216, %dma_start3A_217, %dma_start3A_218] : memref<4x2x100xi32, #tpu.memory_space<vmem>> -> memref<1x2x100xi32, #tpu.memory_space<vmem>>
    %dma_start3A_220 = tpu.memref_squeeze %dma_start3A_219 : memref<1x2x100xi32, #tpu.memory_space<vmem>> -> memref<2x100xi32, #tpu.memory_space<vmem>>
    %dma_start3A_221 = arith.constant 0 : i32
    %dma_start3A_222 = tpu.memref_slice %arg2[%add3A_215, %dma_start3A_221] : memref<8192x100xi32, #tpu.memory_space<hbm>> -> memref<2x100xi32, #tpu.memory_space<hbm>>
    %dma_start3A_223 = arith.constant 0 : i32
    %dma_start3A_224 = arith.constant 0 : i32
    %dma_start3A_225 = tpu.memref_slice %arg7[%dma_start3A_216, %dma_start3A_223, %dma_start3A_224] : memref<4x2x100xi32, #tpu.memory_space<vmem>> -> memref<1x2x100xi32, #tpu.memory_space<vmem>>
    %dma_start3A_226 = tpu.memref_squeeze %dma_start3A_225 : memref<1x2x100xi32, #tpu.memory_space<vmem>> -> memref<2x100xi32, #tpu.memory_space<vmem>>
    %dma_start3A_227 = arith.constant 0 : i32
    %dma_start3A_228 = tpu.memref_slice %arg2[%add3A_215, %dma_start3A_227] : memref<8192x100xi32, #tpu.memory_space<hbm>> -> memref<2x100xi32, #tpu.memory_space<hbm>>
    tpu.enqueue_dma source(%dma_start3A_228 : memref<2x100xi32, #tpu.memory_space<hbm>>) target(%dma_start3A_226 : memref<2x100xi32, #tpu.memory_space<vmem>>) target_semaphore(%arg12 : memref<!tpu.dma_semaphore, #tpu.memory_space<semaphore_mem>>)
    %dma_wait3A_229 = arith.constant 1 : i32
    %dma_wait3A_230 = arith.constant 0 : i32
    %dma_wait3A_231 = arith.constant 1 : i32
    %dma_wait3A_232 = arith.constant 0 : i32
    %dma_wait3A_233 = arith.constant 0 : i32
    %dma_wait3A_234 = tpu.memref_slice %arg8[%dma_wait3A_231, %dma_wait3A_232, %dma_wait3A_233] : memref<4x200x128xf32, #tpu.memory_space<vmem>> -> memref<1x100x128xf32, #tpu.memory_space<vmem>>
    %dma_wait3A_235 = tpu.memref_squeeze %dma_wait3A_234 : memref<1x100x128xf32, #tpu.memory_space<vmem>> -> memref<100x128xf32, #tpu.memory_space<vmem>>
    %dma_wait3A_236 = arith.constant 0 : i32
    %dma_wait3A_237 = tpu.memref_slice %arg7[%dma_wait3A_229, %dma_wait3A_230, %dma_wait3A_236] : memref<4x2x100xi32, #tpu.memory_space<vmem>> -> memref<1x1x100xi32, #tpu.memory_space<vmem>>
    %dma_wait3A_238 = tpu.memref_squeeze %dma_wait3A_237 : memref<1x1x100xi32, #tpu.memory_space<vmem>> -> memref<100xi32, #tpu.memory_space<vmem>>
    %dma_wait3A_239 = arith.constant 0 : i32
    %dma_wait3A_240 = arith.constant 0 : i32
    %dma_wait3A_241 = tpu.memref_slice %arg3[%dma_wait3A_239, %dma_wait3A_240] : memref<100000x128xf32, #tpu.memory_space<hbm>> -> memref<100000x128xf32, #tpu.memory_space<hbm>>
    tpu.wait_indirect_dma semaphore(%arg14 : memref<!tpu.dma_semaphore, #tpu.memory_space<semaphore_mem>>) src(%dma_wait3A_241 : memref<100000x128xf32, #tpu.memory_space<hbm>>) dst(%dma_wait3A_235 : memref<100x128xf32, #tpu.memory_space<vmem>>)
    %dma_wait3A_242 = arith.constant 1 : i32
    %dma_wait3A_243 = arith.constant 1 : i32
    %dma_wait3A_244 = arith.constant 1 : i32
    %dma_wait3A_245 = arith.constant 100 : i32
    %dma_wait3A_246 = arith.constant 0 : i32
    %dma_wait3A_247 = tpu.memref_slice %arg8[%dma_wait3A_244, %dma_wait3A_245, %dma_wait3A_246] : memref<4x200x128xf32, #tpu.memory_space<vmem>> -> memref<1x100x128xf32, #tpu.memory_space<vmem>>
    %dma_wait3A_248 = tpu.memref_squeeze %dma_wait3A_247 : memref<1x100x128xf32, #tpu.memory_space<vmem>> -> memref<100x128xf32, #tpu.memory_space<vmem>>
    %dma_wait3A_249 = arith.constant 0 : i32
    %dma_wait3A_250 = tpu.memref_slice %arg7[%dma_wait3A_242, %dma_wait3A_243, %dma_wait3A_249] : memref<4x2x100xi32, #tpu.memory_space<vmem>> -> memref<1x1x100xi32, #tpu.memory_space<vmem>>
    %dma_wait3A_251 = tpu.memref_squeeze %dma_wait3A_250 : memref<1x1x100xi32, #tpu.memory_space<vmem>> -> memref<100xi32, #tpu.memory_space<vmem>>
    %dma_wait3A_252 = arith.constant 0 : i32
    %dma_wait3A_253 = arith.constant 0 : i32
    %dma_wait3A_254 = tpu.memref_slice %arg3[%dma_wait3A_252, %dma_wait3A_253] : memref<100000x128xf32, #tpu.memory_space<hbm>> -> memref<100000x128xf32, #tpu.memory_space<hbm>>
    tpu.wait_indirect_dma semaphore(%arg14 : memref<!tpu.dma_semaphore, #tpu.memory_space<semaphore_mem>>) src(%dma_wait3A_254 : memref<100000x128xf32, #tpu.memory_space<hbm>>) dst(%dma_wait3A_248 : memref<100x128xf32, #tpu.memory_space<vmem>>)
    %parallel_loop3A_255 = arith.constant 0 : i32
    %parallel_loop3A_256 = arith.constant 200 : i32
    %parallel_loop3A_257 = arith.constant 1 : i32
    scf.for %parallel_loop3A_927 = %parallel_loop3A_255 to %parallel_loop3A_256 step %parallel_loop3A_257  : i32 {
      %parallel_loop3A_928 = arith.index_cast %parallel_loop3A_927 : i32 to index
      %parallel_loop3A_929 = arith.constant 0 : index
      %parallel_loop3A_930 = tpu.vector_load %arg6[%parallel_loop3A_928, %parallel_loop3A_929] {strides = array<i32>} : memref<200x128xf32, #tpu.memory_space<vmem>>, vector<1x16xf32>,
      %parallel_loop3A_931 = vector.shape_cast %parallel_loop3A_930 : vector<1x16xf32> to vector<16xf32>
      %parallel_loop3A_932 = arith.constant 1 : i32
      %parallel_loop3A_933 = arith.index_cast %parallel_loop3A_932 : i32 to index
      %parallel_loop3A_934 = arith.index_cast %parallel_loop3A_927 : i32 to index
      %parallel_loop3A_935 = arith.constant 0 : index
      %parallel_loop3A_936 = tpu.vector_load %arg8[%parallel_loop3A_933, %parallel_loop3A_934, %parallel_loop3A_935] {strides = array<i32>} : memref<4x200x128xf32, #tpu.memory_space<vmem>>, vector<1x1x16xf32>,
      %parallel_loop3A_937 = vector.shape_cast %parallel_loop3A_936 : vector<1x1x16xf32> to vector<16xf32>
      %parallel_loop3A_938 = vector.shape_cast %parallel_loop3A_931 : vector<16xf32> to vector<1x1x16xf32>
      tpu.vector_store %arg8[%parallel_loop3A_933, %parallel_loop3A_934, %parallel_loop3A_935], %parallel_loop3A_938 {add = true, strides = array<i32>} : memref<4x200x128xf32, #tpu.memory_space<vmem>>, vector<1x1x16xf32>,
      %parallel_loop3A_939 = arith.index_cast %parallel_loop3A_927 : i32 to index
      %parallel_loop3A_940 = arith.constant 16 : index
      %parallel_loop3A_941 = tpu.vector_load %arg6[%parallel_loop3A_939, %parallel_loop3A_940] {strides = array<i32>} : memref<200x128xf32, #tpu.memory_space<vmem>>, vector<1x16xf32>,
      %parallel_loop3A_942 = vector.shape_cast %parallel_loop3A_941 : vector<1x16xf32> to vector<16xf32>
      %parallel_loop3A_943 = arith.constant 1 : i32
      %parallel_loop3A_944 = arith.index_cast %parallel_loop3A_943 : i32 to index
      %parallel_loop3A_945 = arith.index_cast %parallel_loop3A_927 : i32 to index
      %parallel_loop3A_946 = arith.constant 16 : index
      %parallel_loop3A_947 = tpu.vector_load %arg8[%parallel_loop3A_944, %parallel_loop3A_945, %parallel_loop3A_946] {strides = array<i32>} : memref<4x200x128xf32, #tpu.memory_space<vmem>>, vector<1x1x16xf32>,
      %parallel_loop3A_948 = vector.shape_cast %parallel_loop3A_947 : vector<1x1x16xf32> to vector<16xf32>
      %parallel_loop3A_949 = vector.shape_cast %parallel_loop3A_942 : vector<16xf32> to vector<1x1x16xf32>
      tpu.vector_store %arg8[%parallel_loop3A_944, %parallel_loop3A_945, %parallel_loop3A_946], %parallel_loop3A_949 {add = true, strides = array<i32>} : memref<4x200x128xf32, #tpu.memory_space<vmem>>, vector<1x1x16xf32>,
      %parallel_loop3A_950 = arith.index_cast %parallel_loop3A_927 : i32 to index
      %parallel_loop3A_951 = arith.constant 32 : index
      %parallel_loop3A_952 = tpu.vector_load %arg6[%parallel_loop3A_950, %parallel_loop3A_951] {strides = array<i32>} : memref<200x128xf32, #tpu.memory_space<vmem>>, vector<1x16xf32>,
      %parallel_loop3A_953 = vector.shape_cast %parallel_loop3A_952 : vector<1x16xf32> to vector<16xf32>
      %parallel_loop3A_954 = arith.constant 1 : i32
      %parallel_loop3A_955 = arith.index_cast %parallel_loop3A_954 : i32 to index
      %parallel_loop3A_956 = arith.index_cast %parallel_loop3A_927 : i32 to index
      %parallel_loop3A_957 = arith.constant 32 : index
      %parallel_loop3A_958 = tpu.vector_load %arg8[%parallel_loop3A_955, %parallel_loop3A_956, %parallel_loop3A_957] {strides = array<i32>} : memref<4x200x128xf32, #tpu.memory_space<vmem>>, vector<1x1x16xf32>,
      %parallel_loop3A_959 = vector.shape_cast %parallel_loop3A_958 : vector<1x1x16xf32> to vector<16xf32>
      %parallel_loop3A_960 = vector.shape_cast %parallel_loop3A_953 : vector<16xf32> to vector<1x1x16xf32>
      tpu.vector_store %arg8[%parallel_loop3A_955, %parallel_loop3A_956, %parallel_loop3A_957], %parallel_loop3A_960 {add = true, strides = array<i32>} : memref<4x200x128xf32, #tpu.memory_space<vmem>>, vector<1x1x16xf32>,
      %parallel_loop3A_961 = arith.index_cast %parallel_loop3A_927 : i32 to index
      %parallel_loop3A_962 = arith.constant 48 : index
      %parallel_loop3A_963 = tpu.vector_load %arg6[%parallel_loop3A_961, %parallel_loop3A_962] {strides = array<i32>} : memref<200x128xf32, #tpu.memory_space<vmem>>, vector<1x16xf32>,
      %parallel_loop3A_964 = vector.shape_cast %parallel_loop3A_963 : vector<1x16xf32> to vector<16xf32>
      %parallel_loop3A_965 = arith.constant 1 : i32
      %parallel_loop3A_966 = arith.index_cast %parallel_loop3A_965 : i32 to index
      %parallel_loop3A_967 = arith.index_cast %parallel_loop3A_927 : i32 to index
      %parallel_loop3A_968 = arith.constant 48 : index
      %parallel_loop3A_969 = tpu.vector_load %arg8[%parallel_loop3A_966, %parallel_loop3A_967, %parallel_loop3A_968] {strides = array<i32>} : memref<4x200x128xf32, #tpu.memory_space<vmem>>, vector<1x1x16xf32>,
      %parallel_loop3A_970 = vector.shape_cast %parallel_loop3A_969 : vector<1x1x16xf32> to vector<16xf32>
      %parallel_loop3A_971 = vector.shape_cast %parallel_loop3A_964 : vector<16xf32> to vector<1x1x16xf32>
      tpu.vector_store %arg8[%parallel_loop3A_966, %parallel_loop3A_967, %parallel_loop3A_968], %parallel_loop3A_971 {add = true, strides = array<i32>} : memref<4x200x128xf32, #tpu.memory_space<vmem>>, vector<1x1x16xf32>,
      %parallel_loop3A_972 = arith.index_cast %parallel_loop3A_927 : i32 to index
      %parallel_loop3A_973 = arith.constant 64 : index
      %parallel_loop3A_974 = tpu.vector_load %arg6[%parallel_loop3A_972, %parallel_loop3A_973] {strides = array<i32>} : memref<200x128xf32, #tpu.memory_space<vmem>>, vector<1x16xf32>,
      %parallel_loop3A_975 = vector.shape_cast %parallel_loop3A_974 : vector<1x16xf32> to vector<16xf32>
      %parallel_loop3A_976 = arith.constant 1 : i32
      %parallel_loop3A_977 = arith.index_cast %parallel_loop3A_976 : i32 to index
      %parallel_loop3A_978 = arith.index_cast %parallel_loop3A_927 : i32 to index
      %parallel_loop3A_979 = arith.constant 64 : index
      %parallel_loop3A_980 = tpu.vector_load %arg8[%parallel_loop3A_977, %parallel_loop3A_978, %parallel_loop3A_979] {strides = array<i32>} : memref<4x200x128xf32, #tpu.memory_space<vmem>>, vector<1x1x16xf32>,
      %parallel_loop3A_981 = vector.shape_cast %parallel_loop3A_980 : vector<1x1x16xf32> to vector<16xf32>
      %parallel_loop3A_982 = vector.shape_cast %parallel_loop3A_975 : vector<16xf32> to vector<1x1x16xf32>
      tpu.vector_store %arg8[%parallel_loop3A_977, %parallel_loop3A_978, %parallel_loop3A_979], %parallel_loop3A_982 {add = true, strides = array<i32>} : memref<4x200x128xf32, #tpu.memory_space<vmem>>, vector<1x1x16xf32>,
      %parallel_loop3A_983 = arith.index_cast %parallel_loop3A_927 : i32 to index
      %parallel_loop3A_984 = arith.constant 80 : index
      %parallel_loop3A_985 = tpu.vector_load %arg6[%parallel_loop3A_983, %parallel_loop3A_984] {strides = array<i32>} : memref<200x128xf32, #tpu.memory_space<vmem>>, vector<1x16xf32>,
      %parallel_loop3A_986 = vector.shape_cast %parallel_loop3A_985 : vector<1x16xf32> to vector<16xf32>
      %parallel_loop3A_987 = arith.constant 1 : i32
      %parallel_loop3A_988 = arith.index_cast %parallel_loop3A_987 : i32 to index
      %parallel_loop3A_989 = arith.index_cast %parallel_loop3A_927 : i32 to index
      %parallel_loop3A_990 = arith.constant 80 : index
      %parallel_loop3A_991 = tpu.vector_load %arg8[%parallel_loop3A_988, %parallel_loop3A_989, %parallel_loop3A_990] {strides = array<i32>} : memref<4x200x128xf32, #tpu.memory_space<vmem>>, vector<1x1x16xf32>,
      %parallel_loop3A_992 = vector.shape_cast %parallel_loop3A_991 : vector<1x1x16xf32> to vector<16xf32>
      %parallel_loop3A_993 = vector.shape_cast %parallel_loop3A_986 : vector<16xf32> to vector<1x1x16xf32>
      tpu.vector_store %arg8[%parallel_loop3A_988, %parallel_loop3A_989, %parallel_loop3A_990], %parallel_loop3A_993 {add = true, strides = array<i32>} : memref<4x200x128xf32, #tpu.memory_space<vmem>>, vector<1x1x16xf32>,
      %parallel_loop3A_994 = arith.index_cast %parallel_loop3A_927 : i32 to index
      %parallel_loop3A_995 = arith.constant 96 : index
      %parallel_loop3A_996 = tpu.vector_load %arg6[%parallel_loop3A_994, %parallel_loop3A_995] {strides = array<i32>} : memref<200x128xf32, #tpu.memory_space<vmem>>, vector<1x16xf32>,
      %parallel_loop3A_997 = vector.shape_cast %parallel_loop3A_996 : vector<1x16xf32> to vector<16xf32>
      %parallel_loop3A_998 = arith.constant 1 : i32
      %parallel_loop3A_999 = arith.index_cast %parallel_loop3A_998 : i32 to index
      %parallel_loop3A_1000 = arith.index_cast %parallel_loop3A_927 : i32 to index
      %parallel_loop3A_1001 = arith.constant 96 : index
      %parallel_loop3A_1002 = tpu.vector_load %arg8[%parallel_loop3A_999, %parallel_loop3A_1000, %parallel_loop3A_1001] {strides = array<i32>} : memref<4x200x128xf32, #tpu.memory_space<vmem>>, vector<1x1x16xf32>,
      %parallel_loop3A_1003 = vector.shape_cast %parallel_loop3A_1002 : vector<1x1x16xf32> to vector<16xf32>
      %parallel_loop3A_1004 = vector.shape_cast %parallel_loop3A_997 : vector<16xf32> to vector<1x1x16xf32>
      tpu.vector_store %arg8[%parallel_loop3A_999, %parallel_loop3A_1000, %parallel_loop3A_1001], %parallel_loop3A_1004 {add = true, strides = array<i32>} : memref<4x200x128xf32, #tpu.memory_space<vmem>>, vector<1x1x16xf32>,
      %parallel_loop3A_1005 = arith.index_cast %parallel_loop3A_927 : i32 to index
      %parallel_loop3A_1006 = arith.constant 112 : index
      %parallel_loop3A_1007 = tpu.vector_load %arg6[%parallel_loop3A_1005, %parallel_loop3A_1006] {strides = array<i32>} : memref<200x128xf32, #tpu.memory_space<vmem>>, vector<1x16xf32>,
      %parallel_loop3A_1008 = vector.shape_cast %parallel_loop3A_1007 : vector<1x16xf32> to vector<16xf32>
      %parallel_loop3A_1009 = arith.constant 1 : i32
      %parallel_loop3A_1010 = arith.index_cast %parallel_loop3A_1009 : i32 to index
      %parallel_loop3A_1011 = arith.index_cast %parallel_loop3A_927 : i32 to index
      %parallel_loop3A_1012 = arith.constant 112 : index
      %parallel_loop3A_1013 = tpu.vector_load %arg8[%parallel_loop3A_1010, %parallel_loop3A_1011, %parallel_loop3A_1012] {strides = array<i32>} : memref<4x200x128xf32, #tpu.memory_space<vmem>>, vector<1x1x16xf32>,
      %parallel_loop3A_1014 = vector.shape_cast %parallel_loop3A_1013 : vector<1x1x16xf32> to vector<16xf32>
      %parallel_loop3A_1015 = vector.shape_cast %parallel_loop3A_1008 : vector<16xf32> to vector<1x1x16xf32>
      tpu.vector_store %arg8[%parallel_loop3A_1010, %parallel_loop3A_1011, %parallel_loop3A_1012], %parallel_loop3A_1015 {add = true, strides = array<i32>} : memref<4x200x128xf32, #tpu.memory_space<vmem>>, vector<1x1x16xf32>,
    } {sc.loop_unroll_factor = 4 : i64, sc.parallel_access}
    %add3A_258 = arith.constant 200 : i32
    %add3A_259 = arith.addi %mul3A_2, %add3A_258 : i32
    %dma_start3A_260 = arith.constant 1 : i32
    %dma_start3A_261 = arith.constant 0 : i32
    %dma_start3A_262 = arith.constant 0 : i32
    %dma_start3A_263 = tpu.memref_slice %arg8[%dma_start3A_260, %dma_start3A_261, %dma_start3A_262] : memref<4x200x128xf32, #tpu.memory_space<vmem>> -> memref<1x200x128xf32, #tpu.memory_space<vmem>>
    %dma_start3A_264 = tpu.memref_squeeze %dma_start3A_263 : memref<1x200x128xf32, #tpu.memory_space<vmem>> -> memref<200x128xf32, #tpu.memory_space<vmem>>
    %dma_start3A_265 = arith.constant 0 : i32
    %dma_start3A_266 = tpu.memref_slice %arg5[%add3A_259, %dma_start3A_265] : memref<819200x128xf32, #tpu.memory_space<hbm>> -> memref<200x128xf32, #tpu.memory_space<hbm>>
    %dma_start3A_267 = arith.constant 0 : i32
    %dma_start3A_268 = tpu.memref_slice %arg5[%add3A_259, %dma_start3A_267] : memref<819200x128xf32, #tpu.memory_space<hbm>> -> memref<200x128xf32, #tpu.memory_space<hbm>>
    %dma_start3A_269 = arith.constant 0 : i32
    %dma_start3A_270 = arith.constant 0 : i32
    %dma_start3A_271 = tpu.memref_slice %arg8[%dma_start3A_260, %dma_start3A_269, %dma_start3A_270] : memref<4x200x128xf32, #tpu.memory_space<vmem>> -> memref<1x200x128xf32, #tpu.memory_space<vmem>>
    %dma_start3A_272 = tpu.memref_squeeze %dma_start3A_271 : memref<1x200x128xf32, #tpu.memory_space<vmem>> -> memref<200x128xf32, #tpu.memory_space<vmem>>
    tpu.enqueue_dma source(%dma_start3A_272 : memref<200x128xf32, #tpu.memory_space<vmem>>) target(%dma_start3A_268 : memref<200x128xf32, #tpu.memory_space<hbm>>) target_semaphore(%arg18 : memref<!tpu.dma_semaphore, #tpu.memory_space<semaphore_mem>>)
    %add3A_273 = arith.constant 0 : i32
    %add3A_274 = arith.addi %mul3A_4, %add3A_273 : i32
    %dma_wait3A_275 = arith.constant 3 : i32
    %dma_wait3A_276 = arith.constant 0 : i32
    %dma_wait3A_277 = arith.constant 0 : i32
    %dma_wait3A_278 = tpu.memref_slice %arg7[%dma_wait3A_275, %dma_wait3A_276, %dma_wait3A_277] : memref<4x2x100xi32, #tpu.memory_space<vmem>> -> memref<1x2x100xi32, #tpu.memory_space<vmem>>
    %dma_wait3A_279 = tpu.memref_squeeze %dma_wait3A_278 : memref<1x2x100xi32, #tpu.memory_space<vmem>> -> memref<2x100xi32, #tpu.memory_space<vmem>>
    %dma_wait3A_280 = arith.constant 0 : i32
    %dma_wait3A_281 = tpu.memref_slice %arg2[%add3A_274, %dma_wait3A_280] : memref<8192x100xi32, #tpu.memory_space<hbm>> -> memref<2x100xi32, #tpu.memory_space<hbm>>
    %dma_wait3A_282 = arith.constant 0 : i32
    %dma_wait3A_283 = arith.constant 0 : i32
    %dma_wait3A_284 = tpu.memref_slice %arg7[%dma_wait3A_275, %dma_wait3A_282, %dma_wait3A_283] : memref<4x2x100xi32, #tpu.memory_space<vmem>> -> memref<1x2x100xi32, #tpu.memory_space<vmem>>
    %dma_wait3A_285 = tpu.memref_squeeze %dma_wait3A_284 : memref<1x2x100xi32, #tpu.memory_space<vmem>> -> memref<2x100xi32, #tpu.memory_space<vmem>>
    %dma_wait3A_286 = arith.constant 0 : i32
    %dma_wait3A_287 = tpu.memref_slice %arg2[%add3A_274, %dma_wait3A_286] : memref<8192x100xi32, #tpu.memory_space<hbm>> -> memref<2x100xi32, #tpu.memory_space<hbm>>
    tpu.wait_dma2 semaphore(%arg12 : memref<!tpu.dma_semaphore, #tpu.memory_space<semaphore_mem>>) src(%dma_wait3A_287 : memref<2x100xi32, #tpu.memory_space<hbm>>) dst(%dma_wait3A_285 : memref<2x100xi32, #tpu.memory_space<vmem>>)
    %dma_start3A_288 = arith.constant 3 : i32
    %dma_start3A_289 = arith.constant 0 : i32
    %dma_start3A_290 = arith.constant 3 : i32
    %dma_start3A_291 = arith.constant 0 : i32
    %dma_start3A_292 = arith.constant 0 : i32
    %dma_start3A_293 = tpu.memref_slice %arg8[%dma_start3A_290, %dma_start3A_291, %dma_start3A_292] : memref<4x200x128xf32, #tpu.memory_space<vmem>> -> memref<1x100x128xf32, #tpu.memory_space<vmem>>
    %dma_start3A_294 = tpu.memref_squeeze %dma_start3A_293 : memref<1x100x128xf32, #tpu.memory_space<vmem>> -> memref<100x128xf32, #tpu.memory_space<vmem>>
    %dma_start3A_295 = arith.constant 0 : i32
    %dma_start3A_296 = tpu.memref_slice %arg7[%dma_start3A_288, %dma_start3A_289, %dma_start3A_295] : memref<4x2x100xi32, #tpu.memory_space<vmem>> -> memref<1x1x100xi32, #tpu.memory_space<vmem>>
    %dma_start3A_297 = tpu.memref_squeeze %dma_start3A_296 : memref<1x1x100xi32, #tpu.memory_space<vmem>> -> memref<100xi32, #tpu.memory_space<vmem>>
    %dma_start3A_298 = arith.constant 0 : i32
    %dma_start3A_299 = arith.constant 0 : i32
    %dma_start3A_300 = tpu.memref_slice %arg3[%dma_start3A_298, %dma_start3A_299] : memref<100000x128xf32, #tpu.memory_space<hbm>> -> memref<100000x128xf32, #tpu.memory_space<hbm>>
    tpu.enqueue_indirect_dma source(%dma_start3A_300 : memref<100000x128xf32, #tpu.memory_space<hbm>>) target(%dma_start3A_294 : memref<100x128xf32, #tpu.memory_space<vmem>>) offsets(%dma_start3A_297 : memref<100xi32, #tpu.memory_space<vmem>>) semaphore(%arg16 : memref<!tpu.dma_semaphore, #tpu.memory_space<semaphore_mem>>)
    %dma_start3A_301 = arith.constant 3 : i32
    %dma_start3A_302 = arith.constant 1 : i32
    %dma_start3A_303 = arith.constant 3 : i32
    %dma_start3A_304 = arith.constant 100 : i32
    %dma_start3A_305 = arith.constant 0 : i32
    %dma_start3A_306 = tpu.memref_slice %arg8[%dma_start3A_303, %dma_start3A_304, %dma_start3A_305] : memref<4x200x128xf32, #tpu.memory_space<vmem>> -> memref<1x100x128xf32, #tpu.memory_space<vmem>>
    %dma_start3A_307 = tpu.memref_squeeze %dma_start3A_306 : memref<1x100x128xf32, #tpu.memory_space<vmem>> -> memref<100x128xf32, #tpu.memory_space<vmem>>
    %dma_start3A_308 = arith.constant 0 : i32
    %dma_start3A_309 = tpu.memref_slice %arg7[%dma_start3A_301, %dma_start3A_302, %dma_start3A_308] : memref<4x2x100xi32, #tpu.memory_space<vmem>> -> memref<1x1x100xi32, #tpu.memory_space<vmem>>
    %dma_start3A_310 = tpu.memref_squeeze %dma_start3A_309 : memref<1x1x100xi32, #tpu.memory_space<vmem>> -> memref<100xi32, #tpu.memory_space<vmem>>
    %dma_start3A_311 = arith.constant 0 : i32
    %dma_start3A_312 = arith.constant 0 : i32
    %dma_start3A_313 = tpu.memref_slice %arg3[%dma_start3A_311, %dma_start3A_312] : memref<100000x128xf32, #tpu.memory_space<hbm>> -> memref<100000x128xf32, #tpu.memory_space<hbm>>
    tpu.enqueue_indirect_dma source(%dma_start3A_313 : memref<100000x128xf32, #tpu.memory_space<hbm>>) target(%dma_start3A_307 : memref<100x128xf32, #tpu.memory_space<vmem>>) offsets(%dma_start3A_310 : memref<100xi32, #tpu.memory_space<vmem>>) semaphore(%arg16 : memref<!tpu.dma_semaphore, #tpu.memory_space<semaphore_mem>>)
    %add3A_314 = arith.constant 8 : i32
    %add3A_315 = arith.addi %mul3A_4, %add3A_314 : i32
    %dma_start3A_316 = arith.constant 0 : i32
    %dma_start3A_317 = arith.constant 0 : i32
    %dma_start3A_318 = arith.constant 0 : i32
    %dma_start3A_319 = tpu.memref_slice %arg7[%dma_start3A_316, %dma_start3A_317, %dma_start3A_318] : memref<4x2x100xi32, #tpu.memory_space<vmem>> -> memref<1x2x100xi32, #tpu.memory_space<vmem>>
    %dma_start3A_320 = tpu.memref_squeeze %dma_start3A_319 : memref<1x2x100xi32, #tpu.memory_space<vmem>> -> memref<2x100xi32, #tpu.memory_space<vmem>>
    %dma_start3A_321 = arith.constant 0 : i32
    %dma_start3A_322 = tpu.memref_slice %arg2[%add3A_315, %dma_start3A_321] : memref<8192x100xi32, #tpu.memory_space<hbm>> -> memref<2x100xi32, #tpu.memory_space<hbm>>
    %dma_start3A_323 = arith.constant 0 : i32
    %dma_start3A_324 = arith.constant 0 : i32
    %dma_start3A_325 = tpu.memref_slice %arg7[%dma_start3A_316, %dma_start3A_323, %dma_start3A_324] : memref<4x2x100xi32, #tpu.memory_space<vmem>> -> memref<1x2x100xi32, #tpu.memory_space<vmem>>
    %dma_start3A_326 = tpu.memref_squeeze %dma_start3A_325 : memref<1x2x100xi32, #tpu.memory_space<vmem>> -> memref<2x100xi32, #tpu.memory_space<vmem>>
    %dma_start3A_327 = arith.constant 0 : i32
    %dma_start3A_328 = tpu.memref_slice %arg2[%add3A_315, %dma_start3A_327] : memref<8192x100xi32, #tpu.memory_space<hbm>> -> memref<2x100xi32, #tpu.memory_space<hbm>>
    tpu.enqueue_dma source(%dma_start3A_328 : memref<2x100xi32, #tpu.memory_space<hbm>>) target(%dma_start3A_326 : memref<2x100xi32, #tpu.memory_space<vmem>>) target_semaphore(%arg9 : memref<!tpu.dma_semaphore, #tpu.memory_space<semaphore_mem>>)
    %dma_wait3A_329 = arith.constant 2 : i32
    %dma_wait3A_330 = arith.constant 0 : i32
    %dma_wait3A_331 = arith.constant 2 : i32
    %dma_wait3A_332 = arith.constant 0 : i32
    %dma_wait3A_333 = arith.constant 0 : i32
    %dma_wait3A_334 = tpu.memref_slice %arg8[%dma_wait3A_331, %dma_wait3A_332, %dma_wait3A_333] : memref<4x200x128xf32, #tpu.memory_space<vmem>> -> memref<1x100x128xf32, #tpu.memory_space<vmem>>
    %dma_wait3A_335 = tpu.memref_squeeze %dma_wait3A_334 : memref<1x100x128xf32, #tpu.memory_space<vmem>> -> memref<100x128xf32, #tpu.memory_space<vmem>>
    %dma_wait3A_336 = arith.constant 0 : i32
    %dma_wait3A_337 = tpu.memref_slice %arg7[%dma_wait3A_329, %dma_wait3A_330, %dma_wait3A_336] : memref<4x2x100xi32, #tpu.memory_space<vmem>> -> memref<1x1x100xi32, #tpu.memory_space<vmem>>
    %dma_wait3A_338 = tpu.memref_squeeze %dma_wait3A_337 : memref<1x1x100xi32, #tpu.memory_space<vmem>> -> memref<100xi32, #tpu.memory_space<vmem>>
    %dma_wait3A_339 = arith.constant 0 : i32
    %dma_wait3A_340 = arith.constant 0 : i32
    %dma_wait3A_341 = tpu.memref_slice %arg3[%dma_wait3A_339, %dma_wait3A_340] : memref<100000x128xf32, #tpu.memory_space<hbm>> -> memref<100000x128xf32, #tpu.memory_space<hbm>>
    tpu.wait_indirect_dma semaphore(%arg15 : memref<!tpu.dma_semaphore, #tpu.memory_space<semaphore_mem>>) src(%dma_wait3A_341 : memref<100000x128xf32, #tpu.memory_space<hbm>>) dst(%dma_wait3A_335 : memref<100x128xf32, #tpu.memory_space<vmem>>)
    %dma_wait3A_342 = arith.constant 2 : i32
    %dma_wait3A_343 = arith.constant 1 : i32
    %dma_wait3A_344 = arith.constant 2 : i32
    %dma_wait3A_345 = arith.constant 100 : i32
    %dma_wait3A_346 = arith.constant 0 : i32
    %dma_wait3A_347 = tpu.memref_slice %arg8[%dma_wait3A_344, %dma_wait3A_345, %dma_wait3A_346] : memref<4x200x128xf32, #tpu.memory_space<vmem>> -> memref<1x100x128xf32, #tpu.memory_space<vmem>>
    %dma_wait3A_348 = tpu.memref_squeeze %dma_wait3A_347 : memref<1x100x128xf32, #tpu.memory_space<vmem>> -> memref<100x128xf32, #tpu.memory_space<vmem>>
    %dma_wait3A_349 = arith.constant 0 : i32
    %dma_wait3A_350 = tpu.memref_slice %arg7[%dma_wait3A_342, %dma_wait3A_343, %dma_wait3A_349] : memref<4x2x100xi32, #tpu.memory_space<vmem>> -> memref<1x1x100xi32, #tpu.memory_space<vmem>>
    %dma_wait3A_351 = tpu.memref_squeeze %dma_wait3A_350 : memref<1x1x100xi32, #tpu.memory_space<vmem>> -> memref<100xi32, #tpu.memory_space<vmem>>
    %dma_wait3A_352 = arith.constant 0 : i32
    %dma_wait3A_353 = arith.constant 0 : i32
    %dma_wait3A_354 = tpu.memref_slice %arg3[%dma_wait3A_352, %dma_wait3A_353] : memref<100000x128xf32, #tpu.memory_space<hbm>> -> memref<100000x128xf32, #tpu.memory_space<hbm>>
    tpu.wait_indirect_dma semaphore(%arg15 : memref<!tpu.dma_semaphore, #tpu.memory_space<semaphore_mem>>) src(%dma_wait3A_354 : memref<100000x128xf32, #tpu.memory_space<hbm>>) dst(%dma_wait3A_348 : memref<100x128xf32, #tpu.memory_space<vmem>>)
    %parallel_loop3A_355 = arith.constant 0 : i32
    %parallel_loop3A_356 = arith.constant 200 : i32
    %parallel_loop3A_357 = arith.constant 1 : i32
    scf.for %parallel_loop3A_927 = %parallel_loop3A_355 to %parallel_loop3A_356 step %parallel_loop3A_357  : i32 {
      %parallel_loop3A_928 = arith.index_cast %parallel_loop3A_927 : i32 to index
      %parallel_loop3A_929 = arith.constant 0 : index
      %parallel_loop3A_930 = tpu.vector_load %arg6[%parallel_loop3A_928, %parallel_loop3A_929] {strides = array<i32>} : memref<200x128xf32, #tpu.memory_space<vmem>>, vector<1x16xf32>,
      %parallel_loop3A_931 = vector.shape_cast %parallel_loop3A_930 : vector<1x16xf32> to vector<16xf32>
      %parallel_loop3A_932 = arith.constant 2 : i32
      %parallel_loop3A_933 = arith.index_cast %parallel_loop3A_932 : i32 to index
      %parallel_loop3A_934 = arith.index_cast %parallel_loop3A_927 : i32 to index
      %parallel_loop3A_935 = arith.constant 0 : index
      %parallel_loop3A_936 = tpu.vector_load %arg8[%parallel_loop3A_933, %parallel_loop3A_934, %parallel_loop3A_935] {strides = array<i32>} : memref<4x200x128xf32, #tpu.memory_space<vmem>>, vector<1x1x16xf32>,
      %parallel_loop3A_937 = vector.shape_cast %parallel_loop3A_936 : vector<1x1x16xf32> to vector<16xf32>
      %parallel_loop3A_938 = vector.shape_cast %parallel_loop3A_931 : vector<16xf32> to vector<1x1x16xf32>
      tpu.vector_store %arg8[%parallel_loop3A_933, %parallel_loop3A_934, %parallel_loop3A_935], %parallel_loop3A_938 {add = true, strides = array<i32>} : memref<4x200x128xf32, #tpu.memory_space<vmem>>, vector<1x1x16xf32>,
      %parallel_loop3A_939 = arith.index_cast %parallel_loop3A_927 : i32 to index
      %parallel_loop3A_940 = arith.constant 16 : index
      %parallel_loop3A_941 = tpu.vector_load %arg6[%parallel_loop3A_939, %parallel_loop3A_940] {strides = array<i32>} : memref<200x128xf32, #tpu.memory_space<vmem>>, vector<1x16xf32>,
      %parallel_loop3A_942 = vector.shape_cast %parallel_loop3A_941 : vector<1x16xf32> to vector<16xf32>
      %parallel_loop3A_943 = arith.constant 2 : i32
      %parallel_loop3A_944 = arith.index_cast %parallel_loop3A_943 : i32 to index
      %parallel_loop3A_945 = arith.index_cast %parallel_loop3A_927 : i32 to index
      %parallel_loop3A_946 = arith.constant 16 : index
      %parallel_loop3A_947 = tpu.vector_load %arg8[%parallel_loop3A_944, %parallel_loop3A_945, %parallel_loop3A_946] {strides = array<i32>} : memref<4x200x128xf32, #tpu.memory_space<vmem>>, vector<1x1x16xf32>,
      %parallel_loop3A_948 = vector.shape_cast %parallel_loop3A_947 : vector<1x1x16xf32> to vector<16xf32>
      %parallel_loop3A_949 = vector.shape_cast %parallel_loop3A_942 : vector<16xf32> to vector<1x1x16xf32>
      tpu.vector_store %arg8[%parallel_loop3A_944, %parallel_loop3A_945, %parallel_loop3A_946], %parallel_loop3A_949 {add = true, strides = array<i32>} : memref<4x200x128xf32, #tpu.memory_space<vmem>>, vector<1x1x16xf32>,
      %parallel_loop3A_950 = arith.index_cast %parallel_loop3A_927 : i32 to index
      %parallel_loop3A_951 = arith.constant 32 : index
      %parallel_loop3A_952 = tpu.vector_load %arg6[%parallel_loop3A_950, %parallel_loop3A_951] {strides = array<i32>} : memref<200x128xf32, #tpu.memory_space<vmem>>, vector<1x16xf32>,
      %parallel_loop3A_953 = vector.shape_cast %parallel_loop3A_952 : vector<1x16xf32> to vector<16xf32>
      %parallel_loop3A_954 = arith.constant 2 : i32
      %parallel_loop3A_955 = arith.index_cast %parallel_loop3A_954 : i32 to index
      %parallel_loop3A_956 = arith.index_cast %parallel_loop3A_927 : i32 to index
      %parallel_loop3A_957 = arith.constant 32 : index
      %parallel_loop3A_958 = tpu.vector_load %arg8[%parallel_loop3A_955, %parallel_loop3A_956, %parallel_loop3A_957] {strides = array<i32>} : memref<4x200x128xf32, #tpu.memory_space<vmem>>, vector<1x1x16xf32>,
      %parallel_loop3A_959 = vector.shape_cast %parallel_loop3A_958 : vector<1x1x16xf32> to vector<16xf32>
      %parallel_loop3A_960 = vector.shape_cast %parallel_loop3A_953 : vector<16xf32> to vector<1x1x16xf32>
      tpu.vector_store %arg8[%parallel_loop3A_955, %parallel_loop3A_956, %parallel_loop3A_957], %parallel_loop3A_960 {add = true, strides = array<i32>} : memref<4x200x128xf32, #tpu.memory_space<vmem>>, vector<1x1x16xf32>,
      %parallel_loop3A_961 = arith.index_cast %parallel_loop3A_927 : i32 to index
      %parallel_loop3A_962 = arith.constant 48 : index
      %parallel_loop3A_963 = tpu.vector_load %arg6[%parallel_loop3A_961, %parallel_loop3A_962] {strides = array<i32>} : memref<200x128xf32, #tpu.memory_space<vmem>>, vector<1x16xf32>,
      %parallel_loop3A_964 = vector.shape_cast %parallel_loop3A_963 : vector<1x16xf32> to vector<16xf32>
      %parallel_loop3A_965 = arith.constant 2 : i32
      %parallel_loop3A_966 = arith.index_cast %parallel_loop3A_965 : i32 to index
      %parallel_loop3A_967 = arith.index_cast %parallel_loop3A_927 : i32 to index
      %parallel_loop3A_968 = arith.constant 48 : index
      %parallel_loop3A_969 = tpu.vector_load %arg8[%parallel_loop3A_966, %parallel_loop3A_967, %parallel_loop3A_968] {strides = array<i32>} : memref<4x200x128xf32, #tpu.memory_space<vmem>>, vector<1x1x16xf32>,
      %parallel_loop3A_970 = vector.shape_cast %parallel_loop3A_969 : vector<1x1x16xf32> to vector<16xf32>
      %parallel_loop3A_971 = vector.shape_cast %parallel_loop3A_964 : vector<16xf32> to vector<1x1x16xf32>
      tpu.vector_store %arg8[%parallel_loop3A_966, %parallel_loop3A_967, %parallel_loop3A_968], %parallel_loop3A_971 {add = true, strides = array<i32>} : memref<4x200x128xf32, #tpu.memory_space<vmem>>, vector<1x1x16xf32>,
      %parallel_loop3A_972 = arith.index_cast %parallel_loop3A_927 : i32 to index
      %parallel_loop3A_973 = arith.constant 64 : index
      %parallel_loop3A_974 = tpu.vector_load %arg6[%parallel_loop3A_972, %parallel_loop3A_973] {strides = array<i32>} : memref<200x128xf32, #tpu.memory_space<vmem>>, vector<1x16xf32>,
      %parallel_loop3A_975 = vector.shape_cast %parallel_loop3A_974 : vector<1x16xf32> to vector<16xf32>
      %parallel_loop3A_976 = arith.constant 2 : i32
      %parallel_loop3A_977 = arith.index_cast %parallel_loop3A_976 : i32 to index
      %parallel_loop3A_978 = arith.index_cast %parallel_loop3A_927 : i32 to index
      %parallel_loop3A_979 = arith.constant 64 : index
      %parallel_loop3A_980 = tpu.vector_load %arg8[%parallel_loop3A_977, %parallel_loop3A_978, %parallel_loop3A_979] {strides = array<i32>} : memref<4x200x128xf32, #tpu.memory_space<vmem>>, vector<1x1x16xf32>,
      %parallel_loop3A_981 = vector.shape_cast %parallel_loop3A_980 : vector<1x1x16xf32> to vector<16xf32>
      %parallel_loop3A_982 = vector.shape_cast %parallel_loop3A_975 : vector<16xf32> to vector<1x1x16xf32>
      tpu.vector_store %arg8[%parallel_loop3A_977, %parallel_loop3A_978, %parallel_loop3A_979], %parallel_loop3A_982 {add = true, strides = array<i32>} : memref<4x200x128xf32, #tpu.memory_space<vmem>>, vector<1x1x16xf32>,
      %parallel_loop3A_983 = arith.index_cast %parallel_loop3A_927 : i32 to index
      %parallel_loop3A_984 = arith.constant 80 : index
      %parallel_loop3A_985 = tpu.vector_load %arg6[%parallel_loop3A_983, %parallel_loop3A_984] {strides = array<i32>} : memref<200x128xf32, #tpu.memory_space<vmem>>, vector<1x16xf32>,
      %parallel_loop3A_986 = vector.shape_cast %parallel_loop3A_985 : vector<1x16xf32> to vector<16xf32>
      %parallel_loop3A_987 = arith.constant 2 : i32
      %parallel_loop3A_988 = arith.index_cast %parallel_loop3A_987 : i32 to index
      %parallel_loop3A_989 = arith.index_cast %parallel_loop3A_927 : i32 to index
      %parallel_loop3A_990 = arith.constant 80 : index
      %parallel_loop3A_991 = tpu.vector_load %arg8[%parallel_loop3A_988, %parallel_loop3A_989, %parallel_loop3A_990] {strides = array<i32>} : memref<4x200x128xf32, #tpu.memory_space<vmem>>, vector<1x1x16xf32>,
      %parallel_loop3A_992 = vector.shape_cast %parallel_loop3A_991 : vector<1x1x16xf32> to vector<16xf32>
      %parallel_loop3A_993 = vector.shape_cast %parallel_loop3A_986 : vector<16xf32> to vector<1x1x16xf32>
      tpu.vector_store %arg8[%parallel_loop3A_988, %parallel_loop3A_989, %parallel_loop3A_990], %parallel_loop3A_993 {add = true, strides = array<i32>} : memref<4x200x128xf32, #tpu.memory_space<vmem>>, vector<1x1x16xf32>,
      %parallel_loop3A_994 = arith.index_cast %parallel_loop3A_927 : i32 to index
      %parallel_loop3A_995 = arith.constant 96 : index
      %parallel_loop3A_996 = tpu.vector_load %arg6[%parallel_loop3A_994, %parallel_loop3A_995] {strides = array<i32>} : memref<200x128xf32, #tpu.memory_space<vmem>>, vector<1x16xf32>,
      %parallel_loop3A_997 = vector.shape_cast %parallel_loop3A_996 : vector<1x16xf32> to vector<16xf32>
      %parallel_loop3A_998 = arith.constant 2 : i32
      %parallel_loop3A_999 = arith.index_cast %parallel_loop3A_998 : i32 to index
      %parallel_loop3A_1000 = arith.index_cast %parallel_loop3A_927 : i32 to index
      %parallel_loop3A_1001 = arith.constant 96 : index
      %parallel_loop3A_1002 = tpu.vector_load %arg8[%parallel_loop3A_999, %parallel_loop3A_1000, %parallel_loop3A_1001] {strides = array<i32>} : memref<4x200x128xf32, #tpu.memory_space<vmem>>, vector<1x1x16xf32>,
      %parallel_loop3A_1003 = vector.shape_cast %parallel_loop3A_1002 : vector<1x1x16xf32> to vector<16xf32>
      %parallel_loop3A_1004 = vector.shape_cast %parallel_loop3A_997 : vector<16xf32> to vector<1x1x16xf32>
      tpu.vector_store %arg8[%parallel_loop3A_999, %parallel_loop3A_1000, %parallel_loop3A_1001], %parallel_loop3A_1004 {add = true, strides = array<i32>} : memref<4x200x128xf32, #tpu.memory_space<vmem>>, vector<1x1x16xf32>,
      %parallel_loop3A_1005 = arith.index_cast %parallel_loop3A_927 : i32 to index
      %parallel_loop3A_1006 = arith.constant 112 : index
      %parallel_loop3A_1007 = tpu.vector_load %arg6[%parallel_loop3A_1005, %parallel_loop3A_1006] {strides = array<i32>} : memref<200x128xf32, #tpu.memory_space<vmem>>, vector<1x16xf32>,
      %parallel_loop3A_1008 = vector.shape_cast %parallel_loop3A_1007 : vector<1x16xf32> to vector<16xf32>
      %parallel_loop3A_1009 = arith.constant 2 : i32
      %parallel_loop3A_1010 = arith.index_cast %parallel_loop3A_1009 : i32 to index
      %parallel_loop3A_1011 = arith.index_cast %parallel_loop3A_927 : i32 to index
      %parallel_loop3A_1012 = arith.constant 112 : index
      %parallel_loop3A_1013 = tpu.vector_load %arg8[%parallel_loop3A_1010, %parallel_loop3A_1011, %parallel_loop3A_1012] {strides = array<i32>} : memref<4x200x128xf32, #tpu.memory_space<vmem>>, vector<1x1x16xf32>,
      %parallel_loop3A_1014 = vector.shape_cast %parallel_loop3A_1013 : vector<1x1x16xf32> to vector<16xf32>
      %parallel_loop3A_1015 = vector.shape_cast %parallel_loop3A_1008 : vector<16xf32> to vector<1x1x16xf32>
      tpu.vector_store %arg8[%parallel_loop3A_1010, %parallel_loop3A_1011, %parallel_loop3A_1012], %parallel_loop3A_1015 {add = true, strides = array<i32>} : memref<4x200x128xf32, #tpu.memory_space<vmem>>, vector<1x1x16xf32>,
    } {sc.loop_unroll_factor = 4 : i64, sc.parallel_access}
    %add3A_358 = arith.constant 400 : i32
    %add3A_359 = arith.addi %mul3A_2, %add3A_358 : i32
    %dma_start3A_360 = arith.constant 2 : i32
    %dma_start3A_361 = arith.constant 0 : i32
    %dma_start3A_362 = arith.constant 0 : i32
    %dma_start3A_363 = tpu.memref_slice %arg8[%dma_start3A_360, %dma_start3A_361, %dma_start3A_362] : memref<4x200x128xf32, #tpu.memory_space<vmem>> -> memref<1x200x128xf32, #tpu.memory_space<vmem>>
    %dma_start3A_364 = tpu.memref_squeeze %dma_start3A_363 : memref<1x200x128xf32, #tpu.memory_space<vmem>> -> memref<200x128xf32, #tpu.memory_space<vmem>>
    %dma_start3A_365 = arith.constant 0 : i32
    %dma_start3A_366 = tpu.memref_slice %arg5[%add3A_359, %dma_start3A_365] : memref<819200x128xf32, #tpu.memory_space<hbm>> -> memref<200x128xf32, #tpu.memory_space<hbm>>
    %dma_start3A_367 = arith.constant 0 : i32
    %dma_start3A_368 = tpu.memref_slice %arg5[%add3A_359, %dma_start3A_367] : memref<819200x128xf32, #tpu.memory_space<hbm>> -> memref<200x128xf32, #tpu.memory_space<hbm>>
    %dma_start3A_369 = arith.constant 0 : i32
    %dma_start3A_370 = arith.constant 0 : i32
    %dma_start3A_371 = tpu.memref_slice %arg8[%dma_start3A_360, %dma_start3A_369, %dma_start3A_370] : memref<4x200x128xf32, #tpu.memory_space<vmem>> -> memref<1x200x128xf32, #tpu.memory_space<vmem>>
    %dma_start3A_372 = tpu.memref_squeeze %dma_start3A_371 : memref<1x200x128xf32, #tpu.memory_space<vmem>> -> memref<200x128xf32, #tpu.memory_space<vmem>>
    tpu.enqueue_dma source(%dma_start3A_372 : memref<200x128xf32, #tpu.memory_space<vmem>>) target(%dma_start3A_368 : memref<200x128xf32, #tpu.memory_space<hbm>>) target_semaphore(%arg19 : memref<!tpu.dma_semaphore, #tpu.memory_space<semaphore_mem>>)
    %add3A_373 = arith.constant 0 : i32
    %add3A_374 = arith.addi %mul3A_2, %add3A_373 : i32
    %dma_wait3A_375 = arith.constant 0 : i32
    %dma_wait3A_376 = arith.constant 0 : i32
    %dma_wait3A_377 = arith.constant 0 : i32
    %dma_wait3A_378 = tpu.memref_slice %arg8[%dma_wait3A_375, %dma_wait3A_376, %dma_wait3A_377] : memref<4x200x128xf32, #tpu.memory_space<vmem>> -> memref<1x200x128xf32, #tpu.memory_space<vmem>>
    %dma_wait3A_379 = tpu.memref_squeeze %dma_wait3A_378 : memref<1x200x128xf32, #tpu.memory_space<vmem>> -> memref<200x128xf32, #tpu.memory_space<vmem>>
    %dma_wait3A_380 = arith.constant 0 : i32
    %dma_wait3A_381 = tpu.memref_slice %arg5[%add3A_374, %dma_wait3A_380] : memref<819200x128xf32, #tpu.memory_space<hbm>> -> memref<200x128xf32, #tpu.memory_space<hbm>>
    %dma_wait3A_382 = arith.constant 0 : i32
    %dma_wait3A_383 = tpu.memref_slice %arg5[%add3A_374, %dma_wait3A_382] : memref<819200x128xf32, #tpu.memory_space<hbm>> -> memref<200x128xf32, #tpu.memory_space<hbm>>
    %dma_wait3A_384 = arith.constant 0 : i32
    %dma_wait3A_385 = arith.constant 0 : i32
    %dma_wait3A_386 = tpu.memref_slice %arg8[%dma_wait3A_375, %dma_wait3A_384, %dma_wait3A_385] : memref<4x200x128xf32, #tpu.memory_space<vmem>> -> memref<1x200x128xf32, #tpu.memory_space<vmem>>
    %dma_wait3A_387 = tpu.memref_squeeze %dma_wait3A_386 : memref<1x200x128xf32, #tpu.memory_space<vmem>> -> memref<200x128xf32, #tpu.memory_space<vmem>>
    tpu.wait_dma2 semaphore(%arg17 : memref<!tpu.dma_semaphore, #tpu.memory_space<semaphore_mem>>) src(%dma_wait3A_387 : memref<200x128xf32, #tpu.memory_space<vmem>>) dst(%dma_wait3A_383 : memref<200x128xf32, #tpu.memory_space<hbm>>)
    %add3A_388 = arith.constant 0 : i32
    %add3A_389 = arith.addi %mul3A_4, %add3A_388 : i32
    %dma_wait3A_390 = arith.constant 0 : i32
    %dma_wait3A_391 = arith.constant 0 : i32
    %dma_wait3A_392 = arith.constant 0 : i32
    %dma_wait3A_393 = tpu.memref_slice %arg7[%dma_wait3A_390, %dma_wait3A_391, %dma_wait3A_392] : memref<4x2x100xi32, #tpu.memory_space<vmem>> -> memref<1x2x100xi32, #tpu.memory_space<vmem>>
    %dma_wait3A_394 = tpu.memref_squeeze %dma_wait3A_393 : memref<1x2x100xi32, #tpu.memory_space<vmem>> -> memref<2x100xi32, #tpu.memory_space<vmem>>
    %dma_wait3A_395 = arith.constant 0 : i32
    %dma_wait3A_396 = tpu.memref_slice %arg2[%add3A_389, %dma_wait3A_395] : memref<8192x100xi32, #tpu.memory_space<hbm>> -> memref<2x100xi32, #tpu.memory_space<hbm>>
    %dma_wait3A_397 = arith.constant 0 : i32
    %dma_wait3A_398 = arith.constant 0 : i32
    %dma_wait3A_399 = tpu.memref_slice %arg7[%dma_wait3A_390, %dma_wait3A_397, %dma_wait3A_398] : memref<4x2x100xi32, #tpu.memory_space<vmem>> -> memref<1x2x100xi32, #tpu.memory_space<vmem>>
    %dma_wait3A_400 = tpu.memref_squeeze %dma_wait3A_399 : memref<1x2x100xi32, #tpu.memory_space<vmem>> -> memref<2x100xi32, #tpu.memory_space<vmem>>
    %dma_wait3A_401 = arith.constant 0 : i32
    %dma_wait3A_402 = tpu.memref_slice %arg2[%add3A_389, %dma_wait3A_401] : memref<8192x100xi32, #tpu.memory_space<hbm>> -> memref<2x100xi32, #tpu.memory_space<hbm>>
    tpu.wait_dma2 semaphore(%arg9 : memref<!tpu.dma_semaphore, #tpu.memory_space<semaphore_mem>>) src(%dma_wait3A_402 : memref<2x100xi32, #tpu.memory_space<hbm>>) dst(%dma_wait3A_400 : memref<2x100xi32, #tpu.memory_space<vmem>>)
    %dma_start3A_403 = arith.constant 0 : i32
    %dma_start3A_404 = arith.constant 0 : i32
    %dma_start3A_405 = arith.constant 0 : i32
    %dma_start3A_406 = arith.constant 0 : i32
    %dma_start3A_407 = arith.constant 0 : i32
    %dma_start3A_408 = tpu.memref_slice %arg8[%dma_start3A_405, %dma_start3A_406, %dma_start3A_407] : memref<4x200x128xf32, #tpu.memory_space<vmem>> -> memref<1x100x128xf32, #tpu.memory_space<vmem>>
    %dma_start3A_409 = tpu.memref_squeeze %dma_start3A_408 : memref<1x100x128xf32, #tpu.memory_space<vmem>> -> memref<100x128xf32, #tpu.memory_space<vmem>>
    %dma_start3A_410 = arith.constant 0 : i32
    %dma_start3A_411 = tpu.memref_slice %arg7[%dma_start3A_403, %dma_start3A_404, %dma_start3A_410] : memref<4x2x100xi32, #tpu.memory_space<vmem>> -> memref<1x1x100xi32, #tpu.memory_space<vmem>>
    %dma_start3A_412 = tpu.memref_squeeze %dma_start3A_411 : memref<1x1x100xi32, #tpu.memory_space<vmem>> -> memref<100xi32, #tpu.memory_space<vmem>>
    %dma_start3A_413 = arith.constant 0 : i32
    %dma_start3A_414 = arith.constant 0 : i32
    %dma_start3A_415 = tpu.memref_slice %arg3[%dma_start3A_413, %dma_start3A_414] : memref<100000x128xf32, #tpu.memory_space<hbm>> -> memref<100000x128xf32, #tpu.memory_space<hbm>>
    tpu.enqueue_indirect_dma source(%dma_start3A_415 : memref<100000x128xf32, #tpu.memory_space<hbm>>) target(%dma_start3A_409 : memref<100x128xf32, #tpu.memory_space<vmem>>) offsets(%dma_start3A_412 : memref<100xi32, #tpu.memory_space<vmem>>) semaphore(%arg13 : memref<!tpu.dma_semaphore, #tpu.memory_space<semaphore_mem>>)
    %dma_start3A_416 = arith.constant 0 : i32
    %dma_start3A_417 = arith.constant 1 : i32
    %dma_start3A_418 = arith.constant 0 : i32
    %dma_start3A_419 = arith.constant 100 : i32
    %dma_start3A_420 = arith.constant 0 : i32
    %dma_start3A_421 = tpu.memref_slice %arg8[%dma_start3A_418, %dma_start3A_419, %dma_start3A_420] : memref<4x200x128xf32, #tpu.memory_space<vmem>> -> memref<1x100x128xf32, #tpu.memory_space<vmem>>
    %dma_start3A_422 = tpu.memref_squeeze %dma_start3A_421 : memref<1x100x128xf32, #tpu.memory_space<vmem>> -> memref<100x128xf32, #tpu.memory_space<vmem>>
    %dma_start3A_423 = arith.constant 0 : i32
    %dma_start3A_424 = tpu.memref_slice %arg7[%dma_start3A_416, %dma_start3A_417, %dma_start3A_423] : memref<4x2x100xi32, #tpu.memory_space<vmem>> -> memref<1x1x100xi32, #tpu.memory_space<vmem>>
    %dma_start3A_425 = tpu.memref_squeeze %dma_start3A_424 : memref<1x1x100xi32, #tpu.memory_space<vmem>> -> memref<100xi32, #tpu.memory_space<vmem>>
    %dma_start3A_426 = arith.constant 0 : i32
    %dma_start3A_427 = arith.constant 0 : i32
    %dma_start3A_428 = tpu.memref_slice %arg3[%dma_start3A_426, %dma_start3A_427] : memref<100000x128xf32, #tpu.memory_space<hbm>> -> memref<100000x128xf32, #tpu.memory_space<hbm>>
    tpu.enqueue_indirect_dma source(%dma_start3A_428 : memref<100000x128xf32, #tpu.memory_space<hbm>>) target(%dma_start3A_422 : memref<100x128xf32, #tpu.memory_space<vmem>>) offsets(%dma_start3A_425 : memref<100xi32, #tpu.memory_space<vmem>>) semaphore(%arg13 : memref<!tpu.dma_semaphore, #tpu.memory_space<semaphore_mem>>)
    %add3A_429 = arith.constant 10 : i32
    %add3A_430 = arith.addi %mul3A_4, %add3A_429 : i32
    %dma_start3A_431 = arith.constant 1 : i32
    %dma_start3A_432 = arith.constant 0 : i32
    %dma_start3A_433 = arith.constant 0 : i32
    %dma_start3A_434 = tpu.memref_slice %arg7[%dma_start3A_431, %dma_start3A_432, %dma_start3A_433] : memref<4x2x100xi32, #tpu.memory_space<vmem>> -> memref<1x2x100xi32, #tpu.memory_space<vmem>>
    %dma_start3A_435 = tpu.memref_squeeze %dma_start3A_434 : memref<1x2x100xi32, #tpu.memory_space<vmem>> -> memref<2x100xi32, #tpu.memory_space<vmem>>
    %dma_start3A_436 = arith.constant 0 : i32
    %dma_start3A_437 = tpu.memref_slice %arg2[%add3A_430, %dma_start3A_436] : memref<8192x100xi32, #tpu.memory_space<hbm>> -> memref<2x100xi32, #tpu.memory_space<hbm>>
    %dma_start3A_438 = arith.constant 0 : i32
    %dma_start3A_439 = arith.constant 0 : i32
    %dma_start3A_440 = tpu.memref_slice %arg7[%dma_start3A_431, %dma_start3A_438, %dma_start3A_439] : memref<4x2x100xi32, #tpu.memory_space<vmem>> -> memref<1x2x100xi32, #tpu.memory_space<vmem>>
    %dma_start3A_441 = tpu.memref_squeeze %dma_start3A_440 : memref<1x2x100xi32, #tpu.memory_space<vmem>> -> memref<2x100xi32, #tpu.memory_space<vmem>>
    %dma_start3A_442 = arith.constant 0 : i32
    %dma_start3A_443 = tpu.memref_slice %arg2[%add3A_430, %dma_start3A_442] : memref<8192x100xi32, #tpu.memory_space<hbm>> -> memref<2x100xi32, #tpu.memory_space<hbm>>
    tpu.enqueue_dma source(%dma_start3A_443 : memref<2x100xi32, #tpu.memory_space<hbm>>) target(%dma_start3A_441 : memref<2x100xi32, #tpu.memory_space<vmem>>) target_semaphore(%arg10 : memref<!tpu.dma_semaphore, #tpu.memory_space<semaphore_mem>>)
    %dma_wait3A_444 = arith.constant 3 : i32
    %dma_wait3A_445 = arith.constant 0 : i32
    %dma_wait3A_446 = arith.constant 3 : i32
    %dma_wait3A_447 = arith.constant 0 : i32
    %dma_wait3A_448 = arith.constant 0 : i32
    %dma_wait3A_449 = tpu.memref_slice %arg8[%dma_wait3A_446, %dma_wait3A_447, %dma_wait3A_448] : memref<4x200x128xf32, #tpu.memory_space<vmem>> -> memref<1x100x128xf32, #tpu.memory_space<vmem>>
    %dma_wait3A_450 = tpu.memref_squeeze %dma_wait3A_449 : memref<1x100x128xf32, #tpu.memory_space<vmem>> -> memref<100x128xf32, #tpu.memory_space<vmem>>
    %dma_wait3A_451 = arith.constant 0 : i32
    %dma_wait3A_452 = tpu.memref_slice %arg7[%dma_wait3A_444, %dma_wait3A_445, %dma_wait3A_451] : memref<4x2x100xi32, #tpu.memory_space<vmem>> -> memref<1x1x100xi32, #tpu.memory_space<vmem>>
    %dma_wait3A_453 = tpu.memref_squeeze %dma_wait3A_452 : memref<1x1x100xi32, #tpu.memory_space<vmem>> -> memref<100xi32, #tpu.memory_space<vmem>>
    %dma_wait3A_454 = arith.constant 0 : i32
    %dma_wait3A_455 = arith.constant 0 : i32
    %dma_wait3A_456 = tpu.memref_slice %arg3[%dma_wait3A_454, %dma_wait3A_455] : memref<100000x128xf32, #tpu.memory_space<hbm>> -> memref<100000x128xf32, #tpu.memory_space<hbm>>
    tpu.wait_indirect_dma semaphore(%arg16 : memref<!tpu.dma_semaphore, #tpu.memory_space<semaphore_mem>>) src(%dma_wait3A_456 : memref<100000x128xf32, #tpu.memory_space<hbm>>) dst(%dma_wait3A_450 : memref<100x128xf32, #tpu.memory_space<vmem>>)
    %dma_wait3A_457 = arith.constant 3 : i32
    %dma_wait3A_458 = arith.constant 1 : i32
    %dma_wait3A_459 = arith.constant 3 : i32
    %dma_wait3A_460 = arith.constant 100 : i32
    %dma_wait3A_461 = arith.constant 0 : i32
    %dma_wait3A_462 = tpu.memref_slice %arg8[%dma_wait3A_459, %dma_wait3A_460, %dma_wait3A_461] : memref<4x200x128xf32, #tpu.memory_space<vmem>> -> memref<1x100x128xf32, #tpu.memory_space<vmem>>
    %dma_wait3A_463 = tpu.memref_squeeze %dma_wait3A_462 : memref<1x100x128xf32, #tpu.memory_space<vmem>> -> memref<100x128xf32, #tpu.memory_space<vmem>>
    %dma_wait3A_464 = arith.constant 0 : i32
    %dma_wait3A_465 = tpu.memref_slice %arg7[%dma_wait3A_457, %dma_wait3A_458, %dma_wait3A_464] : memref<4x2x100xi32, #tpu.memory_space<vmem>> -> memref<1x1x100xi32, #tpu.memory_space<vmem>>
    %dma_wait3A_466 = tpu.memref_squeeze %dma_wait3A_465 : memref<1x1x100xi32, #tpu.memory_space<vmem>> -> memref<100xi32, #tpu.memory_space<vmem>>
    %dma_wait3A_467 = arith.constant 0 : i32
    %dma_wait3A_468 = arith.constant 0 : i32
    %dma_wait3A_469 = tpu.memref_slice %arg3[%dma_wait3A_467, %dma_wait3A_468] : memref<100000x128xf32, #tpu.memory_space<hbm>> -> memref<100000x128xf32, #tpu.memory_space<hbm>>
    tpu.wait_indirect_dma semaphore(%arg16 : memref<!tpu.dma_semaphore, #tpu.memory_space<semaphore_mem>>) src(%dma_wait3A_469 : memref<100000x128xf32, #tpu.memory_space<hbm>>) dst(%dma_wait3A_463 : memref<100x128xf32, #tpu.memory_space<vmem>>)
    %parallel_loop3A_470 = arith.constant 0 : i32
    %parallel_loop3A_471 = arith.constant 200 : i32
    %parallel_loop3A_472 = arith.constant 1 : i32
    scf.for %parallel_loop3A_927 = %parallel_loop3A_470 to %parallel_loop3A_471 step %parallel_loop3A_472  : i32 {
      %parallel_loop3A_928 = arith.index_cast %parallel_loop3A_927 : i32 to index
      %parallel_loop3A_929 = arith.constant 0 : index
      %parallel_loop3A_930 = tpu.vector_load %arg6[%parallel_loop3A_928, %parallel_loop3A_929] {strides = array<i32>} : memref<200x128xf32, #tpu.memory_space<vmem>>, vector<1x16xf32>,
      %parallel_loop3A_931 = vector.shape_cast %parallel_loop3A_930 : vector<1x16xf32> to vector<16xf32>
      %parallel_loop3A_932 = arith.constant 3 : i32
      %parallel_loop3A_933 = arith.index_cast %parallel_loop3A_932 : i32 to index
      %parallel_loop3A_934 = arith.index_cast %parallel_loop3A_927 : i32 to index
      %parallel_loop3A_935 = arith.constant 0 : index
      %parallel_loop3A_936 = tpu.vector_load %arg8[%parallel_loop3A_933, %parallel_loop3A_934, %parallel_loop3A_935] {strides = array<i32>} : memref<4x200x128xf32, #tpu.memory_space<vmem>>, vector<1x1x16xf32>,
      %parallel_loop3A_937 = vector.shape_cast %parallel_loop3A_936 : vector<1x1x16xf32> to vector<16xf32>
      %parallel_loop3A_938 = vector.shape_cast %parallel_loop3A_931 : vector<16xf32> to vector<1x1x16xf32>
      tpu.vector_store %arg8[%parallel_loop3A_933, %parallel_loop3A_934, %parallel_loop3A_935], %parallel_loop3A_938 {add = true, strides = array<i32>} : memref<4x200x128xf32, #tpu.memory_space<vmem>>, vector<1x1x16xf32>,
      %parallel_loop3A_939 = arith.index_cast %parallel_loop3A_927 : i32 to index
      %parallel_loop3A_940 = arith.constant 16 : index
      %parallel_loop3A_941 = tpu.vector_load %arg6[%parallel_loop3A_939, %parallel_loop3A_940] {strides = array<i32>} : memref<200x128xf32, #tpu.memory_space<vmem>>, vector<1x16xf32>,
      %parallel_loop3A_942 = vector.shape_cast %parallel_loop3A_941 : vector<1x16xf32> to vector<16xf32>
      %parallel_loop3A_943 = arith.constant 3 : i32
      %parallel_loop3A_944 = arith.index_cast %parallel_loop3A_943 : i32 to index
      %parallel_loop3A_945 = arith.index_cast %parallel_loop3A_927 : i32 to index
      %parallel_loop3A_946 = arith.constant 16 : index
      %parallel_loop3A_947 = tpu.vector_load %arg8[%parallel_loop3A_944, %parallel_loop3A_945, %parallel_loop3A_946] {strides = array<i32>} : memref<4x200x128xf32, #tpu.memory_space<vmem>>, vector<1x1x16xf32>,
      %parallel_loop3A_948 = vector.shape_cast %parallel_loop3A_947 : vector<1x1x16xf32> to vector<16xf32>
      %parallel_loop3A_949 = vector.shape_cast %parallel_loop3A_942 : vector<16xf32> to vector<1x1x16xf32>
      tpu.vector_store %arg8[%parallel_loop3A_944, %parallel_loop3A_945, %parallel_loop3A_946], %parallel_loop3A_949 {add = true, strides = array<i32>} : memref<4x200x128xf32, #tpu.memory_space<vmem>>, vector<1x1x16xf32>,
      %parallel_loop3A_950 = arith.index_cast %parallel_loop3A_927 : i32 to index
      %parallel_loop3A_951 = arith.constant 32 : index
      %parallel_loop3A_952 = tpu.vector_load %arg6[%parallel_loop3A_950, %parallel_loop3A_951] {strides = array<i32>} : memref<200x128xf32, #tpu.memory_space<vmem>>, vector<1x16xf32>,
      %parallel_loop3A_953 = vector.shape_cast %parallel_loop3A_952 : vector<1x16xf32> to vector<16xf32>
      %parallel_loop3A_954 = arith.constant 3 : i32
      %parallel_loop3A_955 = arith.index_cast %parallel_loop3A_954 : i32 to index
      %parallel_loop3A_956 = arith.index_cast %parallel_loop3A_927 : i32 to index
      %parallel_loop3A_957 = arith.constant 32 : index
      %parallel_loop3A_958 = tpu.vector_load %arg8[%parallel_loop3A_955, %parallel_loop3A_956, %parallel_loop3A_957] {strides = array<i32>} : memref<4x200x128xf32, #tpu.memory_space<vmem>>, vector<1x1x16xf32>,
      %parallel_loop3A_959 = vector.shape_cast %parallel_loop3A_958 : vector<1x1x16xf32> to vector<16xf32>
      %parallel_loop3A_960 = vector.shape_cast %parallel_loop3A_953 : vector<16xf32> to vector<1x1x16xf32>
      tpu.vector_store %arg8[%parallel_loop3A_955, %parallel_loop3A_956, %parallel_loop3A_957], %parallel_loop3A_960 {add = true, strides = array<i32>} : memref<4x200x128xf32, #tpu.memory_space<vmem>>, vector<1x1x16xf32>,
      %parallel_loop3A_961 = arith.index_cast %parallel_loop3A_927 : i32 to index
      %parallel_loop3A_962 = arith.constant 48 : index
      %parallel_loop3A_963 = tpu.vector_load %arg6[%parallel_loop3A_961, %parallel_loop3A_962] {strides = array<i32>} : memref<200x128xf32, #tpu.memory_space<vmem>>, vector<1x16xf32>,
      %parallel_loop3A_964 = vector.shape_cast %parallel_loop3A_963 : vector<1x16xf32> to vector<16xf32>
      %parallel_loop3A_965 = arith.constant 3 : i32
      %parallel_loop3A_966 = arith.index_cast %parallel_loop3A_965 : i32 to index
      %parallel_loop3A_967 = arith.index_cast %parallel_loop3A_927 : i32 to index
      %parallel_loop3A_968 = arith.constant 48 : index
      %parallel_loop3A_969 = tpu.vector_load %arg8[%parallel_loop3A_966, %parallel_loop3A_967, %parallel_loop3A_968] {strides = array<i32>} : memref<4x200x128xf32, #tpu.memory_space<vmem>>, vector<1x1x16xf32>,
      %parallel_loop3A_970 = vector.shape_cast %parallel_loop3A_969 : vector<1x1x16xf32> to vector<16xf32>
      %parallel_loop3A_971 = vector.shape_cast %parallel_loop3A_964 : vector<16xf32> to vector<1x1x16xf32>
      tpu.vector_store %arg8[%parallel_loop3A_966, %parallel_loop3A_967, %parallel_loop3A_968], %parallel_loop3A_971 {add = true, strides = array<i32>} : memref<4x200x128xf32, #tpu.memory_space<vmem>>, vector<1x1x16xf32>,
      %parallel_loop3A_972 = arith.index_cast %parallel_loop3A_927 : i32 to index
      %parallel_loop3A_973 = arith.constant 64 : index
      %parallel_loop3A_974 = tpu.vector_load %arg6[%parallel_loop3A_972, %parallel_loop3A_973] {strides = array<i32>} : memref<200x128xf32, #tpu.memory_space<vmem>>, vector<1x16xf32>,
      %parallel_loop3A_975 = vector.shape_cast %parallel_loop3A_974 : vector<1x16xf32> to vector<16xf32>
      %parallel_loop3A_976 = arith.constant 3 : i32
      %parallel_loop3A_977 = arith.index_cast %parallel_loop3A_976 : i32 to index
      %parallel_loop3A_978 = arith.index_cast %parallel_loop3A_927 : i32 to index
      %parallel_loop3A_979 = arith.constant 64 : index
      %parallel_loop3A_980 = tpu.vector_load %arg8[%parallel_loop3A_977, %parallel_loop3A_978, %parallel_loop3A_979] {strides = array<i32>} : memref<4x200x128xf32, #tpu.memory_space<vmem>>, vector<1x1x16xf32>,
      %parallel_loop3A_981 = vector.shape_cast %parallel_loop3A_980 : vector<1x1x16xf32> to vector<16xf32>
      %parallel_loop3A_982 = vector.shape_cast %parallel_loop3A_975 : vector<16xf32> to vector<1x1x16xf32>
      tpu.vector_store %arg8[%parallel_loop3A_977, %parallel_loop3A_978, %parallel_loop3A_979], %parallel_loop3A_982 {add = true, strides = array<i32>} : memref<4x200x128xf32, #tpu.memory_space<vmem>>, vector<1x1x16xf32>,
      %parallel_loop3A_983 = arith.index_cast %parallel_loop3A_927 : i32 to index
      %parallel_loop3A_984 = arith.constant 80 : index
      %parallel_loop3A_985 = tpu.vector_load %arg6[%parallel_loop3A_983, %parallel_loop3A_984] {strides = array<i32>} : memref<200x128xf32, #tpu.memory_space<vmem>>, vector<1x16xf32>,
      %parallel_loop3A_986 = vector.shape_cast %parallel_loop3A_985 : vector<1x16xf32> to vector<16xf32>
      %parallel_loop3A_987 = arith.constant 3 : i32
      %parallel_loop3A_988 = arith.index_cast %parallel_loop3A_987 : i32 to index
      %parallel_loop3A_989 = arith.index_cast %parallel_loop3A_927 : i32 to index
      %parallel_loop3A_990 = arith.constant 80 : index
      %parallel_loop3A_991 = tpu.vector_load %arg8[%parallel_loop3A_988, %parallel_loop3A_989, %parallel_loop3A_990] {strides = array<i32>} : memref<4x200x128xf32, #tpu.memory_space<vmem>>, vector<1x1x16xf32>,
      %parallel_loop3A_992 = vector.shape_cast %parallel_loop3A_991 : vector<1x1x16xf32> to vector<16xf32>
      %parallel_loop3A_993 = vector.shape_cast %parallel_loop3A_986 : vector<16xf32> to vector<1x1x16xf32>
      tpu.vector_store %arg8[%parallel_loop3A_988, %parallel_loop3A_989, %parallel_loop3A_990], %parallel_loop3A_993 {add = true, strides = array<i32>} : memref<4x200x128xf32, #tpu.memory_space<vmem>>, vector<1x1x16xf32>,
      %parallel_loop3A_994 = arith.index_cast %parallel_loop3A_927 : i32 to index
      %parallel_loop3A_995 = arith.constant 96 : index
      %parallel_loop3A_996 = tpu.vector_load %arg6[%parallel_loop3A_994, %parallel_loop3A_995] {strides = array<i32>} : memref<200x128xf32, #tpu.memory_space<vmem>>, vector<1x16xf32>,
      %parallel_loop3A_997 = vector.shape_cast %parallel_loop3A_996 : vector<1x16xf32> to vector<16xf32>
      %parallel_loop3A_998 = arith.constant 3 : i32
      %parallel_loop3A_999 = arith.index_cast %parallel_loop3A_998 : i32 to index
      %parallel_loop3A_1000 = arith.index_cast %parallel_loop3A_927 : i32 to index
      %parallel_loop3A_1001 = arith.constant 96 : index
      %parallel_loop3A_1002 = tpu.vector_load %arg8[%parallel_loop3A_999, %parallel_loop3A_1000, %parallel_loop3A_1001] {strides = array<i32>} : memref<4x200x128xf32, #tpu.memory_space<vmem>>, vector<1x1x16xf32>,
      %parallel_loop3A_1003 = vector.shape_cast %parallel_loop3A_1002 : vector<1x1x16xf32> to vector<16xf32>
      %parallel_loop3A_1004 = vector.shape_cast %parallel_loop3A_997 : vector<16xf32> to vector<1x1x16xf32>
      tpu.vector_store %arg8[%parallel_loop3A_999, %parallel_loop3A_1000, %parallel_loop3A_1001], %parallel_loop3A_1004 {add = true, strides = array<i32>} : memref<4x200x128xf32, #tpu.memory_space<vmem>>, vector<1x1x16xf32>,
      %parallel_loop3A_1005 = arith.index_cast %parallel_loop3A_927 : i32 to index
      %parallel_loop3A_1006 = arith.constant 112 : index
      %parallel_loop3A_1007 = tpu.vector_load %arg6[%parallel_loop3A_1005, %parallel_loop3A_1006] {strides = array<i32>} : memref<200x128xf32, #tpu.memory_space<vmem>>, vector<1x16xf32>,
      %parallel_loop3A_1008 = vector.shape_cast %parallel_loop3A_1007 : vector<1x16xf32> to vector<16xf32>
      %parallel_loop3A_1009 = arith.constant 3 : i32
      %parallel_loop3A_1010 = arith.index_cast %parallel_loop3A_1009 : i32 to index
      %parallel_loop3A_1011 = arith.index_cast %parallel_loop3A_927 : i32 to index
      %parallel_loop3A_1012 = arith.constant 112 : index
      %parallel_loop3A_1013 = tpu.vector_load %arg8[%parallel_loop3A_1010, %parallel_loop3A_1011, %parallel_loop3A_1012] {strides = array<i32>} : memref<4x200x128xf32, #tpu.memory_space<vmem>>, vector<1x1x16xf32>,
      %parallel_loop3A_1014 = vector.shape_cast %parallel_loop3A_1013 : vector<1x1x16xf32> to vector<16xf32>
      %parallel_loop3A_1015 = vector.shape_cast %parallel_loop3A_1008 : vector<16xf32> to vector<1x1x16xf32>
      tpu.vector_store %arg8[%parallel_loop3A_1010, %parallel_loop3A_1011, %parallel_loop3A_1012], %parallel_loop3A_1015 {add = true, strides = array<i32>} : memref<4x200x128xf32, #tpu.memory_space<vmem>>, vector<1x1x16xf32>,
    } {sc.loop_unroll_factor = 4 : i64, sc.parallel_access}
    %add3A_473 = arith.constant 600 : i32
    %add3A_474 = arith.addi %mul3A_2, %add3A_473 : i32
    %dma_start3A_475 = arith.constant 3 : i32
    %dma_start3A_476 = arith.constant 0 : i32
    %dma_start3A_477 = arith.constant 0 : i32
    %dma_start3A_478 = tpu.memref_slice %arg8[%dma_start3A_475, %dma_start3A_476, %dma_start3A_477] : memref<4x200x128xf32, #tpu.memory_space<vmem>> -> memref<1x200x128xf32, #tpu.memory_space<vmem>>
    %dma_start3A_479 = tpu.memref_squeeze %dma_start3A_478 : memref<1x200x128xf32, #tpu.memory_space<vmem>> -> memref<200x128xf32, #tpu.memory_space<vmem>>
    %dma_start3A_480 = arith.constant 0 : i32
    %dma_start3A_481 = tpu.memref_slice %arg5[%add3A_474, %dma_start3A_480] : memref<819200x128xf32, #tpu.memory_space<hbm>> -> memref<200x128xf32, #tpu.memory_space<hbm>>
    %dma_start3A_482 = arith.constant 0 : i32
    %dma_start3A_483 = tpu.memref_slice %arg5[%add3A_474, %dma_start3A_482] : memref<819200x128xf32, #tpu.memory_space<hbm>> -> memref<200x128xf32, #tpu.memory_space<hbm>>
    %dma_start3A_484 = arith.constant 0 : i32
    %dma_start3A_485 = arith.constant 0 : i32
    %dma_start3A_486 = tpu.memref_slice %arg8[%dma_start3A_475, %dma_start3A_484, %dma_start3A_485] : memref<4x200x128xf32, #tpu.memory_space<vmem>> -> memref<1x200x128xf32, #tpu.memory_space<vmem>>
    %dma_start3A_487 = tpu.memref_squeeze %dma_start3A_486 : memref<1x200x128xf32, #tpu.memory_space<vmem>> -> memref<200x128xf32, #tpu.memory_space<vmem>>
    tpu.enqueue_dma source(%dma_start3A_487 : memref<200x128xf32, #tpu.memory_space<vmem>>) target(%dma_start3A_483 : memref<200x128xf32, #tpu.memory_space<hbm>>) target_semaphore(%arg20 : memref<!tpu.dma_semaphore, #tpu.memory_space<semaphore_mem>>)
    %scan3A = arith.constant 0 : i32
    %scan3A_488 = arith.constant 0 : i32
    %scan3A_489 = arith.constant 30 : i32
    %scan3A_490 = arith.addi %scan3A_488, %scan3A_489 : i32
    %scan3A_491 = arith.constant 1 : i32
    scf.for %scan3A_927 = %scan3A_488 to %scan3A_490 step %scan3A_491  : i32 {
      %mul3A_928 = arith.constant 4 : i32
      %mul3A_929 = arith.muli %mul3A_928, %scan3A_927 : i32
      %add3A_930 = arith.constant 4 : i32
      %add3A_931 = arith.addi %mul3A_929, %add3A_930 : i32
      %add3A_932 = arith.constant 0 : i32
      %add3A_933 = arith.addi %add3A_931, %add3A_932 : i32
      %add3A_934 = arith.constant 0 : i32
      %add3A_935 = arith.addi %mul3A_2, %add3A_934 : i32
      %dma_wait3A_936 = arith.constant 1 : i32
      %dma_wait3A_937 = arith.constant 0 : i32
      %dma_wait3A_938 = arith.constant 0 : i32
      %dma_wait3A_939 = tpu.memref_slice %arg8[%dma_wait3A_936, %dma_wait3A_937, %dma_wait3A_938] : memref<4x200x128xf32, #tpu.memory_space<vmem>> -> memref<1x200x128xf32, #tpu.memory_space<vmem>>
      %dma_wait3A_940 = tpu.memref_squeeze %dma_wait3A_939 : memref<1x200x128xf32, #tpu.memory_space<vmem>> -> memref<200x128xf32, #tpu.memory_space<vmem>>
      %dma_wait3A_941 = arith.constant 0 : i32
      %dma_wait3A_942 = tpu.memref_slice %arg5[%add3A_935, %dma_wait3A_941] : memref<819200x128xf32, #tpu.memory_space<hbm>> -> memref<200x128xf32, #tpu.memory_space<hbm>>
      %dma_wait3A_943 = arith.constant 0 : i32
      %dma_wait3A_944 = tpu.memref_slice %arg5[%add3A_935, %dma_wait3A_943] : memref<819200x128xf32, #tpu.memory_space<hbm>> -> memref<200x128xf32, #tpu.memory_space<hbm>>
      %dma_wait3A_945 = arith.constant 0 : i32
      %dma_wait3A_946 = arith.constant 0 : i32
      %dma_wait3A_947 = tpu.memref_slice %arg8[%dma_wait3A_936, %dma_wait3A_945, %dma_wait3A_946] : memref<4x200x128xf32, #tpu.memory_space<vmem>> -> memref<1x200x128xf32, #tpu.memory_space<vmem>>
      %dma_wait3A_948 = tpu.memref_squeeze %dma_wait3A_947 : memref<1x200x128xf32, #tpu.memory_space<vmem>> -> memref<200x128xf32, #tpu.memory_space<vmem>>
      tpu.wait_dma2 semaphore(%arg18 : memref<!tpu.dma_semaphore, #tpu.memory_space<semaphore_mem>>) src(%dma_wait3A_948 : memref<200x128xf32, #tpu.memory_space<vmem>>) dst(%dma_wait3A_944 : memref<200x128xf32, #tpu.memory_space<hbm>>)
      %add3A_949 = arith.constant 0 : i32
      %add3A_950 = arith.addi %mul3A_4, %add3A_949 : i32
      %dma_wait3A_951 = arith.constant 1 : i32
      %dma_wait3A_952 = arith.constant 0 : i32
      %dma_wait3A_953 = arith.constant 0 : i32
      %dma_wait3A_954 = tpu.memref_slice %arg7[%dma_wait3A_951, %dma_wait3A_952, %dma_wait3A_953] : memref<4x2x100xi32, #tpu.memory_space<vmem>> -> memref<1x2x100xi32, #tpu.memory_space<vmem>>
      %dma_wait3A_955 = tpu.memref_squeeze %dma_wait3A_954 : memref<1x2x100xi32, #tpu.memory_space<vmem>> -> memref<2x100xi32, #tpu.memory_space<vmem>>
      %dma_wait3A_956 = arith.constant 0 : i32
      %dma_wait3A_957 = tpu.memref_slice %arg2[%add3A_950, %dma_wait3A_956] : memref<8192x100xi32, #tpu.memory_space<hbm>> -> memref<2x100xi32, #tpu.memory_space<hbm>>
      %dma_wait3A_958 = arith.constant 0 : i32
      %dma_wait3A_959 = arith.constant 0 : i32
      %dma_wait3A_960 = tpu.memref_slice %arg7[%dma_wait3A_951, %dma_wait3A_958, %dma_wait3A_959] : memref<4x2x100xi32, #tpu.memory_space<vmem>> -> memref<1x2x100xi32, #tpu.memory_space<vmem>>
      %dma_wait3A_961 = tpu.memref_squeeze %dma_wait3A_960 : memref<1x2x100xi32, #tpu.memory_space<vmem>> -> memref<2x100xi32, #tpu.memory_space<vmem>>
      %dma_wait3A_962 = arith.constant 0 : i32
      %dma_wait3A_963 = tpu.memref_slice %arg2[%add3A_950, %dma_wait3A_962] : memref<8192x100xi32, #tpu.memory_space<hbm>> -> memref<2x100xi32, #tpu.memory_space<hbm>>
      tpu.wait_dma2 semaphore(%arg10 : memref<!tpu.dma_semaphore, #tpu.memory_space<semaphore_mem>>) src(%dma_wait3A_963 : memref<2x100xi32, #tpu.memory_space<hbm>>) dst(%dma_wait3A_961 : memref<2x100xi32, #tpu.memory_space<vmem>>)
      %dma_start3A_964 = arith.constant 1 : i32
      %dma_start3A_965 = arith.constant 0 : i32
      %dma_start3A_966 = arith.constant 1 : i32
      %dma_start3A_967 = arith.constant 0 : i32
      %dma_start3A_968 = arith.constant 0 : i32
      %dma_start3A_969 = tpu.memref_slice %arg8[%dma_start3A_966, %dma_start3A_967, %dma_start3A_968] : memref<4x200x128xf32, #tpu.memory_space<vmem>> -> memref<1x100x128xf32, #tpu.memory_space<vmem>>
      %dma_start3A_970 = tpu.memref_squeeze %dma_start3A_969 : memref<1x100x128xf32, #tpu.memory_space<vmem>> -> memref<100x128xf32, #tpu.memory_space<vmem>>
      %dma_start3A_971 = arith.constant 0 : i32
      %dma_start3A_972 = tpu.memref_slice %arg7[%dma_start3A_964, %dma_start3A_965, %dma_start3A_971] : memref<4x2x100xi32, #tpu.memory_space<vmem>> -> memref<1x1x100xi32, #tpu.memory_space<vmem>>
      %dma_start3A_973 = tpu.memref_squeeze %dma_start3A_972 : memref<1x1x100xi32, #tpu.memory_space<vmem>> -> memref<100xi32, #tpu.memory_space<vmem>>
      %dma_start3A_974 = arith.constant 0 : i32
      %dma_start3A_975 = arith.constant 0 : i32
      %dma_start3A_976 = tpu.memref_slice %arg3[%dma_start3A_974, %dma_start3A_975] : memref<100000x128xf32, #tpu.memory_space<hbm>> -> memref<100000x128xf32, #tpu.memory_space<hbm>>
      tpu.enqueue_indirect_dma source(%dma_start3A_976 : memref<100000x128xf32, #tpu.memory_space<hbm>>) target(%dma_start3A_970 : memref<100x128xf32, #tpu.memory_space<vmem>>) offsets(%dma_start3A_973 : memref<100xi32, #tpu.memory_space<vmem>>) semaphore(%arg14 : memref<!tpu.dma_semaphore, #tpu.memory_space<semaphore_mem>>)
      %dma_start3A_977 = arith.constant 1 : i32
      %dma_start3A_978 = arith.constant 1 : i32
      %dma_start3A_979 = arith.constant 1 : i32
      %dma_start3A_980 = arith.constant 100 : i32
      %dma_start3A_981 = arith.constant 0 : i32
      %dma_start3A_982 = tpu.memref_slice %arg8[%dma_start3A_979, %dma_start3A_980, %dma_start3A_981] : memref<4x200x128xf32, #tpu.memory_space<vmem>> -> memref<1x100x128xf32, #tpu.memory_space<vmem>>
      %dma_start3A_983 = tpu.memref_squeeze %dma_start3A_982 : memref<1x100x128xf32, #tpu.memory_space<vmem>> -> memref<100x128xf32, #tpu.memory_space<vmem>>
      %dma_start3A_984 = arith.constant 0 : i32
      %dma_start3A_985 = tpu.memref_slice %arg7[%dma_start3A_977, %dma_start3A_978, %dma_start3A_984] : memref<4x2x100xi32, #tpu.memory_space<vmem>> -> memref<1x1x100xi32, #tpu.memory_space<vmem>>
      %dma_start3A_986 = tpu.memref_squeeze %dma_start3A_985 : memref<1x1x100xi32, #tpu.memory_space<vmem>> -> memref<100xi32, #tpu.memory_space<vmem>>
      %dma_start3A_987 = arith.constant 0 : i32
      %dma_start3A_988 = arith.constant 0 : i32
      %dma_start3A_989 = tpu.memref_slice %arg3[%dma_start3A_987, %dma_start3A_988] : memref<100000x128xf32, #tpu.memory_space<hbm>> -> memref<100000x128xf32, #tpu.memory_space<hbm>>
      tpu.enqueue_indirect_dma source(%dma_start3A_989 : memref<100000x128xf32, #tpu.memory_space<hbm>>) target(%dma_start3A_983 : memref<100x128xf32, #tpu.memory_space<vmem>>) offsets(%dma_start3A_986 : memref<100xi32, #tpu.memory_space<vmem>>) semaphore(%arg14 : memref<!tpu.dma_semaphore, #tpu.memory_space<semaphore_mem>>)
      %add3A_990 = arith.constant 2 : i32
      %add3A_991 = arith.addi %add3A_933, %add3A_990 : i32
      %mul3A_992 = arith.constant 2 : i32
      %mul3A_993 = arith.muli %mul3A_992, %add3A_991 : i32
      %add3A_994 = arith.addi %mul3A_4, %mul3A_993 : i32
      %dma_start3A_995 = arith.constant 2 : i32
      %dma_start3A_996 = arith.constant 0 : i32
      %dma_start3A_997 = arith.constant 0 : i32
      %dma_start3A_998 = tpu.memref_slice %arg7[%dma_start3A_995, %dma_start3A_996, %dma_start3A_997] : memref<4x2x100xi32, #tpu.memory_space<vmem>> -> memref<1x2x100xi32, #tpu.memory_space<vmem>>
      %dma_start3A_999 = tpu.memref_squeeze %dma_start3A_998 : memref<1x2x100xi32, #tpu.memory_space<vmem>> -> memref<2x100xi32, #tpu.memory_space<vmem>>
      %dma_start3A_1000 = arith.constant 0 : i32
      %dma_start3A_1001 = tpu.memref_slice %arg2[%add3A_994, %dma_start3A_1000] : memref<8192x100xi32, #tpu.memory_space<hbm>> -> memref<2x100xi32, #tpu.memory_space<hbm>>
      %dma_start3A_1002 = arith.constant 0 : i32
      %dma_start3A_1003 = arith.constant 0 : i32
      %dma_start3A_1004 = tpu.memref_slice %arg7[%dma_start3A_995, %dma_start3A_1002, %dma_start3A_1003] : memref<4x2x100xi32, #tpu.memory_space<vmem>> -> memref<1x2x100xi32, #tpu.memory_space<vmem>>
      %dma_start3A_1005 = tpu.memref_squeeze %dma_start3A_1004 : memref<1x2x100xi32, #tpu.memory_space<vmem>> -> memref<2x100xi32, #tpu.memory_space<vmem>>
      %dma_start3A_1006 = arith.constant 0 : i32
      %dma_start3A_1007 = tpu.memref_slice %arg2[%add3A_994, %dma_start3A_1006] : memref<8192x100xi32, #tpu.memory_space<hbm>> -> memref<2x100xi32, #tpu.memory_space<hbm>>
      tpu.enqueue_dma source(%dma_start3A_1007 : memref<2x100xi32, #tpu.memory_space<hbm>>) target(%dma_start3A_1005 : memref<2x100xi32, #tpu.memory_space<vmem>>) target_semaphore(%arg11 : memref<!tpu.dma_semaphore, #tpu.memory_space<semaphore_mem>>)
      %dma_wait3A_1008 = arith.constant 0 : i32
      %dma_wait3A_1009 = arith.constant 0 : i32
      %dma_wait3A_1010 = arith.constant 0 : i32
      %dma_wait3A_1011 = arith.constant 0 : i32
      %dma_wait3A_1012 = arith.constant 0 : i32
      %dma_wait3A_1013 = tpu.memref_slice %arg8[%dma_wait3A_1010, %dma_wait3A_1011, %dma_wait3A_1012] : memref<4x200x128xf32, #tpu.memory_space<vmem>> -> memref<1x100x128xf32, #tpu.memory_space<vmem>>
      %dma_wait3A_1014 = tpu.memref_squeeze %dma_wait3A_1013 : memref<1x100x128xf32, #tpu.memory_space<vmem>> -> memref<100x128xf32, #tpu.memory_space<vmem>>
      %dma_wait3A_1015 = arith.constant 0 : i32
      %dma_wait3A_1016 = tpu.memref_slice %arg7[%dma_wait3A_1008, %dma_wait3A_1009, %dma_wait3A_1015] : memref<4x2x100xi32, #tpu.memory_space<vmem>> -> memref<1x1x100xi32, #tpu.memory_space<vmem>>
      %dma_wait3A_1017 = tpu.memref_squeeze %dma_wait3A_1016 : memref<1x1x100xi32, #tpu.memory_space<vmem>> -> memref<100xi32, #tpu.memory_space<vmem>>
      %dma_wait3A_1018 = arith.constant 0 : i32
      %dma_wait3A_1019 = arith.constant 0 : i32
      %dma_wait3A_1020 = tpu.memref_slice %arg3[%dma_wait3A_1018, %dma_wait3A_1019] : memref<100000x128xf32, #tpu.memory_space<hbm>> -> memref<100000x128xf32, #tpu.memory_space<hbm>>
      tpu.wait_indirect_dma semaphore(%arg13 : memref<!tpu.dma_semaphore, #tpu.memory_space<semaphore_mem>>) src(%dma_wait3A_1020 : memref<100000x128xf32, #tpu.memory_space<hbm>>) dst(%dma_wait3A_1014 : memref<100x128xf32, #tpu.memory_space<vmem>>)
      %dma_wait3A_1021 = arith.constant 0 : i32
      %dma_wait3A_1022 = arith.constant 1 : i32
      %dma_wait3A_1023 = arith.constant 0 : i32
      %dma_wait3A_1024 = arith.constant 100 : i32
      %dma_wait3A_1025 = arith.constant 0 : i32
      %dma_wait3A_1026 = tpu.memref_slice %arg8[%dma_wait3A_1023, %dma_wait3A_1024, %dma_wait3A_1025] : memref<4x200x128xf32, #tpu.memory_space<vmem>> -> memref<1x100x128xf32, #tpu.memory_space<vmem>>
      %dma_wait3A_1027 = tpu.memref_squeeze %dma_wait3A_1026 : memref<1x100x128xf32, #tpu.memory_space<vmem>> -> memref<100x128xf32, #tpu.memory_space<vmem>>
      %dma_wait3A_1028 = arith.constant 0 : i32
      %dma_wait3A_1029 = tpu.memref_slice %arg7[%dma_wait3A_1021, %dma_wait3A_1022, %dma_wait3A_1028] : memref<4x2x100xi32, #tpu.memory_space<vmem>> -> memref<1x1x100xi32, #tpu.memory_space<vmem>>
      %dma_wait3A_1030 = tpu.memref_squeeze %dma_wait3A_1029 : memref<1x1x100xi32, #tpu.memory_space<vmem>> -> memref<100xi32, #tpu.memory_space<vmem>>
      %dma_wait3A_1031 = arith.constant 0 : i32
      %dma_wait3A_1032 = arith.constant 0 : i32
      %dma_wait3A_1033 = tpu.memref_slice %arg3[%dma_wait3A_1031, %dma_wait3A_1032] : memref<100000x128xf32, #tpu.memory_space<hbm>> -> memref<100000x128xf32, #tpu.memory_space<hbm>>
      tpu.wait_indirect_dma semaphore(%arg13 : memref<!tpu.dma_semaphore, #tpu.memory_space<semaphore_mem>>) src(%dma_wait3A_1033 : memref<100000x128xf32, #tpu.memory_space<hbm>>) dst(%dma_wait3A_1027 : memref<100x128xf32, #tpu.memory_space<vmem>>)
      %parallel_loop3A_1034 = arith.constant 0 : i32
      %parallel_loop3A_1035 = arith.constant 200 : i32
      %parallel_loop3A_1036 = arith.constant 1 : i32
      scf.for %parallel_loop3A_1416 = %parallel_loop3A_1034 to %parallel_loop3A_1035 step %parallel_loop3A_1036  : i32 {
        %parallel_loop3A_1417 = arith.index_cast %parallel_loop3A_1416 : i32 to index
        %parallel_loop3A_1418 = arith.constant 0 : index
        %parallel_loop3A_1419 = tpu.vector_load %arg6[%parallel_loop3A_1417, %parallel_loop3A_1418] {strides = array<i32>} : memref<200x128xf32, #tpu.memory_space<vmem>>, vector<1x16xf32>,
        %parallel_loop3A_1420 = vector.shape_cast %parallel_loop3A_1419 : vector<1x16xf32> to vector<16xf32>
        %parallel_loop3A_1421 = arith.constant 0 : i32
        %parallel_loop3A_1422 = arith.index_cast %parallel_loop3A_1421 : i32 to index
        %parallel_loop3A_1423 = arith.index_cast %parallel_loop3A_1416 : i32 to index
        %parallel_loop3A_1424 = arith.constant 0 : index
        %parallel_loop3A_1425 = tpu.vector_load %arg8[%parallel_loop3A_1422, %parallel_loop3A_1423, %parallel_loop3A_1424] {strides = array<i32>} : memref<4x200x128xf32, #tpu.memory_space<vmem>>, vector<1x1x16xf32>,
        %parallel_loop3A_1426 = vector.shape_cast %parallel_loop3A_1425 : vector<1x1x16xf32> to vector<16xf32>
        %parallel_loop3A_1427 = vector.shape_cast %parallel_loop3A_1420 : vector<16xf32> to vector<1x1x16xf32>
        tpu.vector_store %arg8[%parallel_loop3A_1422, %parallel_loop3A_1423, %parallel_loop3A_1424], %parallel_loop3A_1427 {add = true, strides = array<i32>} : memref<4x200x128xf32, #tpu.memory_space<vmem>>, vector<1x1x16xf32>,
        %parallel_loop3A_1428 = arith.index_cast %parallel_loop3A_1416 : i32 to index
        %parallel_loop3A_1429 = arith.constant 16 : index
        %parallel_loop3A_1430 = tpu.vector_load %arg6[%parallel_loop3A_1428, %parallel_loop3A_1429] {strides = array<i32>} : memref<200x128xf32, #tpu.memory_space<vmem>>, vector<1x16xf32>,
        %parallel_loop3A_1431 = vector.shape_cast %parallel_loop3A_1430 : vector<1x16xf32> to vector<16xf32>
        %parallel_loop3A_1432 = arith.constant 0 : i32
        %parallel_loop3A_1433 = arith.index_cast %parallel_loop3A_1432 : i32 to index
        %parallel_loop3A_1434 = arith.index_cast %parallel_loop3A_1416 : i32 to index
        %parallel_loop3A_1435 = arith.constant 16 : index
        %parallel_loop3A_1436 = tpu.vector_load %arg8[%parallel_loop3A_1433, %parallel_loop3A_1434, %parallel_loop3A_1435] {strides = array<i32>} : memref<4x200x128xf32, #tpu.memory_space<vmem>>, vector<1x1x16xf32>,
        %parallel_loop3A_1437 = vector.shape_cast %parallel_loop3A_1436 : vector<1x1x16xf32> to vector<16xf32>
        %parallel_loop3A_1438 = vector.shape_cast %parallel_loop3A_1431 : vector<16xf32> to vector<1x1x16xf32>
        tpu.vector_store %arg8[%parallel_loop3A_1433, %parallel_loop3A_1434, %parallel_loop3A_1435], %parallel_loop3A_1438 {add = true, strides = array<i32>} : memref<4x200x128xf32, #tpu.memory_space<vmem>>, vector<1x1x16xf32>,
        %parallel_loop3A_1439 = arith.index_cast %parallel_loop3A_1416 : i32 to index
        %parallel_loop3A_1440 = arith.constant 32 : index
        %parallel_loop3A_1441 = tpu.vector_load %arg6[%parallel_loop3A_1439, %parallel_loop3A_1440] {strides = array<i32>} : memref<200x128xf32, #tpu.memory_space<vmem>>, vector<1x16xf32>,
        %parallel_loop3A_1442 = vector.shape_cast %parallel_loop3A_1441 : vector<1x16xf32> to vector<16xf32>
        %parallel_loop3A_1443 = arith.constant 0 : i32
        %parallel_loop3A_1444 = arith.index_cast %parallel_loop3A_1443 : i32 to index
        %parallel_loop3A_1445 = arith.index_cast %parallel_loop3A_1416 : i32 to index
        %parallel_loop3A_1446 = arith.constant 32 : index
        %parallel_loop3A_1447 = tpu.vector_load %arg8[%parallel_loop3A_1444, %parallel_loop3A_1445, %parallel_loop3A_1446] {strides = array<i32>} : memref<4x200x128xf32, #tpu.memory_space<vmem>>, vector<1x1x16xf32>,
        %parallel_loop3A_1448 = vector.shape_cast %parallel_loop3A_1447 : vector<1x1x16xf32> to vector<16xf32>
        %parallel_loop3A_1449 = vector.shape_cast %parallel_loop3A_1442 : vector<16xf32> to vector<1x1x16xf32>
        tpu.vector_store %arg8[%parallel_loop3A_1444, %parallel_loop3A_1445, %parallel_loop3A_1446], %parallel_loop3A_1449 {add = true, strides = array<i32>} : memref<4x200x128xf32, #tpu.memory_space<vmem>>, vector<1x1x16xf32>,
        %parallel_loop3A_1450 = arith.index_cast %parallel_loop3A_1416 : i32 to index
        %parallel_loop3A_1451 = arith.constant 48 : index
        %parallel_loop3A_1452 = tpu.vector_load %arg6[%parallel_loop3A_1450, %parallel_loop3A_1451] {strides = array<i32>} : memref<200x128xf32, #tpu.memory_space<vmem>>, vector<1x16xf32>,
        %parallel_loop3A_1453 = vector.shape_cast %parallel_loop3A_1452 : vector<1x16xf32> to vector<16xf32>
        %parallel_loop3A_1454 = arith.constant 0 : i32
        %parallel_loop3A_1455 = arith.index_cast %parallel_loop3A_1454 : i32 to index
        %parallel_loop3A_1456 = arith.index_cast %parallel_loop3A_1416 : i32 to index
        %parallel_loop3A_1457 = arith.constant 48 : index
        %parallel_loop3A_1458 = tpu.vector_load %arg8[%parallel_loop3A_1455, %parallel_loop3A_1456, %parallel_loop3A_1457] {strides = array<i32>} : memref<4x200x128xf32, #tpu.memory_space<vmem>>, vector<1x1x16xf32>,
        %parallel_loop3A_1459 = vector.shape_cast %parallel_loop3A_1458 : vector<1x1x16xf32> to vector<16xf32>
        %parallel_loop3A_1460 = vector.shape_cast %parallel_loop3A_1453 : vector<16xf32> to vector<1x1x16xf32>
        tpu.vector_store %arg8[%parallel_loop3A_1455, %parallel_loop3A_1456, %parallel_loop3A_1457], %parallel_loop3A_1460 {add = true, strides = array<i32>} : memref<4x200x128xf32, #tpu.memory_space<vmem>>, vector<1x1x16xf32>,
        %parallel_loop3A_1461 = arith.index_cast %parallel_loop3A_1416 : i32 to index
        %parallel_loop3A_1462 = arith.constant 64 : index
        %parallel_loop3A_1463 = tpu.vector_load %arg6[%parallel_loop3A_1461, %parallel_loop3A_1462] {strides = array<i32>} : memref<200x128xf32, #tpu.memory_space<vmem>>, vector<1x16xf32>,
        %parallel_loop3A_1464 = vector.shape_cast %parallel_loop3A_1463 : vector<1x16xf32> to vector<16xf32>
        %parallel_loop3A_1465 = arith.constant 0 : i32
        %parallel_loop3A_1466 = arith.index_cast %parallel_loop3A_1465 : i32 to index
        %parallel_loop3A_1467 = arith.index_cast %parallel_loop3A_1416 : i32 to index
        %parallel_loop3A_1468 = arith.constant 64 : index
        %parallel_loop3A_1469 = tpu.vector_load %arg8[%parallel_loop3A_1466, %parallel_loop3A_1467, %parallel_loop3A_1468] {strides = array<i32>} : memref<4x200x128xf32, #tpu.memory_space<vmem>>, vector<1x1x16xf32>,
        %parallel_loop3A_1470 = vector.shape_cast %parallel_loop3A_1469 : vector<1x1x16xf32> to vector<16xf32>
        %parallel_loop3A_1471 = vector.shape_cast %parallel_loop3A_1464 : vector<16xf32> to vector<1x1x16xf32>
        tpu.vector_store %arg8[%parallel_loop3A_1466, %parallel_loop3A_1467, %parallel_loop3A_1468], %parallel_loop3A_1471 {add = true, strides = array<i32>} : memref<4x200x128xf32, #tpu.memory_space<vmem>>, vector<1x1x16xf32>,
        %parallel_loop3A_1472 = arith.index_cast %parallel_loop3A_1416 : i32 to index
        %parallel_loop3A_1473 = arith.constant 80 : index
        %parallel_loop3A_1474 = tpu.vector_load %arg6[%parallel_loop3A_1472, %parallel_loop3A_1473] {strides = array<i32>} : memref<200x128xf32, #tpu.memory_space<vmem>>, vector<1x16xf32>,
        %parallel_loop3A_1475 = vector.shape_cast %parallel_loop3A_1474 : vector<1x16xf32> to vector<16xf32>
        %parallel_loop3A_1476 = arith.constant 0 : i32
        %parallel_loop3A_1477 = arith.index_cast %parallel_loop3A_1476 : i32 to index
        %parallel_loop3A_1478 = arith.index_cast %parallel_loop3A_1416 : i32 to index
        %parallel_loop3A_1479 = arith.constant 80 : index
        %parallel_loop3A_1480 = tpu.vector_load %arg8[%parallel_loop3A_1477, %parallel_loop3A_1478, %parallel_loop3A_1479] {strides = array<i32>} : memref<4x200x128xf32, #tpu.memory_space<vmem>>, vector<1x1x16xf32>,
        %parallel_loop3A_1481 = vector.shape_cast %parallel_loop3A_1480 : vector<1x1x16xf32> to vector<16xf32>
        %parallel_loop3A_1482 = vector.shape_cast %parallel_loop3A_1475 : vector<16xf32> to vector<1x1x16xf32>
        tpu.vector_store %arg8[%parallel_loop3A_1477, %parallel_loop3A_1478, %parallel_loop3A_1479], %parallel_loop3A_1482 {add = true, strides = array<i32>} : memref<4x200x128xf32, #tpu.memory_space<vmem>>, vector<1x1x16xf32>,
        %parallel_loop3A_1483 = arith.index_cast %parallel_loop3A_1416 : i32 to index
        %parallel_loop3A_1484 = arith.constant 96 : index
        %parallel_loop3A_1485 = tpu.vector_load %arg6[%parallel_loop3A_1483, %parallel_loop3A_1484] {strides = array<i32>} : memref<200x128xf32, #tpu.memory_space<vmem>>, vector<1x16xf32>,
        %parallel_loop3A_1486 = vector.shape_cast %parallel_loop3A_1485 : vector<1x16xf32> to vector<16xf32>
        %parallel_loop3A_1487 = arith.constant 0 : i32
        %parallel_loop3A_1488 = arith.index_cast %parallel_loop3A_1487 : i32 to index
        %parallel_loop3A_1489 = arith.index_cast %parallel_loop3A_1416 : i32 to index
        %parallel_loop3A_1490 = arith.constant 96 : index
        %parallel_loop3A_1491 = tpu.vector_load %arg8[%parallel_loop3A_1488, %parallel_loop3A_1489, %parallel_loop3A_1490] {strides = array<i32>} : memref<4x200x128xf32, #tpu.memory_space<vmem>>, vector<1x1x16xf32>,
        %parallel_loop3A_1492 = vector.shape_cast %parallel_loop3A_1491 : vector<1x1x16xf32> to vector<16xf32>
        %parallel_loop3A_1493 = vector.shape_cast %parallel_loop3A_1486 : vector<16xf32> to vector<1x1x16xf32>
        tpu.vector_store %arg8[%parallel_loop3A_1488, %parallel_loop3A_1489, %parallel_loop3A_1490], %parallel_loop3A_1493 {add = true, strides = array<i32>} : memref<4x200x128xf32, #tpu.memory_space<vmem>>, vector<1x1x16xf32>,
        %parallel_loop3A_1494 = arith.index_cast %parallel_loop3A_1416 : i32 to index
        %parallel_loop3A_1495 = arith.constant 112 : index
        %parallel_loop3A_1496 = tpu.vector_load %arg6[%parallel_loop3A_1494, %parallel_loop3A_1495] {strides = array<i32>} : memref<200x128xf32, #tpu.memory_space<vmem>>, vector<1x16xf32>,
        %parallel_loop3A_1497 = vector.shape_cast %parallel_loop3A_1496 : vector<1x16xf32> to vector<16xf32>
        %parallel_loop3A_1498 = arith.constant 0 : i32
        %parallel_loop3A_1499 = arith.index_cast %parallel_loop3A_1498 : i32 to index
        %parallel_loop3A_1500 = arith.index_cast %parallel_loop3A_1416 : i32 to index
        %parallel_loop3A_1501 = arith.constant 112 : index
        %parallel_loop3A_1502 = tpu.vector_load %arg8[%parallel_loop3A_1499, %parallel_loop3A_1500, %parallel_loop3A_1501] {strides = array<i32>} : memref<4x200x128xf32, #tpu.memory_space<vmem>>, vector<1x1x16xf32>,
        %parallel_loop3A_1503 = vector.shape_cast %parallel_loop3A_1502 : vector<1x1x16xf32> to vector<16xf32>
        %parallel_loop3A_1504 = vector.shape_cast %parallel_loop3A_1497 : vector<16xf32> to vector<1x1x16xf32>
        tpu.vector_store %arg8[%parallel_loop3A_1499, %parallel_loop3A_1500, %parallel_loop3A_1501], %parallel_loop3A_1504 {add = true, strides = array<i32>} : memref<4x200x128xf32, #tpu.memory_space<vmem>>, vector<1x1x16xf32>,
      } {sc.loop_unroll_factor = 4 : i64, sc.parallel_access}
      %mul3A_1037 = arith.constant 200 : i32
      %mul3A_1038 = arith.muli %add3A_933, %mul3A_1037 : i32
      %add3A_1039 = arith.addi %mul3A_2, %mul3A_1038 : i32
      %dma_start3A_1040 = arith.constant 0 : i32
      %dma_start3A_1041 = arith.constant 0 : i32
      %dma_start3A_1042 = arith.constant 0 : i32
      %dma_start3A_1043 = tpu.memref_slice %arg8[%dma_start3A_1040, %dma_start3A_1041, %dma_start3A_1042] : memref<4x200x128xf32, #tpu.memory_space<vmem>> -> memref<1x200x128xf32, #tpu.memory_space<vmem>>
      %dma_start3A_1044 = tpu.memref_squeeze %dma_start3A_1043 : memref<1x200x128xf32, #tpu.memory_space<vmem>> -> memref<200x128xf32, #tpu.memory_space<vmem>>
      %dma_start3A_1045 = arith.constant 0 : i32
      %dma_start3A_1046 = tpu.memref_slice %arg5[%add3A_1039, %dma_start3A_1045] : memref<819200x128xf32, #tpu.memory_space<hbm>> -> memref<200x128xf32, #tpu.memory_space<hbm>>
      %dma_start3A_1047 = arith.constant 0 : i32
      %dma_start3A_1048 = tpu.memref_slice %arg5[%add3A_1039, %dma_start3A_1047] : memref<819200x128xf32, #tpu.memory_space<hbm>> -> memref<200x128xf32, #tpu.memory_space<hbm>>
      %dma_start3A_1049 = arith.constant 0 : i32
      %dma_start3A_1050 = arith.constant 0 : i32
      %dma_start3A_1051 = tpu.memref_slice %arg8[%dma_start3A_1040, %dma_start3A_1049, %dma_start3A_1050] : memref<4x200x128xf32, #tpu.memory_space<vmem>> -> memref<1x200x128xf32, #tpu.memory_space<vmem>>
      %dma_start3A_1052 = tpu.memref_squeeze %dma_start3A_1051 : memref<1x200x128xf32, #tpu.memory_space<vmem>> -> memref<200x128xf32, #tpu.memory_space<vmem>>
      tpu.enqueue_dma source(%dma_start3A_1052 : memref<200x128xf32, #tpu.memory_space<vmem>>) target(%dma_start3A_1048 : memref<200x128xf32, #tpu.memory_space<hbm>>) target_semaphore(%arg17 : memref<!tpu.dma_semaphore, #tpu.memory_space<semaphore_mem>>)
      %add3A_1053 = arith.constant 1 : i32
      %add3A_1054 = arith.addi %add3A_931, %add3A_1053 : i32
      %add3A_1055 = arith.constant 0 : i32
      %add3A_1056 = arith.addi %mul3A_2, %add3A_1055 : i32
      %dma_wait3A_1057 = arith.constant 2 : i32
      %dma_wait3A_1058 = arith.constant 0 : i32
      %dma_wait3A_1059 = arith.constant 0 : i32
      %dma_wait3A_1060 = tpu.memref_slice %arg8[%dma_wait3A_1057, %dma_wait3A_1058, %dma_wait3A_1059] : memref<4x200x128xf32, #tpu.memory_space<vmem>> -> memref<1x200x128xf32, #tpu.memory_space<vmem>>
      %dma_wait3A_1061 = tpu.memref_squeeze %dma_wait3A_1060 : memref<1x200x128xf32, #tpu.memory_space<vmem>> -> memref<200x128xf32, #tpu.memory_space<vmem>>
      %dma_wait3A_1062 = arith.constant 0 : i32
      %dma_wait3A_1063 = tpu.memref_slice %arg5[%add3A_1056, %dma_wait3A_1062] : memref<819200x128xf32, #tpu.memory_space<hbm>> -> memref<200x128xf32, #tpu.memory_space<hbm>>
      %dma_wait3A_1064 = arith.constant 0 : i32
      %dma_wait3A_1065 = tpu.memref_slice %arg5[%add3A_1056, %dma_wait3A_1064] : memref<819200x128xf32, #tpu.memory_space<hbm>> -> memref<200x128xf32, #tpu.memory_space<hbm>>
      %dma_wait3A_1066 = arith.constant 0 : i32
      %dma_wait3A_1067 = arith.constant 0 : i32
      %dma_wait3A_1068 = tpu.memref_slice %arg8[%dma_wait3A_1057, %dma_wait3A_1066, %dma_wait3A_1067] : memref<4x200x128xf32, #tpu.memory_space<vmem>> -> memref<1x200x128xf32, #tpu.memory_space<vmem>>
      %dma_wait3A_1069 = tpu.memref_squeeze %dma_wait3A_1068 : memref<1x200x128xf32, #tpu.memory_space<vmem>> -> memref<200x128xf32, #tpu.memory_space<vmem>>
      tpu.wait_dma2 semaphore(%arg19 : memref<!tpu.dma_semaphore, #tpu.memory_space<semaphore_mem>>) src(%dma_wait3A_1069 : memref<200x128xf32, #tpu.memory_space<vmem>>) dst(%dma_wait3A_1065 : memref<200x128xf32, #tpu.memory_space<hbm>>)
      %add3A_1070 = arith.constant 0 : i32
      %add3A_1071 = arith.addi %mul3A_4, %add3A_1070 : i32
      %dma_wait3A_1072 = arith.constant 2 : i32
      %dma_wait3A_1073 = arith.constant 0 : i32
      %dma_wait3A_1074 = arith.constant 0 : i32
      %dma_wait3A_1075 = tpu.memref_slice %arg7[%dma_wait3A_1072, %dma_wait3A_1073, %dma_wait3A_1074] : memref<4x2x100xi32, #tpu.memory_space<vmem>> -> memref<1x2x100xi32, #tpu.memory_space<vmem>>
      %dma_wait3A_1076 = tpu.memref_squeeze %dma_wait3A_1075 : memref<1x2x100xi32, #tpu.memory_space<vmem>> -> memref<2x100xi32, #tpu.memory_space<vmem>>
      %dma_wait3A_1077 = arith.constant 0 : i32
      %dma_wait3A_1078 = tpu.memref_slice %arg2[%add3A_1071, %dma_wait3A_1077] : memref<8192x100xi32, #tpu.memory_space<hbm>> -> memref<2x100xi32, #tpu.memory_space<hbm>>
      %dma_wait3A_1079 = arith.constant 0 : i32
      %dma_wait3A_1080 = arith.constant 0 : i32
      %dma_wait3A_1081 = tpu.memref_slice %arg7[%dma_wait3A_1072, %dma_wait3A_1079, %dma_wait3A_1080] : memref<4x2x100xi32, #tpu.memory_space<vmem>> -> memref<1x2x100xi32, #tpu.memory_space<vmem>>
      %dma_wait3A_1082 = tpu.memref_squeeze %dma_wait3A_1081 : memref<1x2x100xi32, #tpu.memory_space<vmem>> -> memref<2x100xi32, #tpu.memory_space<vmem>>
      %dma_wait3A_1083 = arith.constant 0 : i32
      %dma_wait3A_1084 = tpu.memref_slice %arg2[%add3A_1071, %dma_wait3A_1083] : memref<8192x100xi32, #tpu.memory_space<hbm>> -> memref<2x100xi32, #tpu.memory_space<hbm>>
      tpu.wait_dma2 semaphore(%arg11 : memref<!tpu.dma_semaphore, #tpu.memory_space<semaphore_mem>>) src(%dma_wait3A_1084 : memref<2x100xi32, #tpu.memory_space<hbm>>) dst(%dma_wait3A_1082 : memref<2x100xi32, #tpu.memory_space<vmem>>)
      %dma_start3A_1085 = arith.constant 2 : i32
      %dma_start3A_1086 = arith.constant 0 : i32
      %dma_start3A_1087 = arith.constant 2 : i32
      %dma_start3A_1088 = arith.constant 0 : i32
      %dma_start3A_1089 = arith.constant 0 : i32
      %dma_start3A_1090 = tpu.memref_slice %arg8[%dma_start3A_1087, %dma_start3A_1088, %dma_start3A_1089] : memref<4x200x128xf32, #tpu.memory_space<vmem>> -> memref<1x100x128xf32, #tpu.memory_space<vmem>>
      %dma_start3A_1091 = tpu.memref_squeeze %dma_start3A_1090 : memref<1x100x128xf32, #tpu.memory_space<vmem>> -> memref<100x128xf32, #tpu.memory_space<vmem>>
      %dma_start3A_1092 = arith.constant 0 : i32
      %dma_start3A_1093 = tpu.memref_slice %arg7[%dma_start3A_1085, %dma_start3A_1086, %dma_start3A_1092] : memref<4x2x100xi32, #tpu.memory_space<vmem>> -> memref<1x1x100xi32, #tpu.memory_space<vmem>>
      %dma_start3A_1094 = tpu.memref_squeeze %dma_start3A_1093 : memref<1x1x100xi32, #tpu.memory_space<vmem>> -> memref<100xi32, #tpu.memory_space<vmem>>
      %dma_start3A_1095 = arith.constant 0 : i32
      %dma_start3A_1096 = arith.constant 0 : i32
      %dma_start3A_1097 = tpu.memref_slice %arg3[%dma_start3A_1095, %dma_start3A_1096] : memref<100000x128xf32, #tpu.memory_space<hbm>> -> memref<100000x128xf32, #tpu.memory_space<hbm>>
      tpu.enqueue_indirect_dma source(%dma_start3A_1097 : memref<100000x128xf32, #tpu.memory_space<hbm>>) target(%dma_start3A_1091 : memref<100x128xf32, #tpu.memory_space<vmem>>) offsets(%dma_start3A_1094 : memref<100xi32, #tpu.memory_space<vmem>>) semaphore(%arg15 : memref<!tpu.dma_semaphore, #tpu.memory_space<semaphore_mem>>)
      %dma_start3A_1098 = arith.constant 2 : i32
      %dma_start3A_1099 = arith.constant 1 : i32
      %dma_start3A_1100 = arith.constant 2 : i32
      %dma_start3A_1101 = arith.constant 100 : i32
      %dma_start3A_1102 = arith.constant 0 : i32
      %dma_start3A_1103 = tpu.memref_slice %arg8[%dma_start3A_1100, %dma_start3A_1101, %dma_start3A_1102] : memref<4x200x128xf32, #tpu.memory_space<vmem>> -> memref<1x100x128xf32, #tpu.memory_space<vmem>>
      %dma_start3A_1104 = tpu.memref_squeeze %dma_start3A_1103 : memref<1x100x128xf32, #tpu.memory_space<vmem>> -> memref<100x128xf32, #tpu.memory_space<vmem>>
      %dma_start3A_1105 = arith.constant 0 : i32
      %dma_start3A_1106 = tpu.memref_slice %arg7[%dma_start3A_1098, %dma_start3A_1099, %dma_start3A_1105] : memref<4x2x100xi32, #tpu.memory_space<vmem>> -> memref<1x1x100xi32, #tpu.memory_space<vmem>>
      %dma_start3A_1107 = tpu.memref_squeeze %dma_start3A_1106 : memref<1x1x100xi32, #tpu.memory_space<vmem>> -> memref<100xi32, #tpu.memory_space<vmem>>
      %dma_start3A_1108 = arith.constant 0 : i32
      %dma_start3A_1109 = arith.constant 0 : i32
      %dma_start3A_1110 = tpu.memref_slice %arg3[%dma_start3A_1108, %dma_start3A_1109] : memref<100000x128xf32, #tpu.memory_space<hbm>> -> memref<100000x128xf32, #tpu.memory_space<hbm>>
      tpu.enqueue_indirect_dma source(%dma_start3A_1110 : memref<100000x128xf32, #tpu.memory_space<hbm>>) target(%dma_start3A_1104 : memref<100x128xf32, #tpu.memory_space<vmem>>) offsets(%dma_start3A_1107 : memref<100xi32, #tpu.memory_space<vmem>>) semaphore(%arg15 : memref<!tpu.dma_semaphore, #tpu.memory_space<semaphore_mem>>)
      %add3A_1111 = arith.constant 2 : i32
      %add3A_1112 = arith.addi %add3A_1054, %add3A_1111 : i32
      %mul3A_1113 = arith.constant 2 : i32
      %mul3A_1114 = arith.muli %mul3A_1113, %add3A_1112 : i32
      %add3A_1115 = arith.addi %mul3A_4, %mul3A_1114 : i32
      %dma_start3A_1116 = arith.constant 3 : i32
      %dma_start3A_1117 = arith.constant 0 : i32
      %dma_start3A_1118 = arith.constant 0 : i32
      %dma_start3A_1119 = tpu.memref_slice %arg7[%dma_start3A_1116, %dma_start3A_1117, %dma_start3A_1118] : memref<4x2x100xi32, #tpu.memory_space<vmem>> -> memref<1x2x100xi32, #tpu.memory_space<vmem>>
      %dma_start3A_1120 = tpu.memref_squeeze %dma_start3A_1119 : memref<1x2x100xi32, #tpu.memory_space<vmem>> -> memref<2x100xi32, #tpu.memory_space<vmem>>
      %dma_start3A_1121 = arith.constant 0 : i32
      %dma_start3A_1122 = tpu.memref_slice %arg2[%add3A_1115, %dma_start3A_1121] : memref<8192x100xi32, #tpu.memory_space<hbm>> -> memref<2x100xi32, #tpu.memory_space<hbm>>
      %dma_start3A_1123 = arith.constant 0 : i32
      %dma_start3A_1124 = arith.constant 0 : i32
      %dma_start3A_1125 = tpu.memref_slice %arg7[%dma_start3A_1116, %dma_start3A_1123, %dma_start3A_1124] : memref<4x2x100xi32, #tpu.memory_space<vmem>> -> memref<1x2x100xi32, #tpu.memory_space<vmem>>
      %dma_start3A_1126 = tpu.memref_squeeze %dma_start3A_1125 : memref<1x2x100xi32, #tpu.memory_space<vmem>> -> memref<2x100xi32, #tpu.memory_space<vmem>>
      %dma_start3A_1127 = arith.constant 0 : i32
      %dma_start3A_1128 = tpu.memref_slice %arg2[%add3A_1115, %dma_start3A_1127] : memref<8192x100xi32, #tpu.memory_space<hbm>> -> memref<2x100xi32, #tpu.memory_space<hbm>>
      tpu.enqueue_dma source(%dma_start3A_1128 : memref<2x100xi32, #tpu.memory_space<hbm>>) target(%dma_start3A_1126 : memref<2x100xi32, #tpu.memory_space<vmem>>) target_semaphore(%arg12 : memref<!tpu.dma_semaphore, #tpu.memory_space<semaphore_mem>>)
      %dma_wait3A_1129 = arith.constant 1 : i32
      %dma_wait3A_1130 = arith.constant 0 : i32
      %dma_wait3A_1131 = arith.constant 1 : i32
      %dma_wait3A_1132 = arith.constant 0 : i32
      %dma_wait3A_1133 = arith.constant 0 : i32
      %dma_wait3A_1134 = tpu.memref_slice %arg8[%dma_wait3A_1131, %dma_wait3A_1132, %dma_wait3A_1133] : memref<4x200x128xf32, #tpu.memory_space<vmem>> -> memref<1x100x128xf32, #tpu.memory_space<vmem>>
      %dma_wait3A_1135 = tpu.memref_squeeze %dma_wait3A_1134 : memref<1x100x128xf32, #tpu.memory_space<vmem>> -> memref<100x128xf32, #tpu.memory_space<vmem>>
      %dma_wait3A_1136 = arith.constant 0 : i32
      %dma_wait3A_1137 = tpu.memref_slice %arg7[%dma_wait3A_1129, %dma_wait3A_1130, %dma_wait3A_1136] : memref<4x2x100xi32, #tpu.memory_space<vmem>> -> memref<1x1x100xi32, #tpu.memory_space<vmem>>
      %dma_wait3A_1138 = tpu.memref_squeeze %dma_wait3A_1137 : memref<1x1x100xi32, #tpu.memory_space<vmem>> -> memref<100xi32, #tpu.memory_space<vmem>>
      %dma_wait3A_1139 = arith.constant 0 : i32
      %dma_wait3A_1140 = arith.constant 0 : i32
      %dma_wait3A_1141 = tpu.memref_slice %arg3[%dma_wait3A_1139, %dma_wait3A_1140] : memref<100000x128xf32, #tpu.memory_space<hbm>> -> memref<100000x128xf32, #tpu.memory_space<hbm>>
      tpu.wait_indirect_dma semaphore(%arg14 : memref<!tpu.dma_semaphore, #tpu.memory_space<semaphore_mem>>) src(%dma_wait3A_1141 : memref<100000x128xf32, #tpu.memory_space<hbm>>) dst(%dma_wait3A_1135 : memref<100x128xf32, #tpu.memory_space<vmem>>)
      %dma_wait3A_1142 = arith.constant 1 : i32
      %dma_wait3A_1143 = arith.constant 1 : i32
      %dma_wait3A_1144 = arith.constant 1 : i32
      %dma_wait3A_1145 = arith.constant 100 : i32
      %dma_wait3A_1146 = arith.constant 0 : i32
      %dma_wait3A_1147 = tpu.memref_slice %arg8[%dma_wait3A_1144, %dma_wait3A_1145, %dma_wait3A_1146] : memref<4x200x128xf32, #tpu.memory_space<vmem>> -> memref<1x100x128xf32, #tpu.memory_space<vmem>>
      %dma_wait3A_1148 = tpu.memref_squeeze %dma_wait3A_1147 : memref<1x100x128xf32, #tpu.memory_space<vmem>> -> memref<100x128xf32, #tpu.memory_space<vmem>>
      %dma_wait3A_1149 = arith.constant 0 : i32
      %dma_wait3A_1150 = tpu.memref_slice %arg7[%dma_wait3A_1142, %dma_wait3A_1143, %dma_wait3A_1149] : memref<4x2x100xi32, #tpu.memory_space<vmem>> -> memref<1x1x100xi32, #tpu.memory_space<vmem>>
      %dma_wait3A_1151 = tpu.memref_squeeze %dma_wait3A_1150 : memref<1x1x100xi32, #tpu.memory_space<vmem>> -> memref<100xi32, #tpu.memory_space<vmem>>
      %dma_wait3A_1152 = arith.constant 0 : i32
      %dma_wait3A_1153 = arith.constant 0 : i32
      %dma_wait3A_1154 = tpu.memref_slice %arg3[%dma_wait3A_1152, %dma_wait3A_1153] : memref<100000x128xf32, #tpu.memory_space<hbm>> -> memref<100000x128xf32, #tpu.memory_space<hbm>>
      tpu.wait_indirect_dma semaphore(%arg14 : memref<!tpu.dma_semaphore, #tpu.memory_space<semaphore_mem>>) src(%dma_wait3A_1154 : memref<100000x128xf32, #tpu.memory_space<hbm>>) dst(%dma_wait3A_1148 : memref<100x128xf32, #tpu.memory_space<vmem>>)
      %parallel_loop3A_1155 = arith.constant 0 : i32
      %parallel_loop3A_1156 = arith.constant 200 : i32
      %parallel_loop3A_1157 = arith.constant 1 : i32
      scf.for %parallel_loop3A_1416 = %parallel_loop3A_1155 to %parallel_loop3A_1156 step %parallel_loop3A_1157  : i32 {
        %parallel_loop3A_1417 = arith.index_cast %parallel_loop3A_1416 : i32 to index
        %parallel_loop3A_1418 = arith.constant 0 : index
        %parallel_loop3A_1419 = tpu.vector_load %arg6[%parallel_loop3A_1417, %parallel_loop3A_1418] {strides = array<i32>} : memref<200x128xf32, #tpu.memory_space<vmem>>, vector<1x16xf32>,
        %parallel_loop3A_1420 = vector.shape_cast %parallel_loop3A_1419 : vector<1x16xf32> to vector<16xf32>
        %parallel_loop3A_1421 = arith.constant 1 : i32
        %parallel_loop3A_1422 = arith.index_cast %parallel_loop3A_1421 : i32 to index
        %parallel_loop3A_1423 = arith.index_cast %parallel_loop3A_1416 : i32 to index
        %parallel_loop3A_1424 = arith.constant 0 : index
        %parallel_loop3A_1425 = tpu.vector_load %arg8[%parallel_loop3A_1422, %parallel_loop3A_1423, %parallel_loop3A_1424] {strides = array<i32>} : memref<4x200x128xf32, #tpu.memory_space<vmem>>, vector<1x1x16xf32>,
        %parallel_loop3A_1426 = vector.shape_cast %parallel_loop3A_1425 : vector<1x1x16xf32> to vector<16xf32>
        %parallel_loop3A_1427 = vector.shape_cast %parallel_loop3A_1420 : vector<16xf32> to vector<1x1x16xf32>
        tpu.vector_store %arg8[%parallel_loop3A_1422, %parallel_loop3A_1423, %parallel_loop3A_1424], %parallel_loop3A_1427 {add = true, strides = array<i32>} : memref<4x200x128xf32, #tpu.memory_space<vmem>>, vector<1x1x16xf32>,
        %parallel_loop3A_1428 = arith.index_cast %parallel_loop3A_1416 : i32 to index
        %parallel_loop3A_1429 = arith.constant 16 : index
        %parallel_loop3A_1430 = tpu.vector_load %arg6[%parallel_loop3A_1428, %parallel_loop3A_1429] {strides = array<i32>} : memref<200x128xf32, #tpu.memory_space<vmem>>, vector<1x16xf32>,
        %parallel_loop3A_1431 = vector.shape_cast %parallel_loop3A_1430 : vector<1x16xf32> to vector<16xf32>
        %parallel_loop3A_1432 = arith.constant 1 : i32
        %parallel_loop3A_1433 = arith.index_cast %parallel_loop3A_1432 : i32 to index
        %parallel_loop3A_1434 = arith.index_cast %parallel_loop3A_1416 : i32 to index
        %parallel_loop3A_1435 = arith.constant 16 : index
        %parallel_loop3A_1436 = tpu.vector_load %arg8[%parallel_loop3A_1433, %parallel_loop3A_1434, %parallel_loop3A_1435] {strides = array<i32>} : memref<4x200x128xf32, #tpu.memory_space<vmem>>, vector<1x1x16xf32>,
        %parallel_loop3A_1437 = vector.shape_cast %parallel_loop3A_1436 : vector<1x1x16xf32> to vector<16xf32>
        %parallel_loop3A_1438 = vector.shape_cast %parallel_loop3A_1431 : vector<16xf32> to vector<1x1x16xf32>
        tpu.vector_store %arg8[%parallel_loop3A_1433, %parallel_loop3A_1434, %parallel_loop3A_1435], %parallel_loop3A_1438 {add = true, strides = array<i32>} : memref<4x200x128xf32, #tpu.memory_space<vmem>>, vector<1x1x16xf32>,
        %parallel_loop3A_1439 = arith.index_cast %parallel_loop3A_1416 : i32 to index
        %parallel_loop3A_1440 = arith.constant 32 : index
        %parallel_loop3A_1441 = tpu.vector_load %arg6[%parallel_loop3A_1439, %parallel_loop3A_1440] {strides = array<i32>} : memref<200x128xf32, #tpu.memory_space<vmem>>, vector<1x16xf32>,
        %parallel_loop3A_1442 = vector.shape_cast %parallel_loop3A_1441 : vector<1x16xf32> to vector<16xf32>
        %parallel_loop3A_1443 = arith.constant 1 : i32
        %parallel_loop3A_1444 = arith.index_cast %parallel_loop3A_1443 : i32 to index
        %parallel_loop3A_1445 = arith.index_cast %parallel_loop3A_1416 : i32 to index
        %parallel_loop3A_1446 = arith.constant 32 : index
        %parallel_loop3A_1447 = tpu.vector_load %arg8[%parallel_loop3A_1444, %parallel_loop3A_1445, %parallel_loop3A_1446] {strides = array<i32>} : memref<4x200x128xf32, #tpu.memory_space<vmem>>, vector<1x1x16xf32>,
        %parallel_loop3A_1448 = vector.shape_cast %parallel_loop3A_1447 : vector<1x1x16xf32> to vector<16xf32>
        %parallel_loop3A_1449 = vector.shape_cast %parallel_loop3A_1442 : vector<16xf32> to vector<1x1x16xf32>
        tpu.vector_store %arg8[%parallel_loop3A_1444, %parallel_loop3A_1445, %parallel_loop3A_1446], %parallel_loop3A_1449 {add = true, strides = array<i32>} : memref<4x200x128xf32, #tpu.memory_space<vmem>>, vector<1x1x16xf32>,
        %parallel_loop3A_1450 = arith.index_cast %parallel_loop3A_1416 : i32 to index
        %parallel_loop3A_1451 = arith.constant 48 : index
        %parallel_loop3A_1452 = tpu.vector_load %arg6[%parallel_loop3A_1450, %parallel_loop3A_1451] {strides = array<i32>} : memref<200x128xf32, #tpu.memory_space<vmem>>, vector<1x16xf32>,
        %parallel_loop3A_1453 = vector.shape_cast %parallel_loop3A_1452 : vector<1x16xf32> to vector<16xf32>
        %parallel_loop3A_1454 = arith.constant 1 : i32
        %parallel_loop3A_1455 = arith.index_cast %parallel_loop3A_1454 : i32 to index
        %parallel_loop3A_1456 = arith.index_cast %parallel_loop3A_1416 : i32 to index
        %parallel_loop3A_1457 = arith.constant 48 : index
        %parallel_loop3A_1458 = tpu.vector_load %arg8[%parallel_loop3A_1455, %parallel_loop3A_1456, %parallel_loop3A_1457] {strides = array<i32>} : memref<4x200x128xf32, #tpu.memory_space<vmem>>, vector<1x1x16xf32>,
        %parallel_loop3A_1459 = vector.shape_cast %parallel_loop3A_1458 : vector<1x1x16xf32> to vector<16xf32>
        %parallel_loop3A_1460 = vector.shape_cast %parallel_loop3A_1453 : vector<16xf32> to vector<1x1x16xf32>
        tpu.vector_store %arg8[%parallel_loop3A_1455, %parallel_loop3A_1456, %parallel_loop3A_1457], %parallel_loop3A_1460 {add = true, strides = array<i32>} : memref<4x200x128xf32, #tpu.memory_space<vmem>>, vector<1x1x16xf32>,
        %parallel_loop3A_1461 = arith.index_cast %parallel_loop3A_1416 : i32 to index
        %parallel_loop3A_1462 = arith.constant 64 : index
        %parallel_loop3A_1463 = tpu.vector_load %arg6[%parallel_loop3A_1461, %parallel_loop3A_1462] {strides = array<i32>} : memref<200x128xf32, #tpu.memory_space<vmem>>, vector<1x16xf32>,
        %parallel_loop3A_1464 = vector.shape_cast %parallel_loop3A_1463 : vector<1x16xf32> to vector<16xf32>
        %parallel_loop3A_1465 = arith.constant 1 : i32
        %parallel_loop3A_1466 = arith.index_cast %parallel_loop3A_1465 : i32 to index
        %parallel_loop3A_1467 = arith.index_cast %parallel_loop3A_1416 : i32 to index
        %parallel_loop3A_1468 = arith.constant 64 : index
        %parallel_loop3A_1469 = tpu.vector_load %arg8[%parallel_loop3A_1466, %parallel_loop3A_1467, %parallel_loop3A_1468] {strides = array<i32>} : memref<4x200x128xf32, #tpu.memory_space<vmem>>, vector<1x1x16xf32>,
        %parallel_loop3A_1470 = vector.shape_cast %parallel_loop3A_1469 : vector<1x1x16xf32> to vector<16xf32>
        %parallel_loop3A_1471 = vector.shape_cast %parallel_loop3A_1464 : vector<16xf32> to vector<1x1x16xf32>
        tpu.vector_store %arg8[%parallel_loop3A_1466, %parallel_loop3A_1467, %parallel_loop3A_1468], %parallel_loop3A_1471 {add = true, strides = array<i32>} : memref<4x200x128xf32, #tpu.memory_space<vmem>>, vector<1x1x16xf32>,
        %parallel_loop3A_1472 = arith.index_cast %parallel_loop3A_1416 : i32 to index
        %parallel_loop3A_1473 = arith.constant 80 : index
        %parallel_loop3A_1474 = tpu.vector_load %arg6[%parallel_loop3A_1472, %parallel_loop3A_1473] {strides = array<i32>} : memref<200x128xf32, #tpu.memory_space<vmem>>, vector<1x16xf32>,
        %parallel_loop3A_1475 = vector.shape_cast %parallel_loop3A_1474 : vector<1x16xf32> to vector<16xf32>
        %parallel_loop3A_1476 = arith.constant 1 : i32
        %parallel_loop3A_1477 = arith.index_cast %parallel_loop3A_1476 : i32 to index
        %parallel_loop3A_1478 = arith.index_cast %parallel_loop3A_1416 : i32 to index
        %parallel_loop3A_1479 = arith.constant 80 : index
        %parallel_loop3A_1480 = tpu.vector_load %arg8[%parallel_loop3A_1477, %parallel_loop3A_1478, %parallel_loop3A_1479] {strides = array<i32>} : memref<4x200x128xf32, #tpu.memory_space<vmem>>, vector<1x1x16xf32>,
        %parallel_loop3A_1481 = vector.shape_cast %parallel_loop3A_1480 : vector<1x1x16xf32> to vector<16xf32>
        %parallel_loop3A_1482 = vector.shape_cast %parallel_loop3A_1475 : vector<16xf32> to vector<1x1x16xf32>
        tpu.vector_store %arg8[%parallel_loop3A_1477, %parallel_loop3A_1478, %parallel_loop3A_1479], %parallel_loop3A_1482 {add = true, strides = array<i32>} : memref<4x200x128xf32, #tpu.memory_space<vmem>>, vector<1x1x16xf32>,
        %parallel_loop3A_1483 = arith.index_cast %parallel_loop3A_1416 : i32 to index
        %parallel_loop3A_1484 = arith.constant 96 : index
        %parallel_loop3A_1485 = tpu.vector_load %arg6[%parallel_loop3A_1483, %parallel_loop3A_1484] {strides = array<i32>} : memref<200x128xf32, #tpu.memory_space<vmem>>, vector<1x16xf32>,
        %parallel_loop3A_1486 = vector.shape_cast %parallel_loop3A_1485 : vector<1x16xf32> to vector<16xf32>
        %parallel_loop3A_1487 = arith.constant 1 : i32
        %parallel_loop3A_1488 = arith.index_cast %parallel_loop3A_1487 : i32 to index
        %parallel_loop3A_1489 = arith.index_cast %parallel_loop3A_1416 : i32 to index
        %parallel_loop3A_1490 = arith.constant 96 : index
        %parallel_loop3A_1491 = tpu.vector_load %arg8[%parallel_loop3A_1488, %parallel_loop3A_1489, %parallel_loop3A_1490] {strides = array<i32>} : memref<4x200x128xf32, #tpu.memory_space<vmem>>, vector<1x1x16xf32>,
        %parallel_loop3A_1492 = vector.shape_cast %parallel_loop3A_1491 : vector<1x1x16xf32> to vector<16xf32>
        %parallel_loop3A_1493 = vector.shape_cast %parallel_loop3A_1486 : vector<16xf32> to vector<1x1x16xf32>
        tpu.vector_store %arg8[%parallel_loop3A_1488, %parallel_loop3A_1489, %parallel_loop3A_1490], %parallel_loop3A_1493 {add = true, strides = array<i32>} : memref<4x200x128xf32, #tpu.memory_space<vmem>>, vector<1x1x16xf32>,
        %parallel_loop3A_1494 = arith.index_cast %parallel_loop3A_1416 : i32 to index
        %parallel_loop3A_1495 = arith.constant 112 : index
        %parallel_loop3A_1496 = tpu.vector_load %arg6[%parallel_loop3A_1494, %parallel_loop3A_1495] {strides = array<i32>} : memref<200x128xf32, #tpu.memory_space<vmem>>, vector<1x16xf32>,
        %parallel_loop3A_1497 = vector.shape_cast %parallel_loop3A_1496 : vector<1x16xf32> to vector<16xf32>
        %parallel_loop3A_1498 = arith.constant 1 : i32
        %parallel_loop3A_1499 = arith.index_cast %parallel_loop3A_1498 : i32 to index
        %parallel_loop3A_1500 = arith.index_cast %parallel_loop3A_1416 : i32 to index
        %parallel_loop3A_1501 = arith.constant 112 : index
        %parallel_loop3A_1502 = tpu.vector_load %arg8[%parallel_loop3A_1499, %parallel_loop3A_1500, %parallel_loop3A_1501] {strides = array<i32>} : memref<4x200x128xf32, #tpu.memory_space<vmem>>, vector<1x1x16xf32>,
        %parallel_loop3A_1503 = vector.shape_cast %parallel_loop3A_1502 : vector<1x1x16xf32> to vector<16xf32>
        %parallel_loop3A_1504 = vector.shape_cast %parallel_loop3A_1497 : vector<16xf32> to vector<1x1x16xf32>
        tpu.vector_store %arg8[%parallel_loop3A_1499, %parallel_loop3A_1500, %parallel_loop3A_1501], %parallel_loop3A_1504 {add = true, strides = array<i32>} : memref<4x200x128xf32, #tpu.memory_space<vmem>>, vector<1x1x16xf32>,
      } {sc.loop_unroll_factor = 4 : i64, sc.parallel_access}
      %mul3A_1158 = arith.constant 200 : i32
      %mul3A_1159 = arith.muli %add3A_1054, %mul3A_1158 : i32
      %add3A_1160 = arith.addi %mul3A_2, %mul3A_1159 : i32
      %dma_start3A_1161 = arith.constant 1 : i32
      %dma_start3A_1162 = arith.constant 0 : i32
      %dma_start3A_1163 = arith.constant 0 : i32
      %dma_start3A_1164 = tpu.memref_slice %arg8[%dma_start3A_1161, %dma_start3A_1162, %dma_start3A_1163] : memref<4x200x128xf32, #tpu.memory_space<vmem>> -> memref<1x200x128xf32, #tpu.memory_space<vmem>>
      %dma_start3A_1165 = tpu.memref_squeeze %dma_start3A_1164 : memref<1x200x128xf32, #tpu.memory_space<vmem>> -> memref<200x128xf32, #tpu.memory_space<vmem>>
      %dma_start3A_1166 = arith.constant 0 : i32
      %dma_start3A_1167 = tpu.memref_slice %arg5[%add3A_1160, %dma_start3A_1166] : memref<819200x128xf32, #tpu.memory_space<hbm>> -> memref<200x128xf32, #tpu.memory_space<hbm>>
      %dma_start3A_1168 = arith.constant 0 : i32
      %dma_start3A_1169 = tpu.memref_slice %arg5[%add3A_1160, %dma_start3A_1168] : memref<819200x128xf32, #tpu.memory_space<hbm>> -> memref<200x128xf32, #tpu.memory_space<hbm>>
      %dma_start3A_1170 = arith.constant 0 : i32
      %dma_start3A_1171 = arith.constant 0 : i32
      %dma_start3A_1172 = tpu.memref_slice %arg8[%dma_start3A_1161, %dma_start3A_1170, %dma_start3A_1171] : memref<4x200x128xf32, #tpu.memory_space<vmem>> -> memref<1x200x128xf32, #tpu.memory_space<vmem>>
      %dma_start3A_1173 = tpu.memref_squeeze %dma_start3A_1172 : memref<1x200x128xf32, #tpu.memory_space<vmem>> -> memref<200x128xf32, #tpu.memory_space<vmem>>
      tpu.enqueue_dma source(%dma_start3A_1173 : memref<200x128xf32, #tpu.memory_space<vmem>>) target(%dma_start3A_1169 : memref<200x128xf32, #tpu.memory_space<hbm>>) target_semaphore(%arg18 : memref<!tpu.dma_semaphore, #tpu.memory_space<semaphore_mem>>)
      %add3A_1174 = arith.constant 2 : i32
      %add3A_1175 = arith.addi %add3A_931, %add3A_1174 : i32
      %add3A_1176 = arith.constant 0 : i32
      %add3A_1177 = arith.addi %mul3A_2, %add3A_1176 : i32
      %dma_wait3A_1178 = arith.constant 3 : i32
      %dma_wait3A_1179 = arith.constant 0 : i32
      %dma_wait3A_1180 = arith.constant 0 : i32
      %dma_wait3A_1181 = tpu.memref_slice %arg8[%dma_wait3A_1178, %dma_wait3A_1179, %dma_wait3A_1180] : memref<4x200x128xf32, #tpu.memory_space<vmem>> -> memref<1x200x128xf32, #tpu.memory_space<vmem>>
      %dma_wait3A_1182 = tpu.memref_squeeze %dma_wait3A_1181 : memref<1x200x128xf32, #tpu.memory_space<vmem>> -> memref<200x128xf32, #tpu.memory_space<vmem>>
      %dma_wait3A_1183 = arith.constant 0 : i32
      %dma_wait3A_1184 = tpu.memref_slice %arg5[%add3A_1177, %dma_wait3A_1183] : memref<819200x128xf32, #tpu.memory_space<hbm>> -> memref<200x128xf32, #tpu.memory_space<hbm>>
      %dma_wait3A_1185 = arith.constant 0 : i32
      %dma_wait3A_1186 = tpu.memref_slice %arg5[%add3A_1177, %dma_wait3A_1185] : memref<819200x128xf32, #tpu.memory_space<hbm>> -> memref<200x128xf32, #tpu.memory_space<hbm>>
      %dma_wait3A_1187 = arith.constant 0 : i32
      %dma_wait3A_1188 = arith.constant 0 : i32
      %dma_wait3A_1189 = tpu.memref_slice %arg8[%dma_wait3A_1178, %dma_wait3A_1187, %dma_wait3A_1188] : memref<4x200x128xf32, #tpu.memory_space<vmem>> -> memref<1x200x128xf32, #tpu.memory_space<vmem>>
      %dma_wait3A_1190 = tpu.memref_squeeze %dma_wait3A_1189 : memref<1x200x128xf32, #tpu.memory_space<vmem>> -> memref<200x128xf32, #tpu.memory_space<vmem>>
      tpu.wait_dma2 semaphore(%arg20 : memref<!tpu.dma_semaphore, #tpu.memory_space<semaphore_mem>>) src(%dma_wait3A_1190 : memref<200x128xf32, #tpu.memory_space<vmem>>) dst(%dma_wait3A_1186 : memref<200x128xf32, #tpu.memory_space<hbm>>)
      %add3A_1191 = arith.constant 0 : i32
      %add3A_1192 = arith.addi %mul3A_4, %add3A_1191 : i32
      %dma_wait3A_1193 = arith.constant 3 : i32
      %dma_wait3A_1194 = arith.constant 0 : i32
      %dma_wait3A_1195 = arith.constant 0 : i32
      %dma_wait3A_1196 = tpu.memref_slice %arg7[%dma_wait3A_1193, %dma_wait3A_1194, %dma_wait3A_1195] : memref<4x2x100xi32, #tpu.memory_space<vmem>> -> memref<1x2x100xi32, #tpu.memory_space<vmem>>
      %dma_wait3A_1197 = tpu.memref_squeeze %dma_wait3A_1196 : memref<1x2x100xi32, #tpu.memory_space<vmem>> -> memref<2x100xi32, #tpu.memory_space<vmem>>
      %dma_wait3A_1198 = arith.constant 0 : i32
      %dma_wait3A_1199 = tpu.memref_slice %arg2[%add3A_1192, %dma_wait3A_1198] : memref<8192x100xi32, #tpu.memory_space<hbm>> -> memref<2x100xi32, #tpu.memory_space<hbm>>
      %dma_wait3A_1200 = arith.constant 0 : i32
      %dma_wait3A_1201 = arith.constant 0 : i32
      %dma_wait3A_1202 = tpu.memref_slice %arg7[%dma_wait3A_1193, %dma_wait3A_1200, %dma_wait3A_1201] : memref<4x2x100xi32, #tpu.memory_space<vmem>> -> memref<1x2x100xi32, #tpu.memory_space<vmem>>
      %dma_wait3A_1203 = tpu.memref_squeeze %dma_wait3A_1202 : memref<1x2x100xi32, #tpu.memory_space<vmem>> -> memref<2x100xi32, #tpu.memory_space<vmem>>
      %dma_wait3A_1204 = arith.constant 0 : i32
      %dma_wait3A_1205 = tpu.memref_slice %arg2[%add3A_1192, %dma_wait3A_1204] : memref<8192x100xi32, #tpu.memory_space<hbm>> -> memref<2x100xi32, #tpu.memory_space<hbm>>
      tpu.wait_dma2 semaphore(%arg12 : memref<!tpu.dma_semaphore, #tpu.memory_space<semaphore_mem>>) src(%dma_wait3A_1205 : memref<2x100xi32, #tpu.memory_space<hbm>>) dst(%dma_wait3A_1203 : memref<2x100xi32, #tpu.memory_space<vmem>>)
      %dma_start3A_1206 = arith.constant 3 : i32
      %dma_start3A_1207 = arith.constant 0 : i32
      %dma_start3A_1208 = arith.constant 3 : i32
      %dma_start3A_1209 = arith.constant 0 : i32
      %dma_start3A_1210 = arith.constant 0 : i32
      %dma_start3A_1211 = tpu.memref_slice %arg8[%dma_start3A_1208, %dma_start3A_1209, %dma_start3A_1210] : memref<4x200x128xf32, #tpu.memory_space<vmem>> -> memref<1x100x128xf32, #tpu.memory_space<vmem>>
      %dma_start3A_1212 = tpu.memref_squeeze %dma_start3A_1211 : memref<1x100x128xf32, #tpu.memory_space<vmem>> -> memref<100x128xf32, #tpu.memory_space<vmem>>
      %dma_start3A_1213 = arith.constant 0 : i32
      %dma_start3A_1214 = tpu.memref_slice %arg7[%dma_start3A_1206, %dma_start3A_1207, %dma_start3A_1213] : memref<4x2x100xi32, #tpu.memory_space<vmem>> -> memref<1x1x100xi32, #tpu.memory_space<vmem>>
      %dma_start3A_1215 = tpu.memref_squeeze %dma_start3A_1214 : memref<1x1x100xi32, #tpu.memory_space<vmem>> -> memref<100xi32, #tpu.memory_space<vmem>>
      %dma_start3A_1216 = arith.constant 0 : i32
      %dma_start3A_1217 = arith.constant 0 : i32
      %dma_start3A_1218 = tpu.memref_slice %arg3[%dma_start3A_1216, %dma_start3A_1217] : memref<100000x128xf32, #tpu.memory_space<hbm>> -> memref<100000x128xf32, #tpu.memory_space<hbm>>
      tpu.enqueue_indirect_dma source(%dma_start3A_1218 : memref<100000x128xf32, #tpu.memory_space<hbm>>) target(%dma_start3A_1212 : memref<100x128xf32, #tpu.memory_space<vmem>>) offsets(%dma_start3A_1215 : memref<100xi32, #tpu.memory_space<vmem>>) semaphore(%arg16 : memref<!tpu.dma_semaphore, #tpu.memory_space<semaphore_mem>>)
      %dma_start3A_1219 = arith.constant 3 : i32
      %dma_start3A_1220 = arith.constant 1 : i32
      %dma_start3A_1221 = arith.constant 3 : i32
      %dma_start3A_1222 = arith.constant 100 : i32
      %dma_start3A_1223 = arith.constant 0 : i32
      %dma_start3A_1224 = tpu.memref_slice %arg8[%dma_start3A_1221, %dma_start3A_1222, %dma_start3A_1223] : memref<4x200x128xf32, #tpu.memory_space<vmem>> -> memref<1x100x128xf32, #tpu.memory_space<vmem>>
      %dma_start3A_1225 = tpu.memref_squeeze %dma_start3A_1224 : memref<1x100x128xf32, #tpu.memory_space<vmem>> -> memref<100x128xf32, #tpu.memory_space<vmem>>
      %dma_start3A_1226 = arith.constant 0 : i32
      %dma_start3A_1227 = tpu.memref_slice %arg7[%dma_start3A_1219, %dma_start3A_1220, %dma_start3A_1226] : memref<4x2x100xi32, #tpu.memory_space<vmem>> -> memref<1x1x100xi32, #tpu.memory_space<vmem>>
      %dma_start3A_1228 = tpu.memref_squeeze %dma_start3A_1227 : memref<1x1x100xi32, #tpu.memory_space<vmem>> -> memref<100xi32, #tpu.memory_space<vmem>>
      %dma_start3A_1229 = arith.constant 0 : i32
      %dma_start3A_1230 = arith.constant 0 : i32
      %dma_start3A_1231 = tpu.memref_slice %arg3[%dma_start3A_1229, %dma_start3A_1230] : memref<100000x128xf32, #tpu.memory_space<hbm>> -> memref<100000x128xf32, #tpu.memory_space<hbm>>
      tpu.enqueue_indirect_dma source(%dma_start3A_1231 : memref<100000x128xf32, #tpu.memory_space<hbm>>) target(%dma_start3A_1225 : memref<100x128xf32, #tpu.memory_space<vmem>>) offsets(%dma_start3A_1228 : memref<100xi32, #tpu.memory_space<vmem>>) semaphore(%arg16 : memref<!tpu.dma_semaphore, #tpu.memory_space<semaphore_mem>>)
      %add3A_1232 = arith.constant 2 : i32
      %add3A_1233 = arith.addi %add3A_1175, %add3A_1232 : i32
      %mul3A_1234 = arith.constant 2 : i32
      %mul3A_1235 = arith.muli %mul3A_1234, %add3A_1233 : i32
      %add3A_1236 = arith.addi %mul3A_4, %mul3A_1235 : i32
      %dma_start3A_1237 = arith.constant 0 : i32
      %dma_start3A_1238 = arith.constant 0 : i32
      %dma_start3A_1239 = arith.constant 0 : i32
      %dma_start3A_1240 = tpu.memref_slice %arg7[%dma_start3A_1237, %dma_start3A_1238, %dma_start3A_1239] : memref<4x2x100xi32, #tpu.memory_space<vmem>> -> memref<1x2x100xi32, #tpu.memory_space<vmem>>
      %dma_start3A_1241 = tpu.memref_squeeze %dma_start3A_1240 : memref<1x2x100xi32, #tpu.memory_space<vmem>> -> memref<2x100xi32, #tpu.memory_space<vmem>>
      %dma_start3A_1242 = arith.constant 0 : i32
      %dma_start3A_1243 = tpu.memref_slice %arg2[%add3A_1236, %dma_start3A_1242] : memref<8192x100xi32, #tpu.memory_space<hbm>> -> memref<2x100xi32, #tpu.memory_space<hbm>>
      %dma_start3A_1244 = arith.constant 0 : i32
      %dma_start3A_1245 = arith.constant 0 : i32
      %dma_start3A_1246 = tpu.memref_slice %arg7[%dma_start3A_1237, %dma_start3A_1244, %dma_start3A_1245] : memref<4x2x100xi32, #tpu.memory_space<vmem>> -> memref<1x2x100xi32, #tpu.memory_space<vmem>>
      %dma_start3A_1247 = tpu.memref_squeeze %dma_start3A_1246 : memref<1x2x100xi32, #tpu.memory_space<vmem>> -> memref<2x100xi32, #tpu.memory_space<vmem>>
      %dma_start3A_1248 = arith.constant 0 : i32
      %dma_start3A_1249 = tpu.memref_slice %arg2[%add3A_1236, %dma_start3A_1248] : memref<8192x100xi32, #tpu.memory_space<hbm>> -> memref<2x100xi32, #tpu.memory_space<hbm>>
      tpu.enqueue_dma source(%dma_start3A_1249 : memref<2x100xi32, #tpu.memory_space<hbm>>) target(%dma_start3A_1247 : memref<2x100xi32, #tpu.memory_space<vmem>>) target_semaphore(%arg9 : memref<!tpu.dma_semaphore, #tpu.memory_space<semaphore_mem>>)
      %dma_wait3A_1250 = arith.constant 2 : i32
      %dma_wait3A_1251 = arith.constant 0 : i32
      %dma_wait3A_1252 = arith.constant 2 : i32
      %dma_wait3A_1253 = arith.constant 0 : i32
      %dma_wait3A_1254 = arith.constant 0 : i32
      %dma_wait3A_1255 = tpu.memref_slice %arg8[%dma_wait3A_1252, %dma_wait3A_1253, %dma_wait3A_1254] : memref<4x200x128xf32, #tpu.memory_space<vmem>> -> memref<1x100x128xf32, #tpu.memory_space<vmem>>
      %dma_wait3A_1256 = tpu.memref_squeeze %dma_wait3A_1255 : memref<1x100x128xf32, #tpu.memory_space<vmem>> -> memref<100x128xf32, #tpu.memory_space<vmem>>
      %dma_wait3A_1257 = arith.constant 0 : i32
      %dma_wait3A_1258 = tpu.memref_slice %arg7[%dma_wait3A_1250, %dma_wait3A_1251, %dma_wait3A_1257] : memref<4x2x100xi32, #tpu.memory_space<vmem>> -> memref<1x1x100xi32, #tpu.memory_space<vmem>>
      %dma_wait3A_1259 = tpu.memref_squeeze %dma_wait3A_1258 : memref<1x1x100xi32, #tpu.memory_space<vmem>> -> memref<100xi32, #tpu.memory_space<vmem>>
      %dma_wait3A_1260 = arith.constant 0 : i32
      %dma_wait3A_1261 = arith.constant 0 : i32
      %dma_wait3A_1262 = tpu.memref_slice %arg3[%dma_wait3A_1260, %dma_wait3A_1261] : memref<100000x128xf32, #tpu.memory_space<hbm>> -> memref<100000x128xf32, #tpu.memory_space<hbm>>
      tpu.wait_indirect_dma semaphore(%arg15 : memref<!tpu.dma_semaphore, #tpu.memory_space<semaphore_mem>>) src(%dma_wait3A_1262 : memref<100000x128xf32, #tpu.memory_space<hbm>>) dst(%dma_wait3A_1256 : memref<100x128xf32, #tpu.memory_space<vmem>>)
      %dma_wait3A_1263 = arith.constant 2 : i32
      %dma_wait3A_1264 = arith.constant 1 : i32
      %dma_wait3A_1265 = arith.constant 2 : i32
      %dma_wait3A_1266 = arith.constant 100 : i32
      %dma_wait3A_1267 = arith.constant 0 : i32
      %dma_wait3A_1268 = tpu.memref_slice %arg8[%dma_wait3A_1265, %dma_wait3A_1266, %dma_wait3A_1267] : memref<4x200x128xf32, #tpu.memory_space<vmem>> -> memref<1x100x128xf32, #tpu.memory_space<vmem>>
      %dma_wait3A_1269 = tpu.memref_squeeze %dma_wait3A_1268 : memref<1x100x128xf32, #tpu.memory_space<vmem>> -> memref<100x128xf32, #tpu.memory_space<vmem>>
      %dma_wait3A_1270 = arith.constant 0 : i32
      %dma_wait3A_1271 = tpu.memref_slice %arg7[%dma_wait3A_1263, %dma_wait3A_1264, %dma_wait3A_1270] : memref<4x2x100xi32, #tpu.memory_space<vmem>> -> memref<1x1x100xi32, #tpu.memory_space<vmem>>
      %dma_wait3A_1272 = tpu.memref_squeeze %dma_wait3A_1271 : memref<1x1x100xi32, #tpu.memory_space<vmem>> -> memref<100xi32, #tpu.memory_space<vmem>>
      %dma_wait3A_1273 = arith.constant 0 : i32
      %dma_wait3A_1274 = arith.constant 0 : i32
      %dma_wait3A_1275 = tpu.memref_slice %arg3[%dma_wait3A_1273, %dma_wait3A_1274] : memref<100000x128xf32, #tpu.memory_space<hbm>> -> memref<100000x128xf32, #tpu.memory_space<hbm>>
      tpu.wait_indirect_dma semaphore(%arg15 : memref<!tpu.dma_semaphore, #tpu.memory_space<semaphore_mem>>) src(%dma_wait3A_1275 : memref<100000x128xf32, #tpu.memory_space<hbm>>) dst(%dma_wait3A_1269 : memref<100x128xf32, #tpu.memory_space<vmem>>)
      %parallel_loop3A_1276 = arith.constant 0 : i32
      %parallel_loop3A_1277 = arith.constant 200 : i32
      %parallel_loop3A_1278 = arith.constant 1 : i32
      scf.for %parallel_loop3A_1416 = %parallel_loop3A_1276 to %parallel_loop3A_1277 step %parallel_loop3A_1278  : i32 {
        %parallel_loop3A_1417 = arith.index_cast %parallel_loop3A_1416 : i32 to index
        %parallel_loop3A_1418 = arith.constant 0 : index
        %parallel_loop3A_1419 = tpu.vector_load %arg6[%parallel_loop3A_1417, %parallel_loop3A_1418] {strides = array<i32>} : memref<200x128xf32, #tpu.memory_space<vmem>>, vector<1x16xf32>,
        %parallel_loop3A_1420 = vector.shape_cast %parallel_loop3A_1419 : vector<1x16xf32> to vector<16xf32>
        %parallel_loop3A_1421 = arith.constant 2 : i32
        %parallel_loop3A_1422 = arith.index_cast %parallel_loop3A_1421 : i32 to index
        %parallel_loop3A_1423 = arith.index_cast %parallel_loop3A_1416 : i32 to index
        %parallel_loop3A_1424 = arith.constant 0 : index
        %parallel_loop3A_1425 = tpu.vector_load %arg8[%parallel_loop3A_1422, %parallel_loop3A_1423, %parallel_loop3A_1424] {strides = array<i32>} : memref<4x200x128xf32, #tpu.memory_space<vmem>>, vector<1x1x16xf32>,
        %parallel_loop3A_1426 = vector.shape_cast %parallel_loop3A_1425 : vector<1x1x16xf32> to vector<16xf32>
        %parallel_loop3A_1427 = vector.shape_cast %parallel_loop3A_1420 : vector<16xf32> to vector<1x1x16xf32>
        tpu.vector_store %arg8[%parallel_loop3A_1422, %parallel_loop3A_1423, %parallel_loop3A_1424], %parallel_loop3A_1427 {add = true, strides = array<i32>} : memref<4x200x128xf32, #tpu.memory_space<vmem>>, vector<1x1x16xf32>,
        %parallel_loop3A_1428 = arith.index_cast %parallel_loop3A_1416 : i32 to index
        %parallel_loop3A_1429 = arith.constant 16 : index
        %parallel_loop3A_1430 = tpu.vector_load %arg6[%parallel_loop3A_1428, %parallel_loop3A_1429] {strides = array<i32>} : memref<200x128xf32, #tpu.memory_space<vmem>>, vector<1x16xf32>,
        %parallel_loop3A_1431 = vector.shape_cast %parallel_loop3A_1430 : vector<1x16xf32> to vector<16xf32>
        %parallel_loop3A_1432 = arith.constant 2 : i32
        %parallel_loop3A_1433 = arith.index_cast %parallel_loop3A_1432 : i32 to index
        %parallel_loop3A_1434 = arith.index_cast %parallel_loop3A_1416 : i32 to index
        %parallel_loop3A_1435 = arith.constant 16 : index
        %parallel_loop3A_1436 = tpu.vector_load %arg8[%parallel_loop3A_1433, %parallel_loop3A_1434, %parallel_loop3A_1435] {strides = array<i32>} : memref<4x200x128xf32, #tpu.memory_space<vmem>>, vector<1x1x16xf32>,
        %parallel_loop3A_1437 = vector.shape_cast %parallel_loop3A_1436 : vector<1x1x16xf32> to vector<16xf32>
        %parallel_loop3A_1438 = vector.shape_cast %parallel_loop3A_1431 : vector<16xf32> to vector<1x1x16xf32>
        tpu.vector_store %arg8[%parallel_loop3A_1433, %parallel_loop3A_1434, %parallel_loop3A_1435], %parallel_loop3A_1438 {add = true, strides = array<i32>} : memref<4x200x128xf32, #tpu.memory_space<vmem>>, vector<1x1x16xf32>,
        %parallel_loop3A_1439 = arith.index_cast %parallel_loop3A_1416 : i32 to index
        %parallel_loop3A_1440 = arith.constant 32 : index
        %parallel_loop3A_1441 = tpu.vector_load %arg6[%parallel_loop3A_1439, %parallel_loop3A_1440] {strides = array<i32>} : memref<200x128xf32, #tpu.memory_space<vmem>>, vector<1x16xf32>,
        %parallel_loop3A_1442 = vector.shape_cast %parallel_loop3A_1441 : vector<1x16xf32> to vector<16xf32>
        %parallel_loop3A_1443 = arith.constant 2 : i32
        %parallel_loop3A_1444 = arith.index_cast %parallel_loop3A_1443 : i32 to index
        %parallel_loop3A_1445 = arith.index_cast %parallel_loop3A_1416 : i32 to index
        %parallel_loop3A_1446 = arith.constant 32 : index
        %parallel_loop3A_1447 = tpu.vector_load %arg8[%parallel_loop3A_1444, %parallel_loop3A_1445, %parallel_loop3A_1446] {strides = array<i32>} : memref<4x200x128xf32, #tpu.memory_space<vmem>>, vector<1x1x16xf32>,
        %parallel_loop3A_1448 = vector.shape_cast %parallel_loop3A_1447 : vector<1x1x16xf32> to vector<16xf32>
        %parallel_loop3A_1449 = vector.shape_cast %parallel_loop3A_1442 : vector<16xf32> to vector<1x1x16xf32>
        tpu.vector_store %arg8[%parallel_loop3A_1444, %parallel_loop3A_1445, %parallel_loop3A_1446], %parallel_loop3A_1449 {add = true, strides = array<i32>} : memref<4x200x128xf32, #tpu.memory_space<vmem>>, vector<1x1x16xf32>,
        %parallel_loop3A_1450 = arith.index_cast %parallel_loop3A_1416 : i32 to index
        %parallel_loop3A_1451 = arith.constant 48 : index
        %parallel_loop3A_1452 = tpu.vector_load %arg6[%parallel_loop3A_1450, %parallel_loop3A_1451] {strides = array<i32>} : memref<200x128xf32, #tpu.memory_space<vmem>>, vector<1x16xf32>,
        %parallel_loop3A_1453 = vector.shape_cast %parallel_loop3A_1452 : vector<1x16xf32> to vector<16xf32>
        %parallel_loop3A_1454 = arith.constant 2 : i32
        %parallel_loop3A_1455 = arith.index_cast %parallel_loop3A_1454 : i32 to index
        %parallel_loop3A_1456 = arith.index_cast %parallel_loop3A_1416 : i32 to index
        %parallel_loop3A_1457 = arith.constant 48 : index
        %parallel_loop3A_1458 = tpu.vector_load %arg8[%parallel_loop3A_1455, %parallel_loop3A_1456, %parallel_loop3A_1457] {strides = array<i32>} : memref<4x200x128xf32, #tpu.memory_space<vmem>>, vector<1x1x16xf32>,
        %parallel_loop3A_1459 = vector.shape_cast %parallel_loop3A_1458 : vector<1x1x16xf32> to vector<16xf32>
        %parallel_loop3A_1460 = vector.shape_cast %parallel_loop3A_1453 : vector<16xf32> to vector<1x1x16xf32>
        tpu.vector_store %arg8[%parallel_loop3A_1455, %parallel_loop3A_1456, %parallel_loop3A_1457], %parallel_loop3A_1460 {add = true, strides = array<i32>} : memref<4x200x128xf32, #tpu.memory_space<vmem>>, vector<1x1x16xf32>,
        %parallel_loop3A_1461 = arith.index_cast %parallel_loop3A_1416 : i32 to index
        %parallel_loop3A_1462 = arith.constant 64 : index
        %parallel_loop3A_1463 = tpu.vector_load %arg6[%parallel_loop3A_1461, %parallel_loop3A_1462] {strides = array<i32>} : memref<200x128xf32, #tpu.memory_space<vmem>>, vector<1x16xf32>,
        %parallel_loop3A_1464 = vector.shape_cast %parallel_loop3A_1463 : vector<1x16xf32> to vector<16xf32>
        %parallel_loop3A_1465 = arith.constant 2 : i32
        %parallel_loop3A_1466 = arith.index_cast %parallel_loop3A_1465 : i32 to index
        %parallel_loop3A_1467 = arith.index_cast %parallel_loop3A_1416 : i32 to index
        %parallel_loop3A_1468 = arith.constant 64 : index
        %parallel_loop3A_1469 = tpu.vector_load %arg8[%parallel_loop3A_1466, %parallel_loop3A_1467, %parallel_loop3A_1468] {strides = array<i32>} : memref<4x200x128xf32, #tpu.memory_space<vmem>>, vector<1x1x16xf32>,
        %parallel_loop3A_1470 = vector.shape_cast %parallel_loop3A_1469 : vector<1x1x16xf32> to vector<16xf32>
        %parallel_loop3A_1471 = vector.shape_cast %parallel_loop3A_1464 : vector<16xf32> to vector<1x1x16xf32>
        tpu.vector_store %arg8[%parallel_loop3A_1466, %parallel_loop3A_1467, %parallel_loop3A_1468], %parallel_loop3A_1471 {add = true, strides = array<i32>} : memref<4x200x128xf32, #tpu.memory_space<vmem>>, vector<1x1x16xf32>,
        %parallel_loop3A_1472 = arith.index_cast %parallel_loop3A_1416 : i32 to index
        %parallel_loop3A_1473 = arith.constant 80 : index
        %parallel_loop3A_1474 = tpu.vector_load %arg6[%parallel_loop3A_1472, %parallel_loop3A_1473] {strides = array<i32>} : memref<200x128xf32, #tpu.memory_space<vmem>>, vector<1x16xf32>,
        %parallel_loop3A_1475 = vector.shape_cast %parallel_loop3A_1474 : vector<1x16xf32> to vector<16xf32>
        %parallel_loop3A_1476 = arith.constant 2 : i32
        %parallel_loop3A_1477 = arith.index_cast %parallel_loop3A_1476 : i32 to index
        %parallel_loop3A_1478 = arith.index_cast %parallel_loop3A_1416 : i32 to index
        %parallel_loop3A_1479 = arith.constant 80 : index
        %parallel_loop3A_1480 = tpu.vector_load %arg8[%parallel_loop3A_1477, %parallel_loop3A_1478, %parallel_loop3A_1479] {strides = array<i32>} : memref<4x200x128xf32, #tpu.memory_space<vmem>>, vector<1x1x16xf32>,
        %parallel_loop3A_1481 = vector.shape_cast %parallel_loop3A_1480 : vector<1x1x16xf32> to vector<16xf32>
        %parallel_loop3A_1482 = vector.shape_cast %parallel_loop3A_1475 : vector<16xf32> to vector<1x1x16xf32>
        tpu.vector_store %arg8[%parallel_loop3A_1477, %parallel_loop3A_1478, %parallel_loop3A_1479], %parallel_loop3A_1482 {add = true, strides = array<i32>} : memref<4x200x128xf32, #tpu.memory_space<vmem>>, vector<1x1x16xf32>,
        %parallel_loop3A_1483 = arith.index_cast %parallel_loop3A_1416 : i32 to index
        %parallel_loop3A_1484 = arith.constant 96 : index
        %parallel_loop3A_1485 = tpu.vector_load %arg6[%parallel_loop3A_1483, %parallel_loop3A_1484] {strides = array<i32>} : memref<200x128xf32, #tpu.memory_space<vmem>>, vector<1x16xf32>,
        %parallel_loop3A_1486 = vector.shape_cast %parallel_loop3A_1485 : vector<1x16xf32> to vector<16xf32>
        %parallel_loop3A_1487 = arith.constant 2 : i32
        %parallel_loop3A_1488 = arith.index_cast %parallel_loop3A_1487 : i32 to index
        %parallel_loop3A_1489 = arith.index_cast %parallel_loop3A_1416 : i32 to index
        %parallel_loop3A_1490 = arith.constant 96 : index
        %parallel_loop3A_1491 = tpu.vector_load %arg8[%parallel_loop3A_1488, %parallel_loop3A_1489, %parallel_loop3A_1490] {strides = array<i32>} : memref<4x200x128xf32, #tpu.memory_space<vmem>>, vector<1x1x16xf32>,
        %parallel_loop3A_1492 = vector.shape_cast %parallel_loop3A_1491 : vector<1x1x16xf32> to vector<16xf32>
        %parallel_loop3A_1493 = vector.shape_cast %parallel_loop3A_1486 : vector<16xf32> to vector<1x1x16xf32>
        tpu.vector_store %arg8[%parallel_loop3A_1488, %parallel_loop3A_1489, %parallel_loop3A_1490], %parallel_loop3A_1493 {add = true, strides = array<i32>} : memref<4x200x128xf32, #tpu.memory_space<vmem>>, vector<1x1x16xf32>,
        %parallel_loop3A_1494 = arith.index_cast %parallel_loop3A_1416 : i32 to index
        %parallel_loop3A_1495 = arith.constant 112 : index
        %parallel_loop3A_1496 = tpu.vector_load %arg6[%parallel_loop3A_1494, %parallel_loop3A_1495] {strides = array<i32>} : memref<200x128xf32, #tpu.memory_space<vmem>>, vector<1x16xf32>,
        %parallel_loop3A_1497 = vector.shape_cast %parallel_loop3A_1496 : vector<1x16xf32> to vector<16xf32>
        %parallel_loop3A_1498 = arith.constant 2 : i32
        %parallel_loop3A_1499 = arith.index_cast %parallel_loop3A_1498 : i32 to index
        %parallel_loop3A_1500 = arith.index_cast %parallel_loop3A_1416 : i32 to index
        %parallel_loop3A_1501 = arith.constant 112 : index
        %parallel_loop3A_1502 = tpu.vector_load %arg8[%parallel_loop3A_1499, %parallel_loop3A_1500, %parallel_loop3A_1501] {strides = array<i32>} : memref<4x200x128xf32, #tpu.memory_space<vmem>>, vector<1x1x16xf32>,
        %parallel_loop3A_1503 = vector.shape_cast %parallel_loop3A_1502 : vector<1x1x16xf32> to vector<16xf32>
        %parallel_loop3A_1504 = vector.shape_cast %parallel_loop3A_1497 : vector<16xf32> to vector<1x1x16xf32>
        tpu.vector_store %arg8[%parallel_loop3A_1499, %parallel_loop3A_1500, %parallel_loop3A_1501], %parallel_loop3A_1504 {add = true, strides = array<i32>} : memref<4x200x128xf32, #tpu.memory_space<vmem>>, vector<1x1x16xf32>,
      } {sc.loop_unroll_factor = 4 : i64, sc.parallel_access}
      %mul3A_1279 = arith.constant 200 : i32
      %mul3A_1280 = arith.muli %add3A_1175, %mul3A_1279 : i32
      %add3A_1281 = arith.addi %mul3A_2, %mul3A_1280 : i32
      %dma_start3A_1282 = arith.constant 2 : i32
      %dma_start3A_1283 = arith.constant 0 : i32
      %dma_start3A_1284 = arith.constant 0 : i32
      %dma_start3A_1285 = tpu.memref_slice %arg8[%dma_start3A_1282, %dma_start3A_1283, %dma_start3A_1284] : memref<4x200x128xf32, #tpu.memory_space<vmem>> -> memref<1x200x128xf32, #tpu.memory_space<vmem>>
      %dma_start3A_1286 = tpu.memref_squeeze %dma_start3A_1285 : memref<1x200x128xf32, #tpu.memory_space<vmem>> -> memref<200x128xf32, #tpu.memory_space<vmem>>
      %dma_start3A_1287 = arith.constant 0 : i32
      %dma_start3A_1288 = tpu.memref_slice %arg5[%add3A_1281, %dma_start3A_1287] : memref<819200x128xf32, #tpu.memory_space<hbm>> -> memref<200x128xf32, #tpu.memory_space<hbm>>
      %dma_start3A_1289 = arith.constant 0 : i32
      %dma_start3A_1290 = tpu.memref_slice %arg5[%add3A_1281, %dma_start3A_1289] : memref<819200x128xf32, #tpu.memory_space<hbm>> -> memref<200x128xf32, #tpu.memory_space<hbm>>
      %dma_start3A_1291 = arith.constant 0 : i32
      %dma_start3A_1292 = arith.constant 0 : i32
      %dma_start3A_1293 = tpu.memref_slice %arg8[%dma_start3A_1282, %dma_start3A_1291, %dma_start3A_1292] : memref<4x200x128xf32, #tpu.memory_space<vmem>> -> memref<1x200x128xf32, #tpu.memory_space<vmem>>
      %dma_start3A_1294 = tpu.memref_squeeze %dma_start3A_1293 : memref<1x200x128xf32, #tpu.memory_space<vmem>> -> memref<200x128xf32, #tpu.memory_space<vmem>>
      tpu.enqueue_dma source(%dma_start3A_1294 : memref<200x128xf32, #tpu.memory_space<vmem>>) target(%dma_start3A_1290 : memref<200x128xf32, #tpu.memory_space<hbm>>) target_semaphore(%arg19 : memref<!tpu.dma_semaphore, #tpu.memory_space<semaphore_mem>>)
      %add3A_1295 = arith.constant 3 : i32
      %add3A_1296 = arith.addi %add3A_931, %add3A_1295 : i32
      %add3A_1297 = arith.constant 0 : i32
      %add3A_1298 = arith.addi %mul3A_2, %add3A_1297 : i32
      %dma_wait3A_1299 = arith.constant 0 : i32
      %dma_wait3A_1300 = arith.constant 0 : i32
      %dma_wait3A_1301 = arith.constant 0 : i32
      %dma_wait3A_1302 = tpu.memref_slice %arg8[%dma_wait3A_1299, %dma_wait3A_1300, %dma_wait3A_1301] : memref<4x200x128xf32, #tpu.memory_space<vmem>> -> memref<1x200x128xf32, #tpu.memory_space<vmem>>
      %dma_wait3A_1303 = tpu.memref_squeeze %dma_wait3A_1302 : memref<1x200x128xf32, #tpu.memory_space<vmem>> -> memref<200x128xf32, #tpu.memory_space<vmem>>
      %dma_wait3A_1304 = arith.constant 0 : i32
      %dma_wait3A_1305 = tpu.memref_slice %arg5[%add3A_1298, %dma_wait3A_1304] : memref<819200x128xf32, #tpu.memory_space<hbm>> -> memref<200x128xf32, #tpu.memory_space<hbm>>
      %dma_wait3A_1306 = arith.constant 0 : i32
      %dma_wait3A_1307 = tpu.memref_slice %arg5[%add3A_1298, %dma_wait3A_1306] : memref<819200x128xf32, #tpu.memory_space<hbm>> -> memref<200x128xf32, #tpu.memory_space<hbm>>
      %dma_wait3A_1308 = arith.constant 0 : i32
      %dma_wait3A_1309 = arith.constant 0 : i32
      %dma_wait3A_1310 = tpu.memref_slice %arg8[%dma_wait3A_1299, %dma_wait3A_1308, %dma_wait3A_1309] : memref<4x200x128xf32, #tpu.memory_space<vmem>> -> memref<1x200x128xf32, #tpu.memory_space<vmem>>
      %dma_wait3A_1311 = tpu.memref_squeeze %dma_wait3A_1310 : memref<1x200x128xf32, #tpu.memory_space<vmem>> -> memref<200x128xf32, #tpu.memory_space<vmem>>
      tpu.wait_dma2 semaphore(%arg17 : memref<!tpu.dma_semaphore, #tpu.memory_space<semaphore_mem>>) src(%dma_wait3A_1311 : memref<200x128xf32, #tpu.memory_space<vmem>>) dst(%dma_wait3A_1307 : memref<200x128xf32, #tpu.memory_space<hbm>>)
      %add3A_1312 = arith.constant 0 : i32
      %add3A_1313 = arith.addi %mul3A_4, %add3A_1312 : i32
      %dma_wait3A_1314 = arith.constant 0 : i32
      %dma_wait3A_1315 = arith.constant 0 : i32
      %dma_wait3A_1316 = arith.constant 0 : i32
      %dma_wait3A_1317 = tpu.memref_slice %arg7[%dma_wait3A_1314, %dma_wait3A_1315, %dma_wait3A_1316] : memref<4x2x100xi32, #tpu.memory_space<vmem>> -> memref<1x2x100xi32, #tpu.memory_space<vmem>>
      %dma_wait3A_1318 = tpu.memref_squeeze %dma_wait3A_1317 : memref<1x2x100xi32, #tpu.memory_space<vmem>> -> memref<2x100xi32, #tpu.memory_space<vmem>>
      %dma_wait3A_1319 = arith.constant 0 : i32
      %dma_wait3A_1320 = tpu.memref_slice %arg2[%add3A_1313, %dma_wait3A_1319] : memref<8192x100xi32, #tpu.memory_space<hbm>> -> memref<2x100xi32, #tpu.memory_space<hbm>>
      %dma_wait3A_1321 = arith.constant 0 : i32
      %dma_wait3A_1322 = arith.constant 0 : i32
      %dma_wait3A_1323 = tpu.memref_slice %arg7[%dma_wait3A_1314, %dma_wait3A_1321, %dma_wait3A_1322] : memref<4x2x100xi32, #tpu.memory_space<vmem>> -> memref<1x2x100xi32, #tpu.memory_space<vmem>>
      %dma_wait3A_1324 = tpu.memref_squeeze %dma_wait3A_1323 : memref<1x2x100xi32, #tpu.memory_space<vmem>> -> memref<2x100xi32, #tpu.memory_space<vmem>>
      %dma_wait3A_1325 = arith.constant 0 : i32
      %dma_wait3A_1326 = tpu.memref_slice %arg2[%add3A_1313, %dma_wait3A_1325] : memref<8192x100xi32, #tpu.memory_space<hbm>> -> memref<2x100xi32, #tpu.memory_space<hbm>>
      tpu.wait_dma2 semaphore(%arg9 : memref<!tpu.dma_semaphore, #tpu.memory_space<semaphore_mem>>) src(%dma_wait3A_1326 : memref<2x100xi32, #tpu.memory_space<hbm>>) dst(%dma_wait3A_1324 : memref<2x100xi32, #tpu.memory_space<vmem>>)
      %dma_start3A_1327 = arith.constant 0 : i32
      %dma_start3A_1328 = arith.constant 0 : i32
      %dma_start3A_1329 = arith.constant 0 : i32
      %dma_start3A_1330 = arith.constant 0 : i32
      %dma_start3A_1331 = arith.constant 0 : i32
      %dma_start3A_1332 = tpu.memref_slice %arg8[%dma_start3A_1329, %dma_start3A_1330, %dma_start3A_1331] : memref<4x200x128xf32, #tpu.memory_space<vmem>> -> memref<1x100x128xf32, #tpu.memory_space<vmem>>
      %dma_start3A_1333 = tpu.memref_squeeze %dma_start3A_1332 : memref<1x100x128xf32, #tpu.memory_space<vmem>> -> memref<100x128xf32, #tpu.memory_space<vmem>>
      %dma_start3A_1334 = arith.constant 0 : i32
      %dma_start3A_1335 = tpu.memref_slice %arg7[%dma_start3A_1327, %dma_start3A_1328, %dma_start3A_1334] : memref<4x2x100xi32, #tpu.memory_space<vmem>> -> memref<1x1x100xi32, #tpu.memory_space<vmem>>
      %dma_start3A_1336 = tpu.memref_squeeze %dma_start3A_1335 : memref<1x1x100xi32, #tpu.memory_space<vmem>> -> memref<100xi32, #tpu.memory_space<vmem>>
      %dma_start3A_1337 = arith.constant 0 : i32
      %dma_start3A_1338 = arith.constant 0 : i32
      %dma_start3A_1339 = tpu.memref_slice %arg3[%dma_start3A_1337, %dma_start3A_1338] : memref<100000x128xf32, #tpu.memory_space<hbm>> -> memref<100000x128xf32, #tpu.memory_space<hbm>>
      tpu.enqueue_indirect_dma source(%dma_start3A_1339 : memref<100000x128xf32, #tpu.memory_space<hbm>>) target(%dma_start3A_1333 : memref<100x128xf32, #tpu.memory_space<vmem>>) offsets(%dma_start3A_1336 : memref<100xi32, #tpu.memory_space<vmem>>) semaphore(%arg13 : memref<!tpu.dma_semaphore, #tpu.memory_space<semaphore_mem>>)
      %dma_start3A_1340 = arith.constant 0 : i32
      %dma_start3A_1341 = arith.constant 1 : i32
      %dma_start3A_1342 = arith.constant 0 : i32
      %dma_start3A_1343 = arith.constant 100 : i32
      %dma_start3A_1344 = arith.constant 0 : i32
      %dma_start3A_1345 = tpu.memref_slice %arg8[%dma_start3A_1342, %dma_start3A_1343, %dma_start3A_1344] : memref<4x200x128xf32, #tpu.memory_space<vmem>> -> memref<1x100x128xf32, #tpu.memory_space<vmem>>
      %dma_start3A_1346 = tpu.memref_squeeze %dma_start3A_1345 : memref<1x100x128xf32, #tpu.memory_space<vmem>> -> memref<100x128xf32, #tpu.memory_space<vmem>>
      %dma_start3A_1347 = arith.constant 0 : i32
      %dma_start3A_1348 = tpu.memref_slice %arg7[%dma_start3A_1340, %dma_start3A_1341, %dma_start3A_1347] : memref<4x2x100xi32, #tpu.memory_space<vmem>> -> memref<1x1x100xi32, #tpu.memory_space<vmem>>
      %dma_start3A_1349 = tpu.memref_squeeze %dma_start3A_1348 : memref<1x1x100xi32, #tpu.memory_space<vmem>> -> memref<100xi32, #tpu.memory_space<vmem>>
      %dma_start3A_1350 = arith.constant 0 : i32
      %dma_start3A_1351 = arith.constant 0 : i32
      %dma_start3A_1352 = tpu.memref_slice %arg3[%dma_start3A_1350, %dma_start3A_1351] : memref<100000x128xf32, #tpu.memory_space<hbm>> -> memref<100000x128xf32, #tpu.memory_space<hbm>>
      tpu.enqueue_indirect_dma source(%dma_start3A_1352 : memref<100000x128xf32, #tpu.memory_space<hbm>>) target(%dma_start3A_1346 : memref<100x128xf32, #tpu.memory_space<vmem>>) offsets(%dma_start3A_1349 : memref<100xi32, #tpu.memory_space<vmem>>) semaphore(%arg13 : memref<!tpu.dma_semaphore, #tpu.memory_space<semaphore_mem>>)
      %add3A_1353 = arith.constant 2 : i32
      %add3A_1354 = arith.addi %add3A_1296, %add3A_1353 : i32
      %mul3A_1355 = arith.constant 2 : i32
      %mul3A_1356 = arith.muli %mul3A_1355, %add3A_1354 : i32
      %add3A_1357 = arith.addi %mul3A_4, %mul3A_1356 : i32
      %dma_start3A_1358 = arith.constant 1 : i32
      %dma_start3A_1359 = arith.constant 0 : i32
      %dma_start3A_1360 = arith.constant 0 : i32
      %dma_start3A_1361 = tpu.memref_slice %arg7[%dma_start3A_1358, %dma_start3A_1359, %dma_start3A_1360] : memref<4x2x100xi32, #tpu.memory_space<vmem>> -> memref<1x2x100xi32, #tpu.memory_space<vmem>>
      %dma_start3A_1362 = tpu.memref_squeeze %dma_start3A_1361 : memref<1x2x100xi32, #tpu.memory_space<vmem>> -> memref<2x100xi32, #tpu.memory_space<vmem>>
      %dma_start3A_1363 = arith.constant 0 : i32
      %dma_start3A_1364 = tpu.memref_slice %arg2[%add3A_1357, %dma_start3A_1363] : memref<8192x100xi32, #tpu.memory_space<hbm>> -> memref<2x100xi32, #tpu.memory_space<hbm>>
      %dma_start3A_1365 = arith.constant 0 : i32
      %dma_start3A_1366 = arith.constant 0 : i32
      %dma_start3A_1367 = tpu.memref_slice %arg7[%dma_start3A_1358, %dma_start3A_1365, %dma_start3A_1366] : memref<4x2x100xi32, #tpu.memory_space<vmem>> -> memref<1x2x100xi32, #tpu.memory_space<vmem>>
      %dma_start3A_1368 = tpu.memref_squeeze %dma_start3A_1367 : memref<1x2x100xi32, #tpu.memory_space<vmem>> -> memref<2x100xi32, #tpu.memory_space<vmem>>
      %dma_start3A_1369 = arith.constant 0 : i32
      %dma_start3A_1370 = tpu.memref_slice %arg2[%add3A_1357, %dma_start3A_1369] : memref<8192x100xi32, #tpu.memory_space<hbm>> -> memref<2x100xi32, #tpu.memory_space<hbm>>
      tpu.enqueue_dma source(%dma_start3A_1370 : memref<2x100xi32, #tpu.memory_space<hbm>>) target(%dma_start3A_1368 : memref<2x100xi32, #tpu.memory_space<vmem>>) target_semaphore(%arg10 : memref<!tpu.dma_semaphore, #tpu.memory_space<semaphore_mem>>)
      %dma_wait3A_1371 = arith.constant 3 : i32
      %dma_wait3A_1372 = arith.constant 0 : i32
      %dma_wait3A_1373 = arith.constant 3 : i32
      %dma_wait3A_1374 = arith.constant 0 : i32
      %dma_wait3A_1375 = arith.constant 0 : i32
      %dma_wait3A_1376 = tpu.memref_slice %arg8[%dma_wait3A_1373, %dma_wait3A_1374, %dma_wait3A_1375] : memref<4x200x128xf32, #tpu.memory_space<vmem>> -> memref<1x100x128xf32, #tpu.memory_space<vmem>>
      %dma_wait3A_1377 = tpu.memref_squeeze %dma_wait3A_1376 : memref<1x100x128xf32, #tpu.memory_space<vmem>> -> memref<100x128xf32, #tpu.memory_space<vmem>>
      %dma_wait3A_1378 = arith.constant 0 : i32
      %dma_wait3A_1379 = tpu.memref_slice %arg7[%dma_wait3A_1371, %dma_wait3A_1372, %dma_wait3A_1378] : memref<4x2x100xi32, #tpu.memory_space<vmem>> -> memref<1x1x100xi32, #tpu.memory_space<vmem>>
      %dma_wait3A_1380 = tpu.memref_squeeze %dma_wait3A_1379 : memref<1x1x100xi32, #tpu.memory_space<vmem>> -> memref<100xi32, #tpu.memory_space<vmem>>
      %dma_wait3A_1381 = arith.constant 0 : i32
      %dma_wait3A_1382 = arith.constant 0 : i32
      %dma_wait3A_1383 = tpu.memref_slice %arg3[%dma_wait3A_1381, %dma_wait3A_1382] : memref<100000x128xf32, #tpu.memory_space<hbm>> -> memref<100000x128xf32, #tpu.memory_space<hbm>>
      tpu.wait_indirect_dma semaphore(%arg16 : memref<!tpu.dma_semaphore, #tpu.memory_space<semaphore_mem>>) src(%dma_wait3A_1383 : memref<100000x128xf32, #tpu.memory_space<hbm>>) dst(%dma_wait3A_1377 : memref<100x128xf32, #tpu.memory_space<vmem>>)
      %dma_wait3A_1384 = arith.constant 3 : i32
      %dma_wait3A_1385 = arith.constant 1 : i32
      %dma_wait3A_1386 = arith.constant 3 : i32
      %dma_wait3A_1387 = arith.constant 100 : i32
      %dma_wait3A_1388 = arith.constant 0 : i32
      %dma_wait3A_1389 = tpu.memref_slice %arg8[%dma_wait3A_1386, %dma_wait3A_1387, %dma_wait3A_1388] : memref<4x200x128xf32, #tpu.memory_space<vmem>> -> memref<1x100x128xf32, #tpu.memory_space<vmem>>
      %dma_wait3A_1390 = tpu.memref_squeeze %dma_wait3A_1389 : memref<1x100x128xf32, #tpu.memory_space<vmem>> -> memref<100x128xf32, #tpu.memory_space<vmem>>
      %dma_wait3A_1391 = arith.constant 0 : i32
      %dma_wait3A_1392 = tpu.memref_slice %arg7[%dma_wait3A_1384, %dma_wait3A_1385, %dma_wait3A_1391] : memref<4x2x100xi32, #tpu.memory_space<vmem>> -> memref<1x1x100xi32, #tpu.memory_space<vmem>>
      %dma_wait3A_1393 = tpu.memref_squeeze %dma_wait3A_1392 : memref<1x1x100xi32, #tpu.memory_space<vmem>> -> memref<100xi32, #tpu.memory_space<vmem>>
      %dma_wait3A_1394 = arith.constant 0 : i32
      %dma_wait3A_1395 = arith.constant 0 : i32
      %dma_wait3A_1396 = tpu.memref_slice %arg3[%dma_wait3A_1394, %dma_wait3A_1395] : memref<100000x128xf32, #tpu.memory_space<hbm>> -> memref<100000x128xf32, #tpu.memory_space<hbm>>
      tpu.wait_indirect_dma semaphore(%arg16 : memref<!tpu.dma_semaphore, #tpu.memory_space<semaphore_mem>>) src(%dma_wait3A_1396 : memref<100000x128xf32, #tpu.memory_space<hbm>>) dst(%dma_wait3A_1390 : memref<100x128xf32, #tpu.memory_space<vmem>>)
      %parallel_loop3A_1397 = arith.constant 0 : i32
      %parallel_loop3A_1398 = arith.constant 200 : i32
      %parallel_loop3A_1399 = arith.constant 1 : i32
      scf.for %parallel_loop3A_1416 = %parallel_loop3A_1397 to %parallel_loop3A_1398 step %parallel_loop3A_1399  : i32 {
        %parallel_loop3A_1417 = arith.index_cast %parallel_loop3A_1416 : i32 to index
        %parallel_loop3A_1418 = arith.constant 0 : index
        %parallel_loop3A_1419 = tpu.vector_load %arg6[%parallel_loop3A_1417, %parallel_loop3A_1418] {strides = array<i32>} : memref<200x128xf32, #tpu.memory_space<vmem>>, vector<1x16xf32>,
        %parallel_loop3A_1420 = vector.shape_cast %parallel_loop3A_1419 : vector<1x16xf32> to vector<16xf32>
        %parallel_loop3A_1421 = arith.constant 3 : i32
        %parallel_loop3A_1422 = arith.index_cast %parallel_loop3A_1421 : i32 to index
        %parallel_loop3A_1423 = arith.index_cast %parallel_loop3A_1416 : i32 to index
        %parallel_loop3A_1424 = arith.constant 0 : index
        %parallel_loop3A_1425 = tpu.vector_load %arg8[%parallel_loop3A_1422, %parallel_loop3A_1423, %parallel_loop3A_1424] {strides = array<i32>} : memref<4x200x128xf32, #tpu.memory_space<vmem>>, vector<1x1x16xf32>,
        %parallel_loop3A_1426 = vector.shape_cast %parallel_loop3A_1425 : vector<1x1x16xf32> to vector<16xf32>
        %parallel_loop3A_1427 = vector.shape_cast %parallel_loop3A_1420 : vector<16xf32> to vector<1x1x16xf32>
        tpu.vector_store %arg8[%parallel_loop3A_1422, %parallel_loop3A_1423, %parallel_loop3A_1424], %parallel_loop3A_1427 {add = true, strides = array<i32>} : memref<4x200x128xf32, #tpu.memory_space<vmem>>, vector<1x1x16xf32>,
        %parallel_loop3A_1428 = arith.index_cast %parallel_loop3A_1416 : i32 to index
        %parallel_loop3A_1429 = arith.constant 16 : index
        %parallel_loop3A_1430 = tpu.vector_load %arg6[%parallel_loop3A_1428, %parallel_loop3A_1429] {strides = array<i32>} : memref<200x128xf32, #tpu.memory_space<vmem>>, vector<1x16xf32>,
        %parallel_loop3A_1431 = vector.shape_cast %parallel_loop3A_1430 : vector<1x16xf32> to vector<16xf32>
        %parallel_loop3A_1432 = arith.constant 3 : i32
        %parallel_loop3A_1433 = arith.index_cast %parallel_loop3A_1432 : i32 to index
        %parallel_loop3A_1434 = arith.index_cast %parallel_loop3A_1416 : i32 to index
        %parallel_loop3A_1435 = arith.constant 16 : index
        %parallel_loop3A_1436 = tpu.vector_load %arg8[%parallel_loop3A_1433, %parallel_loop3A_1434, %parallel_loop3A_1435] {strides = array<i32>} : memref<4x200x128xf32, #tpu.memory_space<vmem>>, vector<1x1x16xf32>,
        %parallel_loop3A_1437 = vector.shape_cast %parallel_loop3A_1436 : vector<1x1x16xf32> to vector<16xf32>
        %parallel_loop3A_1438 = vector.shape_cast %parallel_loop3A_1431 : vector<16xf32> to vector<1x1x16xf32>
        tpu.vector_store %arg8[%parallel_loop3A_1433, %parallel_loop3A_1434, %parallel_loop3A_1435], %parallel_loop3A_1438 {add = true, strides = array<i32>} : memref<4x200x128xf32, #tpu.memory_space<vmem>>, vector<1x1x16xf32>,
        %parallel_loop3A_1439 = arith.index_cast %parallel_loop3A_1416 : i32 to index
        %parallel_loop3A_1440 = arith.constant 32 : index
        %parallel_loop3A_1441 = tpu.vector_load %arg6[%parallel_loop3A_1439, %parallel_loop3A_1440] {strides = array<i32>} : memref<200x128xf32, #tpu.memory_space<vmem>>, vector<1x16xf32>,
        %parallel_loop3A_1442 = vector.shape_cast %parallel_loop3A_1441 : vector<1x16xf32> to vector<16xf32>
        %parallel_loop3A_1443 = arith.constant 3 : i32
        %parallel_loop3A_1444 = arith.index_cast %parallel_loop3A_1443 : i32 to index
        %parallel_loop3A_1445 = arith.index_cast %parallel_loop3A_1416 : i32 to index
        %parallel_loop3A_1446 = arith.constant 32 : index
        %parallel_loop3A_1447 = tpu.vector_load %arg8[%parallel_loop3A_1444, %parallel_loop3A_1445, %parallel_loop3A_1446] {strides = array<i32>} : memref<4x200x128xf32, #tpu.memory_space<vmem>>, vector<1x1x16xf32>,
        %parallel_loop3A_1448 = vector.shape_cast %parallel_loop3A_1447 : vector<1x1x16xf32> to vector<16xf32>
        %parallel_loop3A_1449 = vector.shape_cast %parallel_loop3A_1442 : vector<16xf32> to vector<1x1x16xf32>
        tpu.vector_store %arg8[%parallel_loop3A_1444, %parallel_loop3A_1445, %parallel_loop3A_1446], %parallel_loop3A_1449 {add = true, strides = array<i32>} : memref<4x200x128xf32, #tpu.memory_space<vmem>>, vector<1x1x16xf32>,
        %parallel_loop3A_1450 = arith.index_cast %parallel_loop3A_1416 : i32 to index
        %parallel_loop3A_1451 = arith.constant 48 : index
        %parallel_loop3A_1452 = tpu.vector_load %arg6[%parallel_loop3A_1450, %parallel_loop3A_1451] {strides = array<i32>} : memref<200x128xf32, #tpu.memory_space<vmem>>, vector<1x16xf32>,
        %parallel_loop3A_1453 = vector.shape_cast %parallel_loop3A_1452 : vector<1x16xf32> to vector<16xf32>
        %parallel_loop3A_1454 = arith.constant 3 : i32
        %parallel_loop3A_1455 = arith.index_cast %parallel_loop3A_1454 : i32 to index
        %parallel_loop3A_1456 = arith.index_cast %parallel_loop3A_1416 : i32 to index
        %parallel_loop3A_1457 = arith.constant 48 : index
        %parallel_loop3A_1458 = tpu.vector_load %arg8[%parallel_loop3A_1455, %parallel_loop3A_1456, %parallel_loop3A_1457] {strides = array<i32>} : memref<4x200x128xf32, #tpu.memory_space<vmem>>, vector<1x1x16xf32>,
        %parallel_loop3A_1459 = vector.shape_cast %parallel_loop3A_1458 : vector<1x1x16xf32> to vector<16xf32>
        %parallel_loop3A_1460 = vector.shape_cast %parallel_loop3A_1453 : vector<16xf32> to vector<1x1x16xf32>
        tpu.vector_store %arg8[%parallel_loop3A_1455, %parallel_loop3A_1456, %parallel_loop3A_1457], %parallel_loop3A_1460 {add = true, strides = array<i32>} : memref<4x200x128xf32, #tpu.memory_space<vmem>>, vector<1x1x16xf32>,
        %parallel_loop3A_1461 = arith.index_cast %parallel_loop3A_1416 : i32 to index
        %parallel_loop3A_1462 = arith.constant 64 : index
        %parallel_loop3A_1463 = tpu.vector_load %arg6[%parallel_loop3A_1461, %parallel_loop3A_1462] {strides = array<i32>} : memref<200x128xf32, #tpu.memory_space<vmem>>, vector<1x16xf32>,
        %parallel_loop3A_1464 = vector.shape_cast %parallel_loop3A_1463 : vector<1x16xf32> to vector<16xf32>
        %parallel_loop3A_1465 = arith.constant 3 : i32
        %parallel_loop3A_1466 = arith.index_cast %parallel_loop3A_1465 : i32 to index
        %parallel_loop3A_1467 = arith.index_cast %parallel_loop3A_1416 : i32 to index
        %parallel_loop3A_1468 = arith.constant 64 : index
        %parallel_loop3A_1469 = tpu.vector_load %arg8[%parallel_loop3A_1466, %parallel_loop3A_1467, %parallel_loop3A_1468] {strides = array<i32>} : memref<4x200x128xf32, #tpu.memory_space<vmem>>, vector<1x1x16xf32>,
        %parallel_loop3A_1470 = vector.shape_cast %parallel_loop3A_1469 : vector<1x1x16xf32> to vector<16xf32>
        %parallel_loop3A_1471 = vector.shape_cast %parallel_loop3A_1464 : vector<16xf32> to vector<1x1x16xf32>
        tpu.vector_store %arg8[%parallel_loop3A_1466, %parallel_loop3A_1467, %parallel_loop3A_1468], %parallel_loop3A_1471 {add = true, strides = array<i32>} : memref<4x200x128xf32, #tpu.memory_space<vmem>>, vector<1x1x16xf32>,
        %parallel_loop3A_1472 = arith.index_cast %parallel_loop3A_1416 : i32 to index
        %parallel_loop3A_1473 = arith.constant 80 : index
        %parallel_loop3A_1474 = tpu.vector_load %arg6[%parallel_loop3A_1472, %parallel_loop3A_1473] {strides = array<i32>} : memref<200x128xf32, #tpu.memory_space<vmem>>, vector<1x16xf32>,
        %parallel_loop3A_1475 = vector.shape_cast %parallel_loop3A_1474 : vector<1x16xf32> to vector<16xf32>
        %parallel_loop3A_1476 = arith.constant 3 : i32
        %parallel_loop3A_1477 = arith.index_cast %parallel_loop3A_1476 : i32 to index
        %parallel_loop3A_1478 = arith.index_cast %parallel_loop3A_1416 : i32 to index
        %parallel_loop3A_1479 = arith.constant 80 : index
        %parallel_loop3A_1480 = tpu.vector_load %arg8[%parallel_loop3A_1477, %parallel_loop3A_1478, %parallel_loop3A_1479] {strides = array<i32>} : memref<4x200x128xf32, #tpu.memory_space<vmem>>, vector<1x1x16xf32>,
        %parallel_loop3A_1481 = vector.shape_cast %parallel_loop3A_1480 : vector<1x1x16xf32> to vector<16xf32>
        %parallel_loop3A_1482 = vector.shape_cast %parallel_loop3A_1475 : vector<16xf32> to vector<1x1x16xf32>
        tpu.vector_store %arg8[%parallel_loop3A_1477, %parallel_loop3A_1478, %parallel_loop3A_1479], %parallel_loop3A_1482 {add = true, strides = array<i32>} : memref<4x200x128xf32, #tpu.memory_space<vmem>>, vector<1x1x16xf32>,
        %parallel_loop3A_1483 = arith.index_cast %parallel_loop3A_1416 : i32 to index
        %parallel_loop3A_1484 = arith.constant 96 : index
        %parallel_loop3A_1485 = tpu.vector_load %arg6[%parallel_loop3A_1483, %parallel_loop3A_1484] {strides = array<i32>} : memref<200x128xf32, #tpu.memory_space<vmem>>, vector<1x16xf32>,
        %parallel_loop3A_1486 = vector.shape_cast %parallel_loop3A_1485 : vector<1x16xf32> to vector<16xf32>
        %parallel_loop3A_1487 = arith.constant 3 : i32
        %parallel_loop3A_1488 = arith.index_cast %parallel_loop3A_1487 : i32 to index
        %parallel_loop3A_1489 = arith.index_cast %parallel_loop3A_1416 : i32 to index
        %parallel_loop3A_1490 = arith.constant 96 : index
        %parallel_loop3A_1491 = tpu.vector_load %arg8[%parallel_loop3A_1488, %parallel_loop3A_1489, %parallel_loop3A_1490] {strides = array<i32>} : memref<4x200x128xf32, #tpu.memory_space<vmem>>, vector<1x1x16xf32>,
        %parallel_loop3A_1492 = vector.shape_cast %parallel_loop3A_1491 : vector<1x1x16xf32> to vector<16xf32>
        %parallel_loop3A_1493 = vector.shape_cast %parallel_loop3A_1486 : vector<16xf32> to vector<1x1x16xf32>
        tpu.vector_store %arg8[%parallel_loop3A_1488, %parallel_loop3A_1489, %parallel_loop3A_1490], %parallel_loop3A_1493 {add = true, strides = array<i32>} : memref<4x200x128xf32, #tpu.memory_space<vmem>>, vector<1x1x16xf32>,
        %parallel_loop3A_1494 = arith.index_cast %parallel_loop3A_1416 : i32 to index
        %parallel_loop3A_1495 = arith.constant 112 : index
        %parallel_loop3A_1496 = tpu.vector_load %arg6[%parallel_loop3A_1494, %parallel_loop3A_1495] {strides = array<i32>} : memref<200x128xf32, #tpu.memory_space<vmem>>, vector<1x16xf32>,
        %parallel_loop3A_1497 = vector.shape_cast %parallel_loop3A_1496 : vector<1x16xf32> to vector<16xf32>
        %parallel_loop3A_1498 = arith.constant 3 : i32
        %parallel_loop3A_1499 = arith.index_cast %parallel_loop3A_1498 : i32 to index
        %parallel_loop3A_1500 = arith.index_cast %parallel_loop3A_1416 : i32 to index
        %parallel_loop3A_1501 = arith.constant 112 : index
        %parallel_loop3A_1502 = tpu.vector_load %arg8[%parallel_loop3A_1499, %parallel_loop3A_1500, %parallel_loop3A_1501] {strides = array<i32>} : memref<4x200x128xf32, #tpu.memory_space<vmem>>, vector<1x1x16xf32>,
        %parallel_loop3A_1503 = vector.shape_cast %parallel_loop3A_1502 : vector<1x1x16xf32> to vector<16xf32>
        %parallel_loop3A_1504 = vector.shape_cast %parallel_loop3A_1497 : vector<16xf32> to vector<1x1x16xf32>
        tpu.vector_store %arg8[%parallel_loop3A_1499, %parallel_loop3A_1500, %parallel_loop3A_1501], %parallel_loop3A_1504 {add = true, strides = array<i32>} : memref<4x200x128xf32, #tpu.memory_space<vmem>>, vector<1x1x16xf32>,
      } {sc.loop_unroll_factor = 4 : i64, sc.parallel_access}
      %mul3A_1400 = arith.constant 200 : i32
      %mul3A_1401 = arith.muli %add3A_1296, %mul3A_1400 : i32
      %add3A_1402 = arith.addi %mul3A_2, %mul3A_1401 : i32
      %dma_start3A_1403 = arith.constant 3 : i32
      %dma_start3A_1404 = arith.constant 0 : i32
      %dma_start3A_1405 = arith.constant 0 : i32
      %dma_start3A_1406 = tpu.memref_slice %arg8[%dma_start3A_1403, %dma_start3A_1404, %dma_start3A_1405] : memref<4x200x128xf32, #tpu.memory_space<vmem>> -> memref<1x200x128xf32, #tpu.memory_space<vmem>>
      %dma_start3A_1407 = tpu.memref_squeeze %dma_start3A_1406 : memref<1x200x128xf32, #tpu.memory_space<vmem>> -> memref<200x128xf32, #tpu.memory_space<vmem>>
      %dma_start3A_1408 = arith.constant 0 : i32
      %dma_start3A_1409 = tpu.memref_slice %arg5[%add3A_1402, %dma_start3A_1408] : memref<819200x128xf32, #tpu.memory_space<hbm>> -> memref<200x128xf32, #tpu.memory_space<hbm>>
      %dma_start3A_1410 = arith.constant 0 : i32
      %dma_start3A_1411 = tpu.memref_slice %arg5[%add3A_1402, %dma_start3A_1410] : memref<819200x128xf32, #tpu.memory_space<hbm>> -> memref<200x128xf32, #tpu.memory_space<hbm>>
      %dma_start3A_1412 = arith.constant 0 : i32
      %dma_start3A_1413 = arith.constant 0 : i32
      %dma_start3A_1414 = tpu.memref_slice %arg8[%dma_start3A_1403, %dma_start3A_1412, %dma_start3A_1413] : memref<4x200x128xf32, #tpu.memory_space<vmem>> -> memref<1x200x128xf32, #tpu.memory_space<vmem>>
      %dma_start3A_1415 = tpu.memref_squeeze %dma_start3A_1414 : memref<1x200x128xf32, #tpu.memory_space<vmem>> -> memref<200x128xf32, #tpu.memory_space<vmem>>
      tpu.enqueue_dma source(%dma_start3A_1415 : memref<200x128xf32, #tpu.memory_space<vmem>>) target(%dma_start3A_1411 : memref<200x128xf32, #tpu.memory_space<hbm>>) target_semaphore(%arg20 : memref<!tpu.dma_semaphore, #tpu.memory_space<semaphore_mem>>)
    }
    %scan3A_492 = arith.constant 30 : i32
    %add3A_493 = arith.constant 0 : i32
    %add3A_494 = arith.addi %mul3A_2, %add3A_493 : i32
    %dma_wait3A_495 = arith.constant 1 : i32
    %dma_wait3A_496 = arith.constant 0 : i32
    %dma_wait3A_497 = arith.constant 0 : i32
    %dma_wait3A_498 = tpu.memref_slice %arg8[%dma_wait3A_495, %dma_wait3A_496, %dma_wait3A_497] : memref<4x200x128xf32, #tpu.memory_space<vmem>> -> memref<1x200x128xf32, #tpu.memory_space<vmem>>
    %dma_wait3A_499 = tpu.memref_squeeze %dma_wait3A_498 : memref<1x200x128xf32, #tpu.memory_space<vmem>> -> memref<200x128xf32, #tpu.memory_space<vmem>>
    %dma_wait3A_500 = arith.constant 0 : i32
    %dma_wait3A_501 = tpu.memref_slice %arg5[%add3A_494, %dma_wait3A_500] : memref<819200x128xf32, #tpu.memory_space<hbm>> -> memref<200x128xf32, #tpu.memory_space<hbm>>
    %dma_wait3A_502 = arith.constant 0 : i32
    %dma_wait3A_503 = tpu.memref_slice %arg5[%add3A_494, %dma_wait3A_502] : memref<819200x128xf32, #tpu.memory_space<hbm>> -> memref<200x128xf32, #tpu.memory_space<hbm>>
    %dma_wait3A_504 = arith.constant 0 : i32
    %dma_wait3A_505 = arith.constant 0 : i32
    %dma_wait3A_506 = tpu.memref_slice %arg8[%dma_wait3A_495, %dma_wait3A_504, %dma_wait3A_505] : memref<4x200x128xf32, #tpu.memory_space<vmem>> -> memref<1x200x128xf32, #tpu.memory_space<vmem>>
    %dma_wait3A_507 = tpu.memref_squeeze %dma_wait3A_506 : memref<1x200x128xf32, #tpu.memory_space<vmem>> -> memref<200x128xf32, #tpu.memory_space<vmem>>
    tpu.wait_dma2 semaphore(%arg18 : memref<!tpu.dma_semaphore, #tpu.memory_space<semaphore_mem>>) src(%dma_wait3A_507 : memref<200x128xf32, #tpu.memory_space<vmem>>) dst(%dma_wait3A_503 : memref<200x128xf32, #tpu.memory_space<hbm>>)
    %add3A_508 = arith.constant 0 : i32
    %add3A_509 = arith.addi %mul3A_4, %add3A_508 : i32
    %dma_wait3A_510 = arith.constant 1 : i32
    %dma_wait3A_511 = arith.constant 0 : i32
    %dma_wait3A_512 = arith.constant 0 : i32
    %dma_wait3A_513 = tpu.memref_slice %arg7[%dma_wait3A_510, %dma_wait3A_511, %dma_wait3A_512] : memref<4x2x100xi32, #tpu.memory_space<vmem>> -> memref<1x2x100xi32, #tpu.memory_space<vmem>>
    %dma_wait3A_514 = tpu.memref_squeeze %dma_wait3A_513 : memref<1x2x100xi32, #tpu.memory_space<vmem>> -> memref<2x100xi32, #tpu.memory_space<vmem>>
    %dma_wait3A_515 = arith.constant 0 : i32
    %dma_wait3A_516 = tpu.memref_slice %arg2[%add3A_509, %dma_wait3A_515] : memref<8192x100xi32, #tpu.memory_space<hbm>> -> memref<2x100xi32, #tpu.memory_space<hbm>>
    %dma_wait3A_517 = arith.constant 0 : i32
    %dma_wait3A_518 = arith.constant 0 : i32
    %dma_wait3A_519 = tpu.memref_slice %arg7[%dma_wait3A_510, %dma_wait3A_517, %dma_wait3A_518] : memref<4x2x100xi32, #tpu.memory_space<vmem>> -> memref<1x2x100xi32, #tpu.memory_space<vmem>>
    %dma_wait3A_520 = tpu.memref_squeeze %dma_wait3A_519 : memref<1x2x100xi32, #tpu.memory_space<vmem>> -> memref<2x100xi32, #tpu.memory_space<vmem>>
    %dma_wait3A_521 = arith.constant 0 : i32
    %dma_wait3A_522 = tpu.memref_slice %arg2[%add3A_509, %dma_wait3A_521] : memref<8192x100xi32, #tpu.memory_space<hbm>> -> memref<2x100xi32, #tpu.memory_space<hbm>>
    tpu.wait_dma2 semaphore(%arg10 : memref<!tpu.dma_semaphore, #tpu.memory_space<semaphore_mem>>) src(%dma_wait3A_522 : memref<2x100xi32, #tpu.memory_space<hbm>>) dst(%dma_wait3A_520 : memref<2x100xi32, #tpu.memory_space<vmem>>)
    %dma_start3A_523 = arith.constant 1 : i32
    %dma_start3A_524 = arith.constant 0 : i32
    %dma_start3A_525 = arith.constant 1 : i32
    %dma_start3A_526 = arith.constant 0 : i32
    %dma_start3A_527 = arith.constant 0 : i32
    %dma_start3A_528 = tpu.memref_slice %arg8[%dma_start3A_525, %dma_start3A_526, %dma_start3A_527] : memref<4x200x128xf32, #tpu.memory_space<vmem>> -> memref<1x100x128xf32, #tpu.memory_space<vmem>>
    %dma_start3A_529 = tpu.memref_squeeze %dma_start3A_528 : memref<1x100x128xf32, #tpu.memory_space<vmem>> -> memref<100x128xf32, #tpu.memory_space<vmem>>
    %dma_start3A_530 = arith.constant 0 : i32
    %dma_start3A_531 = tpu.memref_slice %arg7[%dma_start3A_523, %dma_start3A_524, %dma_start3A_530] : memref<4x2x100xi32, #tpu.memory_space<vmem>> -> memref<1x1x100xi32, #tpu.memory_space<vmem>>
    %dma_start3A_532 = tpu.memref_squeeze %dma_start3A_531 : memref<1x1x100xi32, #tpu.memory_space<vmem>> -> memref<100xi32, #tpu.memory_space<vmem>>
    %dma_start3A_533 = arith.constant 0 : i32
    %dma_start3A_534 = arith.constant 0 : i32
    %dma_start3A_535 = tpu.memref_slice %arg3[%dma_start3A_533, %dma_start3A_534] : memref<100000x128xf32, #tpu.memory_space<hbm>> -> memref<100000x128xf32, #tpu.memory_space<hbm>>
    tpu.enqueue_indirect_dma source(%dma_start3A_535 : memref<100000x128xf32, #tpu.memory_space<hbm>>) target(%dma_start3A_529 : memref<100x128xf32, #tpu.memory_space<vmem>>) offsets(%dma_start3A_532 : memref<100xi32, #tpu.memory_space<vmem>>) semaphore(%arg14 : memref<!tpu.dma_semaphore, #tpu.memory_space<semaphore_mem>>)
    %dma_start3A_536 = arith.constant 1 : i32
    %dma_start3A_537 = arith.constant 1 : i32
    %dma_start3A_538 = arith.constant 1 : i32
    %dma_start3A_539 = arith.constant 100 : i32
    %dma_start3A_540 = arith.constant 0 : i32
    %dma_start3A_541 = tpu.memref_slice %arg8[%dma_start3A_538, %dma_start3A_539, %dma_start3A_540] : memref<4x200x128xf32, #tpu.memory_space<vmem>> -> memref<1x100x128xf32, #tpu.memory_space<vmem>>
    %dma_start3A_542 = tpu.memref_squeeze %dma_start3A_541 : memref<1x100x128xf32, #tpu.memory_space<vmem>> -> memref<100x128xf32, #tpu.memory_space<vmem>>
    %dma_start3A_543 = arith.constant 0 : i32
    %dma_start3A_544 = tpu.memref_slice %arg7[%dma_start3A_536, %dma_start3A_537, %dma_start3A_543] : memref<4x2x100xi32, #tpu.memory_space<vmem>> -> memref<1x1x100xi32, #tpu.memory_space<vmem>>
    %dma_start3A_545 = tpu.memref_squeeze %dma_start3A_544 : memref<1x1x100xi32, #tpu.memory_space<vmem>> -> memref<100xi32, #tpu.memory_space<vmem>>
    %dma_start3A_546 = arith.constant 0 : i32
    %dma_start3A_547 = arith.constant 0 : i32
    %dma_start3A_548 = tpu.memref_slice %arg3[%dma_start3A_546, %dma_start3A_547] : memref<100000x128xf32, #tpu.memory_space<hbm>> -> memref<100000x128xf32, #tpu.memory_space<hbm>>
    tpu.enqueue_indirect_dma source(%dma_start3A_548 : memref<100000x128xf32, #tpu.memory_space<hbm>>) target(%dma_start3A_542 : memref<100x128xf32, #tpu.memory_space<vmem>>) offsets(%dma_start3A_545 : memref<100xi32, #tpu.memory_space<vmem>>) semaphore(%arg14 : memref<!tpu.dma_semaphore, #tpu.memory_space<semaphore_mem>>)
    %add3A_549 = arith.constant 252 : i32
    %add3A_550 = arith.addi %mul3A_4, %add3A_549 : i32
    %dma_start3A_551 = arith.constant 2 : i32
    %dma_start3A_552 = arith.constant 0 : i32
    %dma_start3A_553 = arith.constant 0 : i32
    %dma_start3A_554 = tpu.memref_slice %arg7[%dma_start3A_551, %dma_start3A_552, %dma_start3A_553] : memref<4x2x100xi32, #tpu.memory_space<vmem>> -> memref<1x2x100xi32, #tpu.memory_space<vmem>>
    %dma_start3A_555 = tpu.memref_squeeze %dma_start3A_554 : memref<1x2x100xi32, #tpu.memory_space<vmem>> -> memref<2x100xi32, #tpu.memory_space<vmem>>
    %dma_start3A_556 = arith.constant 0 : i32
    %dma_start3A_557 = tpu.memref_slice %arg2[%add3A_550, %dma_start3A_556] : memref<8192x100xi32, #tpu.memory_space<hbm>> -> memref<2x100xi32, #tpu.memory_space<hbm>>
    %dma_start3A_558 = arith.constant 0 : i32
    %dma_start3A_559 = arith.constant 0 : i32
    %dma_start3A_560 = tpu.memref_slice %arg7[%dma_start3A_551, %dma_start3A_558, %dma_start3A_559] : memref<4x2x100xi32, #tpu.memory_space<vmem>> -> memref<1x2x100xi32, #tpu.memory_space<vmem>>
    %dma_start3A_561 = tpu.memref_squeeze %dma_start3A_560 : memref<1x2x100xi32, #tpu.memory_space<vmem>> -> memref<2x100xi32, #tpu.memory_space<vmem>>
    %dma_start3A_562 = arith.constant 0 : i32
    %dma_start3A_563 = tpu.memref_slice %arg2[%add3A_550, %dma_start3A_562] : memref<8192x100xi32, #tpu.memory_space<hbm>> -> memref<2x100xi32, #tpu.memory_space<hbm>>
    tpu.enqueue_dma source(%dma_start3A_563 : memref<2x100xi32, #tpu.memory_space<hbm>>) target(%dma_start3A_561 : memref<2x100xi32, #tpu.memory_space<vmem>>) target_semaphore(%arg11 : memref<!tpu.dma_semaphore, #tpu.memory_space<semaphore_mem>>)
    %dma_wait3A_564 = arith.constant 0 : i32
    %dma_wait3A_565 = arith.constant 0 : i32
    %dma_wait3A_566 = arith.constant 0 : i32
    %dma_wait3A_567 = arith.constant 0 : i32
    %dma_wait3A_568 = arith.constant 0 : i32
    %dma_wait3A_569 = tpu.memref_slice %arg8[%dma_wait3A_566, %dma_wait3A_567, %dma_wait3A_568] : memref<4x200x128xf32, #tpu.memory_space<vmem>> -> memref<1x100x128xf32, #tpu.memory_space<vmem>>
    %dma_wait3A_570 = tpu.memref_squeeze %dma_wait3A_569 : memref<1x100x128xf32, #tpu.memory_space<vmem>> -> memref<100x128xf32, #tpu.memory_space<vmem>>
    %dma_wait3A_571 = arith.constant 0 : i32
    %dma_wait3A_572 = tpu.memref_slice %arg7[%dma_wait3A_564, %dma_wait3A_565, %dma_wait3A_571] : memref<4x2x100xi32, #tpu.memory_space<vmem>> -> memref<1x1x100xi32, #tpu.memory_space<vmem>>
    %dma_wait3A_573 = tpu.memref_squeeze %dma_wait3A_572 : memref<1x1x100xi32, #tpu.memory_space<vmem>> -> memref<100xi32, #tpu.memory_space<vmem>>
    %dma_wait3A_574 = arith.constant 0 : i32
    %dma_wait3A_575 = arith.constant 0 : i32
    %dma_wait3A_576 = tpu.memref_slice %arg3[%dma_wait3A_574, %dma_wait3A_575] : memref<100000x128xf32, #tpu.memory_space<hbm>> -> memref<100000x128xf32, #tpu.memory_space<hbm>>
    tpu.wait_indirect_dma semaphore(%arg13 : memref<!tpu.dma_semaphore, #tpu.memory_space<semaphore_mem>>) src(%dma_wait3A_576 : memref<100000x128xf32, #tpu.memory_space<hbm>>) dst(%dma_wait3A_570 : memref<100x128xf32, #tpu.memory_space<vmem>>)
    %dma_wait3A_577 = arith.constant 0 : i32
    %dma_wait3A_578 = arith.constant 1 : i32
    %dma_wait3A_579 = arith.constant 0 : i32
    %dma_wait3A_580 = arith.constant 100 : i32
    %dma_wait3A_581 = arith.constant 0 : i32
    %dma_wait3A_582 = tpu.memref_slice %arg8[%dma_wait3A_579, %dma_wait3A_580, %dma_wait3A_581] : memref<4x200x128xf32, #tpu.memory_space<vmem>> -> memref<1x100x128xf32, #tpu.memory_space<vmem>>
    %dma_wait3A_583 = tpu.memref_squeeze %dma_wait3A_582 : memref<1x100x128xf32, #tpu.memory_space<vmem>> -> memref<100x128xf32, #tpu.memory_space<vmem>>
    %dma_wait3A_584 = arith.constant 0 : i32
    %dma_wait3A_585 = tpu.memref_slice %arg7[%dma_wait3A_577, %dma_wait3A_578, %dma_wait3A_584] : memref<4x2x100xi32, #tpu.memory_space<vmem>> -> memref<1x1x100xi32, #tpu.memory_space<vmem>>
    %dma_wait3A_586 = tpu.memref_squeeze %dma_wait3A_585 : memref<1x1x100xi32, #tpu.memory_space<vmem>> -> memref<100xi32, #tpu.memory_space<vmem>>
    %dma_wait3A_587 = arith.constant 0 : i32
    %dma_wait3A_588 = arith.constant 0 : i32
    %dma_wait3A_589 = tpu.memref_slice %arg3[%dma_wait3A_587, %dma_wait3A_588] : memref<100000x128xf32, #tpu.memory_space<hbm>> -> memref<100000x128xf32, #tpu.memory_space<hbm>>
    tpu.wait_indirect_dma semaphore(%arg13 : memref<!tpu.dma_semaphore, #tpu.memory_space<semaphore_mem>>) src(%dma_wait3A_589 : memref<100000x128xf32, #tpu.memory_space<hbm>>) dst(%dma_wait3A_583 : memref<100x128xf32, #tpu.memory_space<vmem>>)
    %parallel_loop3A_590 = arith.constant 0 : i32
    %parallel_loop3A_591 = arith.constant 200 : i32
    %parallel_loop3A_592 = arith.constant 1 : i32
    scf.for %parallel_loop3A_927 = %parallel_loop3A_590 to %parallel_loop3A_591 step %parallel_loop3A_592  : i32 {
      %parallel_loop3A_928 = arith.index_cast %parallel_loop3A_927 : i32 to index
      %parallel_loop3A_929 = arith.constant 0 : index
      %parallel_loop3A_930 = tpu.vector_load %arg6[%parallel_loop3A_928, %parallel_loop3A_929] {strides = array<i32>} : memref<200x128xf32, #tpu.memory_space<vmem>>, vector<1x16xf32>,
      %parallel_loop3A_931 = vector.shape_cast %parallel_loop3A_930 : vector<1x16xf32> to vector<16xf32>
      %parallel_loop3A_932 = arith.constant 0 : i32
      %parallel_loop3A_933 = arith.index_cast %parallel_loop3A_932 : i32 to index
      %parallel_loop3A_934 = arith.index_cast %parallel_loop3A_927 : i32 to index
      %parallel_loop3A_935 = arith.constant 0 : index
      %parallel_loop3A_936 = tpu.vector_load %arg8[%parallel_loop3A_933, %parallel_loop3A_934, %parallel_loop3A_935] {strides = array<i32>} : memref<4x200x128xf32, #tpu.memory_space<vmem>>, vector<1x1x16xf32>,
      %parallel_loop3A_937 = vector.shape_cast %parallel_loop3A_936 : vector<1x1x16xf32> to vector<16xf32>
      %parallel_loop3A_938 = vector.shape_cast %parallel_loop3A_931 : vector<16xf32> to vector<1x1x16xf32>
      tpu.vector_store %arg8[%parallel_loop3A_933, %parallel_loop3A_934, %parallel_loop3A_935], %parallel_loop3A_938 {add = true, strides = array<i32>} : memref<4x200x128xf32, #tpu.memory_space<vmem>>, vector<1x1x16xf32>,
      %parallel_loop3A_939 = arith.index_cast %parallel_loop3A_927 : i32 to index
      %parallel_loop3A_940 = arith.constant 16 : index
      %parallel_loop3A_941 = tpu.vector_load %arg6[%parallel_loop3A_939, %parallel_loop3A_940] {strides = array<i32>} : memref<200x128xf32, #tpu.memory_space<vmem>>, vector<1x16xf32>,
      %parallel_loop3A_942 = vector.shape_cast %parallel_loop3A_941 : vector<1x16xf32> to vector<16xf32>
      %parallel_loop3A_943 = arith.constant 0 : i32
      %parallel_loop3A_944 = arith.index_cast %parallel_loop3A_943 : i32 to index
      %parallel_loop3A_945 = arith.index_cast %parallel_loop3A_927 : i32 to index
      %parallel_loop3A_946 = arith.constant 16 : index
      %parallel_loop3A_947 = tpu.vector_load %arg8[%parallel_loop3A_944, %parallel_loop3A_945, %parallel_loop3A_946] {strides = array<i32>} : memref<4x200x128xf32, #tpu.memory_space<vmem>>, vector<1x1x16xf32>,
      %parallel_loop3A_948 = vector.shape_cast %parallel_loop3A_947 : vector<1x1x16xf32> to vector<16xf32>
      %parallel_loop3A_949 = vector.shape_cast %parallel_loop3A_942 : vector<16xf32> to vector<1x1x16xf32>
      tpu.vector_store %arg8[%parallel_loop3A_944, %parallel_loop3A_945, %parallel_loop3A_946], %parallel_loop3A_949 {add = true, strides = array<i32>} : memref<4x200x128xf32, #tpu.memory_space<vmem>>, vector<1x1x16xf32>,
      %parallel_loop3A_950 = arith.index_cast %parallel_loop3A_927 : i32 to index
      %parallel_loop3A_951 = arith.constant 32 : index
      %parallel_loop3A_952 = tpu.vector_load %arg6[%parallel_loop3A_950, %parallel_loop3A_951] {strides = array<i32>} : memref<200x128xf32, #tpu.memory_space<vmem>>, vector<1x16xf32>,
      %parallel_loop3A_953 = vector.shape_cast %parallel_loop3A_952 : vector<1x16xf32> to vector<16xf32>
      %parallel_loop3A_954 = arith.constant 0 : i32
      %parallel_loop3A_955 = arith.index_cast %parallel_loop3A_954 : i32 to index
      %parallel_loop3A_956 = arith.index_cast %parallel_loop3A_927 : i32 to index
      %parallel_loop3A_957 = arith.constant 32 : index
      %parallel_loop3A_958 = tpu.vector_load %arg8[%parallel_loop3A_955, %parallel_loop3A_956, %parallel_loop3A_957] {strides = array<i32>} : memref<4x200x128xf32, #tpu.memory_space<vmem>>, vector<1x1x16xf32>,
      %parallel_loop3A_959 = vector.shape_cast %parallel_loop3A_958 : vector<1x1x16xf32> to vector<16xf32>
      %parallel_loop3A_960 = vector.shape_cast %parallel_loop3A_953 : vector<16xf32> to vector<1x1x16xf32>
      tpu.vector_store %arg8[%parallel_loop3A_955, %parallel_loop3A_956, %parallel_loop3A_957], %parallel_loop3A_960 {add = true, strides = array<i32>} : memref<4x200x128xf32, #tpu.memory_space<vmem>>, vector<1x1x16xf32>,
      %parallel_loop3A_961 = arith.index_cast %parallel_loop3A_927 : i32 to index
      %parallel_loop3A_962 = arith.constant 48 : index
      %parallel_loop3A_963 = tpu.vector_load %arg6[%parallel_loop3A_961, %parallel_loop3A_962] {strides = array<i32>} : memref<200x128xf32, #tpu.memory_space<vmem>>, vector<1x16xf32>,
      %parallel_loop3A_964 = vector.shape_cast %parallel_loop3A_963 : vector<1x16xf32> to vector<16xf32>
      %parallel_loop3A_965 = arith.constant 0 : i32
      %parallel_loop3A_966 = arith.index_cast %parallel_loop3A_965 : i32 to index
      %parallel_loop3A_967 = arith.index_cast %parallel_loop3A_927 : i32 to index
      %parallel_loop3A_968 = arith.constant 48 : index
      %parallel_loop3A_969 = tpu.vector_load %arg8[%parallel_loop3A_966, %parallel_loop3A_967, %parallel_loop3A_968] {strides = array<i32>} : memref<4x200x128xf32, #tpu.memory_space<vmem>>, vector<1x1x16xf32>,
      %parallel_loop3A_970 = vector.shape_cast %parallel_loop3A_969 : vector<1x1x16xf32> to vector<16xf32>
      %parallel_loop3A_971 = vector.shape_cast %parallel_loop3A_964 : vector<16xf32> to vector<1x1x16xf32>
      tpu.vector_store %arg8[%parallel_loop3A_966, %parallel_loop3A_967, %parallel_loop3A_968], %parallel_loop3A_971 {add = true, strides = array<i32>} : memref<4x200x128xf32, #tpu.memory_space<vmem>>, vector<1x1x16xf32>,
      %parallel_loop3A_972 = arith.index_cast %parallel_loop3A_927 : i32 to index
      %parallel_loop3A_973 = arith.constant 64 : index
      %parallel_loop3A_974 = tpu.vector_load %arg6[%parallel_loop3A_972, %parallel_loop3A_973] {strides = array<i32>} : memref<200x128xf32, #tpu.memory_space<vmem>>, vector<1x16xf32>,
      %parallel_loop3A_975 = vector.shape_cast %parallel_loop3A_974 : vector<1x16xf32> to vector<16xf32>
      %parallel_loop3A_976 = arith.constant 0 : i32
      %parallel_loop3A_977 = arith.index_cast %parallel_loop3A_976 : i32 to index
      %parallel_loop3A_978 = arith.index_cast %parallel_loop3A_927 : i32 to index
      %parallel_loop3A_979 = arith.constant 64 : index
      %parallel_loop3A_980 = tpu.vector_load %arg8[%parallel_loop3A_977, %parallel_loop3A_978, %parallel_loop3A_979] {strides = array<i32>} : memref<4x200x128xf32, #tpu.memory_space<vmem>>, vector<1x1x16xf32>,
      %parallel_loop3A_981 = vector.shape_cast %parallel_loop3A_980 : vector<1x1x16xf32> to vector<16xf32>
      %parallel_loop3A_982 = vector.shape_cast %parallel_loop3A_975 : vector<16xf32> to vector<1x1x16xf32>
      tpu.vector_store %arg8[%parallel_loop3A_977, %parallel_loop3A_978, %parallel_loop3A_979], %parallel_loop3A_982 {add = true, strides = array<i32>} : memref<4x200x128xf32, #tpu.memory_space<vmem>>, vector<1x1x16xf32>,
      %parallel_loop3A_983 = arith.index_cast %parallel_loop3A_927 : i32 to index
      %parallel_loop3A_984 = arith.constant 80 : index
      %parallel_loop3A_985 = tpu.vector_load %arg6[%parallel_loop3A_983, %parallel_loop3A_984] {strides = array<i32>} : memref<200x128xf32, #tpu.memory_space<vmem>>, vector<1x16xf32>,
      %parallel_loop3A_986 = vector.shape_cast %parallel_loop3A_985 : vector<1x16xf32> to vector<16xf32>
      %parallel_loop3A_987 = arith.constant 0 : i32
      %parallel_loop3A_988 = arith.index_cast %parallel_loop3A_987 : i32 to index
      %parallel_loop3A_989 = arith.index_cast %parallel_loop3A_927 : i32 to index
      %parallel_loop3A_990 = arith.constant 80 : index
      %parallel_loop3A_991 = tpu.vector_load %arg8[%parallel_loop3A_988, %parallel_loop3A_989, %parallel_loop3A_990] {strides = array<i32>} : memref<4x200x128xf32, #tpu.memory_space<vmem>>, vector<1x1x16xf32>,
      %parallel_loop3A_992 = vector.shape_cast %parallel_loop3A_991 : vector<1x1x16xf32> to vector<16xf32>
      %parallel_loop3A_993 = vector.shape_cast %parallel_loop3A_986 : vector<16xf32> to vector<1x1x16xf32>
      tpu.vector_store %arg8[%parallel_loop3A_988, %parallel_loop3A_989, %parallel_loop3A_990], %parallel_loop3A_993 {add = true, strides = array<i32>} : memref<4x200x128xf32, #tpu.memory_space<vmem>>, vector<1x1x16xf32>,
      %parallel_loop3A_994 = arith.index_cast %parallel_loop3A_927 : i32 to index
      %parallel_loop3A_995 = arith.constant 96 : index
      %parallel_loop3A_996 = tpu.vector_load %arg6[%parallel_loop3A_994, %parallel_loop3A_995] {strides = array<i32>} : memref<200x128xf32, #tpu.memory_space<vmem>>, vector<1x16xf32>,
      %parallel_loop3A_997 = vector.shape_cast %parallel_loop3A_996 : vector<1x16xf32> to vector<16xf32>
      %parallel_loop3A_998 = arith.constant 0 : i32
      %parallel_loop3A_999 = arith.index_cast %parallel_loop3A_998 : i32 to index
      %parallel_loop3A_1000 = arith.index_cast %parallel_loop3A_927 : i32 to index
      %parallel_loop3A_1001 = arith.constant 96 : index
      %parallel_loop3A_1002 = tpu.vector_load %arg8[%parallel_loop3A_999, %parallel_loop3A_1000, %parallel_loop3A_1001] {strides = array<i32>} : memref<4x200x128xf32, #tpu.memory_space<vmem>>, vector<1x1x16xf32>,
      %parallel_loop3A_1003 = vector.shape_cast %parallel_loop3A_1002 : vector<1x1x16xf32> to vector<16xf32>
      %parallel_loop3A_1004 = vector.shape_cast %parallel_loop3A_997 : vector<16xf32> to vector<1x1x16xf32>
      tpu.vector_store %arg8[%parallel_loop3A_999, %parallel_loop3A_1000, %parallel_loop3A_1001], %parallel_loop3A_1004 {add = true, strides = array<i32>} : memref<4x200x128xf32, #tpu.memory_space<vmem>>, vector<1x1x16xf32>,
      %parallel_loop3A_1005 = arith.index_cast %parallel_loop3A_927 : i32 to index
      %parallel_loop3A_1006 = arith.constant 112 : index
      %parallel_loop3A_1007 = tpu.vector_load %arg6[%parallel_loop3A_1005, %parallel_loop3A_1006] {strides = array<i32>} : memref<200x128xf32, #tpu.memory_space<vmem>>, vector<1x16xf32>,
      %parallel_loop3A_1008 = vector.shape_cast %parallel_loop3A_1007 : vector<1x16xf32> to vector<16xf32>
      %parallel_loop3A_1009 = arith.constant 0 : i32
      %parallel_loop3A_1010 = arith.index_cast %parallel_loop3A_1009 : i32 to index
      %parallel_loop3A_1011 = arith.index_cast %parallel_loop3A_927 : i32 to index
      %parallel_loop3A_1012 = arith.constant 112 : index
      %parallel_loop3A_1013 = tpu.vector_load %arg8[%parallel_loop3A_1010, %parallel_loop3A_1011, %parallel_loop3A_1012] {strides = array<i32>} : memref<4x200x128xf32, #tpu.memory_space<vmem>>, vector<1x1x16xf32>,
      %parallel_loop3A_1014 = vector.shape_cast %parallel_loop3A_1013 : vector<1x1x16xf32> to vector<16xf32>
      %parallel_loop3A_1015 = vector.shape_cast %parallel_loop3A_1008 : vector<16xf32> to vector<1x1x16xf32>
      tpu.vector_store %arg8[%parallel_loop3A_1010, %parallel_loop3A_1011, %parallel_loop3A_1012], %parallel_loop3A_1015 {add = true, strides = array<i32>} : memref<4x200x128xf32, #tpu.memory_space<vmem>>, vector<1x1x16xf32>,
    } {sc.loop_unroll_factor = 4 : i64, sc.parallel_access}
    %add3A_593 = arith.constant 24800 : i32
    %add3A_594 = arith.addi %mul3A_2, %add3A_593 : i32
    %dma_start3A_595 = arith.constant 0 : i32
    %dma_start3A_596 = arith.constant 0 : i32
    %dma_start3A_597 = arith.constant 0 : i32
    %dma_start3A_598 = tpu.memref_slice %arg8[%dma_start3A_595, %dma_start3A_596, %dma_start3A_597] : memref<4x200x128xf32, #tpu.memory_space<vmem>> -> memref<1x200x128xf32, #tpu.memory_space<vmem>>
    %dma_start3A_599 = tpu.memref_squeeze %dma_start3A_598 : memref<1x200x128xf32, #tpu.memory_space<vmem>> -> memref<200x128xf32, #tpu.memory_space<vmem>>
    %dma_start3A_600 = arith.constant 0 : i32
    %dma_start3A_601 = tpu.memref_slice %arg5[%add3A_594, %dma_start3A_600] : memref<819200x128xf32, #tpu.memory_space<hbm>> -> memref<200x128xf32, #tpu.memory_space<hbm>>
    %dma_start3A_602 = arith.constant 0 : i32
    %dma_start3A_603 = tpu.memref_slice %arg5[%add3A_594, %dma_start3A_602] : memref<819200x128xf32, #tpu.memory_space<hbm>> -> memref<200x128xf32, #tpu.memory_space<hbm>>
    %dma_start3A_604 = arith.constant 0 : i32
    %dma_start3A_605 = arith.constant 0 : i32
    %dma_start3A_606 = tpu.memref_slice %arg8[%dma_start3A_595, %dma_start3A_604, %dma_start3A_605] : memref<4x200x128xf32, #tpu.memory_space<vmem>> -> memref<1x200x128xf32, #tpu.memory_space<vmem>>
    %dma_start3A_607 = tpu.memref_squeeze %dma_start3A_606 : memref<1x200x128xf32, #tpu.memory_space<vmem>> -> memref<200x128xf32, #tpu.memory_space<vmem>>
    tpu.enqueue_dma source(%dma_start3A_607 : memref<200x128xf32, #tpu.memory_space<vmem>>) target(%dma_start3A_603 : memref<200x128xf32, #tpu.memory_space<hbm>>) target_semaphore(%arg17 : memref<!tpu.dma_semaphore, #tpu.memory_space<semaphore_mem>>)
    %add3A_608 = arith.constant 0 : i32
    %add3A_609 = arith.addi %mul3A_2, %add3A_608 : i32
    %dma_wait3A_610 = arith.constant 2 : i32
    %dma_wait3A_611 = arith.constant 0 : i32
    %dma_wait3A_612 = arith.constant 0 : i32
    %dma_wait3A_613 = tpu.memref_slice %arg8[%dma_wait3A_610, %dma_wait3A_611, %dma_wait3A_612] : memref<4x200x128xf32, #tpu.memory_space<vmem>> -> memref<1x200x128xf32, #tpu.memory_space<vmem>>
    %dma_wait3A_614 = tpu.memref_squeeze %dma_wait3A_613 : memref<1x200x128xf32, #tpu.memory_space<vmem>> -> memref<200x128xf32, #tpu.memory_space<vmem>>
    %dma_wait3A_615 = arith.constant 0 : i32
    %dma_wait3A_616 = tpu.memref_slice %arg5[%add3A_609, %dma_wait3A_615] : memref<819200x128xf32, #tpu.memory_space<hbm>> -> memref<200x128xf32, #tpu.memory_space<hbm>>
    %dma_wait3A_617 = arith.constant 0 : i32
    %dma_wait3A_618 = tpu.memref_slice %arg5[%add3A_609, %dma_wait3A_617] : memref<819200x128xf32, #tpu.memory_space<hbm>> -> memref<200x128xf32, #tpu.memory_space<hbm>>
    %dma_wait3A_619 = arith.constant 0 : i32
    %dma_wait3A_620 = arith.constant 0 : i32
    %dma_wait3A_621 = tpu.memref_slice %arg8[%dma_wait3A_610, %dma_wait3A_619, %dma_wait3A_620] : memref<4x200x128xf32, #tpu.memory_space<vmem>> -> memref<1x200x128xf32, #tpu.memory_space<vmem>>
    %dma_wait3A_622 = tpu.memref_squeeze %dma_wait3A_621 : memref<1x200x128xf32, #tpu.memory_space<vmem>> -> memref<200x128xf32, #tpu.memory_space<vmem>>
    tpu.wait_dma2 semaphore(%arg19 : memref<!tpu.dma_semaphore, #tpu.memory_space<semaphore_mem>>) src(%dma_wait3A_622 : memref<200x128xf32, #tpu.memory_space<vmem>>) dst(%dma_wait3A_618 : memref<200x128xf32, #tpu.memory_space<hbm>>)
    %add3A_623 = arith.constant 0 : i32
    %add3A_624 = arith.addi %mul3A_4, %add3A_623 : i32
    %dma_wait3A_625 = arith.constant 2 : i32
    %dma_wait3A_626 = arith.constant 0 : i32
    %dma_wait3A_627 = arith.constant 0 : i32
    %dma_wait3A_628 = tpu.memref_slice %arg7[%dma_wait3A_625, %dma_wait3A_626, %dma_wait3A_627] : memref<4x2x100xi32, #tpu.memory_space<vmem>> -> memref<1x2x100xi32, #tpu.memory_space<vmem>>
    %dma_wait3A_629 = tpu.memref_squeeze %dma_wait3A_628 : memref<1x2x100xi32, #tpu.memory_space<vmem>> -> memref<2x100xi32, #tpu.memory_space<vmem>>
    %dma_wait3A_630 = arith.constant 0 : i32
    %dma_wait3A_631 = tpu.memref_slice %arg2[%add3A_624, %dma_wait3A_630] : memref<8192x100xi32, #tpu.memory_space<hbm>> -> memref<2x100xi32, #tpu.memory_space<hbm>>
    %dma_wait3A_632 = arith.constant 0 : i32
    %dma_wait3A_633 = arith.constant 0 : i32
    %dma_wait3A_634 = tpu.memref_slice %arg7[%dma_wait3A_625, %dma_wait3A_632, %dma_wait3A_633] : memref<4x2x100xi32, #tpu.memory_space<vmem>> -> memref<1x2x100xi32, #tpu.memory_space<vmem>>
    %dma_wait3A_635 = tpu.memref_squeeze %dma_wait3A_634 : memref<1x2x100xi32, #tpu.memory_space<vmem>> -> memref<2x100xi32, #tpu.memory_space<vmem>>
    %dma_wait3A_636 = arith.constant 0 : i32
    %dma_wait3A_637 = tpu.memref_slice %arg2[%add3A_624, %dma_wait3A_636] : memref<8192x100xi32, #tpu.memory_space<hbm>> -> memref<2x100xi32, #tpu.memory_space<hbm>>
    tpu.wait_dma2 semaphore(%arg11 : memref<!tpu.dma_semaphore, #tpu.memory_space<semaphore_mem>>) src(%dma_wait3A_637 : memref<2x100xi32, #tpu.memory_space<hbm>>) dst(%dma_wait3A_635 : memref<2x100xi32, #tpu.memory_space<vmem>>)
    %dma_start3A_638 = arith.constant 2 : i32
    %dma_start3A_639 = arith.constant 0 : i32
    %dma_start3A_640 = arith.constant 2 : i32
    %dma_start3A_641 = arith.constant 0 : i32
    %dma_start3A_642 = arith.constant 0 : i32
    %dma_start3A_643 = tpu.memref_slice %arg8[%dma_start3A_640, %dma_start3A_641, %dma_start3A_642] : memref<4x200x128xf32, #tpu.memory_space<vmem>> -> memref<1x100x128xf32, #tpu.memory_space<vmem>>
    %dma_start3A_644 = tpu.memref_squeeze %dma_start3A_643 : memref<1x100x128xf32, #tpu.memory_space<vmem>> -> memref<100x128xf32, #tpu.memory_space<vmem>>
    %dma_start3A_645 = arith.constant 0 : i32
    %dma_start3A_646 = tpu.memref_slice %arg7[%dma_start3A_638, %dma_start3A_639, %dma_start3A_645] : memref<4x2x100xi32, #tpu.memory_space<vmem>> -> memref<1x1x100xi32, #tpu.memory_space<vmem>>
    %dma_start3A_647 = tpu.memref_squeeze %dma_start3A_646 : memref<1x1x100xi32, #tpu.memory_space<vmem>> -> memref<100xi32, #tpu.memory_space<vmem>>
    %dma_start3A_648 = arith.constant 0 : i32
    %dma_start3A_649 = arith.constant 0 : i32
    %dma_start3A_650 = tpu.memref_slice %arg3[%dma_start3A_648, %dma_start3A_649] : memref<100000x128xf32, #tpu.memory_space<hbm>> -> memref<100000x128xf32, #tpu.memory_space<hbm>>
    tpu.enqueue_indirect_dma source(%dma_start3A_650 : memref<100000x128xf32, #tpu.memory_space<hbm>>) target(%dma_start3A_644 : memref<100x128xf32, #tpu.memory_space<vmem>>) offsets(%dma_start3A_647 : memref<100xi32, #tpu.memory_space<vmem>>) semaphore(%arg15 : memref<!tpu.dma_semaphore, #tpu.memory_space<semaphore_mem>>)
    %dma_start3A_651 = arith.constant 2 : i32
    %dma_start3A_652 = arith.constant 1 : i32
    %dma_start3A_653 = arith.constant 2 : i32
    %dma_start3A_654 = arith.constant 100 : i32
    %dma_start3A_655 = arith.constant 0 : i32
    %dma_start3A_656 = tpu.memref_slice %arg8[%dma_start3A_653, %dma_start3A_654, %dma_start3A_655] : memref<4x200x128xf32, #tpu.memory_space<vmem>> -> memref<1x100x128xf32, #tpu.memory_space<vmem>>
    %dma_start3A_657 = tpu.memref_squeeze %dma_start3A_656 : memref<1x100x128xf32, #tpu.memory_space<vmem>> -> memref<100x128xf32, #tpu.memory_space<vmem>>
    %dma_start3A_658 = arith.constant 0 : i32
    %dma_start3A_659 = tpu.memref_slice %arg7[%dma_start3A_651, %dma_start3A_652, %dma_start3A_658] : memref<4x2x100xi32, #tpu.memory_space<vmem>> -> memref<1x1x100xi32, #tpu.memory_space<vmem>>
    %dma_start3A_660 = tpu.memref_squeeze %dma_start3A_659 : memref<1x1x100xi32, #tpu.memory_space<vmem>> -> memref<100xi32, #tpu.memory_space<vmem>>
    %dma_start3A_661 = arith.constant 0 : i32
    %dma_start3A_662 = arith.constant 0 : i32
    %dma_start3A_663 = tpu.memref_slice %arg3[%dma_start3A_661, %dma_start3A_662] : memref<100000x128xf32, #tpu.memory_space<hbm>> -> memref<100000x128xf32, #tpu.memory_space<hbm>>
    tpu.enqueue_indirect_dma source(%dma_start3A_663 : memref<100000x128xf32, #tpu.memory_space<hbm>>) target(%dma_start3A_657 : memref<100x128xf32, #tpu.memory_space<vmem>>) offsets(%dma_start3A_660 : memref<100xi32, #tpu.memory_space<vmem>>) semaphore(%arg15 : memref<!tpu.dma_semaphore, #tpu.memory_space<semaphore_mem>>)
    %add3A_664 = arith.constant 254 : i32
    %add3A_665 = arith.addi %mul3A_4, %add3A_664 : i32
    %dma_start3A_666 = arith.constant 3 : i32
    %dma_start3A_667 = arith.constant 0 : i32
    %dma_start3A_668 = arith.constant 0 : i32
    %dma_start3A_669 = tpu.memref_slice %arg7[%dma_start3A_666, %dma_start3A_667, %dma_start3A_668] : memref<4x2x100xi32, #tpu.memory_space<vmem>> -> memref<1x2x100xi32, #tpu.memory_space<vmem>>
    %dma_start3A_670 = tpu.memref_squeeze %dma_start3A_669 : memref<1x2x100xi32, #tpu.memory_space<vmem>> -> memref<2x100xi32, #tpu.memory_space<vmem>>
    %dma_start3A_671 = arith.constant 0 : i32
    %dma_start3A_672 = tpu.memref_slice %arg2[%add3A_665, %dma_start3A_671] : memref<8192x100xi32, #tpu.memory_space<hbm>> -> memref<2x100xi32, #tpu.memory_space<hbm>>
    %dma_start3A_673 = arith.constant 0 : i32
    %dma_start3A_674 = arith.constant 0 : i32
    %dma_start3A_675 = tpu.memref_slice %arg7[%dma_start3A_666, %dma_start3A_673, %dma_start3A_674] : memref<4x2x100xi32, #tpu.memory_space<vmem>> -> memref<1x2x100xi32, #tpu.memory_space<vmem>>
    %dma_start3A_676 = tpu.memref_squeeze %dma_start3A_675 : memref<1x2x100xi32, #tpu.memory_space<vmem>> -> memref<2x100xi32, #tpu.memory_space<vmem>>
    %dma_start3A_677 = arith.constant 0 : i32
    %dma_start3A_678 = tpu.memref_slice %arg2[%add3A_665, %dma_start3A_677] : memref<8192x100xi32, #tpu.memory_space<hbm>> -> memref<2x100xi32, #tpu.memory_space<hbm>>
    tpu.enqueue_dma source(%dma_start3A_678 : memref<2x100xi32, #tpu.memory_space<hbm>>) target(%dma_start3A_676 : memref<2x100xi32, #tpu.memory_space<vmem>>) target_semaphore(%arg12 : memref<!tpu.dma_semaphore, #tpu.memory_space<semaphore_mem>>)
    %dma_wait3A_679 = arith.constant 1 : i32
    %dma_wait3A_680 = arith.constant 0 : i32
    %dma_wait3A_681 = arith.constant 1 : i32
    %dma_wait3A_682 = arith.constant 0 : i32
    %dma_wait3A_683 = arith.constant 0 : i32
    %dma_wait3A_684 = tpu.memref_slice %arg8[%dma_wait3A_681, %dma_wait3A_682, %dma_wait3A_683] : memref<4x200x128xf32, #tpu.memory_space<vmem>> -> memref<1x100x128xf32, #tpu.memory_space<vmem>>
    %dma_wait3A_685 = tpu.memref_squeeze %dma_wait3A_684 : memref<1x100x128xf32, #tpu.memory_space<vmem>> -> memref<100x128xf32, #tpu.memory_space<vmem>>
    %dma_wait3A_686 = arith.constant 0 : i32
    %dma_wait3A_687 = tpu.memref_slice %arg7[%dma_wait3A_679, %dma_wait3A_680, %dma_wait3A_686] : memref<4x2x100xi32, #tpu.memory_space<vmem>> -> memref<1x1x100xi32, #tpu.memory_space<vmem>>
    %dma_wait3A_688 = tpu.memref_squeeze %dma_wait3A_687 : memref<1x1x100xi32, #tpu.memory_space<vmem>> -> memref<100xi32, #tpu.memory_space<vmem>>
    %dma_wait3A_689 = arith.constant 0 : i32
    %dma_wait3A_690 = arith.constant 0 : i32
    %dma_wait3A_691 = tpu.memref_slice %arg3[%dma_wait3A_689, %dma_wait3A_690] : memref<100000x128xf32, #tpu.memory_space<hbm>> -> memref<100000x128xf32, #tpu.memory_space<hbm>>
    tpu.wait_indirect_dma semaphore(%arg14 : memref<!tpu.dma_semaphore, #tpu.memory_space<semaphore_mem>>) src(%dma_wait3A_691 : memref<100000x128xf32, #tpu.memory_space<hbm>>) dst(%dma_wait3A_685 : memref<100x128xf32, #tpu.memory_space<vmem>>)
    %dma_wait3A_692 = arith.constant 1 : i32
    %dma_wait3A_693 = arith.constant 1 : i32
    %dma_wait3A_694 = arith.constant 1 : i32
    %dma_wait3A_695 = arith.constant 100 : i32
    %dma_wait3A_696 = arith.constant 0 : i32
    %dma_wait3A_697 = tpu.memref_slice %arg8[%dma_wait3A_694, %dma_wait3A_695, %dma_wait3A_696] : memref<4x200x128xf32, #tpu.memory_space<vmem>> -> memref<1x100x128xf32, #tpu.memory_space<vmem>>
    %dma_wait3A_698 = tpu.memref_squeeze %dma_wait3A_697 : memref<1x100x128xf32, #tpu.memory_space<vmem>> -> memref<100x128xf32, #tpu.memory_space<vmem>>
    %dma_wait3A_699 = arith.constant 0 : i32
    %dma_wait3A_700 = tpu.memref_slice %arg7[%dma_wait3A_692, %dma_wait3A_693, %dma_wait3A_699] : memref<4x2x100xi32, #tpu.memory_space<vmem>> -> memref<1x1x100xi32, #tpu.memory_space<vmem>>
    %dma_wait3A_701 = tpu.memref_squeeze %dma_wait3A_700 : memref<1x1x100xi32, #tpu.memory_space<vmem>> -> memref<100xi32, #tpu.memory_space<vmem>>
    %dma_wait3A_702 = arith.constant 0 : i32
    %dma_wait3A_703 = arith.constant 0 : i32
    %dma_wait3A_704 = tpu.memref_slice %arg3[%dma_wait3A_702, %dma_wait3A_703] : memref<100000x128xf32, #tpu.memory_space<hbm>> -> memref<100000x128xf32, #tpu.memory_space<hbm>>
    tpu.wait_indirect_dma semaphore(%arg14 : memref<!tpu.dma_semaphore, #tpu.memory_space<semaphore_mem>>) src(%dma_wait3A_704 : memref<100000x128xf32, #tpu.memory_space<hbm>>) dst(%dma_wait3A_698 : memref<100x128xf32, #tpu.memory_space<vmem>>)
    %parallel_loop3A_705 = arith.constant 0 : i32
    %parallel_loop3A_706 = arith.constant 200 : i32
    %parallel_loop3A_707 = arith.constant 1 : i32
    scf.for %parallel_loop3A_927 = %parallel_loop3A_705 to %parallel_loop3A_706 step %parallel_loop3A_707  : i32 {
      %parallel_loop3A_928 = arith.index_cast %parallel_loop3A_927 : i32 to index
      %parallel_loop3A_929 = arith.constant 0 : index
      %parallel_loop3A_930 = tpu.vector_load %arg6[%parallel_loop3A_928, %parallel_loop3A_929] {strides = array<i32>} : memref<200x128xf32, #tpu.memory_space<vmem>>, vector<1x16xf32>,
      %parallel_loop3A_931 = vector.shape_cast %parallel_loop3A_930 : vector<1x16xf32> to vector<16xf32>
      %parallel_loop3A_932 = arith.constant 1 : i32
      %parallel_loop3A_933 = arith.index_cast %parallel_loop3A_932 : i32 to index
      %parallel_loop3A_934 = arith.index_cast %parallel_loop3A_927 : i32 to index
      %parallel_loop3A_935 = arith.constant 0 : index
      %parallel_loop3A_936 = tpu.vector_load %arg8[%parallel_loop3A_933, %parallel_loop3A_934, %parallel_loop3A_935] {strides = array<i32>} : memref<4x200x128xf32, #tpu.memory_space<vmem>>, vector<1x1x16xf32>,
      %parallel_loop3A_937 = vector.shape_cast %parallel_loop3A_936 : vector<1x1x16xf32> to vector<16xf32>
      %parallel_loop3A_938 = vector.shape_cast %parallel_loop3A_931 : vector<16xf32> to vector<1x1x16xf32>
      tpu.vector_store %arg8[%parallel_loop3A_933, %parallel_loop3A_934, %parallel_loop3A_935], %parallel_loop3A_938 {add = true, strides = array<i32>} : memref<4x200x128xf32, #tpu.memory_space<vmem>>, vector<1x1x16xf32>,
      %parallel_loop3A_939 = arith.index_cast %parallel_loop3A_927 : i32 to index
      %parallel_loop3A_940 = arith.constant 16 : index
      %parallel_loop3A_941 = tpu.vector_load %arg6[%parallel_loop3A_939, %parallel_loop3A_940] {strides = array<i32>} : memref<200x128xf32, #tpu.memory_space<vmem>>, vector<1x16xf32>,
      %parallel_loop3A_942 = vector.shape_cast %parallel_loop3A_941 : vector<1x16xf32> to vector<16xf32>
      %parallel_loop3A_943 = arith.constant 1 : i32
      %parallel_loop3A_944 = arith.index_cast %parallel_loop3A_943 : i32 to index
      %parallel_loop3A_945 = arith.index_cast %parallel_loop3A_927 : i32 to index
      %parallel_loop3A_946 = arith.constant 16 : index
      %parallel_loop3A_947 = tpu.vector_load %arg8[%parallel_loop3A_944, %parallel_loop3A_945, %parallel_loop3A_946] {strides = array<i32>} : memref<4x200x128xf32, #tpu.memory_space<vmem>>, vector<1x1x16xf32>,
      %parallel_loop3A_948 = vector.shape_cast %parallel_loop3A_947 : vector<1x1x16xf32> to vector<16xf32>
      %parallel_loop3A_949 = vector.shape_cast %parallel_loop3A_942 : vector<16xf32> to vector<1x1x16xf32>
      tpu.vector_store %arg8[%parallel_loop3A_944, %parallel_loop3A_945, %parallel_loop3A_946], %parallel_loop3A_949 {add = true, strides = array<i32>} : memref<4x200x128xf32, #tpu.memory_space<vmem>>, vector<1x1x16xf32>,
      %parallel_loop3A_950 = arith.index_cast %parallel_loop3A_927 : i32 to index
      %parallel_loop3A_951 = arith.constant 32 : index
      %parallel_loop3A_952 = tpu.vector_load %arg6[%parallel_loop3A_950, %parallel_loop3A_951] {strides = array<i32>} : memref<200x128xf32, #tpu.memory_space<vmem>>, vector<1x16xf32>,
      %parallel_loop3A_953 = vector.shape_cast %parallel_loop3A_952 : vector<1x16xf32> to vector<16xf32>
      %parallel_loop3A_954 = arith.constant 1 : i32
      %parallel_loop3A_955 = arith.index_cast %parallel_loop3A_954 : i32 to index
      %parallel_loop3A_956 = arith.index_cast %parallel_loop3A_927 : i32 to index
      %parallel_loop3A_957 = arith.constant 32 : index
      %parallel_loop3A_958 = tpu.vector_load %arg8[%parallel_loop3A_955, %parallel_loop3A_956, %parallel_loop3A_957] {strides = array<i32>} : memref<4x200x128xf32, #tpu.memory_space<vmem>>, vector<1x1x16xf32>,
      %parallel_loop3A_959 = vector.shape_cast %parallel_loop3A_958 : vector<1x1x16xf32> to vector<16xf32>
      %parallel_loop3A_960 = vector.shape_cast %parallel_loop3A_953 : vector<16xf32> to vector<1x1x16xf32>
      tpu.vector_store %arg8[%parallel_loop3A_955, %parallel_loop3A_956, %parallel_loop3A_957], %parallel_loop3A_960 {add = true, strides = array<i32>} : memref<4x200x128xf32, #tpu.memory_space<vmem>>, vector<1x1x16xf32>,
      %parallel_loop3A_961 = arith.index_cast %parallel_loop3A_927 : i32 to index
      %parallel_loop3A_962 = arith.constant 48 : index
      %parallel_loop3A_963 = tpu.vector_load %arg6[%parallel_loop3A_961, %parallel_loop3A_962] {strides = array<i32>} : memref<200x128xf32, #tpu.memory_space<vmem>>, vector<1x16xf32>,
      %parallel_loop3A_964 = vector.shape_cast %parallel_loop3A_963 : vector<1x16xf32> to vector<16xf32>
      %parallel_loop3A_965 = arith.constant 1 : i32
      %parallel_loop3A_966 = arith.index_cast %parallel_loop3A_965 : i32 to index
      %parallel_loop3A_967 = arith.index_cast %parallel_loop3A_927 : i32 to index
      %parallel_loop3A_968 = arith.constant 48 : index
      %parallel_loop3A_969 = tpu.vector_load %arg8[%parallel_loop3A_966, %parallel_loop3A_967, %parallel_loop3A_968] {strides = array<i32>} : memref<4x200x128xf32, #tpu.memory_space<vmem>>, vector<1x1x16xf32>,
      %parallel_loop3A_970 = vector.shape_cast %parallel_loop3A_969 : vector<1x1x16xf32> to vector<16xf32>
      %parallel_loop3A_971 = vector.shape_cast %parallel_loop3A_964 : vector<16xf32> to vector<1x1x16xf32>
      tpu.vector_store %arg8[%parallel_loop3A_966, %parallel_loop3A_967, %parallel_loop3A_968], %parallel_loop3A_971 {add = true, strides = array<i32>} : memref<4x200x128xf32, #tpu.memory_space<vmem>>, vector<1x1x16xf32>,
      %parallel_loop3A_972 = arith.index_cast %parallel_loop3A_927 : i32 to index
      %parallel_loop3A_973 = arith.constant 64 : index
      %parallel_loop3A_974 = tpu.vector_load %arg6[%parallel_loop3A_972, %parallel_loop3A_973] {strides = array<i32>} : memref<200x128xf32, #tpu.memory_space<vmem>>, vector<1x16xf32>,
      %parallel_loop3A_975 = vector.shape_cast %parallel_loop3A_974 : vector<1x16xf32> to vector<16xf32>
      %parallel_loop3A_976 = arith.constant 1 : i32
      %parallel_loop3A_977 = arith.index_cast %parallel_loop3A_976 : i32 to index
      %parallel_loop3A_978 = arith.index_cast %parallel_loop3A_927 : i32 to index
      %parallel_loop3A_979 = arith.constant 64 : index
      %parallel_loop3A_980 = tpu.vector_load %arg8[%parallel_loop3A_977, %parallel_loop3A_978, %parallel_loop3A_979] {strides = array<i32>} : memref<4x200x128xf32, #tpu.memory_space<vmem>>, vector<1x1x16xf32>,
      %parallel_loop3A_981 = vector.shape_cast %parallel_loop3A_980 : vector<1x1x16xf32> to vector<16xf32>
      %parallel_loop3A_982 = vector.shape_cast %parallel_loop3A_975 : vector<16xf32> to vector<1x1x16xf32>
      tpu.vector_store %arg8[%parallel_loop3A_977, %parallel_loop3A_978, %parallel_loop3A_979], %parallel_loop3A_982 {add = true, strides = array<i32>} : memref<4x200x128xf32, #tpu.memory_space<vmem>>, vector<1x1x16xf32>,
      %parallel_loop3A_983 = arith.index_cast %parallel_loop3A_927 : i32 to index
      %parallel_loop3A_984 = arith.constant 80 : index
      %parallel_loop3A_985 = tpu.vector_load %arg6[%parallel_loop3A_983, %parallel_loop3A_984] {strides = array<i32>} : memref<200x128xf32, #tpu.memory_space<vmem>>, vector<1x16xf32>,
      %parallel_loop3A_986 = vector.shape_cast %parallel_loop3A_985 : vector<1x16xf32> to vector<16xf32>
      %parallel_loop3A_987 = arith.constant 1 : i32
      %parallel_loop3A_988 = arith.index_cast %parallel_loop3A_987 : i32 to index
      %parallel_loop3A_989 = arith.index_cast %parallel_loop3A_927 : i32 to index
      %parallel_loop3A_990 = arith.constant 80 : index
      %parallel_loop3A_991 = tpu.vector_load %arg8[%parallel_loop3A_988, %parallel_loop3A_989, %parallel_loop3A_990] {strides = array<i32>} : memref<4x200x128xf32, #tpu.memory_space<vmem>>, vector<1x1x16xf32>,
      %parallel_loop3A_992 = vector.shape_cast %parallel_loop3A_991 : vector<1x1x16xf32> to vector<16xf32>
      %parallel_loop3A_993 = vector.shape_cast %parallel_loop3A_986 : vector<16xf32> to vector<1x1x16xf32>
      tpu.vector_store %arg8[%parallel_loop3A_988, %parallel_loop3A_989, %parallel_loop3A_990], %parallel_loop3A_993 {add = true, strides = array<i32>} : memref<4x200x128xf32, #tpu.memory_space<vmem>>, vector<1x1x16xf32>,
      %parallel_loop3A_994 = arith.index_cast %parallel_loop3A_927 : i32 to index
      %parallel_loop3A_995 = arith.constant 96 : index
      %parallel_loop3A_996 = tpu.vector_load %arg6[%parallel_loop3A_994, %parallel_loop3A_995] {strides = array<i32>} : memref<200x128xf32, #tpu.memory_space<vmem>>, vector<1x16xf32>,
      %parallel_loop3A_997 = vector.shape_cast %parallel_loop3A_996 : vector<1x16xf32> to vector<16xf32>
      %parallel_loop3A_998 = arith.constant 1 : i32
      %parallel_loop3A_999 = arith.index_cast %parallel_loop3A_998 : i32 to index
      %parallel_loop3A_1000 = arith.index_cast %parallel_loop3A_927 : i32 to index
      %parallel_loop3A_1001 = arith.constant 96 : index
      %parallel_loop3A_1002 = tpu.vector_load %arg8[%parallel_loop3A_999, %parallel_loop3A_1000, %parallel_loop3A_1001] {strides = array<i32>} : memref<4x200x128xf32, #tpu.memory_space<vmem>>, vector<1x1x16xf32>,
      %parallel_loop3A_1003 = vector.shape_cast %parallel_loop3A_1002 : vector<1x1x16xf32> to vector<16xf32>
      %parallel_loop3A_1004 = vector.shape_cast %parallel_loop3A_997 : vector<16xf32> to vector<1x1x16xf32>
      tpu.vector_store %arg8[%parallel_loop3A_999, %parallel_loop3A_1000, %parallel_loop3A_1001], %parallel_loop3A_1004 {add = true, strides = array<i32>} : memref<4x200x128xf32, #tpu.memory_space<vmem>>, vector<1x1x16xf32>,
      %parallel_loop3A_1005 = arith.index_cast %parallel_loop3A_927 : i32 to index
      %parallel_loop3A_1006 = arith.constant 112 : index
      %parallel_loop3A_1007 = tpu.vector_load %arg6[%parallel_loop3A_1005, %parallel_loop3A_1006] {strides = array<i32>} : memref<200x128xf32, #tpu.memory_space<vmem>>, vector<1x16xf32>,
      %parallel_loop3A_1008 = vector.shape_cast %parallel_loop3A_1007 : vector<1x16xf32> to vector<16xf32>
      %parallel_loop3A_1009 = arith.constant 1 : i32
      %parallel_loop3A_1010 = arith.index_cast %parallel_loop3A_1009 : i32 to index
      %parallel_loop3A_1011 = arith.index_cast %parallel_loop3A_927 : i32 to index
      %parallel_loop3A_1012 = arith.constant 112 : index
      %parallel_loop3A_1013 = tpu.vector_load %arg8[%parallel_loop3A_1010, %parallel_loop3A_1011, %parallel_loop3A_1012] {strides = array<i32>} : memref<4x200x128xf32, #tpu.memory_space<vmem>>, vector<1x1x16xf32>,
      %parallel_loop3A_1014 = vector.shape_cast %parallel_loop3A_1013 : vector<1x1x16xf32> to vector<16xf32>
      %parallel_loop3A_1015 = vector.shape_cast %parallel_loop3A_1008 : vector<16xf32> to vector<1x1x16xf32>
      tpu.vector_store %arg8[%parallel_loop3A_1010, %parallel_loop3A_1011, %parallel_loop3A_1012], %parallel_loop3A_1015 {add = true, strides = array<i32>} : memref<4x200x128xf32, #tpu.memory_space<vmem>>, vector<1x1x16xf32>,
    } {sc.loop_unroll_factor = 4 : i64, sc.parallel_access}
    %add3A_708 = arith.constant 25000 : i32
    %add3A_709 = arith.addi %mul3A_2, %add3A_708 : i32
    %dma_start3A_710 = arith.constant 1 : i32
    %dma_start3A_711 = arith.constant 0 : i32
    %dma_start3A_712 = arith.constant 0 : i32
    %dma_start3A_713 = tpu.memref_slice %arg8[%dma_start3A_710, %dma_start3A_711, %dma_start3A_712] : memref<4x200x128xf32, #tpu.memory_space<vmem>> -> memref<1x200x128xf32, #tpu.memory_space<vmem>>
    %dma_start3A_714 = tpu.memref_squeeze %dma_start3A_713 : memref<1x200x128xf32, #tpu.memory_space<vmem>> -> memref<200x128xf32, #tpu.memory_space<vmem>>
    %dma_start3A_715 = arith.constant 0 : i32
    %dma_start3A_716 = tpu.memref_slice %arg5[%add3A_709, %dma_start3A_715] : memref<819200x128xf32, #tpu.memory_space<hbm>> -> memref<200x128xf32, #tpu.memory_space<hbm>>
    %dma_start3A_717 = arith.constant 0 : i32
    %dma_start3A_718 = tpu.memref_slice %arg5[%add3A_709, %dma_start3A_717] : memref<819200x128xf32, #tpu.memory_space<hbm>> -> memref<200x128xf32, #tpu.memory_space<hbm>>
    %dma_start3A_719 = arith.constant 0 : i32
    %dma_start3A_720 = arith.constant 0 : i32
    %dma_start3A_721 = tpu.memref_slice %arg8[%dma_start3A_710, %dma_start3A_719, %dma_start3A_720] : memref<4x200x128xf32, #tpu.memory_space<vmem>> -> memref<1x200x128xf32, #tpu.memory_space<vmem>>
    %dma_start3A_722 = tpu.memref_squeeze %dma_start3A_721 : memref<1x200x128xf32, #tpu.memory_space<vmem>> -> memref<200x128xf32, #tpu.memory_space<vmem>>
    tpu.enqueue_dma source(%dma_start3A_722 : memref<200x128xf32, #tpu.memory_space<vmem>>) target(%dma_start3A_718 : memref<200x128xf32, #tpu.memory_space<hbm>>) target_semaphore(%arg18 : memref<!tpu.dma_semaphore, #tpu.memory_space<semaphore_mem>>)
    %add3A_723 = arith.constant 0 : i32
    %add3A_724 = arith.addi %mul3A_2, %add3A_723 : i32
    %dma_wait3A_725 = arith.constant 3 : i32
    %dma_wait3A_726 = arith.constant 0 : i32
    %dma_wait3A_727 = arith.constant 0 : i32
    %dma_wait3A_728 = tpu.memref_slice %arg8[%dma_wait3A_725, %dma_wait3A_726, %dma_wait3A_727] : memref<4x200x128xf32, #tpu.memory_space<vmem>> -> memref<1x200x128xf32, #tpu.memory_space<vmem>>
    %dma_wait3A_729 = tpu.memref_squeeze %dma_wait3A_728 : memref<1x200x128xf32, #tpu.memory_space<vmem>> -> memref<200x128xf32, #tpu.memory_space<vmem>>
    %dma_wait3A_730 = arith.constant 0 : i32
    %dma_wait3A_731 = tpu.memref_slice %arg5[%add3A_724, %dma_wait3A_730] : memref<819200x128xf32, #tpu.memory_space<hbm>> -> memref<200x128xf32, #tpu.memory_space<hbm>>
    %dma_wait3A_732 = arith.constant 0 : i32
    %dma_wait3A_733 = tpu.memref_slice %arg5[%add3A_724, %dma_wait3A_732] : memref<819200x128xf32, #tpu.memory_space<hbm>> -> memref<200x128xf32, #tpu.memory_space<hbm>>
    %dma_wait3A_734 = arith.constant 0 : i32
    %dma_wait3A_735 = arith.constant 0 : i32
    %dma_wait3A_736 = tpu.memref_slice %arg8[%dma_wait3A_725, %dma_wait3A_734, %dma_wait3A_735] : memref<4x200x128xf32, #tpu.memory_space<vmem>> -> memref<1x200x128xf32, #tpu.memory_space<vmem>>
    %dma_wait3A_737 = tpu.memref_squeeze %dma_wait3A_736 : memref<1x200x128xf32, #tpu.memory_space<vmem>> -> memref<200x128xf32, #tpu.memory_space<vmem>>
    tpu.wait_dma2 semaphore(%arg20 : memref<!tpu.dma_semaphore, #tpu.memory_space<semaphore_mem>>) src(%dma_wait3A_737 : memref<200x128xf32, #tpu.memory_space<vmem>>) dst(%dma_wait3A_733 : memref<200x128xf32, #tpu.memory_space<hbm>>)
    %add3A_738 = arith.constant 0 : i32
    %add3A_739 = arith.addi %mul3A_4, %add3A_738 : i32
    %dma_wait3A_740 = arith.constant 3 : i32
    %dma_wait3A_741 = arith.constant 0 : i32
    %dma_wait3A_742 = arith.constant 0 : i32
    %dma_wait3A_743 = tpu.memref_slice %arg7[%dma_wait3A_740, %dma_wait3A_741, %dma_wait3A_742] : memref<4x2x100xi32, #tpu.memory_space<vmem>> -> memref<1x2x100xi32, #tpu.memory_space<vmem>>
    %dma_wait3A_744 = tpu.memref_squeeze %dma_wait3A_743 : memref<1x2x100xi32, #tpu.memory_space<vmem>> -> memref<2x100xi32, #tpu.memory_space<vmem>>
    %dma_wait3A_745 = arith.constant 0 : i32
    %dma_wait3A_746 = tpu.memref_slice %arg2[%add3A_739, %dma_wait3A_745] : memref<8192x100xi32, #tpu.memory_space<hbm>> -> memref<2x100xi32, #tpu.memory_space<hbm>>
    %dma_wait3A_747 = arith.constant 0 : i32
    %dma_wait3A_748 = arith.constant 0 : i32
    %dma_wait3A_749 = tpu.memref_slice %arg7[%dma_wait3A_740, %dma_wait3A_747, %dma_wait3A_748] : memref<4x2x100xi32, #tpu.memory_space<vmem>> -> memref<1x2x100xi32, #tpu.memory_space<vmem>>
    %dma_wait3A_750 = tpu.memref_squeeze %dma_wait3A_749 : memref<1x2x100xi32, #tpu.memory_space<vmem>> -> memref<2x100xi32, #tpu.memory_space<vmem>>
    %dma_wait3A_751 = arith.constant 0 : i32
    %dma_wait3A_752 = tpu.memref_slice %arg2[%add3A_739, %dma_wait3A_751] : memref<8192x100xi32, #tpu.memory_space<hbm>> -> memref<2x100xi32, #tpu.memory_space<hbm>>
    tpu.wait_dma2 semaphore(%arg12 : memref<!tpu.dma_semaphore, #tpu.memory_space<semaphore_mem>>) src(%dma_wait3A_752 : memref<2x100xi32, #tpu.memory_space<hbm>>) dst(%dma_wait3A_750 : memref<2x100xi32, #tpu.memory_space<vmem>>)
    %dma_start3A_753 = arith.constant 3 : i32
    %dma_start3A_754 = arith.constant 0 : i32
    %dma_start3A_755 = arith.constant 3 : i32
    %dma_start3A_756 = arith.constant 0 : i32
    %dma_start3A_757 = arith.constant 0 : i32
    %dma_start3A_758 = tpu.memref_slice %arg8[%dma_start3A_755, %dma_start3A_756, %dma_start3A_757] : memref<4x200x128xf32, #tpu.memory_space<vmem>> -> memref<1x100x128xf32, #tpu.memory_space<vmem>>
    %dma_start3A_759 = tpu.memref_squeeze %dma_start3A_758 : memref<1x100x128xf32, #tpu.memory_space<vmem>> -> memref<100x128xf32, #tpu.memory_space<vmem>>
    %dma_start3A_760 = arith.constant 0 : i32
    %dma_start3A_761 = tpu.memref_slice %arg7[%dma_start3A_753, %dma_start3A_754, %dma_start3A_760] : memref<4x2x100xi32, #tpu.memory_space<vmem>> -> memref<1x1x100xi32, #tpu.memory_space<vmem>>
    %dma_start3A_762 = tpu.memref_squeeze %dma_start3A_761 : memref<1x1x100xi32, #tpu.memory_space<vmem>> -> memref<100xi32, #tpu.memory_space<vmem>>
    %dma_start3A_763 = arith.constant 0 : i32
    %dma_start3A_764 = arith.constant 0 : i32
    %dma_start3A_765 = tpu.memref_slice %arg3[%dma_start3A_763, %dma_start3A_764] : memref<100000x128xf32, #tpu.memory_space<hbm>> -> memref<100000x128xf32, #tpu.memory_space<hbm>>
    tpu.enqueue_indirect_dma source(%dma_start3A_765 : memref<100000x128xf32, #tpu.memory_space<hbm>>) target(%dma_start3A_759 : memref<100x128xf32, #tpu.memory_space<vmem>>) offsets(%dma_start3A_762 : memref<100xi32, #tpu.memory_space<vmem>>) semaphore(%arg16 : memref<!tpu.dma_semaphore, #tpu.memory_space<semaphore_mem>>)
    %dma_start3A_766 = arith.constant 3 : i32
    %dma_start3A_767 = arith.constant 1 : i32
    %dma_start3A_768 = arith.constant 3 : i32
    %dma_start3A_769 = arith.constant 100 : i32
    %dma_start3A_770 = arith.constant 0 : i32
    %dma_start3A_771 = tpu.memref_slice %arg8[%dma_start3A_768, %dma_start3A_769, %dma_start3A_770] : memref<4x200x128xf32, #tpu.memory_space<vmem>> -> memref<1x100x128xf32, #tpu.memory_space<vmem>>
    %dma_start3A_772 = tpu.memref_squeeze %dma_start3A_771 : memref<1x100x128xf32, #tpu.memory_space<vmem>> -> memref<100x128xf32, #tpu.memory_space<vmem>>
    %dma_start3A_773 = arith.constant 0 : i32
    %dma_start3A_774 = tpu.memref_slice %arg7[%dma_start3A_766, %dma_start3A_767, %dma_start3A_773] : memref<4x2x100xi32, #tpu.memory_space<vmem>> -> memref<1x1x100xi32, #tpu.memory_space<vmem>>
    %dma_start3A_775 = tpu.memref_squeeze %dma_start3A_774 : memref<1x1x100xi32, #tpu.memory_space<vmem>> -> memref<100xi32, #tpu.memory_space<vmem>>
    %dma_start3A_776 = arith.constant 0 : i32
    %dma_start3A_777 = arith.constant 0 : i32
    %dma_start3A_778 = tpu.memref_slice %arg3[%dma_start3A_776, %dma_start3A_777] : memref<100000x128xf32, #tpu.memory_space<hbm>> -> memref<100000x128xf32, #tpu.memory_space<hbm>>
    tpu.enqueue_indirect_dma source(%dma_start3A_778 : memref<100000x128xf32, #tpu.memory_space<hbm>>) target(%dma_start3A_772 : memref<100x128xf32, #tpu.memory_space<vmem>>) offsets(%dma_start3A_775 : memref<100xi32, #tpu.memory_space<vmem>>) semaphore(%arg16 : memref<!tpu.dma_semaphore, #tpu.memory_space<semaphore_mem>>)
    %dma_wait3A_779 = arith.constant 2 : i32
    %dma_wait3A_780 = arith.constant 0 : i32
    %dma_wait3A_781 = arith.constant 2 : i32
    %dma_wait3A_782 = arith.constant 0 : i32
    %dma_wait3A_783 = arith.constant 0 : i32
    %dma_wait3A_784 = tpu.memref_slice %arg8[%dma_wait3A_781, %dma_wait3A_782, %dma_wait3A_783] : memref<4x200x128xf32, #tpu.memory_space<vmem>> -> memref<1x100x128xf32, #tpu.memory_space<vmem>>
    %dma_wait3A_785 = tpu.memref_squeeze %dma_wait3A_784 : memref<1x100x128xf32, #tpu.memory_space<vmem>> -> memref<100x128xf32, #tpu.memory_space<vmem>>
    %dma_wait3A_786 = arith.constant 0 : i32
    %dma_wait3A_787 = tpu.memref_slice %arg7[%dma_wait3A_779, %dma_wait3A_780, %dma_wait3A_786] : memref<4x2x100xi32, #tpu.memory_space<vmem>> -> memref<1x1x100xi32, #tpu.memory_space<vmem>>
    %dma_wait3A_788 = tpu.memref_squeeze %dma_wait3A_787 : memref<1x1x100xi32, #tpu.memory_space<vmem>> -> memref<100xi32, #tpu.memory_space<vmem>>
    %dma_wait3A_789 = arith.constant 0 : i32
    %dma_wait3A_790 = arith.constant 0 : i32
    %dma_wait3A_791 = tpu.memref_slice %arg3[%dma_wait3A_789, %dma_wait3A_790] : memref<100000x128xf32, #tpu.memory_space<hbm>> -> memref<100000x128xf32, #tpu.memory_space<hbm>>
    tpu.wait_indirect_dma semaphore(%arg15 : memref<!tpu.dma_semaphore, #tpu.memory_space<semaphore_mem>>) src(%dma_wait3A_791 : memref<100000x128xf32, #tpu.memory_space<hbm>>) dst(%dma_wait3A_785 : memref<100x128xf32, #tpu.memory_space<vmem>>)
    %dma_wait3A_792 = arith.constant 2 : i32
    %dma_wait3A_793 = arith.constant 1 : i32
    %dma_wait3A_794 = arith.constant 2 : i32
    %dma_wait3A_795 = arith.constant 100 : i32
    %dma_wait3A_796 = arith.constant 0 : i32
    %dma_wait3A_797 = tpu.memref_slice %arg8[%dma_wait3A_794, %dma_wait3A_795, %dma_wait3A_796] : memref<4x200x128xf32, #tpu.memory_space<vmem>> -> memref<1x100x128xf32, #tpu.memory_space<vmem>>
    %dma_wait3A_798 = tpu.memref_squeeze %dma_wait3A_797 : memref<1x100x128xf32, #tpu.memory_space<vmem>> -> memref<100x128xf32, #tpu.memory_space<vmem>>
    %dma_wait3A_799 = arith.constant 0 : i32
    %dma_wait3A_800 = tpu.memref_slice %arg7[%dma_wait3A_792, %dma_wait3A_793, %dma_wait3A_799] : memref<4x2x100xi32, #tpu.memory_space<vmem>> -> memref<1x1x100xi32, #tpu.memory_space<vmem>>
    %dma_wait3A_801 = tpu.memref_squeeze %dma_wait3A_800 : memref<1x1x100xi32, #tpu.memory_space<vmem>> -> memref<100xi32, #tpu.memory_space<vmem>>
    %dma_wait3A_802 = arith.constant 0 : i32
    %dma_wait3A_803 = arith.constant 0 : i32
    %dma_wait3A_804 = tpu.memref_slice %arg3[%dma_wait3A_802, %dma_wait3A_803] : memref<100000x128xf32, #tpu.memory_space<hbm>> -> memref<100000x128xf32, #tpu.memory_space<hbm>>
    tpu.wait_indirect_dma semaphore(%arg15 : memref<!tpu.dma_semaphore, #tpu.memory_space<semaphore_mem>>) src(%dma_wait3A_804 : memref<100000x128xf32, #tpu.memory_space<hbm>>) dst(%dma_wait3A_798 : memref<100x128xf32, #tpu.memory_space<vmem>>)
    %parallel_loop3A_805 = arith.constant 0 : i32
    %parallel_loop3A_806 = arith.constant 200 : i32
    %parallel_loop3A_807 = arith.constant 1 : i32
    scf.for %parallel_loop3A_927 = %parallel_loop3A_805 to %parallel_loop3A_806 step %parallel_loop3A_807  : i32 {
      %parallel_loop3A_928 = arith.index_cast %parallel_loop3A_927 : i32 to index
      %parallel_loop3A_929 = arith.constant 0 : index
      %parallel_loop3A_930 = tpu.vector_load %arg6[%parallel_loop3A_928, %parallel_loop3A_929] {strides = array<i32>} : memref<200x128xf32, #tpu.memory_space<vmem>>, vector<1x16xf32>,
      %parallel_loop3A_931 = vector.shape_cast %parallel_loop3A_930 : vector<1x16xf32> to vector<16xf32>
      %parallel_loop3A_932 = arith.constant 2 : i32
      %parallel_loop3A_933 = arith.index_cast %parallel_loop3A_932 : i32 to index
      %parallel_loop3A_934 = arith.index_cast %parallel_loop3A_927 : i32 to index
      %parallel_loop3A_935 = arith.constant 0 : index
      %parallel_loop3A_936 = tpu.vector_load %arg8[%parallel_loop3A_933, %parallel_loop3A_934, %parallel_loop3A_935] {strides = array<i32>} : memref<4x200x128xf32, #tpu.memory_space<vmem>>, vector<1x1x16xf32>,
      %parallel_loop3A_937 = vector.shape_cast %parallel_loop3A_936 : vector<1x1x16xf32> to vector<16xf32>
      %parallel_loop3A_938 = vector.shape_cast %parallel_loop3A_931 : vector<16xf32> to vector<1x1x16xf32>
      tpu.vector_store %arg8[%parallel_loop3A_933, %parallel_loop3A_934, %parallel_loop3A_935], %parallel_loop3A_938 {add = true, strides = array<i32>} : memref<4x200x128xf32, #tpu.memory_space<vmem>>, vector<1x1x16xf32>,
      %parallel_loop3A_939 = arith.index_cast %parallel_loop3A_927 : i32 to index
      %parallel_loop3A_940 = arith.constant 16 : index
      %parallel_loop3A_941 = tpu.vector_load %arg6[%parallel_loop3A_939, %parallel_loop3A_940] {strides = array<i32>} : memref<200x128xf32, #tpu.memory_space<vmem>>, vector<1x16xf32>,
      %parallel_loop3A_942 = vector.shape_cast %parallel_loop3A_941 : vector<1x16xf32> to vector<16xf32>
      %parallel_loop3A_943 = arith.constant 2 : i32
      %parallel_loop3A_944 = arith.index_cast %parallel_loop3A_943 : i32 to index
      %parallel_loop3A_945 = arith.index_cast %parallel_loop3A_927 : i32 to index
      %parallel_loop3A_946 = arith.constant 16 : index
      %parallel_loop3A_947 = tpu.vector_load %arg8[%parallel_loop3A_944, %parallel_loop3A_945, %parallel_loop3A_946] {strides = array<i32>} : memref<4x200x128xf32, #tpu.memory_space<vmem>>, vector<1x1x16xf32>,
      %parallel_loop3A_948 = vector.shape_cast %parallel_loop3A_947 : vector<1x1x16xf32> to vector<16xf32>
      %parallel_loop3A_949 = vector.shape_cast %parallel_loop3A_942 : vector<16xf32> to vector<1x1x16xf32>
      tpu.vector_store %arg8[%parallel_loop3A_944, %parallel_loop3A_945, %parallel_loop3A_946], %parallel_loop3A_949 {add = true, strides = array<i32>} : memref<4x200x128xf32, #tpu.memory_space<vmem>>, vector<1x1x16xf32>,
      %parallel_loop3A_950 = arith.index_cast %parallel_loop3A_927 : i32 to index
      %parallel_loop3A_951 = arith.constant 32 : index
      %parallel_loop3A_952 = tpu.vector_load %arg6[%parallel_loop3A_950, %parallel_loop3A_951] {strides = array<i32>} : memref<200x128xf32, #tpu.memory_space<vmem>>, vector<1x16xf32>,
      %parallel_loop3A_953 = vector.shape_cast %parallel_loop3A_952 : vector<1x16xf32> to vector<16xf32>
      %parallel_loop3A_954 = arith.constant 2 : i32
      %parallel_loop3A_955 = arith.index_cast %parallel_loop3A_954 : i32 to index
      %parallel_loop3A_956 = arith.index_cast %parallel_loop3A_927 : i32 to index
      %parallel_loop3A_957 = arith.constant 32 : index
      %parallel_loop3A_958 = tpu.vector_load %arg8[%parallel_loop3A_955, %parallel_loop3A_956, %parallel_loop3A_957] {strides = array<i32>} : memref<4x200x128xf32, #tpu.memory_space<vmem>>, vector<1x1x16xf32>,
      %parallel_loop3A_959 = vector.shape_cast %parallel_loop3A_958 : vector<1x1x16xf32> to vector<16xf32>
      %parallel_loop3A_960 = vector.shape_cast %parallel_loop3A_953 : vector<16xf32> to vector<1x1x16xf32>
      tpu.vector_store %arg8[%parallel_loop3A_955, %parallel_loop3A_956, %parallel_loop3A_957], %parallel_loop3A_960 {add = true, strides = array<i32>} : memref<4x200x128xf32, #tpu.memory_space<vmem>>, vector<1x1x16xf32>,
      %parallel_loop3A_961 = arith.index_cast %parallel_loop3A_927 : i32 to index
      %parallel_loop3A_962 = arith.constant 48 : index
      %parallel_loop3A_963 = tpu.vector_load %arg6[%parallel_loop3A_961, %parallel_loop3A_962] {strides = array<i32>} : memref<200x128xf32, #tpu.memory_space<vmem>>, vector<1x16xf32>,
      %parallel_loop3A_964 = vector.shape_cast %parallel_loop3A_963 : vector<1x16xf32> to vector<16xf32>
      %parallel_loop3A_965 = arith.constant 2 : i32
      %parallel_loop3A_966 = arith.index_cast %parallel_loop3A_965 : i32 to index
      %parallel_loop3A_967 = arith.index_cast %parallel_loop3A_927 : i32 to index
      %parallel_loop3A_968 = arith.constant 48 : index
      %parallel_loop3A_969 = tpu.vector_load %arg8[%parallel_loop3A_966, %parallel_loop3A_967, %parallel_loop3A_968] {strides = array<i32>} : memref<4x200x128xf32, #tpu.memory_space<vmem>>, vector<1x1x16xf32>,
      %parallel_loop3A_970 = vector.shape_cast %parallel_loop3A_969 : vector<1x1x16xf32> to vector<16xf32>
      %parallel_loop3A_971 = vector.shape_cast %parallel_loop3A_964 : vector<16xf32> to vector<1x1x16xf32>
      tpu.vector_store %arg8[%parallel_loop3A_966, %parallel_loop3A_967, %parallel_loop3A_968], %parallel_loop3A_971 {add = true, strides = array<i32>} : memref<4x200x128xf32, #tpu.memory_space<vmem>>, vector<1x1x16xf32>,
      %parallel_loop3A_972 = arith.index_cast %parallel_loop3A_927 : i32 to index
      %parallel_loop3A_973 = arith.constant 64 : index
      %parallel_loop3A_974 = tpu.vector_load %arg6[%parallel_loop3A_972, %parallel_loop3A_973] {strides = array<i32>} : memref<200x128xf32, #tpu.memory_space<vmem>>, vector<1x16xf32>,
      %parallel_loop3A_975 = vector.shape_cast %parallel_loop3A_974 : vector<1x16xf32> to vector<16xf32>
      %parallel_loop3A_976 = arith.constant 2 : i32
      %parallel_loop3A_977 = arith.index_cast %parallel_loop3A_976 : i32 to index
      %parallel_loop3A_978 = arith.index_cast %parallel_loop3A_927 : i32 to index
      %parallel_loop3A_979 = arith.constant 64 : index
      %parallel_loop3A_980 = tpu.vector_load %arg8[%parallel_loop3A_977, %parallel_loop3A_978, %parallel_loop3A_979] {strides = array<i32>} : memref<4x200x128xf32, #tpu.memory_space<vmem>>, vector<1x1x16xf32>,
      %parallel_loop3A_981 = vector.shape_cast %parallel_loop3A_980 : vector<1x1x16xf32> to vector<16xf32>
      %parallel_loop3A_982 = vector.shape_cast %parallel_loop3A_975 : vector<16xf32> to vector<1x1x16xf32>
      tpu.vector_store %arg8[%parallel_loop3A_977, %parallel_loop3A_978, %parallel_loop3A_979], %parallel_loop3A_982 {add = true, strides = array<i32>} : memref<4x200x128xf32, #tpu.memory_space<vmem>>, vector<1x1x16xf32>,
      %parallel_loop3A_983 = arith.index_cast %parallel_loop3A_927 : i32 to index
      %parallel_loop3A_984 = arith.constant 80 : index
      %parallel_loop3A_985 = tpu.vector_load %arg6[%parallel_loop3A_983, %parallel_loop3A_984] {strides = array<i32>} : memref<200x128xf32, #tpu.memory_space<vmem>>, vector<1x16xf32>,
      %parallel_loop3A_986 = vector.shape_cast %parallel_loop3A_985 : vector<1x16xf32> to vector<16xf32>
      %parallel_loop3A_987 = arith.constant 2 : i32
      %parallel_loop3A_988 = arith.index_cast %parallel_loop3A_987 : i32 to index
      %parallel_loop3A_989 = arith.index_cast %parallel_loop3A_927 : i32 to index
      %parallel_loop3A_990 = arith.constant 80 : index
      %parallel_loop3A_991 = tpu.vector_load %arg8[%parallel_loop3A_988, %parallel_loop3A_989, %parallel_loop3A_990] {strides = array<i32>} : memref<4x200x128xf32, #tpu.memory_space<vmem>>, vector<1x1x16xf32>,
      %parallel_loop3A_992 = vector.shape_cast %parallel_loop3A_991 : vector<1x1x16xf32> to vector<16xf32>
      %parallel_loop3A_993 = vector.shape_cast %parallel_loop3A_986 : vector<16xf32> to vector<1x1x16xf32>
      tpu.vector_store %arg8[%parallel_loop3A_988, %parallel_loop3A_989, %parallel_loop3A_990], %parallel_loop3A_993 {add = true, strides = array<i32>} : memref<4x200x128xf32, #tpu.memory_space<vmem>>, vector<1x1x16xf32>,
      %parallel_loop3A_994 = arith.index_cast %parallel_loop3A_927 : i32 to index
      %parallel_loop3A_995 = arith.constant 96 : index
      %parallel_loop3A_996 = tpu.vector_load %arg6[%parallel_loop3A_994, %parallel_loop3A_995] {strides = array<i32>} : memref<200x128xf32, #tpu.memory_space<vmem>>, vector<1x16xf32>,
      %parallel_loop3A_997 = vector.shape_cast %parallel_loop3A_996 : vector<1x16xf32> to vector<16xf32>
      %parallel_loop3A_998 = arith.constant 2 : i32
      %parallel_loop3A_999 = arith.index_cast %parallel_loop3A_998 : i32 to index
      %parallel_loop3A_1000 = arith.index_cast %parallel_loop3A_927 : i32 to index
      %parallel_loop3A_1001 = arith.constant 96 : index
      %parallel_loop3A_1002 = tpu.vector_load %arg8[%parallel_loop3A_999, %parallel_loop3A_1000, %parallel_loop3A_1001] {strides = array<i32>} : memref<4x200x128xf32, #tpu.memory_space<vmem>>, vector<1x1x16xf32>,
      %parallel_loop3A_1003 = vector.shape_cast %parallel_loop3A_1002 : vector<1x1x16xf32> to vector<16xf32>
      %parallel_loop3A_1004 = vector.shape_cast %parallel_loop3A_997 : vector<16xf32> to vector<1x1x16xf32>
      tpu.vector_store %arg8[%parallel_loop3A_999, %parallel_loop3A_1000, %parallel_loop3A_1001], %parallel_loop3A_1004 {add = true, strides = array<i32>} : memref<4x200x128xf32, #tpu.memory_space<vmem>>, vector<1x1x16xf32>,
      %parallel_loop3A_1005 = arith.index_cast %parallel_loop3A_927 : i32 to index
      %parallel_loop3A_1006 = arith.constant 112 : index
      %parallel_loop3A_1007 = tpu.vector_load %arg6[%parallel_loop3A_1005, %parallel_loop3A_1006] {strides = array<i32>} : memref<200x128xf32, #tpu.memory_space<vmem>>, vector<1x16xf32>,
      %parallel_loop3A_1008 = vector.shape_cast %parallel_loop3A_1007 : vector<1x16xf32> to vector<16xf32>
      %parallel_loop3A_1009 = arith.constant 2 : i32
      %parallel_loop3A_1010 = arith.index_cast %parallel_loop3A_1009 : i32 to index
      %parallel_loop3A_1011 = arith.index_cast %parallel_loop3A_927 : i32 to index
      %parallel_loop3A_1012 = arith.constant 112 : index
      %parallel_loop3A_1013 = tpu.vector_load %arg8[%parallel_loop3A_1010, %parallel_loop3A_1011, %parallel_loop3A_1012] {strides = array<i32>} : memref<4x200x128xf32, #tpu.memory_space<vmem>>, vector<1x1x16xf32>,
      %parallel_loop3A_1014 = vector.shape_cast %parallel_loop3A_1013 : vector<1x1x16xf32> to vector<16xf32>
      %parallel_loop3A_1015 = vector.shape_cast %parallel_loop3A_1008 : vector<16xf32> to vector<1x1x16xf32>
      tpu.vector_store %arg8[%parallel_loop3A_1010, %parallel_loop3A_1011, %parallel_loop3A_1012], %parallel_loop3A_1015 {add = true, strides = array<i32>} : memref<4x200x128xf32, #tpu.memory_space<vmem>>, vector<1x1x16xf32>,
    } {sc.loop_unroll_factor = 4 : i64, sc.parallel_access}
    %add3A_808 = arith.constant 25200 : i32
    %add3A_809 = arith.addi %mul3A_2, %add3A_808 : i32
    %dma_start3A_810 = arith.constant 2 : i32
    %dma_start3A_811 = arith.constant 0 : i32
    %dma_start3A_812 = arith.constant 0 : i32
    %dma_start3A_813 = tpu.memref_slice %arg8[%dma_start3A_810, %dma_start3A_811, %dma_start3A_812] : memref<4x200x128xf32, #tpu.memory_space<vmem>> -> memref<1x200x128xf32, #tpu.memory_space<vmem>>
    %dma_start3A_814 = tpu.memref_squeeze %dma_start3A_813 : memref<1x200x128xf32, #tpu.memory_space<vmem>> -> memref<200x128xf32, #tpu.memory_space<vmem>>
    %dma_start3A_815 = arith.constant 0 : i32
    %dma_start3A_816 = tpu.memref_slice %arg5[%add3A_809, %dma_start3A_815] : memref<819200x128xf32, #tpu.memory_space<hbm>> -> memref<200x128xf32, #tpu.memory_space<hbm>>
    %dma_start3A_817 = arith.constant 0 : i32
    %dma_start3A_818 = tpu.memref_slice %arg5[%add3A_809, %dma_start3A_817] : memref<819200x128xf32, #tpu.memory_space<hbm>> -> memref<200x128xf32, #tpu.memory_space<hbm>>
    %dma_start3A_819 = arith.constant 0 : i32
    %dma_start3A_820 = arith.constant 0 : i32
    %dma_start3A_821 = tpu.memref_slice %arg8[%dma_start3A_810, %dma_start3A_819, %dma_start3A_820] : memref<4x200x128xf32, #tpu.memory_space<vmem>> -> memref<1x200x128xf32, #tpu.memory_space<vmem>>
    %dma_start3A_822 = tpu.memref_squeeze %dma_start3A_821 : memref<1x200x128xf32, #tpu.memory_space<vmem>> -> memref<200x128xf32, #tpu.memory_space<vmem>>
    tpu.enqueue_dma source(%dma_start3A_822 : memref<200x128xf32, #tpu.memory_space<vmem>>) target(%dma_start3A_818 : memref<200x128xf32, #tpu.memory_space<hbm>>) target_semaphore(%arg19 : memref<!tpu.dma_semaphore, #tpu.memory_space<semaphore_mem>>)
    %add3A_823 = arith.constant 0 : i32
    %add3A_824 = arith.addi %mul3A_2, %add3A_823 : i32
    %dma_wait3A_825 = arith.constant 0 : i32
    %dma_wait3A_826 = arith.constant 0 : i32
    %dma_wait3A_827 = arith.constant 0 : i32
    %dma_wait3A_828 = tpu.memref_slice %arg8[%dma_wait3A_825, %dma_wait3A_826, %dma_wait3A_827] : memref<4x200x128xf32, #tpu.memory_space<vmem>> -> memref<1x200x128xf32, #tpu.memory_space<vmem>>
    %dma_wait3A_829 = tpu.memref_squeeze %dma_wait3A_828 : memref<1x200x128xf32, #tpu.memory_space<vmem>> -> memref<200x128xf32, #tpu.memory_space<vmem>>
    %dma_wait3A_830 = arith.constant 0 : i32
    %dma_wait3A_831 = tpu.memref_slice %arg5[%add3A_824, %dma_wait3A_830] : memref<819200x128xf32, #tpu.memory_space<hbm>> -> memref<200x128xf32, #tpu.memory_space<hbm>>
    %dma_wait3A_832 = arith.constant 0 : i32
    %dma_wait3A_833 = tpu.memref_slice %arg5[%add3A_824, %dma_wait3A_832] : memref<819200x128xf32, #tpu.memory_space<hbm>> -> memref<200x128xf32, #tpu.memory_space<hbm>>
    %dma_wait3A_834 = arith.constant 0 : i32
    %dma_wait3A_835 = arith.constant 0 : i32
    %dma_wait3A_836 = tpu.memref_slice %arg8[%dma_wait3A_825, %dma_wait3A_834, %dma_wait3A_835] : memref<4x200x128xf32, #tpu.memory_space<vmem>> -> memref<1x200x128xf32, #tpu.memory_space<vmem>>
    %dma_wait3A_837 = tpu.memref_squeeze %dma_wait3A_836 : memref<1x200x128xf32, #tpu.memory_space<vmem>> -> memref<200x128xf32, #tpu.memory_space<vmem>>
    tpu.wait_dma2 semaphore(%arg17 : memref<!tpu.dma_semaphore, #tpu.memory_space<semaphore_mem>>) src(%dma_wait3A_837 : memref<200x128xf32, #tpu.memory_space<vmem>>) dst(%dma_wait3A_833 : memref<200x128xf32, #tpu.memory_space<hbm>>)
    %dma_wait3A_838 = arith.constant 3 : i32
    %dma_wait3A_839 = arith.constant 0 : i32
    %dma_wait3A_840 = arith.constant 3 : i32
    %dma_wait3A_841 = arith.constant 0 : i32
    %dma_wait3A_842 = arith.constant 0 : i32
    %dma_wait3A_843 = tpu.memref_slice %arg8[%dma_wait3A_840, %dma_wait3A_841, %dma_wait3A_842] : memref<4x200x128xf32, #tpu.memory_space<vmem>> -> memref<1x100x128xf32, #tpu.memory_space<vmem>>
    %dma_wait3A_844 = tpu.memref_squeeze %dma_wait3A_843 : memref<1x100x128xf32, #tpu.memory_space<vmem>> -> memref<100x128xf32, #tpu.memory_space<vmem>>
    %dma_wait3A_845 = arith.constant 0 : i32
    %dma_wait3A_846 = tpu.memref_slice %arg7[%dma_wait3A_838, %dma_wait3A_839, %dma_wait3A_845] : memref<4x2x100xi32, #tpu.memory_space<vmem>> -> memref<1x1x100xi32, #tpu.memory_space<vmem>>
    %dma_wait3A_847 = tpu.memref_squeeze %dma_wait3A_846 : memref<1x1x100xi32, #tpu.memory_space<vmem>> -> memref<100xi32, #tpu.memory_space<vmem>>
    %dma_wait3A_848 = arith.constant 0 : i32
    %dma_wait3A_849 = arith.constant 0 : i32
    %dma_wait3A_850 = tpu.memref_slice %arg3[%dma_wait3A_848, %dma_wait3A_849] : memref<100000x128xf32, #tpu.memory_space<hbm>> -> memref<100000x128xf32, #tpu.memory_space<hbm>>
    tpu.wait_indirect_dma semaphore(%arg16 : memref<!tpu.dma_semaphore, #tpu.memory_space<semaphore_mem>>) src(%dma_wait3A_850 : memref<100000x128xf32, #tpu.memory_space<hbm>>) dst(%dma_wait3A_844 : memref<100x128xf32, #tpu.memory_space<vmem>>)
    %dma_wait3A_851 = arith.constant 3 : i32
    %dma_wait3A_852 = arith.constant 1 : i32
    %dma_wait3A_853 = arith.constant 3 : i32
    %dma_wait3A_854 = arith.constant 100 : i32
    %dma_wait3A_855 = arith.constant 0 : i32
    %dma_wait3A_856 = tpu.memref_slice %arg8[%dma_wait3A_853, %dma_wait3A_854, %dma_wait3A_855] : memref<4x200x128xf32, #tpu.memory_space<vmem>> -> memref<1x100x128xf32, #tpu.memory_space<vmem>>
    %dma_wait3A_857 = tpu.memref_squeeze %dma_wait3A_856 : memref<1x100x128xf32, #tpu.memory_space<vmem>> -> memref<100x128xf32, #tpu.memory_space<vmem>>
    %dma_wait3A_858 = arith.constant 0 : i32
    %dma_wait3A_859 = tpu.memref_slice %arg7[%dma_wait3A_851, %dma_wait3A_852, %dma_wait3A_858] : memref<4x2x100xi32, #tpu.memory_space<vmem>> -> memref<1x1x100xi32, #tpu.memory_space<vmem>>
    %dma_wait3A_860 = tpu.memref_squeeze %dma_wait3A_859 : memref<1x1x100xi32, #tpu.memory_space<vmem>> -> memref<100xi32, #tpu.memory_space<vmem>>
    %dma_wait3A_861 = arith.constant 0 : i32
    %dma_wait3A_862 = arith.constant 0 : i32
    %dma_wait3A_863 = tpu.memref_slice %arg3[%dma_wait3A_861, %dma_wait3A_862] : memref<100000x128xf32, #tpu.memory_space<hbm>> -> memref<100000x128xf32, #tpu.memory_space<hbm>>
    tpu.wait_indirect_dma semaphore(%arg16 : memref<!tpu.dma_semaphore, #tpu.memory_space<semaphore_mem>>) src(%dma_wait3A_863 : memref<100000x128xf32, #tpu.memory_space<hbm>>) dst(%dma_wait3A_857 : memref<100x128xf32, #tpu.memory_space<vmem>>)
    %parallel_loop3A_864 = arith.constant 0 : i32
    %parallel_loop3A_865 = arith.constant 200 : i32
    %parallel_loop3A_866 = arith.constant 1 : i32
    scf.for %parallel_loop3A_927 = %parallel_loop3A_864 to %parallel_loop3A_865 step %parallel_loop3A_866  : i32 {
      %parallel_loop3A_928 = arith.index_cast %parallel_loop3A_927 : i32 to index
      %parallel_loop3A_929 = arith.constant 0 : index
      %parallel_loop3A_930 = tpu.vector_load %arg6[%parallel_loop3A_928, %parallel_loop3A_929] {strides = array<i32>} : memref<200x128xf32, #tpu.memory_space<vmem>>, vector<1x16xf32>,
      %parallel_loop3A_931 = vector.shape_cast %parallel_loop3A_930 : vector<1x16xf32> to vector<16xf32>
      %parallel_loop3A_932 = arith.constant 3 : i32
      %parallel_loop3A_933 = arith.index_cast %parallel_loop3A_932 : i32 to index
      %parallel_loop3A_934 = arith.index_cast %parallel_loop3A_927 : i32 to index
      %parallel_loop3A_935 = arith.constant 0 : index
      %parallel_loop3A_936 = tpu.vector_load %arg8[%parallel_loop3A_933, %parallel_loop3A_934, %parallel_loop3A_935] {strides = array<i32>} : memref<4x200x128xf32, #tpu.memory_space<vmem>>, vector<1x1x16xf32>,
      %parallel_loop3A_937 = vector.shape_cast %parallel_loop3A_936 : vector<1x1x16xf32> to vector<16xf32>
      %parallel_loop3A_938 = vector.shape_cast %parallel_loop3A_931 : vector<16xf32> to vector<1x1x16xf32>
      tpu.vector_store %arg8[%parallel_loop3A_933, %parallel_loop3A_934, %parallel_loop3A_935], %parallel_loop3A_938 {add = true, strides = array<i32>} : memref<4x200x128xf32, #tpu.memory_space<vmem>>, vector<1x1x16xf32>,
      %parallel_loop3A_939 = arith.index_cast %parallel_loop3A_927 : i32 to index
      %parallel_loop3A_940 = arith.constant 16 : index
      %parallel_loop3A_941 = tpu.vector_load %arg6[%parallel_loop3A_939, %parallel_loop3A_940] {strides = array<i32>} : memref<200x128xf32, #tpu.memory_space<vmem>>, vector<1x16xf32>,
      %parallel_loop3A_942 = vector.shape_cast %parallel_loop3A_941 : vector<1x16xf32> to vector<16xf32>
      %parallel_loop3A_943 = arith.constant 3 : i32
      %parallel_loop3A_944 = arith.index_cast %parallel_loop3A_943 : i32 to index
      %parallel_loop3A_945 = arith.index_cast %parallel_loop3A_927 : i32 to index
      %parallel_loop3A_946 = arith.constant 16 : index
      %parallel_loop3A_947 = tpu.vector_load %arg8[%parallel_loop3A_944, %parallel_loop3A_945, %parallel_loop3A_946] {strides = array<i32>} : memref<4x200x128xf32, #tpu.memory_space<vmem>>, vector<1x1x16xf32>,
      %parallel_loop3A_948 = vector.shape_cast %parallel_loop3A_947 : vector<1x1x16xf32> to vector<16xf32>
      %parallel_loop3A_949 = vector.shape_cast %parallel_loop3A_942 : vector<16xf32> to vector<1x1x16xf32>
      tpu.vector_store %arg8[%parallel_loop3A_944, %parallel_loop3A_945, %parallel_loop3A_946], %parallel_loop3A_949 {add = true, strides = array<i32>} : memref<4x200x128xf32, #tpu.memory_space<vmem>>, vector<1x1x16xf32>,
      %parallel_loop3A_950 = arith.index_cast %parallel_loop3A_927 : i32 to index
      %parallel_loop3A_951 = arith.constant 32 : index
      %parallel_loop3A_952 = tpu.vector_load %arg6[%parallel_loop3A_950, %parallel_loop3A_951] {strides = array<i32>} : memref<200x128xf32, #tpu.memory_space<vmem>>, vector<1x16xf32>,
      %parallel_loop3A_953 = vector.shape_cast %parallel_loop3A_952 : vector<1x16xf32> to vector<16xf32>
      %parallel_loop3A_954 = arith.constant 3 : i32
      %parallel_loop3A_955 = arith.index_cast %parallel_loop3A_954 : i32 to index
      %parallel_loop3A_956 = arith.index_cast %parallel_loop3A_927 : i32 to index
      %parallel_loop3A_957 = arith.constant 32 : index
      %parallel_loop3A_958 = tpu.vector_load %arg8[%parallel_loop3A_955, %parallel_loop3A_956, %parallel_loop3A_957] {strides = array<i32>} : memref<4x200x128xf32, #tpu.memory_space<vmem>>, vector<1x1x16xf32>,
      %parallel_loop3A_959 = vector.shape_cast %parallel_loop3A_958 : vector<1x1x16xf32> to vector<16xf32>
      %parallel_loop3A_960 = vector.shape_cast %parallel_loop3A_953 : vector<16xf32> to vector<1x1x16xf32>
      tpu.vector_store %arg8[%parallel_loop3A_955, %parallel_loop3A_956, %parallel_loop3A_957], %parallel_loop3A_960 {add = true, strides = array<i32>} : memref<4x200x128xf32, #tpu.memory_space<vmem>>, vector<1x1x16xf32>,
      %parallel_loop3A_961 = arith.index_cast %parallel_loop3A_927 : i32 to index
      %parallel_loop3A_962 = arith.constant 48 : index
      %parallel_loop3A_963 = tpu.vector_load %arg6[%parallel_loop3A_961, %parallel_loop3A_962] {strides = array<i32>} : memref<200x128xf32, #tpu.memory_space<vmem>>, vector<1x16xf32>,
      %parallel_loop3A_964 = vector.shape_cast %parallel_loop3A_963 : vector<1x16xf32> to vector<16xf32>
      %parallel_loop3A_965 = arith.constant 3 : i32
      %parallel_loop3A_966 = arith.index_cast %parallel_loop3A_965 : i32 to index
      %parallel_loop3A_967 = arith.index_cast %parallel_loop3A_927 : i32 to index
      %parallel_loop3A_968 = arith.constant 48 : index
      %parallel_loop3A_969 = tpu.vector_load %arg8[%parallel_loop3A_966, %parallel_loop3A_967, %parallel_loop3A_968] {strides = array<i32>} : memref<4x200x128xf32, #tpu.memory_space<vmem>>, vector<1x1x16xf32>,
      %parallel_loop3A_970 = vector.shape_cast %parallel_loop3A_969 : vector<1x1x16xf32> to vector<16xf32>
      %parallel_loop3A_971 = vector.shape_cast %parallel_loop3A_964 : vector<16xf32> to vector<1x1x16xf32>
      tpu.vector_store %arg8[%parallel_loop3A_966, %parallel_loop3A_967, %parallel_loop3A_968], %parallel_loop3A_971 {add = true, strides = array<i32>} : memref<4x200x128xf32, #tpu.memory_space<vmem>>, vector<1x1x16xf32>,
      %parallel_loop3A_972 = arith.index_cast %parallel_loop3A_927 : i32 to index
      %parallel_loop3A_973 = arith.constant 64 : index
      %parallel_loop3A_974 = tpu.vector_load %arg6[%parallel_loop3A_972, %parallel_loop3A_973] {strides = array<i32>} : memref<200x128xf32, #tpu.memory_space<vmem>>, vector<1x16xf32>,
      %parallel_loop3A_975 = vector.shape_cast %parallel_loop3A_974 : vector<1x16xf32> to vector<16xf32>
      %parallel_loop3A_976 = arith.constant 3 : i32
      %parallel_loop3A_977 = arith.index_cast %parallel_loop3A_976 : i32 to index
      %parallel_loop3A_978 = arith.index_cast %parallel_loop3A_927 : i32 to index
      %parallel_loop3A_979 = arith.constant 64 : index
      %parallel_loop3A_980 = tpu.vector_load %arg8[%parallel_loop3A_977, %parallel_loop3A_978, %parallel_loop3A_979] {strides = array<i32>} : memref<4x200x128xf32, #tpu.memory_space<vmem>>, vector<1x1x16xf32>,
      %parallel_loop3A_981 = vector.shape_cast %parallel_loop3A_980 : vector<1x1x16xf32> to vector<16xf32>
      %parallel_loop3A_982 = vector.shape_cast %parallel_loop3A_975 : vector<16xf32> to vector<1x1x16xf32>
      tpu.vector_store %arg8[%parallel_loop3A_977, %parallel_loop3A_978, %parallel_loop3A_979], %parallel_loop3A_982 {add = true, strides = array<i32>} : memref<4x200x128xf32, #tpu.memory_space<vmem>>, vector<1x1x16xf32>,
      %parallel_loop3A_983 = arith.index_cast %parallel_loop3A_927 : i32 to index
      %parallel_loop3A_984 = arith.constant 80 : index
      %parallel_loop3A_985 = tpu.vector_load %arg6[%parallel_loop3A_983, %parallel_loop3A_984] {strides = array<i32>} : memref<200x128xf32, #tpu.memory_space<vmem>>, vector<1x16xf32>,
      %parallel_loop3A_986 = vector.shape_cast %parallel_loop3A_985 : vector<1x16xf32> to vector<16xf32>
      %parallel_loop3A_987 = arith.constant 3 : i32
      %parallel_loop3A_988 = arith.index_cast %parallel_loop3A_987 : i32 to index
      %parallel_loop3A_989 = arith.index_cast %parallel_loop3A_927 : i32 to index
      %parallel_loop3A_990 = arith.constant 80 : index
      %parallel_loop3A_991 = tpu.vector_load %arg8[%parallel_loop3A_988, %parallel_loop3A_989, %parallel_loop3A_990] {strides = array<i32>} : memref<4x200x128xf32, #tpu.memory_space<vmem>>, vector<1x1x16xf32>,
      %parallel_loop3A_992 = vector.shape_cast %parallel_loop3A_991 : vector<1x1x16xf32> to vector<16xf32>
      %parallel_loop3A_993 = vector.shape_cast %parallel_loop3A_986 : vector<16xf32> to vector<1x1x16xf32>
      tpu.vector_store %arg8[%parallel_loop3A_988, %parallel_loop3A_989, %parallel_loop3A_990], %parallel_loop3A_993 {add = true, strides = array<i32>} : memref<4x200x128xf32, #tpu.memory_space<vmem>>, vector<1x1x16xf32>,
      %parallel_loop3A_994 = arith.index_cast %parallel_loop3A_927 : i32 to index
      %parallel_loop3A_995 = arith.constant 96 : index
      %parallel_loop3A_996 = tpu.vector_load %arg6[%parallel_loop3A_994, %parallel_loop3A_995] {strides = array<i32>} : memref<200x128xf32, #tpu.memory_space<vmem>>, vector<1x16xf32>,
      %parallel_loop3A_997 = vector.shape_cast %parallel_loop3A_996 : vector<1x16xf32> to vector<16xf32>
      %parallel_loop3A_998 = arith.constant 3 : i32
      %parallel_loop3A_999 = arith.index_cast %parallel_loop3A_998 : i32 to index
      %parallel_loop3A_1000 = arith.index_cast %parallel_loop3A_927 : i32 to index
      %parallel_loop3A_1001 = arith.constant 96 : index
      %parallel_loop3A_1002 = tpu.vector_load %arg8[%parallel_loop3A_999, %parallel_loop3A_1000, %parallel_loop3A_1001] {strides = array<i32>} : memref<4x200x128xf32, #tpu.memory_space<vmem>>, vector<1x1x16xf32>,
      %parallel_loop3A_1003 = vector.shape_cast %parallel_loop3A_1002 : vector<1x1x16xf32> to vector<16xf32>
      %parallel_loop3A_1004 = vector.shape_cast %parallel_loop3A_997 : vector<16xf32> to vector<1x1x16xf32>
      tpu.vector_store %arg8[%parallel_loop3A_999, %parallel_loop3A_1000, %parallel_loop3A_1001], %parallel_loop3A_1004 {add = true, strides = array<i32>} : memref<4x200x128xf32, #tpu.memory_space<vmem>>, vector<1x1x16xf32>,
      %parallel_loop3A_1005 = arith.index_cast %parallel_loop3A_927 : i32 to index
      %parallel_loop3A_1006 = arith.constant 112 : index
      %parallel_loop3A_1007 = tpu.vector_load %arg6[%parallel_loop3A_1005, %parallel_loop3A_1006] {strides = array<i32>} : memref<200x128xf32, #tpu.memory_space<vmem>>, vector<1x16xf32>,
      %parallel_loop3A_1008 = vector.shape_cast %parallel_loop3A_1007 : vector<1x16xf32> to vector<16xf32>
      %parallel_loop3A_1009 = arith.constant 3 : i32
      %parallel_loop3A_1010 = arith.index_cast %parallel_loop3A_1009 : i32 to index
      %parallel_loop3A_1011 = arith.index_cast %parallel_loop3A_927 : i32 to index
      %parallel_loop3A_1012 = arith.constant 112 : index
      %parallel_loop3A_1013 = tpu.vector_load %arg8[%parallel_loop3A_1010, %parallel_loop3A_1011, %parallel_loop3A_1012] {strides = array<i32>} : memref<4x200x128xf32, #tpu.memory_space<vmem>>, vector<1x1x16xf32>,
      %parallel_loop3A_1014 = vector.shape_cast %parallel_loop3A_1013 : vector<1x1x16xf32> to vector<16xf32>
      %parallel_loop3A_1015 = vector.shape_cast %parallel_loop3A_1008 : vector<16xf32> to vector<1x1x16xf32>
      tpu.vector_store %arg8[%parallel_loop3A_1010, %parallel_loop3A_1011, %parallel_loop3A_1012], %parallel_loop3A_1015 {add = true, strides = array<i32>} : memref<4x200x128xf32, #tpu.memory_space<vmem>>, vector<1x1x16xf32>,
    } {sc.loop_unroll_factor = 4 : i64, sc.parallel_access}
    %add3A_867 = arith.constant 25400 : i32
    %add3A_868 = arith.addi %mul3A_2, %add3A_867 : i32
    %dma_start3A_869 = arith.constant 3 : i32
    %dma_start3A_870 = arith.constant 0 : i32
    %dma_start3A_871 = arith.constant 0 : i32
    %dma_start3A_872 = tpu.memref_slice %arg8[%dma_start3A_869, %dma_start3A_870, %dma_start3A_871] : memref<4x200x128xf32, #tpu.memory_space<vmem>> -> memref<1x200x128xf32, #tpu.memory_space<vmem>>
    %dma_start3A_873 = tpu.memref_squeeze %dma_start3A_872 : memref<1x200x128xf32, #tpu.memory_space<vmem>> -> memref<200x128xf32, #tpu.memory_space<vmem>>
    %dma_start3A_874 = arith.constant 0 : i32
    %dma_start3A_875 = tpu.memref_slice %arg5[%add3A_868, %dma_start3A_874] : memref<819200x128xf32, #tpu.memory_space<hbm>> -> memref<200x128xf32, #tpu.memory_space<hbm>>
    %dma_start3A_876 = arith.constant 0 : i32
    %dma_start3A_877 = tpu.memref_slice %arg5[%add3A_868, %dma_start3A_876] : memref<819200x128xf32, #tpu.memory_space<hbm>> -> memref<200x128xf32, #tpu.memory_space<hbm>>
    %dma_start3A_878 = arith.constant 0 : i32
    %dma_start3A_879 = arith.constant 0 : i32
    %dma_start3A_880 = tpu.memref_slice %arg8[%dma_start3A_869, %dma_start3A_878, %dma_start3A_879] : memref<4x200x128xf32, #tpu.memory_space<vmem>> -> memref<1x200x128xf32, #tpu.memory_space<vmem>>
    %dma_start3A_881 = tpu.memref_squeeze %dma_start3A_880 : memref<1x200x128xf32, #tpu.memory_space<vmem>> -> memref<200x128xf32, #tpu.memory_space<vmem>>
    tpu.enqueue_dma source(%dma_start3A_881 : memref<200x128xf32, #tpu.memory_space<vmem>>) target(%dma_start3A_877 : memref<200x128xf32, #tpu.memory_space<hbm>>) target_semaphore(%arg20 : memref<!tpu.dma_semaphore, #tpu.memory_space<semaphore_mem>>)
    %add3A_882 = arith.constant 0 : i32
    %add3A_883 = arith.addi %mul3A_2, %add3A_882 : i32
    %dma_wait3A_884 = arith.constant 1 : i32
    %dma_wait3A_885 = arith.constant 0 : i32
    %dma_wait3A_886 = arith.constant 0 : i32
    %dma_wait3A_887 = tpu.memref_slice %arg8[%dma_wait3A_884, %dma_wait3A_885, %dma_wait3A_886] : memref<4x200x128xf32, #tpu.memory_space<vmem>> -> memref<1x200x128xf32, #tpu.memory_space<vmem>>
    %dma_wait3A_888 = tpu.memref_squeeze %dma_wait3A_887 : memref<1x200x128xf32, #tpu.memory_space<vmem>> -> memref<200x128xf32, #tpu.memory_space<vmem>>
    %dma_wait3A_889 = arith.constant 0 : i32
    %dma_wait3A_890 = tpu.memref_slice %arg5[%add3A_883, %dma_wait3A_889] : memref<819200x128xf32, #tpu.memory_space<hbm>> -> memref<200x128xf32, #tpu.memory_space<hbm>>
    %dma_wait3A_891 = arith.constant 0 : i32
    %dma_wait3A_892 = tpu.memref_slice %arg5[%add3A_883, %dma_wait3A_891] : memref<819200x128xf32, #tpu.memory_space<hbm>> -> memref<200x128xf32, #tpu.memory_space<hbm>>
    %dma_wait3A_893 = arith.constant 0 : i32
    %dma_wait3A_894 = arith.constant 0 : i32
    %dma_wait3A_895 = tpu.memref_slice %arg8[%dma_wait3A_884, %dma_wait3A_893, %dma_wait3A_894] : memref<4x200x128xf32, #tpu.memory_space<vmem>> -> memref<1x200x128xf32, #tpu.memory_space<vmem>>
    %dma_wait3A_896 = tpu.memref_squeeze %dma_wait3A_895 : memref<1x200x128xf32, #tpu.memory_space<vmem>> -> memref<200x128xf32, #tpu.memory_space<vmem>>
    tpu.wait_dma2 semaphore(%arg18 : memref<!tpu.dma_semaphore, #tpu.memory_space<semaphore_mem>>) src(%dma_wait3A_896 : memref<200x128xf32, #tpu.memory_space<vmem>>) dst(%dma_wait3A_892 : memref<200x128xf32, #tpu.memory_space<hbm>>)
    %add3A_897 = arith.constant 0 : i32
    %add3A_898 = arith.addi %mul3A_2, %add3A_897 : i32
    %dma_wait3A_899 = arith.constant 2 : i32
    %dma_wait3A_900 = arith.constant 0 : i32
    %dma_wait3A_901 = arith.constant 0 : i32
    %dma_wait3A_902 = tpu.memref_slice %arg8[%dma_wait3A_899, %dma_wait3A_900, %dma_wait3A_901] : memref<4x200x128xf32, #tpu.memory_space<vmem>> -> memref<1x200x128xf32, #tpu.memory_space<vmem>>
    %dma_wait3A_903 = tpu.memref_squeeze %dma_wait3A_902 : memref<1x200x128xf32, #tpu.memory_space<vmem>> -> memref<200x128xf32, #tpu.memory_space<vmem>>
    %dma_wait3A_904 = arith.constant 0 : i32
    %dma_wait3A_905 = tpu.memref_slice %arg5[%add3A_898, %dma_wait3A_904] : memref<819200x128xf32, #tpu.memory_space<hbm>> -> memref<200x128xf32, #tpu.memory_space<hbm>>
    %dma_wait3A_906 = arith.constant 0 : i32
    %dma_wait3A_907 = tpu.memref_slice %arg5[%add3A_898, %dma_wait3A_906] : memref<819200x128xf32, #tpu.memory_space<hbm>> -> memref<200x128xf32, #tpu.memory_space<hbm>>
    %dma_wait3A_908 = arith.constant 0 : i32
    %dma_wait3A_909 = arith.constant 0 : i32
    %dma_wait3A_910 = tpu.memref_slice %arg8[%dma_wait3A_899, %dma_wait3A_908, %dma_wait3A_909] : memref<4x200x128xf32, #tpu.memory_space<vmem>> -> memref<1x200x128xf32, #tpu.memory_space<vmem>>
    %dma_wait3A_911 = tpu.memref_squeeze %dma_wait3A_910 : memref<1x200x128xf32, #tpu.memory_space<vmem>> -> memref<200x128xf32, #tpu.memory_space<vmem>>
    tpu.wait_dma2 semaphore(%arg19 : memref<!tpu.dma_semaphore, #tpu.memory_space<semaphore_mem>>) src(%dma_wait3A_911 : memref<200x128xf32, #tpu.memory_space<vmem>>) dst(%dma_wait3A_907 : memref<200x128xf32, #tpu.memory_space<hbm>>)
    %add3A_912 = arith.constant 0 : i32
    %add3A_913 = arith.addi %mul3A_2, %add3A_912 : i32
    %dma_wait3A_914 = arith.constant 3 : i32
    %dma_wait3A_915 = arith.constant 0 : i32
    %dma_wait3A_916 = arith.constant 0 : i32
    %dma_wait3A_917 = tpu.memref_slice %arg8[%dma_wait3A_914, %dma_wait3A_915, %dma_wait3A_916] : memref<4x200x128xf32, #tpu.memory_space<vmem>> -> memref<1x200x128xf32, #tpu.memory_space<vmem>>
    %dma_wait3A_918 = tpu.memref_squeeze %dma_wait3A_917 : memref<1x200x128xf32, #tpu.memory_space<vmem>> -> memref<200x128xf32, #tpu.memory_space<vmem>>
    %dma_wait3A_919 = arith.constant 0 : i32
    %dma_wait3A_920 = tpu.memref_slice %arg5[%add3A_913, %dma_wait3A_919] : memref<819200x128xf32, #tpu.memory_space<hbm>> -> memref<200x128xf32, #tpu.memory_space<hbm>>
    %dma_wait3A_921 = arith.constant 0 : i32
    %dma_wait3A_922 = tpu.memref_slice %arg5[%add3A_913, %dma_wait3A_921] : memref<819200x128xf32, #tpu.memory_space<hbm>> -> memref<200x128xf32, #tpu.memory_space<hbm>>
    %dma_wait3A_923 = arith.constant 0 : i32
    %dma_wait3A_924 = arith.constant 0 : i32
    %dma_wait3A_925 = tpu.memref_slice %arg8[%dma_wait3A_914, %dma_wait3A_923, %dma_wait3A_924] : memref<4x200x128xf32, #tpu.memory_space<vmem>> -> memref<1x200x128xf32, #tpu.memory_space<vmem>>
    %dma_wait3A_926 = tpu.memref_squeeze %dma_wait3A_925 : memref<1x200x128xf32, #tpu.memory_space<vmem>> -> memref<200x128xf32, #tpu.memory_space<vmem>>
    tpu.wait_dma2 semaphore(%arg20 : memref<!tpu.dma_semaphore, #tpu.memory_space<semaphore_mem>>) src(%dma_wait3A_926 : memref<200x128xf32, #tpu.memory_space<vmem>>) dst(%dma_wait3A_922 : memref<200x128xf32, #tpu.memory_space<hbm>>)
    return
  }
}

</mosaic_0001>

<sc_bundles>
// kernel: kernel.3.cloned.1.call-start
scs
__scs_entry_jumppad:
0x0: {  	(pc) =	sbr.rel $0x88, $3  }
0x1: {  	(tag) =	ssettag $0x0;
	lr =	simm.s32 $0x1  }
0x2: {  	[smem:$0x3F9E] =	sst lr;
	_ =	strace $0xD0000000  }
0x3: {  	_ = 	snop  }
0x4: {  	_ = 	snop  }
0x5: {  	_ = 	snop  }
0x6: {  	_ = 	snop  }
0x7: {  	_ = 	snop  }
__scs_overlays_trampoline_lowered:
0x8: {  	[smem:$0x3FAD] =	sst s0  }
0x9: {  	[smem:$0x3FAE] =	sst s1  }
0xa: {  	[smem:$0x3FAF] =	sst s2  }
0xb: {  	[smem:$0x3FB0] =	sst s3  }
0xc: {  	[smem:$0x3FB1] =	sst s4  }
0xd: {  	[smem:$0x3FB2] =	sst s5  }
0xe: {  	[smem:$0x3FB3] =	sst s6  }
0xf: {  	[smem:$0x3FB4] =	sst s7  }
0x10: {  	[smem:$0x3FB5] =	sst s8  }
0x11: {  	[smem:$0x3FB6] =	sst s9;
	s0 =	simm.s32 @!p0 $0x0  }
0x12: {  	s1 =	sld [smem:$0x3F9C];
	s0 =	simm.s32 @p0 $0x1  }
0x13: {  	[smem:$0x3FB7] =	sst s0;
	s0 =	simm.s32 @!p1 $0x0  }
0x14: {  	s2 =	sld [smem:$0x3F9B];
	s0 =	simm.s32 @p1 $0x1  }
0x15: {  	[smem:$0x3FB8] =	sst s0;
	s0 =	simm.s32 @!p2 $0x0  }
0x16: {  	s3 =	sld [smem:$0x3FDB];
	s0 =	simm.s32 @p2 $0x1  }
0x17: {  	s4 =	simm.s32 $0x1BF5;
	[smem:$0x3FBA] =	sst s0  }
0x18: {  	s0 =	sld [smem:$0x3F9D];
	_ =	swait.ge [sflag:s4], $0x0  }
0x19: {  	s7 =	sld [smem:$0x3F9E]  }
0x1a: {  	s8 =	sadd.s32 $0xFFFFE003, lr  }
0x1b: {  	s9 =	sadd.s32 $0xFFFFFEF7, lr;
	s5 =	simm.s32 $0xFFFFFFFF;
	p2 =	slt.u32 s8, $0xFFFFF086  }
0x1c: {  	p1 =	slt.u32 s9, $0xF7A;
	s5 =	simm.s32 @!p2 $0x0  }
0x1d: {  	s5 =	simm.s32 @p1 $0x1;
	p0 =	seq.s32 s7, s2  }
0x1e: {  	s7 =	smul.u32 @!p0 $0xF7A, s2;
	p2 =	seq.s32 @!p0 s5, $0x0  }
0x1f: {  	s9 =	smul.u32 $0xF7A, s1;
	s8 =	simm.s32 @!p0 $0x1BF5;
	p2 =	por !p2, p0  }
0x20: {  	[sflag:s8] =	ssyncset.s32 @!p0 $0xFFFFF086;
	s6 =	sadd.s32 @!p0 s3, s7;
	s7 =	simm.s32 @!p0 $0x108  }
0x21: {  	s3 =	sadd.s32 s3, s9;
	s6 =	sadd.s32 @!p0 $0x88, s6;
	s7 =	simm.s32 @p2 $0x1082  }
0x22: {  	[simem:s7], [sflag:s8] =	dma.local @!p0 [hbm:s6], $0xF7A  }
0x23: {  	s9 =	sor.u32 $0xD0000000, s2;
	s6 =	simm.s32 $0x108;
	_ =	swait.ge @!p0 [sflag:s8], $0x0  }
0x24: {  	s3 =	sadd.s32 $0x88, s3;
	s6 =	simm.s32 @!p1 $0x1082;
	[sflag:s4] =	ssyncset.s32 $0xFFFFF086  }
0x25: {  	[simem:s6], [sflag:s4] =	dma.local [hbm:s3], $0xF7A  }
0x26: {  	[smem:$0x3F9E] =	sst s1;
	(tag) =	ssettag s2;
	_ =	strace s9  }
0x27: {  	s1 =	sld [smem:$0x3FAE]  }
0x28: {  	s2 =	sld [smem:$0x3FAF]  }
0x29: {  	s4 =	sld [smem:$0x3FB1]  }
0x2a: {  	p0 =	seq.s32 s5, $0x0;
	s5 =	sld [smem:$0x3FB2]  }
0x2b: {  	s6 =	sld [smem:$0x3FB3]  }
0x2c: {  	s7 =	sld [smem:$0x3FB4]  }
0x2d: {  	s3 =	simm.s32 $0x108;
	s8 =	sld [smem:$0x3FB5]  }
0x2e: {  	s3 =	simm.s32 @!p0 $0x1082;
	s9 =	sld [smem:$0x3FB6]  }
0x2f: {  	lr =	sadd.s32 s0, s3;
	s0 =	sld [smem:$0x3FAD]  }
0x30: {  	s3 =	sld [smem:$0x3FB0]  }
0x31: {  	[smem:$0x3FB9] =	sst s10  }
0x32: {  	s10 =	sld [smem:$0x3FB7];
	_ =	sdelay $0x3  }
0x33: {  	p0 =	seq.s32 s10, $0x1;
	s10 =	sld [smem:$0x3FB9];
	_ =	sdelay $0x3  }
0x34: {  	[smem:$0x3FB9] =	sst s10  }
0x35: {  	s10 =	sld [smem:$0x3FB8];
	_ =	sdelay $0x3  }
0x36: {  	p1 =	seq.s32 s10, $0x1;
	s10 =	sld [smem:$0x3FB9];
	_ =	sdelay $0x3  }
0x37: {  	[smem:$0x3FB9] =	sst s10  }
0x38: {  	s10 =	sld [smem:$0x3FBA]  }
0x39: {  	_ = 	snop;
	(pc) =	sbr.ind lr, $3  }
0x3a: {  	_ = 	snop  }
0x3b: {  	_ = 	snop  }
0x3c: {  	p2 =	seq.s32 s10, $0x1;
	s10 =	sld [smem:$0x3FB9]  }
0x3d: {  	_ =	shalt  }
0x3e: {  	_ =	shalt  }
0x3f: {  	_ =	shalt  }
0x40: {  	_ =	shalt  }
0x41: {  	_ =	shalt  }
0x42: {  	_ =	shalt  }
0x43: {  	_ =	shalt  }
0x44: {  	_ =	shalt  }
0x45: {  	_ =	shalt  }
0x46: {  	_ =	shalt  }
0x47: {  	_ =	shalt  }
0x48: {  	_ =	shalt  }
0x49: {  	_ =	shalt  }
0x4a: {  	_ =	shalt  }
0x4b: {  	_ =	shalt  }
0x4c: {  	_ =	shalt  }
0x4d: {  	_ =	shalt  }
0x4e: {  	_ =	shalt  }
0x4f: {  	_ =	shalt  }
0x50: {  	_ =	shalt  }
0x51: {  	_ =	shalt  }
0x52: {  	_ =	shalt  }
0x53: {  	_ =	shalt  }
0x54: {  	_ =	shalt  }
0x55: {  	_ =	shalt  }
0x56: {  	_ =	shalt  }
0x57: {  	_ =	shalt  }
0x58: {  	_ =	shalt  }
0x59: {  	_ =	shalt  }
0x5a: {  	_ =	shalt  }
0x5b: {  	_ =	shalt  }
0x5c: {  	_ =	shalt  }
0x5d: {  	_ =	shalt  }
0x5e: {  	_ =	shalt  }
0x5f: {  	_ =	shalt  }
0x60: {  	_ =	shalt  }
0x61: {  	_ =	shalt  }
0x62: {  	_ =	shalt  }
0x63: {  	_ =	shalt  }
0x64: {  	_ =	shalt  }
0x65: {  	_ =	shalt  }
0x66: {  	_ =	shalt  }
0x67: {  	_ =	shalt  }
0x68: {  	_ =	shalt  }
0x69: {  	_ =	shalt  }
0x6a: {  	_ =	shalt  }
0x6b: {  	_ =	shalt  }
0x6c: {  	_ =	shalt  }
0x6d: {  	_ =	shalt  }
0x6e: {  	_ =	shalt  }
0x6f: {  	_ =	shalt  }
0x70: {  	_ =	shalt  }
0x71: {  	_ =	shalt  }
0x72: {  	_ =	shalt  }
0x73: {  	_ =	shalt  }
0x74: {  	_ =	shalt  }
0x75: {  	_ =	shalt  }
0x76: {  	_ =	shalt  }
0x77: {  	_ =	shalt  }
0x78: {  	_ =	shalt  }
0x79: {  	_ =	shalt  }
0x7a: {  	_ =	shalt  }
0x7b: {  	_ =	shalt  }
0x7c: {  	_ =	shalt  }
0x7d: {  	_ =	shalt  }
0x7e: {  	_ =	shalt  }
0x7f: {  	_ =	shalt  }
0x80: {  	_ =	shalt  }
0x81: {  	_ =	shalt  }
0x82: {  	_ =	shalt  }
0x83: {  	_ =	shalt  }
0x84: {  	_ =	shalt  }
0x85: {  	_ =	shalt  }
0x86: {  	_ =	shalt  }
0x87: {  	_ =	shalt  }
.Lfunc_end0:
.L_simem_size_0:
called_computation_lowered:
.L_overlay_start_0:
0x88: {  	s2 =	sld [smem:$0x3FD9]  }
0x89: {  	s3 =	sld [smem:$0x3FFE];
	_ =	sdelay $0x1  }
0x8a: {  	s1 =	srdreg.scid  }
0x8b: {  	s0 =	sand.u32 $0x1, s1  }
0x8c: {  	s17 =	sshll.u32 s0, $0xA;
	s2 =	sadd.s32 s3, s2  }
0x8d: {  	s2 =	sadd.s32 s2, s17  }
0x8e: {  	[smem:$0x3FC5] =	sst s2  }
0x8f: {  	_ = 	snop  }
0x90: {  	s2 =	sld [smem:$0x3FC8]  }
0x91: {  	s18 =	sld [smem:$0x3FC7]  }
0x92: {  	s4 =	sld [smem:$0x3FD0];
	(tm) =	ssettm $0x1  }
0x93: {  	s5 =	sld [smem:$0x3FFB];
	_ =	sdelay $0x3  }
0x94: {  	_ =	strace s5  }
0x95: {  	s5 =	sld [smem:$0x3FFC];
	_ =	sdelay $0x3  }
0x96: {  	_ =	strace s5  }
0x97: {  	s5 =	sld [smem:$0x3FFD];
	_ =	sdelay $0x3  }
0x98: {  	_ =	strace s5  }
0x99: {  	_ =	strace $0x8FFFFFFF  }
0x9a: {  	s19 =	sld [smem:$0x3FDB];
	_ =	sdelay $0x1  }
0x9b: {  	s6 =	simm.s32 $_scs_section_size  }
0x9c: {  	s7 =	simm.s32 $_size__tile_overlayer_lowered;
	s8 =	simm.s32 $_tile_overlayer_lowered  }
0x9d: {  	s22 =	simm.s32 $0x1BFF;
	s21 =	sshll.u32 s8, $0x1;
	s5 =	sadd.s32 s6, s19  }
0x9e: {  	s9 =	simm.s32 $0x0;
	s20 =	sshll.u32 s7, $0x1;
	s7 =	sadd.s32 s21, s5  }
0x9f: {  	[timem:s9], [sflag:s22] =	dma.local [hbm:s7], s20  }
0xa0: {  	_ =	swait.ge [sflag:s22], s20  }
0xa1: {  	s6 =	ssub.s32 $0x0, s20;
	[sflag:s22] =	ssyncset.done $0x0  }
0xa2: {  	[sflag:s22] =	ssyncadd.s32 s6;
	_ =	sdelay $0x1  }
0xa3: {  	s23 =	simm.s32 $0x1B8B  }
0xa4: {  	_ =	swait.ge [sflag:s23], $0x1  }
0xa5: {  	[sflag:s23] =	ssyncset.done $0x0  }
0xa6: {  	s25 =	simm.s32 $0x1B8E;
	s24 =	sld [smem:$0x3FFE];
	[sflag:s23] =	ssyncadd.s32 $0xFFFFFFFF  }
0xa7: {  	s26 =	simm.s32 $execute0_lowered;
	[smem:$0x3FD2] =	sst s25  }
0xa8: {  	s7 =	sshll.u32 s26, $0x1;
	_ =	strace $0x80000046;
	[dreg:$0x1] =	wrdreg $0xFFFFFFFF  }
0xa9: {  	s28 =	simm.s32 $_size_execute0_lowered;
	s5 =	sadd.s32 s5, s7;
	[dreg:$0x0] =	wrdreg $0x0  }
0xaa: {  	s7 =	sshll.u32 s28, $0x1;
	[dreg:$0x2] =	wrdreg s5  }
0xab: {  	[dreg:$0x3] =	wrdreg s7  }
0xac: {  	[dreg:$0x4] =	wrdreg $0xC0  }
0xad: {  	_ =	task [dreg:s9], $0x5FFFF  }
0xae: {  	[dreg:$0x1] =	wrdreg $0xFFFFFFFF  }
0xaf: {  	[dreg:$0x0] =	wrdreg $0x60  }
0xb0: {  	[dreg:$0x2] =	wrdreg s24  }
0xb1: {  	[dreg:$0x3] =	wrdreg s2  }
0xb2: {  	[dreg:$0x4] =	wrdreg s18  }
0xb3: {  	[dreg:$0x5] =	wrdreg s4  }
0xb4: {  	[dreg:$0x6] =	wrdreg $0x9  }
0xb5: {  	_ =	task.clear_ibuf [dreg:s9], $0x7FFFF;
	_ =	strace $0x90000046  }
0xb6: {  	s29 =	simm.s32 $0x9;
	_ =	strace $0x80000048  }
0xb7: {  	_ =	swait.ge [sflag:s29], $0x1  }
0xb8: {  	[sflag:s29] =	ssyncadd.s32 $0xFFFFFFFF  }
0xb9: {  	_ =	strace $0x90000048  }
0xba: {  	_ =	sfence  }
0xbb: {  	s30 =	sld [smem:$0x0];
	_ =	sdelay $0x2  }
0xbc: {  	s31 =	sshll.u32 s1, $0xD;
	s1 =	sshrl.u32 s1, $0x2  }
0xbd: {  	s3 =	sand.u32 $0x4000, s31;
	s1 =	sadd.s32 s1, s30  }
0xbe: {  	s0 =	sor.u32 s3, s0;
	s1 =	sshll.u32 s1, $0x11  }
0xbf: {  	s0 =	sor.u32 s1, s0  }
0xc0: {  	s0 =	sadd.s32 $0x8F2B, s0  }
0xc1: {  	[sflag:s0] =	ssyncadd.remote.s32 $0x1  }
0xc2: {  	_ =	sfence.sel $0xFFFF  }
0xc3: {  	[dreg:$0x0] =	wrdreg $0xFFFFFFFF;
	(pc) =	sbr.abs _section_cstart, $3  }
0xc4: {  	[dreg:$0x1] =	wrdreg $0xFFFFFFFF  }
0xc5: {  	_ =	task.clear_ibuf [dreg:s9], $0x2FFFF;
	_ =	strace $0x9FFFFFFF  }
0xc6: {  	(tm) =	ssettm $0x7FFFFFFF  }
0xc7: {  	_ =	shalt  }
tec
execute0_lowered:
.L_overlay_start_1:
0x0: {  	(tag) =	ssettag $0x1  }
0x1: {  	s0 =	rddreg [dreg:$0x0]  }
0x2: {  	s1 =	rddreg [dreg:$0x1]  }
0x3: {  	s3 =	rddreg [dreg:$0x3]  }
0x4: {  	s2 =	srdreg.scid;
	s5 =	stileid.u32  }
0x5: {  	s19 =	simm.s32 $0x0;
	s2 =	sand.u32 $0x1, s2;
	s5 =	sshll.u32 s5, $0x1  }
0x6: {  	s28 =	simm.s32 $0x6700;
	s4 =	ssub.s32 $0x2, s2;
	s2 =	sor.u32 s2, s5  }
0x7: {  	s29 =	simm.s32 $0x6;
	s6 =	sadd.s32 $0x400, s0;
	s10 =	sshll.u32 s2, $0xC  }
0x8: {  	s30 =	simm.s32 $0x19400;
	s9 =	sshrl.u32 s4, $0x1;
	s8 =	sadd.s32 s6, s10  }
0x9: {  	[smem:$0x7FF] =	sst s19;
	s0 =	ssub.s32 s4, s9;
	s4 =	sadd.s32 $0x20, s8  }
0xa: {  	_ =	strace $0x80000047;
	s11 =	sadd.s32 $0x40, s8;
	[dreg:$0x5] =	wrdreg s4  }
0xb: {  	s5 =	smul.u32 $0x64000, s2;
	s13 =	sadd.s32 $0x60, s8;
	[dreg:$0x6] =	wrdreg s11  }
0xc: {  	s7 =	smul.u32 $0x6400, s2;
	s15 =	sadd.s32 $0x80, s8;
	[dreg:$0x8] =	wrdreg s13  }
0xd: {  	s9 =	sshll.u32 s2, $0x8;
	s17 =	sadd.s32 $0xA0, s8;
	[dreg:$0xa] =	wrdreg s15  }
0xe: {  	s2 =	smul.u32 $0x320000, s2;
	s12 =	sadd.s32 s3, s5;
	[dreg:$0xc] =	wrdreg s17  }
0xf: {  	s10 =	simm.s32 $0xC;
	s18 =	sor.u32 $0x320, s7;
	[dreg:$0x7] =	wrdreg s12  }
0x10: {  	s20 =	sor.u32 $0x10, s9;
	s21 =	sor.u32 $0x12, s9;
	[dreg:$0xe] =	wrdreg s18  }
0x11: {  	s0 =	smax.u32 s0, $0x1;
	s25 =	sor.u32 $0x3E8, s7;
	[dreg:$0xf] =	wrdreg s20  }
0x12: {  	s26 =	sadd.s32 $0xFC0, s8;
	s31 =	sadd.s32 $0xFE0, s8;
	[dreg:$0x10] =	wrdreg s21  }
0x13: {  	s9 =	simm.s32 $0xB;
	s5 =	simm.s32 $0x0;
	[dreg:$0x15] =	wrdreg s0  }
0x14: {  	s14 =	sadd.s32 $0xC80, s12;
	s16 =	sadd.s32 $0x1900, s12;
	[dreg:$0x16] =	wrdreg s25  }
0x15: {  	s4 =	sadd.s32 $0x2580, s12;
	s2 =	sshrl.u32 s2, $0x3;
	[dreg:$0x17] =	wrdreg s26  }
0x16: {  	[dreg:$0x18] =	wrdreg s31;
	s0 =	simm.s32 $0x1;
	s26 =	simm.s32 $0x6500  }
0x17: {  	s13 =	simm.s32 $0x2;
	s17 =	simm.s32 $0x6600;
	[dreg:$0x9] =	wrdreg s14  }
0x18: {  	s21 =	simm.s32 $0x5;
	[dreg:$0xb] =	wrdreg s16;
	s2 =	sadd.s32 s3, s2  }
0x19: {  	s11 =	simm.s32 $0x4;
	[dreg:$0xd] =	wrdreg s4;
	s22 =	sadd.s32 $0x60E00, s2  }
0x1a: {  	s15 =	simm.s32 $0x7;
	s23 =	sadd.s32 $0x61A80, s2;
	[dreg:$0x11] =	wrdreg s22  }
0x1b: {  	s25 =	simm.s32 $0xA;
	s24 =	sadd.s32 $0x62700, s2;
	[dreg:$0x12] =	wrdreg s23  }
0x1c: {  	s4 =	simm.s32 $0x64;
	s2 =	sadd.s32 $0x63380, s2;
	[dreg:$0x13] =	wrdreg s24  }
0x1d: {  	s16 =	simm.s32 $0x9;
	s14 =	simm.s32 $0x6400;
	[dreg:$0x14] =	wrdreg s2  }
0x1e: {  	s22 =	simm.s32 $0x3;
	s23 =	simm.s32 $0x13000;
	s24 =	simm.s32 $0x8  }
.LBB2_1:
0x1f: {  	[dreg:$0x19] =	wrdreg s5  }
0x20: {  	s2 =	rddreg [dreg:$0x2];
	s5 =	simm.s32 $0xD  }
0x21: {  	[tilespmem:s19], [sflag:$0xD] =	stream.linear.gather [hbm4b:s2+s19], $0x6400, $0x38;
	[tilespmem:$0x1F800] =	vst v63  }
0x22: {  	_ =	swait.ge [sflag:s5], $0x6400  }
0x23: {  	[sflag:s5] =	ssyncset.done $0x0  }
0x24: {  	s12 =	simm.s32 $0x6400;
	[sflag:s5] =	ssyncadd.s32 $0xFFFF9C00  }
0x25: {  	[tilespmem:s12], [sflag:$0x1] =	stream.linear.gather [hbm4b:s8+s19], $0x100, $0x38;
	[tilespmem:$0x1F800] =	vst v63  }
0x26: {  	_ =	swait.ge [sflag:s0], $0x100  }
0x27: {  	[sflag:s0] =	ssyncset.done $0x0  }
0x28: {  	s18 =	simm.s32 $0x6800;
	[sflag:s0] =	ssyncadd.s32 $0xFFFFFF00  }
0x29: {  	[tilespmem:s18], [sflag:$0x5] =	stream.indirect.gather [hbm4b:s1+s4], $0x80, s12, s4, $0xb8;
	[tilespmem:$0x1F800] =	vst v63  }
0x2a: {  	s20 =	simm.s32 $0x6480;
	s31 =	simm.s32 $0x9A00  }
0x2b: {  	[tilespmem:s31], [sflag:$0x5] =	stream.indirect.gather [hbm4b:s1+s4], $0x80, s20, s4, $0xb8;
	[tilespmem:$0x1F800] =	vst v63  }
0x2c: {  	s5 =	rddreg [dreg:$0x5]  }
0x2d: {  	[tilespmem:s26], [sflag:$0x2] =	stream.linear.gather [hbm4b:s5+s19], $0x100, $0x38;
	[tilespmem:$0x1F800] =	vst v63  }
0x2e: {  	_ =	swait.ge [sflag:s13], $0x100  }
0x2f: {  	[sflag:s13] =	ssyncset.done $0x0  }
0x30: {  	s12 =	simm.s32 $0xCC00;
	[sflag:s13] =	ssyncadd.s32 $0xFFFFFF00  }
0x31: {  	[tilespmem:s12], [sflag:$0x6] =	stream.indirect.gather [hbm4b:s1+s4], $0x80, s26, s4, $0xb8;
	[tilespmem:$0x1F800] =	vst v63  }
0x32: {  	s18 =	simm.s32 $0x6580;
	s20 =	simm.s32 $0xFE00  }
0x33: {  	[tilespmem:s20], [sflag:$0x6] =	stream.indirect.gather [hbm4b:s1+s4], $0x80, s18, s4, $0xb8;
	[tilespmem:$0x1F800] =	vst v63  }
0x34: {  	s31 =	rddreg [dreg:$0x6]  }
0x35: {  	[tilespmem:s17], [sflag:$0x3] =	stream.linear.gather [hbm4b:s31+s19], $0x100, $0x38;
	[tilespmem:$0x1F800] =	vst v63  }
0x36: {  	_ =	swait.ge [sflag:s21], $0x3200  }
0x37: {  	[sflag:s21] =	ssyncset.done $0x0  }
0x38: {  	[sflag:s21] =	ssyncadd.s32 $0xFFFFCE00  }
0x39: {  	_ =	swait.ge [sflag:s21], $0x3200  }
0x3a: {  	[sflag:s21] =	ssyncset.done $0x0  }
0x3b: {  	s5 =	simm.s32 $0x0;
	[sflag:s21] =	ssyncadd.s32 $0xFFFFCE00  }
0x3c: {  	v0 =	vld [tilespmem:s5+$0x1F0]  }
0x3d: {  	v1 =	vld [tilespmem:s5+$0x0]  }
0x3e: {  	v2 =	vld [tilespmem:s5+$0x10]  }
0x3f: {  	v3 =	vld [tilespmem:s5+$0x20]  }
0x40: {  	v4 =	vld [tilespmem:s5+$0x30]  }
0x41: {  	v5 =	vld [tilespmem:s5+$0x40]  }
0x42: {  	v6 =	vld [tilespmem:s5+$0x50]  }
0x43: {  	v7 =	vld [tilespmem:s5+$0x60]  }
0x44: {  	v8 =	vld [tilespmem:s5+$0x70]  }
0x45: {  	v9 =	vld [tilespmem:s5+$0x80]  }
0x46: {  	v10 =	vld [tilespmem:s5+$0x90]  }
0x47: {  	v11 =	vld [tilespmem:s5+$0xA0]  }
0x48: {  	v12 =	vld [tilespmem:s5+$0xB0]  }
0x49: {  	v13 =	vld [tilespmem:s5+$0xC0]  }
0x4a: {  	v14 =	vld [tilespmem:s5+$0xD0]  }
0x4b: {  	v15 =	vld [tilespmem:s5+$0xE0]  }
0x4c: {  	v16 =	vld [tilespmem:s5+$0xF0]  }
0x4d: {  	v17 =	vld [tilespmem:s5+$0x100]  }
0x4e: {  	v18 =	vld [tilespmem:s5+$0x110]  }
0x4f: {  	v19 =	vld [tilespmem:s5+$0x120]  }
0x50: {  	v20 =	vld [tilespmem:s5+$0x130]  }
0x51: {  	v21 =	vld [tilespmem:s5+$0x140]  }
0x52: {  	v22 =	vld [tilespmem:s5+$0x150]  }
0x53: {  	v23 =	vld [tilespmem:s5+$0x160]  }
0x54: {  	v24 =	vld [tilespmem:s5+$0x170]  }
0x55: {  	v25 =	vld [tilespmem:s5+$0x180]  }
0x56: {  	v26 =	vld [tilespmem:s5+$0x190]  }
0x57: {  	v27 =	vld [tilespmem:s5+$0x1A0]  }
0x58: {  	v28 =	vld [tilespmem:s5+$0x1B0]  }
0x59: {  	v29 =	vld [tilespmem:s5+$0x1C0]  }
0x5a: {  	v30 =	vld [tilespmem:s5+$0x1D0]  }
0x5b: {  	[tilespmem:s5+$0x69F0] =	vst.add.f32.msk $0xffff, v0  }
0x5c: {  	v0 =	vld [tilespmem:s5+$0x1E0]  }
0x5d: {  	[tilespmem:s5+$0x6800] =	vst.add.f32.msk $0xffff, v1  }
0x5e: {  	[tilespmem:s5+$0x6810] =	vst.add.f32.msk $0xffff, v2  }
0x5f: {  	[tilespmem:s5+$0x6820] =	vst.add.f32.msk $0xffff, v3  }
0x60: {  	[tilespmem:s5+$0x6830] =	vst.add.f32.msk $0xffff, v4  }
0x61: {  	[tilespmem:s5+$0x6840] =	vst.add.f32.msk $0xffff, v5  }
0x62: {  	[tilespmem:s5+$0x6850] =	vst.add.f32.msk $0xffff, v6  }
0x63: {  	[tilespmem:s5+$0x6860] =	vst.add.f32.msk $0xffff, v7  }
0x64: {  	[tilespmem:s5+$0x6870] =	vst.add.f32.msk $0xffff, v8  }
0x65: {  	[tilespmem:s5+$0x6880] =	vst.add.f32.msk $0xffff, v9  }
0x66: {  	[tilespmem:s5+$0x6890] =	vst.add.f32.msk $0xffff, v10  }
0x67: {  	[tilespmem:s5+$0x68A0] =	vst.add.f32.msk $0xffff, v11  }
0x68: {  	[tilespmem:s5+$0x68B0] =	vst.add.f32.msk $0xffff, v12  }
0x69: {  	[tilespmem:s5+$0x68C0] =	vst.add.f32.msk $0xffff, v13  }
0x6a: {  	[tilespmem:s5+$0x68D0] =	vst.add.f32.msk $0xffff, v14  }
0x6b: {  	[tilespmem:s5+$0x68E0] =	vst.add.f32.msk $0xffff, v15  }
0x6c: {  	[tilespmem:s5+$0x68F0] =	vst.add.f32.msk $0xffff, v16  }
0x6d: {  	[tilespmem:s5+$0x6900] =	vst.add.f32.msk $0xffff, v17  }
0x6e: {  	[tilespmem:s5+$0x6910] =	vst.add.f32.msk $0xffff, v18  }
0x6f: {  	[tilespmem:s5+$0x6920] =	vst.add.f32.msk $0xffff, v19  }
0x70: {  	[tilespmem:s5+$0x6930] =	vst.add.f32.msk $0xffff, v20  }
0x71: {  	[tilespmem:s5+$0x6940] =	vst.add.f32.msk $0xffff, v21  }
0x72: {  	[tilespmem:s5+$0x6950] =	vst.add.f32.msk $0xffff, v22  }
0x73: {  	[tilespmem:s5+$0x6960] =	vst.add.f32.msk $0xffff, v23  }
0x74: {  	[tilespmem:s5+$0x6970] =	vst.add.f32.msk $0xffff, v24  }
0x75: {  	[tilespmem:s5+$0x6980] =	vst.add.f32.msk $0xffff, v25  }
0x76: {  	[tilespmem:s5+$0x6990] =	vst.add.f32.msk $0xffff, v26  }
0x77: {  	[tilespmem:s5+$0x69A0] =	vst.add.f32.msk $0xffff, v27  }
0x78: {  	[tilespmem:s5+$0x69B0] =	vst.add.f32.msk $0xffff, v28  }
0x79: {  	[tilespmem:s5+$0x69C0] =	vst.add.f32.msk $0xffff, v29  }
0x7a: {  	s2 =	simm.s32 $0x800;
	s18 =	simm.s32 $0x0;
	[tilespmem:s5+$0x69D0] =	vst.add.f32.msk $0xffff, v30  }
.LBB2_2:
0x7b: {  	s18 =	sadd.s32 $0x4, s18;
	[tilespmem:s5+$0x69E0] =	vst.add.f32.msk $0xffff, v0;
	s5 =	sshra.s32 s2, $0x2  }
0x7c: {  	v0 =	vld [tilespmem:s5+$0x1F0];
	p0 =	slt.u32 s18, $0xC4  }
0x7d: {  	v1 =	vld [tilespmem:s5+$0x0]  }
0x7e: {  	v2 =	vld [tilespmem:s5+$0x10]  }
0x7f: {  	v3 =	vld [tilespmem:s5+$0x20]  }
0x80: {  	v4 =	vld [tilespmem:s5+$0x30]  }
0x81: {  	[tilespmem:s5+$0x69F0] =	vst.add.f32.msk $0xffff, v0  }
0x82: {  	v5 =	vld [tilespmem:s5+$0x40]  }
0x83: {  	v6 =	vld [tilespmem:s5+$0x50]  }
0x84: {  	v7 =	vld [tilespmem:s5+$0x60]  }
0x85: {  	v8 =	vld [tilespmem:s5+$0x70]  }
0x86: {  	v9 =	vld [tilespmem:s5+$0x80]  }
0x87: {  	v10 =	vld [tilespmem:s5+$0x90]  }
0x88: {  	v11 =	vld [tilespmem:s5+$0xA0]  }
0x89: {  	v12 =	vld [tilespmem:s5+$0xB0]  }
0x8a: {  	v13 =	vld [tilespmem:s5+$0xC0]  }
0x8b: {  	v14 =	vld [tilespmem:s5+$0xD0]  }
0x8c: {  	v15 =	vld [tilespmem:s5+$0xE0]  }
0x8d: {  	v16 =	vld [tilespmem:s5+$0xF0]  }
0x8e: {  	v17 =	vld [tilespmem:s5+$0x100]  }
0x8f: {  	v18 =	vld [tilespmem:s5+$0x110]  }
0x90: {  	v19 =	vld [tilespmem:s5+$0x120]  }
0x91: {  	v20 =	vld [tilespmem:s5+$0x130]  }
0x92: {  	v21 =	vld [tilespmem:s5+$0x140]  }
0x93: {  	v22 =	vld [tilespmem:s5+$0x150]  }
0x94: {  	v23 =	vld [tilespmem:s5+$0x160]  }
0x95: {  	v24 =	vld [tilespmem:s5+$0x170]  }
0x96: {  	v25 =	vld [tilespmem:s5+$0x180]  }
0x97: {  	v26 =	vld [tilespmem:s5+$0x190]  }
0x98: {  	v27 =	vld [tilespmem:s5+$0x1A0]  }
0x99: {  	v28 =	vld [tilespmem:s5+$0x1B0]  }
0x9a: {  	v29 =	vld [tilespmem:s5+$0x1C0]  }
0x9b: {  	v30 =	vld [tilespmem:s5+$0x1D0]  }
0x9c: {  	v0 =	vld [tilespmem:s5+$0x1E0]  }
0x9d: {  	[tilespmem:s5+$0x6800] =	vst.add.f32.msk $0xffff, v1  }
0x9e: {  	[tilespmem:s5+$0x6810] =	vst.add.f32.msk $0xffff, v2  }
0x9f: {  	[tilespmem:s5+$0x6820] =	vst.add.f32.msk $0xffff, v3  }
0xa0: {  	[tilespmem:s5+$0x6830] =	vst.add.f32.msk $0xffff, v4  }
0xa1: {  	[tilespmem:s5+$0x6840] =	vst.add.f32.msk $0xffff, v5  }
0xa2: {  	[tilespmem:s5+$0x6850] =	vst.add.f32.msk $0xffff, v6  }
0xa3: {  	[tilespmem:s5+$0x6860] =	vst.add.f32.msk $0xffff, v7  }
0xa4: {  	[tilespmem:s5+$0x6870] =	vst.add.f32.msk $0xffff, v8  }
0xa5: {  	[tilespmem:s5+$0x6880] =	vst.add.f32.msk $0xffff, v9  }
0xa6: {  	[tilespmem:s5+$0x6890] =	vst.add.f32.msk $0xffff, v10  }
0xa7: {  	[tilespmem:s5+$0x68A0] =	vst.add.f32.msk $0xffff, v11  }
0xa8: {  	[tilespmem:s5+$0x68B0] =	vst.add.f32.msk $0xffff, v12  }
0xa9: {  	[tilespmem:s5+$0x68C0] =	vst.add.f32.msk $0xffff, v13  }
0xaa: {  	[tilespmem:s5+$0x68D0] =	vst.add.f32.msk $0xffff, v14  }
0xab: {  	[tilespmem:s5+$0x68E0] =	vst.add.f32.msk $0xffff, v15  }
0xac: {  	[tilespmem:s5+$0x68F0] =	vst.add.f32.msk $0xffff, v16  }
0xad: {  	[tilespmem:s5+$0x6900] =	vst.add.f32.msk $0xffff, v17  }
0xae: {  	[tilespmem:s5+$0x6910] =	vst.add.f32.msk $0xffff, v18  }
0xaf: {  	[tilespmem:s5+$0x6920] =	vst.add.f32.msk $0xffff, v19  }
0xb0: {  	[tilespmem:s5+$0x6930] =	vst.add.f32.msk $0xffff, v20  }
0xb1: {  	[tilespmem:s5+$0x6940] =	vst.add.f32.msk $0xffff, v21  }
0xb2: {  	[tilespmem:s5+$0x6950] =	vst.add.f32.msk $0xffff, v22  }
0xb3: {  	[tilespmem:s5+$0x6960] =	vst.add.f32.msk $0xffff, v23  }
0xb4: {  	[tilespmem:s5+$0x6970] =	vst.add.f32.msk $0xffff, v24  }
0xb5: {  	[tilespmem:s5+$0x6980] =	vst.add.f32.msk $0xffff, v25  }
.Ltmp0:
0xb6: {  	[tilespmem:s5+$0x6990] =	vst.add.f32.msk $0xffff, v26;
	(pc) =	sbr.rel @p0 .LBB2_2-.Ltmp0, $4  }
0xb7: {  	[tilespmem:s5+$0x69A0] =	vst.add.f32.msk $0xffff, v27  }
0xb8: {  	[tilespmem:s5+$0x69B0] =	vst.add.f32.msk $0xffff, v28  }
0xb9: {  	[tilespmem:s5+$0x69C0] =	vst.add.f32.msk $0xffff, v29  }
0xba: {  	s2 =	sadd.s32 $0x800, s2;
	[tilespmem:s5+$0x69D0] =	vst.add.f32.msk $0xffff, v30  }
0xbb: {  	[tilespmem:s5+$0x69E0] =	vst.add.f32.msk $0xffff, v0  }
0xbc: {  	s2 =	simm.s32 $0x0;
	s12 =	simm.s32 $0x6800;
	s5 =	rddreg [dreg:$0x7]  }
0xbd: {  	[hbm4b:s5+s2] =	stream.linear.scatter [tilespmem:s12], [sflag:$0x9], $0x6400, $0x38;
	[tilespmem:$0x1F800] =	vst v63  }
0xbe: {  	_ =	swait.ge [sflag:s22], $0x100  }
0xbf: {  	[sflag:s22] =	ssyncset.done $0x0  }
0xc0: {  	[sflag:s22] =	ssyncadd.s32 $0xFFFFFF00  }
0xc1: {  	[tilespmem:s23], [sflag:$0x7] =	stream.indirect.gather [hbm4b:s1+s4], $0x80, s17, s4, $0xb8;
	[tilespmem:$0x1F800] =	vst v63  }
0xc2: {  	s19 =	simm.s32 $0x6680;
	s20 =	simm.s32 $0x16200  }
0xc3: {  	[tilespmem:s20], [sflag:$0x7] =	stream.indirect.gather [hbm4b:s1+s4], $0x80, s19, s4, $0xb8;
	[tilespmem:$0x1F800] =	vst v63  }
0xc4: {  	s31 =	rddreg [dreg:$0x8]  }
0xc5: {  	[tilespmem:s28], [sflag:$0x4] =	stream.linear.gather [hbm4b:s31+s2], $0x100, $0x38;
	[tilespmem:$0x1F800] =	vst v63  }
0xc6: {  	_ =	swait.ge [sflag:s29], $0x3200  }
0xc7: {  	[sflag:s29] =	ssyncset.done $0x0  }
0xc8: {  	[sflag:s29] =	ssyncadd.s32 $0xFFFFCE00  }
0xc9: {  	_ =	swait.ge [sflag:s29], $0x3200  }
0xca: {  	[sflag:s29] =	ssyncset.done $0x0  }
0xcb: {  	s5 =	simm.s32 $0x0;
	[sflag:s29] =	ssyncadd.s32 $0xFFFFCE00  }
0xcc: {  	v0 =	vld [tilespmem:s5+$0x1F0]  }
0xcd: {  	v1 =	vld [tilespmem:s5+$0x0]  }
0xce: {  	v2 =	vld [tilespmem:s5+$0x10]  }
0xcf: {  	v3 =	vld [tilespmem:s5+$0x20]  }
0xd0: {  	v4 =	vld [tilespmem:s5+$0x30]  }
0xd1: {  	v5 =	vld [tilespmem:s5+$0x40]  }
0xd2: {  	v6 =	vld [tilespmem:s5+$0x50]  }
0xd3: {  	v7 =	vld [tilespmem:s5+$0x60]  }
0xd4: {  	v8 =	vld [tilespmem:s5+$0x70]  }
0xd5: {  	v9 =	vld [tilespmem:s5+$0x80]  }
0xd6: {  	v10 =	vld [tilespmem:s5+$0x90]  }
0xd7: {  	v11 =	vld [tilespmem:s5+$0xA0]  }
0xd8: {  	v12 =	vld [tilespmem:s5+$0xB0]  }
0xd9: {  	v13 =	vld [tilespmem:s5+$0xC0]  }
0xda: {  	v14 =	vld [tilespmem:s5+$0xD0]  }
0xdb: {  	v15 =	vld [tilespmem:s5+$0xE0]  }
0xdc: {  	v16 =	vld [tilespmem:s5+$0xF0]  }
0xdd: {  	v17 =	vld [tilespmem:s5+$0x100]  }
0xde: {  	v18 =	vld [tilespmem:s5+$0x110]  }
0xdf: {  	v19 =	vld [tilespmem:s5+$0x120]  }
0xe0: {  	v20 =	vld [tilespmem:s5+$0x130]  }
0xe1: {  	v21 =	vld [tilespmem:s5+$0x140]  }
0xe2: {  	v22 =	vld [tilespmem:s5+$0x150]  }
0xe3: {  	v23 =	vld [tilespmem:s5+$0x160]  }
0xe4: {  	v24 =	vld [tilespmem:s5+$0x170]  }
0xe5: {  	v25 =	vld [tilespmem:s5+$0x180]  }
0xe6: {  	v26 =	vld [tilespmem:s5+$0x190]  }
0xe7: {  	v27 =	vld [tilespmem:s5+$0x1A0]  }
0xe8: {  	v28 =	vld [tilespmem:s5+$0x1B0]  }
0xe9: {  	v29 =	vld [tilespmem:s5+$0x1C0]  }
0xea: {  	v30 =	vld [tilespmem:s5+$0x1D0]  }
0xeb: {  	[tilespmem:s5+$0xCDF0] =	vst.add.f32.msk $0xffff, v0  }
0xec: {  	v0 =	vld [tilespmem:s5+$0x1E0]  }
0xed: {  	[tilespmem:s5+$0xCC00] =	vst.add.f32.msk $0xffff, v1  }
0xee: {  	[tilespmem:s5+$0xCC10] =	vst.add.f32.msk $0xffff, v2  }
0xef: {  	[tilespmem:s5+$0xCC20] =	vst.add.f32.msk $0xffff, v3  }
0xf0: {  	[tilespmem:s5+$0xCC30] =	vst.add.f32.msk $0xffff, v4  }
0xf1: {  	[tilespmem:s5+$0xCC40] =	vst.add.f32.msk $0xffff, v5  }
0xf2: {  	[tilespmem:s5+$0xCC50] =	vst.add.f32.msk $0xffff, v6  }
0xf3: {  	[tilespmem:s5+$0xCC60] =	vst.add.f32.msk $0xffff, v7  }
0xf4: {  	[tilespmem:s5+$0xCC70] =	vst.add.f32.msk $0xffff, v8  }
0xf5: {  	[tilespmem:s5+$0xCC80] =	vst.add.f32.msk $0xffff, v9  }
0xf6: {  	[tilespmem:s5+$0xCC90] =	vst.add.f32.msk $0xffff, v10  }
0xf7: {  	[tilespmem:s5+$0xCCA0] =	vst.add.f32.msk $0xffff, v11  }
0xf8: {  	[tilespmem:s5+$0xCCB0] =	vst.add.f32.msk $0xffff, v12  }
0xf9: {  	[tilespmem:s5+$0xCCC0] =	vst.add.f32.msk $0xffff, v13  }
0xfa: {  	[tilespmem:s5+$0xCCD0] =	vst.add.f32.msk $0xffff, v14  }
0xfb: {  	[tilespmem:s5+$0xCCE0] =	vst.add.f32.msk $0xffff, v15  }
0xfc: {  	[tilespmem:s5+$0xCCF0] =	vst.add.f32.msk $0xffff, v16  }
0xfd: {  	[tilespmem:s5+$0xCD00] =	vst.add.f32.msk $0xffff, v17  }
0xfe: {  	[tilespmem:s5+$0xCD10] =	vst.add.f32.msk $0xffff, v18  }
0xff: {  	[tilespmem:s5+$0xCD20] =	vst.add.f32.msk $0xffff, v19  }
0x100: {  	[tilespmem:s5+$0xCD30] =	vst.add.f32.msk $0xffff, v20  }
0x101: {  	[tilespmem:s5+$0xCD40] =	vst.add.f32.msk $0xffff, v21  }
0x102: {  	[tilespmem:s5+$0xCD50] =	vst.add.f32.msk $0xffff, v22  }
0x103: {  	[tilespmem:s5+$0xCD60] =	vst.add.f32.msk $0xffff, v23  }
0x104: {  	[tilespmem:s5+$0xCD70] =	vst.add.f32.msk $0xffff, v24  }
0x105: {  	[tilespmem:s5+$0xCD80] =	vst.add.f32.msk $0xffff, v25  }
0x106: {  	[tilespmem:s5+$0xCD90] =	vst.add.f32.msk $0xffff, v26  }
0x107: {  	[tilespmem:s5+$0xCDA0] =	vst.add.f32.msk $0xffff, v27  }
0x108: {  	[tilespmem:s5+$0xCDB0] =	vst.add.f32.msk $0xffff, v28  }
0x109: {  	[tilespmem:s5+$0xCDC0] =	vst.add.f32.msk $0xffff, v29  }
0x10a: {  	s18 =	simm.s32 $0x0;
	s2 =	simm.s32 $0x800;
	[tilespmem:s5+$0xCDD0] =	vst.add.f32.msk $0xffff, v30  }
.LBB2_4:
0x10b: {  	s18 =	sadd.s32 $0x4, s18;
	[tilespmem:s5+$0xCDE0] =	vst.add.f32.msk $0xffff, v0;
	s5 =	sshra.s32 s2, $0x2  }
0x10c: {  	v0 =	vld [tilespmem:s5+$0x1F0];
	p0 =	slt.u32 s18, $0xC4  }
0x10d: {  	v1 =	vld [tilespmem:s5+$0x0]  }
0x10e: {  	v2 =	vld [tilespmem:s5+$0x10]  }
0x10f: {  	v3 =	vld [tilespmem:s5+$0x20]  }
0x110: {  	v4 =	vld [tilespmem:s5+$0x30]  }
0x111: {  	[tilespmem:s5+$0xCDF0] =	vst.add.f32.msk $0xffff, v0  }
0x112: {  	v5 =	vld [tilespmem:s5+$0x40]  }
0x113: {  	v6 =	vld [tilespmem:s5+$0x50]  }
0x114: {  	v7 =	vld [tilespmem:s5+$0x60]  }
0x115: {  	v8 =	vld [tilespmem:s5+$0x70]  }
0x116: {  	v9 =	vld [tilespmem:s5+$0x80]  }
0x117: {  	v10 =	vld [tilespmem:s5+$0x90]  }
0x118: {  	v11 =	vld [tilespmem:s5+$0xA0]  }
0x119: {  	v12 =	vld [tilespmem:s5+$0xB0]  }
0x11a: {  	v13 =	vld [tilespmem:s5+$0xC0]  }
0x11b: {  	v14 =	vld [tilespmem:s5+$0xD0]  }
0x11c: {  	v15 =	vld [tilespmem:s5+$0xE0]  }
0x11d: {  	v16 =	vld [tilespmem:s5+$0xF0]  }
0x11e: {  	v17 =	vld [tilespmem:s5+$0x100]  }
0x11f: {  	v18 =	vld [tilespmem:s5+$0x110]  }
0x120: {  	v19 =	vld [tilespmem:s5+$0x120]  }
0x121: {  	v20 =	vld [tilespmem:s5+$0x130]  }
0x122: {  	v21 =	vld [tilespmem:s5+$0x140]  }
0x123: {  	v22 =	vld [tilespmem:s5+$0x150]  }
0x124: {  	v23 =	vld [tilespmem:s5+$0x160]  }
0x125: {  	v24 =	vld [tilespmem:s5+$0x170]  }
0x126: {  	v25 =	vld [tilespmem:s5+$0x180]  }
0x127: {  	v26 =	vld [tilespmem:s5+$0x190]  }
0x128: {  	v27 =	vld [tilespmem:s5+$0x1A0]  }
0x129: {  	v28 =	vld [tilespmem:s5+$0x1B0]  }
0x12a: {  	v29 =	vld [tilespmem:s5+$0x1C0]  }
0x12b: {  	v30 =	vld [tilespmem:s5+$0x1D0]  }
0x12c: {  	v0 =	vld [tilespmem:s5+$0x1E0]  }
0x12d: {  	[tilespmem:s5+$0xCC00] =	vst.add.f32.msk $0xffff, v1  }
0x12e: {  	[tilespmem:s5+$0xCC10] =	vst.add.f32.msk $0xffff, v2  }
0x12f: {  	[tilespmem:s5+$0xCC20] =	vst.add.f32.msk $0xffff, v3  }
0x130: {  	[tilespmem:s5+$0xCC30] =	vst.add.f32.msk $0xffff, v4  }
0x131: {  	[tilespmem:s5+$0xCC40] =	vst.add.f32.msk $0xffff, v5  }
0x132: {  	[tilespmem:s5+$0xCC50] =	vst.add.f32.msk $0xffff, v6  }
0x133: {  	[tilespmem:s5+$0xCC60] =	vst.add.f32.msk $0xffff, v7  }
0x134: {  	[tilespmem:s5+$0xCC70] =	vst.add.f32.msk $0xffff, v8  }
0x135: {  	[tilespmem:s5+$0xCC80] =	vst.add.f32.msk $0xffff, v9  }
0x136: {  	[tilespmem:s5+$0xCC90] =	vst.add.f32.msk $0xffff, v10  }
0x137: {  	[tilespmem:s5+$0xCCA0] =	vst.add.f32.msk $0xffff, v11  }
0x138: {  	[tilespmem:s5+$0xCCB0] =	vst.add.f32.msk $0xffff, v12  }
0x139: {  	[tilespmem:s5+$0xCCC0] =	vst.add.f32.msk $0xffff, v13  }
0x13a: {  	[tilespmem:s5+$0xCCD0] =	vst.add.f32.msk $0xffff, v14  }
0x13b: {  	[tilespmem:s5+$0xCCE0] =	vst.add.f32.msk $0xffff, v15  }
0x13c: {  	[tilespmem:s5+$0xCCF0] =	vst.add.f32.msk $0xffff, v16  }
0x13d: {  	[tilespmem:s5+$0xCD00] =	vst.add.f32.msk $0xffff, v17  }
0x13e: {  	[tilespmem:s5+$0xCD10] =	vst.add.f32.msk $0xffff, v18  }
0x13f: {  	[tilespmem:s5+$0xCD20] =	vst.add.f32.msk $0xffff, v19  }
0x140: {  	[tilespmem:s5+$0xCD30] =	vst.add.f32.msk $0xffff, v20  }
0x141: {  	[tilespmem:s5+$0xCD40] =	vst.add.f32.msk $0xffff, v21  }
0x142: {  	[tilespmem:s5+$0xCD50] =	vst.add.f32.msk $0xffff, v22  }
0x143: {  	[tilespmem:s5+$0xCD60] =	vst.add.f32.msk $0xffff, v23  }
0x144: {  	[tilespmem:s5+$0xCD70] =	vst.add.f32.msk $0xffff, v24  }
0x145: {  	[tilespmem:s5+$0xCD80] =	vst.add.f32.msk $0xffff, v25  }
.Ltmp1:
0x146: {  	[tilespmem:s5+$0xCD90] =	vst.add.f32.msk $0xffff, v26;
	(pc) =	sbr.rel @p0 .LBB2_4-.Ltmp1, $4  }
0x147: {  	[tilespmem:s5+$0xCDA0] =	vst.add.f32.msk $0xffff, v27  }
0x148: {  	[tilespmem:s5+$0xCDB0] =	vst.add.f32.msk $0xffff, v28  }
0x149: {  	[tilespmem:s5+$0xCDC0] =	vst.add.f32.msk $0xffff, v29  }
0x14a: {  	s2 =	sadd.s32 $0x800, s2;
	[tilespmem:s5+$0xCDD0] =	vst.add.f32.msk $0xffff, v30  }
0x14b: {  	[tilespmem:s5+$0xCDE0] =	vst.add.f32.msk $0xffff, v0  }
0x14c: {  	s2 =	simm.s32 $0x0;
	s12 =	simm.s32 $0xCC00;
	s5 =	rddreg [dreg:$0x9]  }
0x14d: {  	[hbm4b:s5+s2] =	stream.linear.scatter [tilespmem:s12], [sflag:$0xA], $0x6400, $0x38;
	[tilespmem:$0x1F800] =	vst v63  }
0x14e: {  	_ =	swait.ge [sflag:s11], $0x100  }
0x14f: {  	[sflag:s11] =	ssyncset.done $0x0  }
0x150: {  	[sflag:s11] =	ssyncadd.s32 $0xFFFFFF00  }
0x151: {  	[tilespmem:s30], [sflag:$0x8] =	stream.indirect.gather [hbm4b:s1+s4], $0x80, s28, s4, $0xb8;
	[tilespmem:$0x1F800] =	vst v63  }
0x152: {  	s19 =	simm.s32 $0x6780;
	s20 =	simm.s32 $0x1C600  }
0x153: {  	[tilespmem:s20], [sflag:$0x8] =	stream.indirect.gather [hbm4b:s1+s4], $0x80, s19, s4, $0xb8;
	[tilespmem:$0x1F800] =	vst v63  }
0x154: {  	s31 =	rddreg [dreg:$0xa]  }
0x155: {  	[tilespmem:s14], [sflag:$0x1] =	stream.linear.gather [hbm4b:s31+s2], $0x100, $0x38;
	[tilespmem:$0x1F800] =	vst v63  }
0x156: {  	_ =	swait.ge [sflag:s15], $0x3200  }
0x157: {  	[sflag:s15] =	ssyncset.done $0x0  }
0x158: {  	[sflag:s15] =	ssyncadd.s32 $0xFFFFCE00  }
0x159: {  	_ =	swait.ge [sflag:s15], $0x3200  }
0x15a: {  	[sflag:s15] =	ssyncset.done $0x0  }
0x15b: {  	s5 =	simm.s32 $0x0;
	[sflag:s15] =	ssyncadd.s32 $0xFFFFCE00  }
0x15c: {  	v0 =	vld [tilespmem:s5+$0x1F0]  }
0x15d: {  	v1 =	vld [tilespmem:s5+$0x0]  }
0x15e: {  	v2 =	vld [tilespmem:s5+$0x10]  }
0x15f: {  	v3 =	vld [tilespmem:s5+$0x20]  }
0x160: {  	v4 =	vld [tilespmem:s5+$0x30]  }
0x161: {  	v5 =	vld [tilespmem:s5+$0x40]  }
0x162: {  	v6 =	vld [tilespmem:s5+$0x50]  }
0x163: {  	v7 =	vld [tilespmem:s5+$0x60]  }
0x164: {  	v8 =	vld [tilespmem:s5+$0x70]  }
0x165: {  	v9 =	vld [tilespmem:s5+$0x80]  }
0x166: {  	v10 =	vld [tilespmem:s5+$0x90]  }
0x167: {  	v11 =	vld [tilespmem:s5+$0xA0]  }
0x168: {  	v12 =	vld [tilespmem:s5+$0xB0]  }
0x169: {  	v13 =	vld [tilespmem:s5+$0xC0]  }
0x16a: {  	v14 =	vld [tilespmem:s5+$0xD0]  }
0x16b: {  	v15 =	vld [tilespmem:s5+$0xE0]  }
0x16c: {  	v16 =	vld [tilespmem:s5+$0xF0]  }
0x16d: {  	v17 =	vld [tilespmem:s5+$0x100]  }
0x16e: {  	v18 =	vld [tilespmem:s5+$0x110]  }
0x16f: {  	v19 =	vld [tilespmem:s5+$0x120]  }
0x170: {  	v20 =	vld [tilespmem:s5+$0x130]  }
0x171: {  	v21 =	vld [tilespmem:s5+$0x140]  }
0x172: {  	v22 =	vld [tilespmem:s5+$0x150]  }
0x173: {  	v23 =	vld [tilespmem:s5+$0x160]  }
0x174: {  	v24 =	vld [tilespmem:s5+$0x170]  }
0x175: {  	v25 =	vld [tilespmem:s5+$0x180]  }
0x176: {  	v26 =	vld [tilespmem:s5+$0x190]  }
0x177: {  	v27 =	vld [tilespmem:s5+$0x1A0]  }
0x178: {  	v28 =	vld [tilespmem:s5+$0x1B0]  }
0x179: {  	v29 =	vld [tilespmem:s5+$0x1C0]  }
0x17a: {  	v30 =	vld [tilespmem:s5+$0x1D0]  }
0x17b: {  	[tilespmem:s5+$0x131F0] =	vst.add.f32.msk $0xffff, v0  }
0x17c: {  	v0 =	vld [tilespmem:s5+$0x1E0]  }
0x17d: {  	[tilespmem:s5+$0x13000] =	vst.add.f32.msk $0xffff, v1  }
0x17e: {  	[tilespmem:s5+$0x13010] =	vst.add.f32.msk $0xffff, v2  }
0x17f: {  	[tilespmem:s5+$0x13020] =	vst.add.f32.msk $0xffff, v3  }
0x180: {  	[tilespmem:s5+$0x13030] =	vst.add.f32.msk $0xffff, v4  }
0x181: {  	[tilespmem:s5+$0x13040] =	vst.add.f32.msk $0xffff, v5  }
0x182: {  	[tilespmem:s5+$0x13050] =	vst.add.f32.msk $0xffff, v6  }
0x183: {  	[tilespmem:s5+$0x13060] =	vst.add.f32.msk $0xffff, v7  }
0x184: {  	[tilespmem:s5+$0x13070] =	vst.add.f32.msk $0xffff, v8  }
0x185: {  	[tilespmem:s5+$0x13080] =	vst.add.f32.msk $0xffff, v9  }
0x186: {  	[tilespmem:s5+$0x13090] =	vst.add.f32.msk $0xffff, v10  }
0x187: {  	[tilespmem:s5+$0x130A0] =	vst.add.f32.msk $0xffff, v11  }
0x188: {  	[tilespmem:s5+$0x130B0] =	vst.add.f32.msk $0xffff, v12  }
0x189: {  	[tilespmem:s5+$0x130C0] =	vst.add.f32.msk $0xffff, v13  }
0x18a: {  	[tilespmem:s5+$0x130D0] =	vst.add.f32.msk $0xffff, v14  }
0x18b: {  	[tilespmem:s5+$0x130E0] =	vst.add.f32.msk $0xffff, v15  }
0x18c: {  	[tilespmem:s5+$0x130F0] =	vst.add.f32.msk $0xffff, v16  }
0x18d: {  	[tilespmem:s5+$0x13100] =	vst.add.f32.msk $0xffff, v17  }
0x18e: {  	[tilespmem:s5+$0x13110] =	vst.add.f32.msk $0xffff, v18  }
0x18f: {  	[tilespmem:s5+$0x13120] =	vst.add.f32.msk $0xffff, v19  }
0x190: {  	[tilespmem:s5+$0x13130] =	vst.add.f32.msk $0xffff, v20  }
0x191: {  	[tilespmem:s5+$0x13140] =	vst.add.f32.msk $0xffff, v21  }
0x192: {  	[tilespmem:s5+$0x13150] =	vst.add.f32.msk $0xffff, v22  }
0x193: {  	[tilespmem:s5+$0x13160] =	vst.add.f32.msk $0xffff, v23  }
0x194: {  	[tilespmem:s5+$0x13170] =	vst.add.f32.msk $0xffff, v24  }
0x195: {  	[tilespmem:s5+$0x13180] =	vst.add.f32.msk $0xffff, v25  }
0x196: {  	[tilespmem:s5+$0x13190] =	vst.add.f32.msk $0xffff, v26  }
0x197: {  	[tilespmem:s5+$0x131A0] =	vst.add.f32.msk $0xffff, v27  }
0x198: {  	[tilespmem:s5+$0x131B0] =	vst.add.f32.msk $0xffff, v28  }
0x199: {  	[tilespmem:s5+$0x131C0] =	vst.add.f32.msk $0xffff, v29  }
0x19a: {  	s18 =	simm.s32 $0x0;
	s2 =	simm.s32 $0x800;
	[tilespmem:s5+$0x131D0] =	vst.add.f32.msk $0xffff, v30  }
.LBB2_6:
0x19b: {  	s18 =	sadd.s32 $0x4, s18;
	[tilespmem:s5+$0x131E0] =	vst.add.f32.msk $0xffff, v0;
	s5 =	sshra.s32 s2, $0x2  }
0x19c: {  	v0 =	vld [tilespmem:s5+$0x1F0];
	p0 =	slt.u32 s18, $0xC4  }
0x19d: {  	v1 =	vld [tilespmem:s5+$0x0]  }
0x19e: {  	v2 =	vld [tilespmem:s5+$0x10]  }
0x19f: {  	v3 =	vld [tilespmem:s5+$0x20]  }
0x1a0: {  	v4 =	vld [tilespmem:s5+$0x30]  }
0x1a1: {  	[tilespmem:s5+$0x131F0] =	vst.add.f32.msk $0xffff, v0  }
0x1a2: {  	v5 =	vld [tilespmem:s5+$0x40]  }
0x1a3: {  	v6 =	vld [tilespmem:s5+$0x50]  }
0x1a4: {  	v7 =	vld [tilespmem:s5+$0x60]  }
0x1a5: {  	v8 =	vld [tilespmem:s5+$0x70]  }
0x1a6: {  	v9 =	vld [tilespmem:s5+$0x80]  }
0x1a7: {  	v10 =	vld [tilespmem:s5+$0x90]  }
0x1a8: {  	v11 =	vld [tilespmem:s5+$0xA0]  }
0x1a9: {  	v12 =	vld [tilespmem:s5+$0xB0]  }
0x1aa: {  	v13 =	vld [tilespmem:s5+$0xC0]  }
0x1ab: {  	v14 =	vld [tilespmem:s5+$0xD0]  }
0x1ac: {  	v15 =	vld [tilespmem:s5+$0xE0]  }
0x1ad: {  	v16 =	vld [tilespmem:s5+$0xF0]  }
0x1ae: {  	v17 =	vld [tilespmem:s5+$0x100]  }
0x1af: {  	v18 =	vld [tilespmem:s5+$0x110]  }
0x1b0: {  	v19 =	vld [tilespmem:s5+$0x120]  }
0x1b1: {  	v20 =	vld [tilespmem:s5+$0x130]  }
0x1b2: {  	v21 =	vld [tilespmem:s5+$0x140]  }
0x1b3: {  	v22 =	vld [tilespmem:s5+$0x150]  }
0x1b4: {  	v23 =	vld [tilespmem:s5+$0x160]  }
0x1b5: {  	v24 =	vld [tilespmem:s5+$0x170]  }
0x1b6: {  	v25 =	vld [tilespmem:s5+$0x180]  }
0x1b7: {  	v26 =	vld [tilespmem:s5+$0x190]  }
0x1b8: {  	v27 =	vld [tilespmem:s5+$0x1A0]  }
0x1b9: {  	v28 =	vld [tilespmem:s5+$0x1B0]  }
0x1ba: {  	v29 =	vld [tilespmem:s5+$0x1C0]  }
0x1bb: {  	v30 =	vld [tilespmem:s5+$0x1D0]  }
0x1bc: {  	v0 =	vld [tilespmem:s5+$0x1E0]  }
0x1bd: {  	[tilespmem:s5+$0x13000] =	vst.add.f32.msk $0xffff, v1  }
0x1be: {  	[tilespmem:s5+$0x13010] =	vst.add.f32.msk $0xffff, v2  }
0x1bf: {  	[tilespmem:s5+$0x13020] =	vst.add.f32.msk $0xffff, v3  }
0x1c0: {  	[tilespmem:s5+$0x13030] =	vst.add.f32.msk $0xffff, v4  }
0x1c1: {  	[tilespmem:s5+$0x13040] =	vst.add.f32.msk $0xffff, v5  }
0x1c2: {  	[tilespmem:s5+$0x13050] =	vst.add.f32.msk $0xffff, v6  }
0x1c3: {  	[tilespmem:s5+$0x13060] =	vst.add.f32.msk $0xffff, v7  }
0x1c4: {  	[tilespmem:s5+$0x13070] =	vst.add.f32.msk $0xffff, v8  }
0x1c5: {  	[tilespmem:s5+$0x13080] =	vst.add.f32.msk $0xffff, v9  }
0x1c6: {  	[tilespmem:s5+$0x13090] =	vst.add.f32.msk $0xffff, v10  }
0x1c7: {  	[tilespmem:s5+$0x130A0] =	vst.add.f32.msk $0xffff, v11  }
0x1c8: {  	[tilespmem:s5+$0x130B0] =	vst.add.f32.msk $0xffff, v12  }
0x1c9: {  	[tilespmem:s5+$0x130C0] =	vst.add.f32.msk $0xffff, v13  }
0x1ca: {  	[tilespmem:s5+$0x130D0] =	vst.add.f32.msk $0xffff, v14  }
0x1cb: {  	[tilespmem:s5+$0x130E0] =	vst.add.f32.msk $0xffff, v15  }
0x1cc: {  	[tilespmem:s5+$0x130F0] =	vst.add.f32.msk $0xffff, v16  }
0x1cd: {  	[tilespmem:s5+$0x13100] =	vst.add.f32.msk $0xffff, v17  }
0x1ce: {  	[tilespmem:s5+$0x13110] =	vst.add.f32.msk $0xffff, v18  }
0x1cf: {  	[tilespmem:s5+$0x13120] =	vst.add.f32.msk $0xffff, v19  }
0x1d0: {  	[tilespmem:s5+$0x13130] =	vst.add.f32.msk $0xffff, v20  }
0x1d1: {  	[tilespmem:s5+$0x13140] =	vst.add.f32.msk $0xffff, v21  }
0x1d2: {  	[tilespmem:s5+$0x13150] =	vst.add.f32.msk $0xffff, v22  }
0x1d3: {  	[tilespmem:s5+$0x13160] =	vst.add.f32.msk $0xffff, v23  }
0x1d4: {  	[tilespmem:s5+$0x13170] =	vst.add.f32.msk $0xffff, v24  }
0x1d5: {  	[tilespmem:s5+$0x13180] =	vst.add.f32.msk $0xffff, v25  }
.Ltmp2:
0x1d6: {  	[tilespmem:s5+$0x13190] =	vst.add.f32.msk $0xffff, v26;
	(pc) =	sbr.rel @p0 .LBB2_6-.Ltmp2, $4  }
0x1d7: {  	[tilespmem:s5+$0x131A0] =	vst.add.f32.msk $0xffff, v27  }
0x1d8: {  	[tilespmem:s5+$0x131B0] =	vst.add.f32.msk $0xffff, v28  }
0x1d9: {  	[tilespmem:s5+$0x131C0] =	vst.add.f32.msk $0xffff, v29  }
0x1da: {  	s2 =	sadd.s32 $0x800, s2;
	[tilespmem:s5+$0x131D0] =	vst.add.f32.msk $0xffff, v30  }
0x1db: {  	[tilespmem:s5+$0x131E0] =	vst.add.f32.msk $0xffff, v0  }
0x1dc: {  	s2 =	simm.s32 $0x0;
	s5 =	rddreg [dreg:$0xb]  }
0x1dd: {  	[hbm4b:s5+s2] =	stream.linear.scatter [tilespmem:s23], [sflag:$0xB], $0x6400, $0x38;
	[tilespmem:$0x1F800] =	vst v63  }
0x1de: {  	_ =	swait.ge [sflag:s16], $0x6400  }
0x1df: {  	[sflag:s16] =	ssyncset.done $0x0  }
0x1e0: {  	[sflag:s16] =	ssyncadd.s32 $0xFFFF9C00  }
0x1e1: {  	_ =	swait.ge [sflag:s0], $0x100  }
0x1e2: {  	[sflag:s0] =	ssyncset.done $0x0  }
0x1e3: {  	s19 =	simm.s32 $0x6800;
	[sflag:s0] =	ssyncadd.s32 $0xFFFFFF00  }
0x1e4: {  	[tilespmem:s19], [sflag:$0x5] =	stream.indirect.gather [hbm4b:s1+s4], $0x80, s14, s4, $0xb8;
	[tilespmem:$0x1F800] =	vst v63  }
0x1e5: {  	s20 =	simm.s32 $0x6480;
	s12 =	simm.s32 $0x9A00  }
0x1e6: {  	[tilespmem:s12], [sflag:$0x5] =	stream.indirect.gather [hbm4b:s1+s4], $0x80, s20, s4, $0xb8;
	[tilespmem:$0x1F800] =	vst v63  }
0x1e7: {  	s31 =	rddreg [dreg:$0xc]  }
0x1e8: {  	[tilespmem:s26], [sflag:$0x2] =	stream.linear.gather [hbm4b:s31+s2], $0x100, $0x38;
	[tilespmem:$0x1F800] =	vst v63  }
0x1e9: {  	_ =	swait.ge [sflag:s24], $0x3200  }
0x1ea: {  	[sflag:s24] =	ssyncset.done $0x0  }
0x1eb: {  	[sflag:s24] =	ssyncadd.s32 $0xFFFFCE00  }
0x1ec: {  	_ =	swait.ge [sflag:s24], $0x3200  }
0x1ed: {  	[sflag:s24] =	ssyncset.done $0x0  }
0x1ee: {  	s5 =	simm.s32 $0x0;
	[sflag:s24] =	ssyncadd.s32 $0xFFFFCE00  }
0x1ef: {  	v0 =	vld [tilespmem:s5+$0x1F0]  }
0x1f0: {  	v1 =	vld [tilespmem:s5+$0x0]  }
0x1f1: {  	v2 =	vld [tilespmem:s5+$0x10]  }
0x1f2: {  	v3 =	vld [tilespmem:s5+$0x20]  }
0x1f3: {  	v4 =	vld [tilespmem:s5+$0x30]  }
0x1f4: {  	v5 =	vld [tilespmem:s5+$0x40]  }
0x1f5: {  	v6 =	vld [tilespmem:s5+$0x50]  }
0x1f6: {  	v7 =	vld [tilespmem:s5+$0x60]  }
0x1f7: {  	v8 =	vld [tilespmem:s5+$0x70]  }
0x1f8: {  	v9 =	vld [tilespmem:s5+$0x80]  }
0x1f9: {  	v10 =	vld [tilespmem:s5+$0x90]  }
0x1fa: {  	v11 =	vld [tilespmem:s5+$0xA0]  }
0x1fb: {  	v12 =	vld [tilespmem:s5+$0xB0]  }
0x1fc: {  	v13 =	vld [tilespmem:s5+$0xC0]  }
0x1fd: {  	v14 =	vld [tilespmem:s5+$0xD0]  }
0x1fe: {  	v15 =	vld [tilespmem:s5+$0xE0]  }
0x1ff: {  	v16 =	vld [tilespmem:s5+$0xF0]  }
0x200: {  	v17 =	vld [tilespmem:s5+$0x100]  }
0x201: {  	v18 =	vld [tilespmem:s5+$0x110]  }
0x202: {  	v19 =	vld [tilespmem:s5+$0x120]  }
0x203: {  	v20 =	vld [tilespmem:s5+$0x130]  }
0x204: {  	v21 =	vld [tilespmem:s5+$0x140]  }
0x205: {  	v22 =	vld [tilespmem:s5+$0x150]  }
0x206: {  	v23 =	vld [tilespmem:s5+$0x160]  }
0x207: {  	v24 =	vld [tilespmem:s5+$0x170]  }
0x208: {  	v25 =	vld [tilespmem:s5+$0x180]  }
0x209: {  	v26 =	vld [tilespmem:s5+$0x190]  }
0x20a: {  	v27 =	vld [tilespmem:s5+$0x1A0]  }
0x20b: {  	v28 =	vld [tilespmem:s5+$0x1B0]  }
0x20c: {  	v29 =	vld [tilespmem:s5+$0x1C0]  }
0x20d: {  	v30 =	vld [tilespmem:s5+$0x1D0]  }
0x20e: {  	[tilespmem:s5+$0x195F0] =	vst.add.f32.msk $0xffff, v0  }
0x20f: {  	v0 =	vld [tilespmem:s5+$0x1E0]  }
0x210: {  	[tilespmem:s5+$0x19400] =	vst.add.f32.msk $0xffff, v1  }
0x211: {  	[tilespmem:s5+$0x19410] =	vst.add.f32.msk $0xffff, v2  }
0x212: {  	[tilespmem:s5+$0x19420] =	vst.add.f32.msk $0xffff, v3  }
0x213: {  	[tilespmem:s5+$0x19430] =	vst.add.f32.msk $0xffff, v4  }
0x214: {  	[tilespmem:s5+$0x19440] =	vst.add.f32.msk $0xffff, v5  }
0x215: {  	[tilespmem:s5+$0x19450] =	vst.add.f32.msk $0xffff, v6  }
0x216: {  	[tilespmem:s5+$0x19460] =	vst.add.f32.msk $0xffff, v7  }
0x217: {  	[tilespmem:s5+$0x19470] =	vst.add.f32.msk $0xffff, v8  }
0x218: {  	[tilespmem:s5+$0x19480] =	vst.add.f32.msk $0xffff, v9  }
0x219: {  	[tilespmem:s5+$0x19490] =	vst.add.f32.msk $0xffff, v10  }
0x21a: {  	[tilespmem:s5+$0x194A0] =	vst.add.f32.msk $0xffff, v11  }
0x21b: {  	[tilespmem:s5+$0x194B0] =	vst.add.f32.msk $0xffff, v12  }
0x21c: {  	[tilespmem:s5+$0x194C0] =	vst.add.f32.msk $0xffff, v13  }
0x21d: {  	[tilespmem:s5+$0x194D0] =	vst.add.f32.msk $0xffff, v14  }
0x21e: {  	[tilespmem:s5+$0x194E0] =	vst.add.f32.msk $0xffff, v15  }
0x21f: {  	[tilespmem:s5+$0x194F0] =	vst.add.f32.msk $0xffff, v16  }
0x220: {  	[tilespmem:s5+$0x19500] =	vst.add.f32.msk $0xffff, v17  }
0x221: {  	[tilespmem:s5+$0x19510] =	vst.add.f32.msk $0xffff, v18  }
0x222: {  	[tilespmem:s5+$0x19520] =	vst.add.f32.msk $0xffff, v19  }
0x223: {  	[tilespmem:s5+$0x19530] =	vst.add.f32.msk $0xffff, v20  }
0x224: {  	[tilespmem:s5+$0x19540] =	vst.add.f32.msk $0xffff, v21  }
0x225: {  	[tilespmem:s5+$0x19550] =	vst.add.f32.msk $0xffff, v22  }
0x226: {  	[tilespmem:s5+$0x19560] =	vst.add.f32.msk $0xffff, v23  }
0x227: {  	[tilespmem:s5+$0x19570] =	vst.add.f32.msk $0xffff, v24  }
0x228: {  	[tilespmem:s5+$0x19580] =	vst.add.f32.msk $0xffff, v25  }
0x229: {  	[tilespmem:s5+$0x19590] =	vst.add.f32.msk $0xffff, v26  }
0x22a: {  	[tilespmem:s5+$0x195A0] =	vst.add.f32.msk $0xffff, v27  }
0x22b: {  	[tilespmem:s5+$0x195B0] =	vst.add.f32.msk $0xffff, v28  }
0x22c: {  	[tilespmem:s5+$0x195C0] =	vst.add.f32.msk $0xffff, v29  }
0x22d: {  	s18 =	simm.s32 $0x0;
	s2 =	simm.s32 $0x800;
	[tilespmem:s5+$0x195D0] =	vst.add.f32.msk $0xffff, v30  }
.LBB2_8:
0x22e: {  	s18 =	sadd.s32 $0x4, s18;
	[tilespmem:s5+$0x195E0] =	vst.add.f32.msk $0xffff, v0;
	s5 =	sshra.s32 s2, $0x2  }
0x22f: {  	v0 =	vld [tilespmem:s5+$0x1F0];
	p0 =	slt.u32 s18, $0xC4  }
0x230: {  	v1 =	vld [tilespmem:s5+$0x0]  }
0x231: {  	v2 =	vld [tilespmem:s5+$0x10]  }
0x232: {  	v3 =	vld [tilespmem:s5+$0x20]  }
0x233: {  	v4 =	vld [tilespmem:s5+$0x30]  }
0x234: {  	[tilespmem:s5+$0x195F0] =	vst.add.f32.msk $0xffff, v0  }
0x235: {  	v5 =	vld [tilespmem:s5+$0x40]  }
0x236: {  	v6 =	vld [tilespmem:s5+$0x50]  }
0x237: {  	v7 =	vld [tilespmem:s5+$0x60]  }
0x238: {  	v8 =	vld [tilespmem:s5+$0x70]  }
0x239: {  	v9 =	vld [tilespmem:s5+$0x80]  }
0x23a: {  	v10 =	vld [tilespmem:s5+$0x90]  }
0x23b: {  	v11 =	vld [tilespmem:s5+$0xA0]  }
0x23c: {  	v12 =	vld [tilespmem:s5+$0xB0]  }
0x23d: {  	v13 =	vld [tilespmem:s5+$0xC0]  }
0x23e: {  	v14 =	vld [tilespmem:s5+$0xD0]  }
0x23f: {  	v15 =	vld [tilespmem:s5+$0xE0]  }
0x240: {  	v16 =	vld [tilespmem:s5+$0xF0]  }
0x241: {  	v17 =	vld [tilespmem:s5+$0x100]  }
0x242: {  	v18 =	vld [tilespmem:s5+$0x110]  }
0x243: {  	v19 =	vld [tilespmem:s5+$0x120]  }
0x244: {  	v20 =	vld [tilespmem:s5+$0x130]  }
0x245: {  	v21 =	vld [tilespmem:s5+$0x140]  }
0x246: {  	v22 =	vld [tilespmem:s5+$0x150]  }
0x247: {  	v23 =	vld [tilespmem:s5+$0x160]  }
0x248: {  	v24 =	vld [tilespmem:s5+$0x170]  }
0x249: {  	v25 =	vld [tilespmem:s5+$0x180]  }
0x24a: {  	v26 =	vld [tilespmem:s5+$0x190]  }
0x24b: {  	v27 =	vld [tilespmem:s5+$0x1A0]  }
0x24c: {  	v28 =	vld [tilespmem:s5+$0x1B0]  }
0x24d: {  	v29 =	vld [tilespmem:s5+$0x1C0]  }
0x24e: {  	v30 =	vld [tilespmem:s5+$0x1D0]  }
0x24f: {  	v0 =	vld [tilespmem:s5+$0x1E0]  }
0x250: {  	[tilespmem:s5+$0x19400] =	vst.add.f32.msk $0xffff, v1  }
0x251: {  	[tilespmem:s5+$0x19410] =	vst.add.f32.msk $0xffff, v2  }
0x252: {  	[tilespmem:s5+$0x19420] =	vst.add.f32.msk $0xffff, v3  }
0x253: {  	[tilespmem:s5+$0x19430] =	vst.add.f32.msk $0xffff, v4  }
0x254: {  	[tilespmem:s5+$0x19440] =	vst.add.f32.msk $0xffff, v5  }
0x255: {  	[tilespmem:s5+$0x19450] =	vst.add.f32.msk $0xffff, v6  }
0x256: {  	[tilespmem:s5+$0x19460] =	vst.add.f32.msk $0xffff, v7  }
0x257: {  	[tilespmem:s5+$0x19470] =	vst.add.f32.msk $0xffff, v8  }
0x258: {  	[tilespmem:s5+$0x19480] =	vst.add.f32.msk $0xffff, v9  }
0x259: {  	[tilespmem:s5+$0x19490] =	vst.add.f32.msk $0xffff, v10  }
0x25a: {  	[tilespmem:s5+$0x194A0] =	vst.add.f32.msk $0xffff, v11  }
0x25b: {  	[tilespmem:s5+$0x194B0] =	vst.add.f32.msk $0xffff, v12  }
0x25c: {  	[tilespmem:s5+$0x194C0] =	vst.add.f32.msk $0xffff, v13  }
0x25d: {  	[tilespmem:s5+$0x194D0] =	vst.add.f32.msk $0xffff, v14  }
0x25e: {  	[tilespmem:s5+$0x194E0] =	vst.add.f32.msk $0xffff, v15  }
0x25f: {  	[tilespmem:s5+$0x194F0] =	vst.add.f32.msk $0xffff, v16  }
0x260: {  	[tilespmem:s5+$0x19500] =	vst.add.f32.msk $0xffff, v17  }
0x261: {  	[tilespmem:s5+$0x19510] =	vst.add.f32.msk $0xffff, v18  }
0x262: {  	[tilespmem:s5+$0x19520] =	vst.add.f32.msk $0xffff, v19  }
0x263: {  	[tilespmem:s5+$0x19530] =	vst.add.f32.msk $0xffff, v20  }
0x264: {  	[tilespmem:s5+$0x19540] =	vst.add.f32.msk $0xffff, v21  }
0x265: {  	[tilespmem:s5+$0x19550] =	vst.add.f32.msk $0xffff, v22  }
0x266: {  	[tilespmem:s5+$0x19560] =	vst.add.f32.msk $0xffff, v23  }
0x267: {  	[tilespmem:s5+$0x19570] =	vst.add.f32.msk $0xffff, v24  }
0x268: {  	[tilespmem:s5+$0x19580] =	vst.add.f32.msk $0xffff, v25  }
.Ltmp3:
0x269: {  	[tilespmem:s5+$0x19590] =	vst.add.f32.msk $0xffff, v26;
	(pc) =	sbr.rel @p0 .LBB2_8-.Ltmp3, $4  }
0x26a: {  	[tilespmem:s5+$0x195A0] =	vst.add.f32.msk $0xffff, v27  }
0x26b: {  	[tilespmem:s5+$0x195B0] =	vst.add.f32.msk $0xffff, v28  }
0x26c: {  	[tilespmem:s5+$0x195C0] =	vst.add.f32.msk $0xffff, v29  }
0x26d: {  	s2 =	sadd.s32 $0x800, s2;
	[tilespmem:s5+$0x195D0] =	vst.add.f32.msk $0xffff, v30  }
0x26e: {  	[tilespmem:s5+$0x195E0] =	vst.add.f32.msk $0xffff, v0  }
0x26f: {  	s5 =	simm.s32 $0x0;
	s18 =	simm.s32 $0x0;
	s2 =	rddreg [dreg:$0xd]  }
0x270: {  	[hbm4b:s2+s5] =	stream.linear.scatter [tilespmem:s30], [sflag:$0xC], $0x6400, $0x38;
	[tilespmem:$0x1F800] =	vst v63  }
.LBB2_10:
0x271: {  	_ =	swait.ge [sflag:s25], $0x6400  }
0x272: {  	[sflag:s25] =	ssyncset.done $0x0  }
0x273: {  	[sflag:s25] =	ssyncadd.s32 $0xFFFF9C00  }
0x274: {  	_ =	swait.ge [sflag:s13], $0x100  }
0x275: {  	[sflag:s13] =	ssyncset.done $0x0  }
0x276: {  	s2 =	simm.s32 $0xCC00;
	[sflag:s13] =	ssyncadd.s32 $0xFFFFFF00  }
0x277: {  	[tilespmem:s2], [sflag:$0x6] =	stream.indirect.gather [hbm4b:s1+s4], $0x80, s26, s4, $0xb8;
	[tilespmem:$0x1F800] =	vst v63  }
0x278: {  	s19 =	sshll.u32 s18, $0x2;
	s20 =	simm.s32 $0x6580;
	s12 =	simm.s32 $0xFE00  }
0x279: {  	[tilespmem:s12], [sflag:$0x6] =	stream.indirect.gather [hbm4b:s1+s4], $0x80, s20, s4, $0xb8;
	[tilespmem:$0x1F800] =	vst v63  }
0x27a: {  	s20 =	sadd.s32 $0x6, s19  }
0x27b: {  	s26 =	sshll.u32 s20, $0x5  }
0x27c: {  	s2 =	sadd.s32 s26, s8  }
0x27d: {  	[tilespmem:s17], [sflag:$0x3] =	stream.linear.gather [hbm4b:s2+s5], $0x100, $0x38;
	[tilespmem:$0x1F800] =	vst v63  }
0x27e: {  	_ =	swait.ge [sflag:s21], $0x3200  }
0x27f: {  	[sflag:s21] =	ssyncset.done $0x0  }
0x280: {  	[sflag:s21] =	ssyncadd.s32 $0xFFFFCE00  }
0x281: {  	_ =	swait.ge [sflag:s21], $0x3200  }
0x282: {  	[sflag:s21] =	ssyncset.done $0x0  }
0x283: {  	s31 =	simm.s32 $0x0;
	[sflag:s21] =	ssyncadd.s32 $0xFFFFCE00  }
0x284: {  	v0 =	vld [tilespmem:s31+$0x1F0]  }
0x285: {  	v1 =	vld [tilespmem:s31+$0x0]  }
0x286: {  	v2 =	vld [tilespmem:s31+$0x10]  }
0x287: {  	v3 =	vld [tilespmem:s31+$0x20]  }
0x288: {  	v4 =	vld [tilespmem:s31+$0x30]  }
0x289: {  	v5 =	vld [tilespmem:s31+$0x40]  }
0x28a: {  	v6 =	vld [tilespmem:s31+$0x50]  }
0x28b: {  	v7 =	vld [tilespmem:s31+$0x60]  }
0x28c: {  	v8 =	vld [tilespmem:s31+$0x70]  }
0x28d: {  	v9 =	vld [tilespmem:s31+$0x80]  }
0x28e: {  	v10 =	vld [tilespmem:s31+$0x90]  }
0x28f: {  	v11 =	vld [tilespmem:s31+$0xA0]  }
0x290: {  	v12 =	vld [tilespmem:s31+$0xB0]  }
0x291: {  	v13 =	vld [tilespmem:s31+$0xC0]  }
0x292: {  	v14 =	vld [tilespmem:s31+$0xD0]  }
0x293: {  	v15 =	vld [tilespmem:s31+$0xE0]  }
0x294: {  	v16 =	vld [tilespmem:s31+$0xF0]  }
0x295: {  	v17 =	vld [tilespmem:s31+$0x100]  }
0x296: {  	v18 =	vld [tilespmem:s31+$0x110]  }
0x297: {  	v19 =	vld [tilespmem:s31+$0x120]  }
0x298: {  	v20 =	vld [tilespmem:s31+$0x130]  }
0x299: {  	v21 =	vld [tilespmem:s31+$0x140]  }
0x29a: {  	v22 =	vld [tilespmem:s31+$0x150]  }
0x29b: {  	v23 =	vld [tilespmem:s31+$0x160]  }
0x29c: {  	v24 =	vld [tilespmem:s31+$0x170]  }
0x29d: {  	v25 =	vld [tilespmem:s31+$0x180]  }
0x29e: {  	v26 =	vld [tilespmem:s31+$0x190]  }
0x29f: {  	v27 =	vld [tilespmem:s31+$0x1A0]  }
0x2a0: {  	v28 =	vld [tilespmem:s31+$0x1B0]  }
0x2a1: {  	v29 =	vld [tilespmem:s31+$0x1C0]  }
0x2a2: {  	v30 =	vld [tilespmem:s31+$0x1D0]  }
0x2a3: {  	[tilespmem:s31+$0x69F0] =	vst.add.f32.msk $0xffff, v0  }
0x2a4: {  	v0 =	vld [tilespmem:s31+$0x1E0]  }
0x2a5: {  	[tilespmem:s31+$0x6800] =	vst.add.f32.msk $0xffff, v1  }
0x2a6: {  	[tilespmem:s31+$0x6810] =	vst.add.f32.msk $0xffff, v2  }
0x2a7: {  	[tilespmem:s31+$0x6820] =	vst.add.f32.msk $0xffff, v3  }
0x2a8: {  	[tilespmem:s31+$0x6830] =	vst.add.f32.msk $0xffff, v4  }
0x2a9: {  	[tilespmem:s31+$0x6840] =	vst.add.f32.msk $0xffff, v5  }
0x2aa: {  	[tilespmem:s31+$0x6850] =	vst.add.f32.msk $0xffff, v6  }
0x2ab: {  	[tilespmem:s31+$0x6860] =	vst.add.f32.msk $0xffff, v7  }
0x2ac: {  	[tilespmem:s31+$0x6870] =	vst.add.f32.msk $0xffff, v8  }
0x2ad: {  	[tilespmem:s31+$0x6880] =	vst.add.f32.msk $0xffff, v9  }
0x2ae: {  	[tilespmem:s31+$0x6890] =	vst.add.f32.msk $0xffff, v10  }
0x2af: {  	[tilespmem:s31+$0x68A0] =	vst.add.f32.msk $0xffff, v11  }
0x2b0: {  	[tilespmem:s31+$0x68B0] =	vst.add.f32.msk $0xffff, v12  }
0x2b1: {  	[tilespmem:s31+$0x68C0] =	vst.add.f32.msk $0xffff, v13  }
0x2b2: {  	[tilespmem:s31+$0x68D0] =	vst.add.f32.msk $0xffff, v14  }
0x2b3: {  	[tilespmem:s31+$0x68E0] =	vst.add.f32.msk $0xffff, v15  }
0x2b4: {  	[tilespmem:s31+$0x68F0] =	vst.add.f32.msk $0xffff, v16  }
0x2b5: {  	[tilespmem:s31+$0x6900] =	vst.add.f32.msk $0xffff, v17  }
0x2b6: {  	[tilespmem:s31+$0x6910] =	vst.add.f32.msk $0xffff, v18  }
0x2b7: {  	[tilespmem:s31+$0x6920] =	vst.add.f32.msk $0xffff, v19  }
0x2b8: {  	[tilespmem:s31+$0x6930] =	vst.add.f32.msk $0xffff, v20  }
0x2b9: {  	[tilespmem:s31+$0x6940] =	vst.add.f32.msk $0xffff, v21  }
0x2ba: {  	[tilespmem:s31+$0x6950] =	vst.add.f32.msk $0xffff, v22  }
0x2bb: {  	[tilespmem:s31+$0x6960] =	vst.add.f32.msk $0xffff, v23  }
0x2bc: {  	[tilespmem:s31+$0x6970] =	vst.add.f32.msk $0xffff, v24  }
0x2bd: {  	[tilespmem:s31+$0x6980] =	vst.add.f32.msk $0xffff, v25  }
0x2be: {  	[tilespmem:s31+$0x6990] =	vst.add.f32.msk $0xffff, v26  }
0x2bf: {  	[tilespmem:s31+$0x69A0] =	vst.add.f32.msk $0xffff, v27  }
0x2c0: {  	[tilespmem:s31+$0x69B0] =	vst.add.f32.msk $0xffff, v28  }
0x2c1: {  	[tilespmem:s31+$0x69C0] =	vst.add.f32.msk $0xffff, v29  }
0x2c2: {  	s26 =	simm.s32 $0x0;
	s2 =	simm.s32 $0x800;
	[tilespmem:s31+$0x69D0] =	vst.add.f32.msk $0xffff, v30  }
.LBB2_11:
0x2c3: {  	s26 =	sadd.s32 $0x4, s26;
	[tilespmem:s31+$0x69E0] =	vst.add.f32.msk $0xffff, v0;
	s31 =	sshra.s32 s2, $0x2  }
0x2c4: {  	v0 =	vld [tilespmem:s31+$0x1F0];
	p0 =	slt.u32 s26, $0xC4  }
0x2c5: {  	v1 =	vld [tilespmem:s31+$0x0]  }
0x2c6: {  	v2 =	vld [tilespmem:s31+$0x10]  }
0x2c7: {  	v3 =	vld [tilespmem:s31+$0x20]  }
0x2c8: {  	v4 =	vld [tilespmem:s31+$0x30]  }
0x2c9: {  	[tilespmem:s31+$0x69F0] =	vst.add.f32.msk $0xffff, v0  }
0x2ca: {  	v5 =	vld [tilespmem:s31+$0x40]  }
0x2cb: {  	v6 =	vld [tilespmem:s31+$0x50]  }
0x2cc: {  	v7 =	vld [tilespmem:s31+$0x60]  }
0x2cd: {  	v8 =	vld [tilespmem:s31+$0x70]  }
0x2ce: {  	v9 =	vld [tilespmem:s31+$0x80]  }
0x2cf: {  	v10 =	vld [tilespmem:s31+$0x90]  }
0x2d0: {  	v11 =	vld [tilespmem:s31+$0xA0]  }
0x2d1: {  	v12 =	vld [tilespmem:s31+$0xB0]  }
0x2d2: {  	v13 =	vld [tilespmem:s31+$0xC0]  }
0x2d3: {  	v14 =	vld [tilespmem:s31+$0xD0]  }
0x2d4: {  	v15 =	vld [tilespmem:s31+$0xE0]  }
0x2d5: {  	v16 =	vld [tilespmem:s31+$0xF0]  }
0x2d6: {  	v17 =	vld [tilespmem:s31+$0x100]  }
0x2d7: {  	v18 =	vld [tilespmem:s31+$0x110]  }
0x2d8: {  	v19 =	vld [tilespmem:s31+$0x120]  }
0x2d9: {  	v20 =	vld [tilespmem:s31+$0x130]  }
0x2da: {  	v21 =	vld [tilespmem:s31+$0x140]  }
0x2db: {  	v22 =	vld [tilespmem:s31+$0x150]  }
0x2dc: {  	v23 =	vld [tilespmem:s31+$0x160]  }
0x2dd: {  	v24 =	vld [tilespmem:s31+$0x170]  }
0x2de: {  	v25 =	vld [tilespmem:s31+$0x180]  }
0x2df: {  	v26 =	vld [tilespmem:s31+$0x190]  }
0x2e0: {  	v27 =	vld [tilespmem:s31+$0x1A0]  }
0x2e1: {  	v28 =	vld [tilespmem:s31+$0x1B0]  }
0x2e2: {  	v29 =	vld [tilespmem:s31+$0x1C0]  }
0x2e3: {  	v30 =	vld [tilespmem:s31+$0x1D0]  }
0x2e4: {  	v0 =	vld [tilespmem:s31+$0x1E0]  }
0x2e5: {  	[tilespmem:s31+$0x6800] =	vst.add.f32.msk $0xffff, v1  }
0x2e6: {  	[tilespmem:s31+$0x6810] =	vst.add.f32.msk $0xffff, v2  }
0x2e7: {  	[tilespmem:s31+$0x6820] =	vst.add.f32.msk $0xffff, v3  }
0x2e8: {  	[tilespmem:s31+$0x6830] =	vst.add.f32.msk $0xffff, v4  }
0x2e9: {  	[tilespmem:s31+$0x6840] =	vst.add.f32.msk $0xffff, v5  }
0x2ea: {  	[tilespmem:s31+$0x6850] =	vst.add.f32.msk $0xffff, v6  }
0x2eb: {  	[tilespmem:s31+$0x6860] =	vst.add.f32.msk $0xffff, v7  }
0x2ec: {  	[tilespmem:s31+$0x6870] =	vst.add.f32.msk $0xffff, v8  }
0x2ed: {  	[tilespmem:s31+$0x6880] =	vst.add.f32.msk $0xffff, v9  }
0x2ee: {  	[tilespmem:s31+$0x6890] =	vst.add.f32.msk $0xffff, v10  }
0x2ef: {  	[tilespmem:s31+$0x68A0] =	vst.add.f32.msk $0xffff, v11  }
0x2f0: {  	[tilespmem:s31+$0x68B0] =	vst.add.f32.msk $0xffff, v12  }
0x2f1: {  	[tilespmem:s31+$0x68C0] =	vst.add.f32.msk $0xffff, v13  }
0x2f2: {  	[tilespmem:s31+$0x68D0] =	vst.add.f32.msk $0xffff, v14  }
0x2f3: {  	[tilespmem:s31+$0x68E0] =	vst.add.f32.msk $0xffff, v15  }
0x2f4: {  	[tilespmem:s31+$0x68F0] =	vst.add.f32.msk $0xffff, v16  }
0x2f5: {  	[tilespmem:s31+$0x6900] =	vst.add.f32.msk $0xffff, v17  }
0x2f6: {  	[tilespmem:s31+$0x6910] =	vst.add.f32.msk $0xffff, v18  }
0x2f7: {  	[tilespmem:s31+$0x6920] =	vst.add.f32.msk $0xffff, v19  }
0x2f8: {  	[tilespmem:s31+$0x6930] =	vst.add.f32.msk $0xffff, v20  }
0x2f9: {  	[tilespmem:s31+$0x6940] =	vst.add.f32.msk $0xffff, v21  }
0x2fa: {  	[tilespmem:s31+$0x6950] =	vst.add.f32.msk $0xffff, v22  }
0x2fb: {  	[tilespmem:s31+$0x6960] =	vst.add.f32.msk $0xffff, v23  }
0x2fc: {  	[tilespmem:s31+$0x6970] =	vst.add.f32.msk $0xffff, v24  }
0x2fd: {  	[tilespmem:s31+$0x6980] =	vst.add.f32.msk $0xffff, v25  }
.Ltmp4:
0x2fe: {  	[tilespmem:s31+$0x6990] =	vst.add.f32.msk $0xffff, v26;
	(pc) =	sbr.rel @p0 .LBB2_11-.Ltmp4, $4  }
0x2ff: {  	[tilespmem:s31+$0x69A0] =	vst.add.f32.msk $0xffff, v27  }
0x300: {  	[tilespmem:s31+$0x69B0] =	vst.add.f32.msk $0xffff, v28  }
0x301: {  	[tilespmem:s31+$0x69C0] =	vst.add.f32.msk $0xffff, v29  }
0x302: {  	s2 =	sadd.s32 $0x800, s2;
	[tilespmem:s31+$0x69D0] =	vst.add.f32.msk $0xffff, v30  }
0x303: {  	s26 =	smul.u32 $0x320, s18  }
0x304: {  	s2 =	rddreg [dreg:$0xe]  }
0x305: {  	s2 =	sadd.s32 s26, s2  }
0x306: {  	s2 =	sshll.u32 s2, $0x4  }
0x307: {  	[tilespmem:s31+$0x69E0] =	vst.add.f32.msk $0xffff, v0;
	s12 =	simm.s32 $0x0;
	s31 =	simm.s32 $0x6800;
	s2 =	sadd.s32 s3, s2  }
0x308: {  	[hbm4b:s2+s12] =	stream.linear.scatter [tilespmem:s31], [sflag:$0x9], $0x6400, $0x38;
	[tilespmem:$0x1F800] =	vst v63  }
0x309: {  	_ =	swait.ge [sflag:s9], $0x6400  }
0x30a: {  	[sflag:s9] =	ssyncset.done $0x0  }
0x30b: {  	[sflag:s9] =	ssyncadd.s32 $0xFFFF9C00  }
0x30c: {  	_ =	swait.ge [sflag:s22], $0x100  }
0x30d: {  	[sflag:s22] =	ssyncset.done $0x0  }
0x30e: {  	[sflag:s22] =	ssyncadd.s32 $0xFFFFFF00  }
0x30f: {  	[tilespmem:s23], [sflag:$0x7] =	stream.indirect.gather [hbm4b:s1+s4], $0x80, s17, s4, $0xb8;
	[tilespmem:$0x1F800] =	vst v63  }
0x310: {  	s19 =	sadd.s32 $0x7, s19;
	s2 =	simm.s32 $0x6680;
	s31 =	simm.s32 $0x16200  }
0x311: {  	[tilespmem:s31], [sflag:$0x7] =	stream.indirect.gather [hbm4b:s1+s4], $0x80, s2, s4, $0xb8;
	[tilespmem:$0x1F800] =	vst v63  }
0x312: {  	s2 =	sshll.u32 s19, $0x5  }
0x313: {  	s2 =	sadd.s32 s2, s8  }
0x314: {  	[tilespmem:s28], [sflag:$0x4] =	stream.linear.gather [hbm4b:s2+s12], $0x100, $0x38;
	[tilespmem:$0x1F800] =	vst v63  }
0x315: {  	_ =	swait.ge [sflag:s29], $0x3200  }
0x316: {  	[sflag:s29] =	ssyncset.done $0x0  }
0x317: {  	[sflag:s29] =	ssyncadd.s32 $0xFFFFCE00  }
0x318: {  	_ =	swait.ge [sflag:s29], $0x3200  }
0x319: {  	[sflag:s29] =	ssyncset.done $0x0  }
0x31a: {  	s31 =	simm.s32 $0x0;
	[sflag:s29] =	ssyncadd.s32 $0xFFFFCE00  }
0x31b: {  	v0 =	vld [tilespmem:s31+$0x1F0]  }
0x31c: {  	v1 =	vld [tilespmem:s31+$0x0]  }
0x31d: {  	v2 =	vld [tilespmem:s31+$0x10]  }
0x31e: {  	v3 =	vld [tilespmem:s31+$0x20]  }
0x31f: {  	v4 =	vld [tilespmem:s31+$0x30]  }
0x320: {  	v5 =	vld [tilespmem:s31+$0x40]  }
0x321: {  	v6 =	vld [tilespmem:s31+$0x50]  }
0x322: {  	v7 =	vld [tilespmem:s31+$0x60]  }
0x323: {  	v8 =	vld [tilespmem:s31+$0x70]  }
0x324: {  	v9 =	vld [tilespmem:s31+$0x80]  }
0x325: {  	v10 =	vld [tilespmem:s31+$0x90]  }
0x326: {  	v11 =	vld [tilespmem:s31+$0xA0]  }
0x327: {  	v12 =	vld [tilespmem:s31+$0xB0]  }
0x328: {  	v13 =	vld [tilespmem:s31+$0xC0]  }
0x329: {  	v14 =	vld [tilespmem:s31+$0xD0]  }
0x32a: {  	v15 =	vld [tilespmem:s31+$0xE0]  }
0x32b: {  	v16 =	vld [tilespmem:s31+$0xF0]  }
0x32c: {  	v17 =	vld [tilespmem:s31+$0x100]  }
0x32d: {  	v18 =	vld [tilespmem:s31+$0x110]  }
0x32e: {  	v19 =	vld [tilespmem:s31+$0x120]  }
0x32f: {  	v20 =	vld [tilespmem:s31+$0x130]  }
0x330: {  	v21 =	vld [tilespmem:s31+$0x140]  }
0x331: {  	v22 =	vld [tilespmem:s31+$0x150]  }
0x332: {  	v23 =	vld [tilespmem:s31+$0x160]  }
0x333: {  	v24 =	vld [tilespmem:s31+$0x170]  }
0x334: {  	v25 =	vld [tilespmem:s31+$0x180]  }
0x335: {  	v26 =	vld [tilespmem:s31+$0x190]  }
0x336: {  	v27 =	vld [tilespmem:s31+$0x1A0]  }
0x337: {  	v28 =	vld [tilespmem:s31+$0x1B0]  }
0x338: {  	v29 =	vld [tilespmem:s31+$0x1C0]  }
0x339: {  	v30 =	vld [tilespmem:s31+$0x1D0]  }
0x33a: {  	[tilespmem:s31+$0xCDF0] =	vst.add.f32.msk $0xffff, v0  }
0x33b: {  	v0 =	vld [tilespmem:s31+$0x1E0]  }
0x33c: {  	[tilespmem:s31+$0xCC00] =	vst.add.f32.msk $0xffff, v1  }
0x33d: {  	[tilespmem:s31+$0xCC10] =	vst.add.f32.msk $0xffff, v2  }
0x33e: {  	[tilespmem:s31+$0xCC20] =	vst.add.f32.msk $0xffff, v3  }
0x33f: {  	[tilespmem:s31+$0xCC30] =	vst.add.f32.msk $0xffff, v4  }
0x340: {  	[tilespmem:s31+$0xCC40] =	vst.add.f32.msk $0xffff, v5  }
0x341: {  	[tilespmem:s31+$0xCC50] =	vst.add.f32.msk $0xffff, v6  }
0x342: {  	[tilespmem:s31+$0xCC60] =	vst.add.f32.msk $0xffff, v7  }
0x343: {  	[tilespmem:s31+$0xCC70] =	vst.add.f32.msk $0xffff, v8  }
0x344: {  	[tilespmem:s31+$0xCC80] =	vst.add.f32.msk $0xffff, v9  }
0x345: {  	[tilespmem:s31+$0xCC90] =	vst.add.f32.msk $0xffff, v10  }
0x346: {  	[tilespmem:s31+$0xCCA0] =	vst.add.f32.msk $0xffff, v11  }
0x347: {  	[tilespmem:s31+$0xCCB0] =	vst.add.f32.msk $0xffff, v12  }
0x348: {  	[tilespmem:s31+$0xCCC0] =	vst.add.f32.msk $0xffff, v13  }
0x349: {  	[tilespmem:s31+$0xCCD0] =	vst.add.f32.msk $0xffff, v14  }
0x34a: {  	[tilespmem:s31+$0xCCE0] =	vst.add.f32.msk $0xffff, v15  }
0x34b: {  	[tilespmem:s31+$0xCCF0] =	vst.add.f32.msk $0xffff, v16  }
0x34c: {  	[tilespmem:s31+$0xCD00] =	vst.add.f32.msk $0xffff, v17  }
0x34d: {  	[tilespmem:s31+$0xCD10] =	vst.add.f32.msk $0xffff, v18  }
0x34e: {  	[tilespmem:s31+$0xCD20] =	vst.add.f32.msk $0xffff, v19  }
0x34f: {  	[tilespmem:s31+$0xCD30] =	vst.add.f32.msk $0xffff, v20  }
0x350: {  	[tilespmem:s31+$0xCD40] =	vst.add.f32.msk $0xffff, v21  }
0x351: {  	[tilespmem:s31+$0xCD50] =	vst.add.f32.msk $0xffff, v22  }
0x352: {  	[tilespmem:s31+$0xCD60] =	vst.add.f32.msk $0xffff, v23  }
0x353: {  	[tilespmem:s31+$0xCD70] =	vst.add.f32.msk $0xffff, v24  }
0x354: {  	[tilespmem:s31+$0xCD80] =	vst.add.f32.msk $0xffff, v25  }
0x355: {  	[tilespmem:s31+$0xCD90] =	vst.add.f32.msk $0xffff, v26  }
0x356: {  	[tilespmem:s31+$0xCDA0] =	vst.add.f32.msk $0xffff, v27  }
0x357: {  	[tilespmem:s31+$0xCDB0] =	vst.add.f32.msk $0xffff, v28  }
0x358: {  	[tilespmem:s31+$0xCDC0] =	vst.add.f32.msk $0xffff, v29  }
0x359: {  	s2 =	simm.s32 $0x0;
	s12 =	simm.s32 $0x800;
	[tilespmem:s31+$0xCDD0] =	vst.add.f32.msk $0xffff, v30  }
.LBB2_13:
0x35a: {  	s2 =	sadd.s32 $0x4, s2;
	[tilespmem:s31+$0xCDE0] =	vst.add.f32.msk $0xffff, v0;
	s31 =	sshra.s32 s12, $0x2  }
0x35b: {  	v0 =	vld [tilespmem:s31+$0x1F0];
	p0 =	slt.u32 s2, $0xC4  }
0x35c: {  	v1 =	vld [tilespmem:s31+$0x0]  }
0x35d: {  	v2 =	vld [tilespmem:s31+$0x10]  }
0x35e: {  	v3 =	vld [tilespmem:s31+$0x20]  }
0x35f: {  	v4 =	vld [tilespmem:s31+$0x30]  }
0x360: {  	[tilespmem:s31+$0xCDF0] =	vst.add.f32.msk $0xffff, v0  }
0x361: {  	v5 =	vld [tilespmem:s31+$0x40]  }
0x362: {  	v6 =	vld [tilespmem:s31+$0x50]  }
0x363: {  	v7 =	vld [tilespmem:s31+$0x60]  }
0x364: {  	v8 =	vld [tilespmem:s31+$0x70]  }
0x365: {  	v9 =	vld [tilespmem:s31+$0x80]  }
0x366: {  	v10 =	vld [tilespmem:s31+$0x90]  }
0x367: {  	v11 =	vld [tilespmem:s31+$0xA0]  }
0x368: {  	v12 =	vld [tilespmem:s31+$0xB0]  }
0x369: {  	v13 =	vld [tilespmem:s31+$0xC0]  }
0x36a: {  	v14 =	vld [tilespmem:s31+$0xD0]  }
0x36b: {  	v15 =	vld [tilespmem:s31+$0xE0]  }
0x36c: {  	v16 =	vld [tilespmem:s31+$0xF0]  }
0x36d: {  	v17 =	vld [tilespmem:s31+$0x100]  }
0x36e: {  	v18 =	vld [tilespmem:s31+$0x110]  }
0x36f: {  	v19 =	vld [tilespmem:s31+$0x120]  }
0x370: {  	v20 =	vld [tilespmem:s31+$0x130]  }
0x371: {  	v21 =	vld [tilespmem:s31+$0x140]  }
0x372: {  	v22 =	vld [tilespmem:s31+$0x150]  }
0x373: {  	v23 =	vld [tilespmem:s31+$0x160]  }
0x374: {  	v24 =	vld [tilespmem:s31+$0x170]  }
0x375: {  	v25 =	vld [tilespmem:s31+$0x180]  }
0x376: {  	v26 =	vld [tilespmem:s31+$0x190]  }
0x377: {  	v27 =	vld [tilespmem:s31+$0x1A0]  }
0x378: {  	v28 =	vld [tilespmem:s31+$0x1B0]  }
0x379: {  	v29 =	vld [tilespmem:s31+$0x1C0]  }
0x37a: {  	v30 =	vld [tilespmem:s31+$0x1D0]  }
0x37b: {  	v0 =	vld [tilespmem:s31+$0x1E0]  }
0x37c: {  	[tilespmem:s31+$0xCC00] =	vst.add.f32.msk $0xffff, v1  }
0x37d: {  	[tilespmem:s31+$0xCC10] =	vst.add.f32.msk $0xffff, v2  }
0x37e: {  	[tilespmem:s31+$0xCC20] =	vst.add.f32.msk $0xffff, v3  }
0x37f: {  	[tilespmem:s31+$0xCC30] =	vst.add.f32.msk $0xffff, v4  }
0x380: {  	[tilespmem:s31+$0xCC40] =	vst.add.f32.msk $0xffff, v5  }
0x381: {  	[tilespmem:s31+$0xCC50] =	vst.add.f32.msk $0xffff, v6  }
0x382: {  	[tilespmem:s31+$0xCC60] =	vst.add.f32.msk $0xffff, v7  }
0x383: {  	[tilespmem:s31+$0xCC70] =	vst.add.f32.msk $0xffff, v8  }
0x384: {  	[tilespmem:s31+$0xCC80] =	vst.add.f32.msk $0xffff, v9  }
0x385: {  	[tilespmem:s31+$0xCC90] =	vst.add.f32.msk $0xffff, v10  }
0x386: {  	[tilespmem:s31+$0xCCA0] =	vst.add.f32.msk $0xffff, v11  }
0x387: {  	[tilespmem:s31+$0xCCB0] =	vst.add.f32.msk $0xffff, v12  }
0x388: {  	[tilespmem:s31+$0xCCC0] =	vst.add.f32.msk $0xffff, v13  }
0x389: {  	[tilespmem:s31+$0xCCD0] =	vst.add.f32.msk $0xffff, v14  }
0x38a: {  	[tilespmem:s31+$0xCCE0] =	vst.add.f32.msk $0xffff, v15  }
0x38b: {  	[tilespmem:s31+$0xCCF0] =	vst.add.f32.msk $0xffff, v16  }
0x38c: {  	[tilespmem:s31+$0xCD00] =	vst.add.f32.msk $0xffff, v17  }
0x38d: {  	[tilespmem:s31+$0xCD10] =	vst.add.f32.msk $0xffff, v18  }
0x38e: {  	[tilespmem:s31+$0xCD20] =	vst.add.f32.msk $0xffff, v19  }
0x38f: {  	[tilespmem:s31+$0xCD30] =	vst.add.f32.msk $0xffff, v20  }
0x390: {  	[tilespmem:s31+$0xCD40] =	vst.add.f32.msk $0xffff, v21  }
0x391: {  	[tilespmem:s31+$0xCD50] =	vst.add.f32.msk $0xffff, v22  }
0x392: {  	[tilespmem:s31+$0xCD60] =	vst.add.f32.msk $0xffff, v23  }
0x393: {  	[tilespmem:s31+$0xCD70] =	vst.add.f32.msk $0xffff, v24  }
0x394: {  	[tilespmem:s31+$0xCD80] =	vst.add.f32.msk $0xffff, v25  }
.Ltmp5:
0x395: {  	[tilespmem:s31+$0xCD90] =	vst.add.f32.msk $0xffff, v26;
	(pc) =	sbr.rel @p0 .LBB2_13-.Ltmp5, $4  }
0x396: {  	[tilespmem:s31+$0xCDA0] =	vst.add.f32.msk $0xffff, v27  }
0x397: {  	[tilespmem:s31+$0xCDB0] =	vst.add.f32.msk $0xffff, v28  }
0x398: {  	[tilespmem:s31+$0xCDC0] =	vst.add.f32.msk $0xffff, v29  }
0x399: {  	s12 =	sadd.s32 $0x800, s12;
	[tilespmem:s31+$0xCDD0] =	vst.add.f32.msk $0xffff, v30  }
0x39a: {  	s2 =	rddreg [dreg:$0x16]  }
0x39b: {  	s2 =	sadd.s32 s26, s2  }
0x39c: {  	s2 =	sshll.u32 s2, $0x4  }
0x39d: {  	[tilespmem:s31+$0xCDE0] =	vst.add.f32.msk $0xffff, v0;
	s12 =	simm.s32 $0x0;
	s26 =	simm.s32 $0xCC00;
	s2 =	sadd.s32 s3, s2  }
0x39e: {  	[hbm4b:s2+s12] =	stream.linear.scatter [tilespmem:s26], [sflag:$0xA], $0x6400, $0x38;
	[tilespmem:$0x1F800] =	vst v63  }
0x39f: {  	_ =	swait.ge [sflag:s10], $0x6400  }
0x3a0: {  	[sflag:s10] =	ssyncset.done $0x0  }
0x3a1: {  	[sflag:s10] =	ssyncadd.s32 $0xFFFF9C00  }
0x3a2: {  	_ =	swait.ge [sflag:s11], $0x100  }
0x3a3: {  	[sflag:s11] =	ssyncset.done $0x0  }
0x3a4: {  	[sflag:s11] =	ssyncadd.s32 $0xFFFFFF00  }
0x3a5: {  	[tilespmem:s30], [sflag:$0x8] =	stream.indirect.gather [hbm4b:s1+s4], $0x80, s28, s4, $0xb8;
	[tilespmem:$0x1F800] =	vst v63  }
0x3a6: {  	s2 =	simm.s32 $0x6780;
	s26 =	simm.s32 $0x1C600  }
0x3a7: {  	[tilespmem:s26], [sflag:$0x8] =	stream.indirect.gather [hbm4b:s1+s4], $0x80, s2, s4, $0xb8;
	[tilespmem:$0x1F800] =	vst v63  }
0x3a8: {  	s26 =	sshll.u32 s18, $0x3;
	s2 =	rddreg [dreg:$0xf]  }
0x3a9: {  	s2 =	sadd.s32 s26, s2  }
0x3aa: {  	s2 =	sshll.u32 s2, $0x4  }
0x3ab: {  	s2 =	sand.u32 $0x1FFFFF80, s2  }
0x3ac: {  	s2 =	sadd.s32 s6, s2  }
0x3ad: {  	[tilespmem:s14], [sflag:$0x1] =	stream.linear.gather [hbm4b:s2+s12], $0x100, $0x38;
	[tilespmem:$0x1F800] =	vst v63  }
0x3ae: {  	_ =	swait.ge [sflag:s15], $0x3200  }
0x3af: {  	[sflag:s15] =	ssyncset.done $0x0  }
0x3b0: {  	[sflag:s15] =	ssyncadd.s32 $0xFFFFCE00  }
0x3b1: {  	_ =	swait.ge [sflag:s15], $0x3200  }
0x3b2: {  	[sflag:s15] =	ssyncset.done $0x0  }
0x3b3: {  	s31 =	simm.s32 $0x0;
	[sflag:s15] =	ssyncadd.s32 $0xFFFFCE00  }
0x3b4: {  	v0 =	vld [tilespmem:s31+$0x1F0]  }
0x3b5: {  	v1 =	vld [tilespmem:s31+$0x0]  }
0x3b6: {  	v2 =	vld [tilespmem:s31+$0x10]  }
0x3b7: {  	v3 =	vld [tilespmem:s31+$0x20]  }
0x3b8: {  	v4 =	vld [tilespmem:s31+$0x30]  }
0x3b9: {  	v5 =	vld [tilespmem:s31+$0x40]  }
0x3ba: {  	v6 =	vld [tilespmem:s31+$0x50]  }
0x3bb: {  	v7 =	vld [tilespmem:s31+$0x60]  }
0x3bc: {  	v8 =	vld [tilespmem:s31+$0x70]  }
0x3bd: {  	v9 =	vld [tilespmem:s31+$0x80]  }
0x3be: {  	v10 =	vld [tilespmem:s31+$0x90]  }
0x3bf: {  	v11 =	vld [tilespmem:s31+$0xA0]  }
0x3c0: {  	v12 =	vld [tilespmem:s31+$0xB0]  }
0x3c1: {  	v13 =	vld [tilespmem:s31+$0xC0]  }
0x3c2: {  	v14 =	vld [tilespmem:s31+$0xD0]  }
0x3c3: {  	v15 =	vld [tilespmem:s31+$0xE0]  }
0x3c4: {  	v16 =	vld [tilespmem:s31+$0xF0]  }
0x3c5: {  	v17 =	vld [tilespmem:s31+$0x100]  }
0x3c6: {  	v18 =	vld [tilespmem:s31+$0x110]  }
0x3c7: {  	v19 =	vld [tilespmem:s31+$0x120]  }
0x3c8: {  	v20 =	vld [tilespmem:s31+$0x130]  }
0x3c9: {  	v21 =	vld [tilespmem:s31+$0x140]  }
0x3ca: {  	v22 =	vld [tilespmem:s31+$0x150]  }
0x3cb: {  	v23 =	vld [tilespmem:s31+$0x160]  }
0x3cc: {  	v24 =	vld [tilespmem:s31+$0x170]  }
0x3cd: {  	v25 =	vld [tilespmem:s31+$0x180]  }
0x3ce: {  	v26 =	vld [tilespmem:s31+$0x190]  }
0x3cf: {  	v27 =	vld [tilespmem:s31+$0x1A0]  }
0x3d0: {  	v28 =	vld [tilespmem:s31+$0x1B0]  }
0x3d1: {  	v29 =	vld [tilespmem:s31+$0x1C0]  }
0x3d2: {  	v30 =	vld [tilespmem:s31+$0x1D0]  }
0x3d3: {  	[tilespmem:s31+$0x131F0] =	vst.add.f32.msk $0xffff, v0  }
0x3d4: {  	v0 =	vld [tilespmem:s31+$0x1E0]  }
0x3d5: {  	[tilespmem:s31+$0x13000] =	vst.add.f32.msk $0xffff, v1  }
0x3d6: {  	[tilespmem:s31+$0x13010] =	vst.add.f32.msk $0xffff, v2  }
0x3d7: {  	[tilespmem:s31+$0x13020] =	vst.add.f32.msk $0xffff, v3  }
0x3d8: {  	[tilespmem:s31+$0x13030] =	vst.add.f32.msk $0xffff, v4  }
0x3d9: {  	[tilespmem:s31+$0x13040] =	vst.add.f32.msk $0xffff, v5  }
0x3da: {  	[tilespmem:s31+$0x13050] =	vst.add.f32.msk $0xffff, v6  }
0x3db: {  	[tilespmem:s31+$0x13060] =	vst.add.f32.msk $0xffff, v7  }
0x3dc: {  	[tilespmem:s31+$0x13070] =	vst.add.f32.msk $0xffff, v8  }
0x3dd: {  	[tilespmem:s31+$0x13080] =	vst.add.f32.msk $0xffff, v9  }
0x3de: {  	[tilespmem:s31+$0x13090] =	vst.add.f32.msk $0xffff, v10  }
0x3df: {  	[tilespmem:s31+$0x130A0] =	vst.add.f32.msk $0xffff, v11  }
0x3e0: {  	[tilespmem:s31+$0x130B0] =	vst.add.f32.msk $0xffff, v12  }
0x3e1: {  	[tilespmem:s31+$0x130C0] =	vst.add.f32.msk $0xffff, v13  }
0x3e2: {  	[tilespmem:s31+$0x130D0] =	vst.add.f32.msk $0xffff, v14  }
0x3e3: {  	[tilespmem:s31+$0x130E0] =	vst.add.f32.msk $0xffff, v15  }
0x3e4: {  	[tilespmem:s31+$0x130F0] =	vst.add.f32.msk $0xffff, v16  }
0x3e5: {  	[tilespmem:s31+$0x13100] =	vst.add.f32.msk $0xffff, v17  }
0x3e6: {  	[tilespmem:s31+$0x13110] =	vst.add.f32.msk $0xffff, v18  }
0x3e7: {  	[tilespmem:s31+$0x13120] =	vst.add.f32.msk $0xffff, v19  }
0x3e8: {  	[tilespmem:s31+$0x13130] =	vst.add.f32.msk $0xffff, v20  }
0x3e9: {  	[tilespmem:s31+$0x13140] =	vst.add.f32.msk $0xffff, v21  }
0x3ea: {  	[tilespmem:s31+$0x13150] =	vst.add.f32.msk $0xffff, v22  }
0x3eb: {  	[tilespmem:s31+$0x13160] =	vst.add.f32.msk $0xffff, v23  }
0x3ec: {  	[tilespmem:s31+$0x13170] =	vst.add.f32.msk $0xffff, v24  }
0x3ed: {  	[tilespmem:s31+$0x13180] =	vst.add.f32.msk $0xffff, v25  }
0x3ee: {  	[tilespmem:s31+$0x13190] =	vst.add.f32.msk $0xffff, v26  }
0x3ef: {  	[tilespmem:s31+$0x131A0] =	vst.add.f32.msk $0xffff, v27  }
0x3f0: {  	[tilespmem:s31+$0x131B0] =	vst.add.f32.msk $0xffff, v28  }
0x3f1: {  	[tilespmem:s31+$0x131C0] =	vst.add.f32.msk $0xffff, v29  }
0x3f2: {  	s2 =	simm.s32 $0x0;
	s12 =	simm.s32 $0x800;
	[tilespmem:s31+$0x131D0] =	vst.add.f32.msk $0xffff, v30  }
.LBB2_15:
0x3f3: {  	s2 =	sadd.s32 $0x4, s2;
	[tilespmem:s31+$0x131E0] =	vst.add.f32.msk $0xffff, v0;
	s31 =	sshra.s32 s12, $0x2  }
0x3f4: {  	v0 =	vld [tilespmem:s31+$0x1F0];
	p0 =	slt.u32 s2, $0xC4  }
0x3f5: {  	v1 =	vld [tilespmem:s31+$0x0]  }
0x3f6: {  	v2 =	vld [tilespmem:s31+$0x10]  }
0x3f7: {  	v3 =	vld [tilespmem:s31+$0x20]  }
0x3f8: {  	v4 =	vld [tilespmem:s31+$0x30]  }
0x3f9: {  	[tilespmem:s31+$0x131F0] =	vst.add.f32.msk $0xffff, v0  }
0x3fa: {  	v5 =	vld [tilespmem:s31+$0x40]  }
0x3fb: {  	v6 =	vld [tilespmem:s31+$0x50]  }
0x3fc: {  	v7 =	vld [tilespmem:s31+$0x60]  }
0x3fd: {  	v8 =	vld [tilespmem:s31+$0x70]  }
0x3fe: {  	v9 =	vld [tilespmem:s31+$0x80]  }
0x3ff: {  	v10 =	vld [tilespmem:s31+$0x90]  }
0x400: {  	v11 =	vld [tilespmem:s31+$0xA0]  }
0x401: {  	v12 =	vld [tilespmem:s31+$0xB0]  }
0x402: {  	v13 =	vld [tilespmem:s31+$0xC0]  }
0x403: {  	v14 =	vld [tilespmem:s31+$0xD0]  }
0x404: {  	v15 =	vld [tilespmem:s31+$0xE0]  }
0x405: {  	v16 =	vld [tilespmem:s31+$0xF0]  }
0x406: {  	v17 =	vld [tilespmem:s31+$0x100]  }
0x407: {  	v18 =	vld [tilespmem:s31+$0x110]  }
0x408: {  	v19 =	vld [tilespmem:s31+$0x120]  }
0x409: {  	v20 =	vld [tilespmem:s31+$0x130]  }
0x40a: {  	v21 =	vld [tilespmem:s31+$0x140]  }
0x40b: {  	v22 =	vld [tilespmem:s31+$0x150]  }
0x40c: {  	v23 =	vld [tilespmem:s31+$0x160]  }
0x40d: {  	v24 =	vld [tilespmem:s31+$0x170]  }
0x40e: {  	v25 =	vld [tilespmem:s31+$0x180]  }
0x40f: {  	v26 =	vld [tilespmem:s31+$0x190]  }
0x410: {  	v27 =	vld [tilespmem:s31+$0x1A0]  }
0x411: {  	v28 =	vld [tilespmem:s31+$0x1B0]  }
0x412: {  	v29 =	vld [tilespmem:s31+$0x1C0]  }
0x413: {  	v30 =	vld [tilespmem:s31+$0x1D0]  }
0x414: {  	v0 =	vld [tilespmem:s31+$0x1E0]  }
0x415: {  	[tilespmem:s31+$0x13000] =	vst.add.f32.msk $0xffff, v1  }
0x416: {  	[tilespmem:s31+$0x13010] =	vst.add.f32.msk $0xffff, v2  }
0x417: {  	[tilespmem:s31+$0x13020] =	vst.add.f32.msk $0xffff, v3  }
0x418: {  	[tilespmem:s31+$0x13030] =	vst.add.f32.msk $0xffff, v4  }
0x419: {  	[tilespmem:s31+$0x13040] =	vst.add.f32.msk $0xffff, v5  }
0x41a: {  	[tilespmem:s31+$0x13050] =	vst.add.f32.msk $0xffff, v6  }
0x41b: {  	[tilespmem:s31+$0x13060] =	vst.add.f32.msk $0xffff, v7  }
0x41c: {  	[tilespmem:s31+$0x13070] =	vst.add.f32.msk $0xffff, v8  }
0x41d: {  	[tilespmem:s31+$0x13080] =	vst.add.f32.msk $0xffff, v9  }
0x41e: {  	[tilespmem:s31+$0x13090] =	vst.add.f32.msk $0xffff, v10  }
0x41f: {  	[tilespmem:s31+$0x130A0] =	vst.add.f32.msk $0xffff, v11  }
0x420: {  	[tilespmem:s31+$0x130B0] =	vst.add.f32.msk $0xffff, v12  }
0x421: {  	[tilespmem:s31+$0x130C0] =	vst.add.f32.msk $0xffff, v13  }
0x422: {  	[tilespmem:s31+$0x130D0] =	vst.add.f32.msk $0xffff, v14  }
0x423: {  	[tilespmem:s31+$0x130E0] =	vst.add.f32.msk $0xffff, v15  }
0x424: {  	[tilespmem:s31+$0x130F0] =	vst.add.f32.msk $0xffff, v16  }
0x425: {  	[tilespmem:s31+$0x13100] =	vst.add.f32.msk $0xffff, v17  }
0x426: {  	[tilespmem:s31+$0x13110] =	vst.add.f32.msk $0xffff, v18  }
0x427: {  	[tilespmem:s31+$0x13120] =	vst.add.f32.msk $0xffff, v19  }
0x428: {  	[tilespmem:s31+$0x13130] =	vst.add.f32.msk $0xffff, v20  }
0x429: {  	[tilespmem:s31+$0x13140] =	vst.add.f32.msk $0xffff, v21  }
0x42a: {  	[tilespmem:s31+$0x13150] =	vst.add.f32.msk $0xffff, v22  }
0x42b: {  	[tilespmem:s31+$0x13160] =	vst.add.f32.msk $0xffff, v23  }
0x42c: {  	[tilespmem:s31+$0x13170] =	vst.add.f32.msk $0xffff, v24  }
0x42d: {  	[tilespmem:s31+$0x13180] =	vst.add.f32.msk $0xffff, v25  }
.Ltmp6:
0x42e: {  	[tilespmem:s31+$0x13190] =	vst.add.f32.msk $0xffff, v26;
	(pc) =	sbr.rel @p0 .LBB2_15-.Ltmp6, $4  }
0x42f: {  	[tilespmem:s31+$0x131A0] =	vst.add.f32.msk $0xffff, v27  }
0x430: {  	[tilespmem:s31+$0x131B0] =	vst.add.f32.msk $0xffff, v28  }
0x431: {  	[tilespmem:s31+$0x131C0] =	vst.add.f32.msk $0xffff, v29  }
0x432: {  	s12 =	sadd.s32 $0x800, s12;
	[tilespmem:s31+$0x131D0] =	vst.add.f32.msk $0xffff, v30  }
0x433: {  	s2 =	smul.u32 $0xC8, s20;
	_ =	sdelay $0x1  }
0x434: {  	s2 =	sadd.s32 s7, s2  }
0x435: {  	s2 =	sshll.u32 s2, $0x4  }
0x436: {  	[tilespmem:s31+$0x131E0] =	vst.add.f32.msk $0xffff, v0;
	s12 =	simm.s32 $0x0;
	s2 =	sadd.s32 s3, s2  }
0x437: {  	[hbm4b:s2+s12] =	stream.linear.scatter [tilespmem:s23], [sflag:$0xB], $0x6400, $0x38;
	[tilespmem:$0x1F800] =	vst v63  }
0x438: {  	_ =	swait.ge [sflag:s16], $0x6400  }
0x439: {  	[sflag:s16] =	ssyncset.done $0x0  }
0x43a: {  	[sflag:s16] =	ssyncadd.s32 $0xFFFF9C00  }
0x43b: {  	_ =	swait.ge [sflag:s0], $0x100  }
0x43c: {  	[sflag:s0] =	ssyncset.done $0x0  }
0x43d: {  	s31 =	simm.s32 $0x6800;
	[sflag:s0] =	ssyncadd.s32 $0xFFFFFF00  }
0x43e: {  	[tilespmem:s31], [sflag:$0x5] =	stream.indirect.gather [hbm4b:s1+s4], $0x80, s14, s4, $0xb8;
	[tilespmem:$0x1F800] =	vst v63  }
0x43f: {  	s20 =	simm.s32 $0x6480;
	s31 =	simm.s32 $0x9A00  }
0x440: {  	[tilespmem:s31], [sflag:$0x5] =	stream.indirect.gather [hbm4b:s1+s4], $0x80, s20, s4, $0xb8;
	[tilespmem:$0x1F800] =	vst v63  }
0x441: {  	s31 =	rddreg [dreg:$0x10]  }
0x442: {  	s2 =	sadd.s32 s26, s31  }
0x443: {  	s2 =	sshll.u32 s2, $0x4  }
0x444: {  	s2 =	sand.u32 $0x1FFFFFA0, s2  }
0x445: {  	s26 =	simm.s32 $0x6500;
	s2 =	sadd.s32 s6, s2  }
0x446: {  	[tilespmem:s26], [sflag:$0x2] =	stream.linear.gather [hbm4b:s2+s12], $0x100, $0x38;
	[tilespmem:$0x1F800] =	vst v63  }
0x447: {  	_ =	swait.ge [sflag:s24], $0x3200  }
0x448: {  	[sflag:s24] =	ssyncset.done $0x0  }
0x449: {  	[sflag:s24] =	ssyncadd.s32 $0xFFFFCE00  }
0x44a: {  	_ =	swait.ge [sflag:s24], $0x3200  }
0x44b: {  	[sflag:s24] =	ssyncset.done $0x0  }
0x44c: {  	s20 =	simm.s32 $0x0;
	[sflag:s24] =	ssyncadd.s32 $0xFFFFCE00  }
0x44d: {  	v0 =	vld [tilespmem:s20+$0x1F0]  }
0x44e: {  	v1 =	vld [tilespmem:s20+$0x0]  }
0x44f: {  	v2 =	vld [tilespmem:s20+$0x10]  }
0x450: {  	v3 =	vld [tilespmem:s20+$0x20]  }
0x451: {  	v4 =	vld [tilespmem:s20+$0x30]  }
0x452: {  	v5 =	vld [tilespmem:s20+$0x40]  }
0x453: {  	v6 =	vld [tilespmem:s20+$0x50]  }
0x454: {  	v7 =	vld [tilespmem:s20+$0x60]  }
0x455: {  	v8 =	vld [tilespmem:s20+$0x70]  }
0x456: {  	v9 =	vld [tilespmem:s20+$0x80]  }
0x457: {  	v10 =	vld [tilespmem:s20+$0x90]  }
0x458: {  	v11 =	vld [tilespmem:s20+$0xA0]  }
0x459: {  	v12 =	vld [tilespmem:s20+$0xB0]  }
0x45a: {  	v13 =	vld [tilespmem:s20+$0xC0]  }
0x45b: {  	v14 =	vld [tilespmem:s20+$0xD0]  }
0x45c: {  	v15 =	vld [tilespmem:s20+$0xE0]  }
0x45d: {  	v16 =	vld [tilespmem:s20+$0xF0]  }
0x45e: {  	v17 =	vld [tilespmem:s20+$0x100]  }
0x45f: {  	v18 =	vld [tilespmem:s20+$0x110]  }
0x460: {  	v19 =	vld [tilespmem:s20+$0x120]  }
0x461: {  	v20 =	vld [tilespmem:s20+$0x130]  }
0x462: {  	v21 =	vld [tilespmem:s20+$0x140]  }
0x463: {  	v22 =	vld [tilespmem:s20+$0x150]  }
0x464: {  	v23 =	vld [tilespmem:s20+$0x160]  }
0x465: {  	v24 =	vld [tilespmem:s20+$0x170]  }
0x466: {  	v25 =	vld [tilespmem:s20+$0x180]  }
0x467: {  	v26 =	vld [tilespmem:s20+$0x190]  }
0x468: {  	v27 =	vld [tilespmem:s20+$0x1A0]  }
0x469: {  	v28 =	vld [tilespmem:s20+$0x1B0]  }
0x46a: {  	v29 =	vld [tilespmem:s20+$0x1C0]  }
0x46b: {  	v30 =	vld [tilespmem:s20+$0x1D0]  }
0x46c: {  	[tilespmem:s20+$0x195F0] =	vst.add.f32.msk $0xffff, v0  }
0x46d: {  	v0 =	vld [tilespmem:s20+$0x1E0]  }
0x46e: {  	[tilespmem:s20+$0x19400] =	vst.add.f32.msk $0xffff, v1  }
0x46f: {  	[tilespmem:s20+$0x19410] =	vst.add.f32.msk $0xffff, v2  }
0x470: {  	[tilespmem:s20+$0x19420] =	vst.add.f32.msk $0xffff, v3  }
0x471: {  	[tilespmem:s20+$0x19430] =	vst.add.f32.msk $0xffff, v4  }
0x472: {  	[tilespmem:s20+$0x19440] =	vst.add.f32.msk $0xffff, v5  }
0x473: {  	[tilespmem:s20+$0x19450] =	vst.add.f32.msk $0xffff, v6  }
0x474: {  	[tilespmem:s20+$0x19460] =	vst.add.f32.msk $0xffff, v7  }
0x475: {  	[tilespmem:s20+$0x19470] =	vst.add.f32.msk $0xffff, v8  }
0x476: {  	[tilespmem:s20+$0x19480] =	vst.add.f32.msk $0xffff, v9  }
0x477: {  	[tilespmem:s20+$0x19490] =	vst.add.f32.msk $0xffff, v10  }
0x478: {  	[tilespmem:s20+$0x194A0] =	vst.add.f32.msk $0xffff, v11  }
0x479: {  	[tilespmem:s20+$0x194B0] =	vst.add.f32.msk $0xffff, v12  }
0x47a: {  	[tilespmem:s20+$0x194C0] =	vst.add.f32.msk $0xffff, v13  }
0x47b: {  	[tilespmem:s20+$0x194D0] =	vst.add.f32.msk $0xffff, v14  }
0x47c: {  	[tilespmem:s20+$0x194E0] =	vst.add.f32.msk $0xffff, v15  }
0x47d: {  	[tilespmem:s20+$0x194F0] =	vst.add.f32.msk $0xffff, v16  }
0x47e: {  	[tilespmem:s20+$0x19500] =	vst.add.f32.msk $0xffff, v17  }
0x47f: {  	[tilespmem:s20+$0x19510] =	vst.add.f32.msk $0xffff, v18  }
0x480: {  	[tilespmem:s20+$0x19520] =	vst.add.f32.msk $0xffff, v19  }
0x481: {  	[tilespmem:s20+$0x19530] =	vst.add.f32.msk $0xffff, v20  }
0x482: {  	[tilespmem:s20+$0x19540] =	vst.add.f32.msk $0xffff, v21  }
0x483: {  	[tilespmem:s20+$0x19550] =	vst.add.f32.msk $0xffff, v22  }
0x484: {  	[tilespmem:s20+$0x19560] =	vst.add.f32.msk $0xffff, v23  }
0x485: {  	[tilespmem:s20+$0x19570] =	vst.add.f32.msk $0xffff, v24  }
0x486: {  	[tilespmem:s20+$0x19580] =	vst.add.f32.msk $0xffff, v25  }
0x487: {  	[tilespmem:s20+$0x19590] =	vst.add.f32.msk $0xffff, v26  }
0x488: {  	[tilespmem:s20+$0x195A0] =	vst.add.f32.msk $0xffff, v27  }
0x489: {  	[tilespmem:s20+$0x195B0] =	vst.add.f32.msk $0xffff, v28  }
0x48a: {  	[tilespmem:s20+$0x195C0] =	vst.add.f32.msk $0xffff, v29  }
0x48b: {  	s2 =	simm.s32 $0x0;
	s12 =	simm.s32 $0x800;
	[tilespmem:s20+$0x195D0] =	vst.add.f32.msk $0xffff, v30  }
.LBB2_17:
0x48c: {  	s2 =	sadd.s32 $0x4, s2;
	[tilespmem:s20+$0x195E0] =	vst.add.f32.msk $0xffff, v0;
	s20 =	sshra.s32 s12, $0x2  }
0x48d: {  	v0 =	vld [tilespmem:s20+$0x1F0];
	p0 =	slt.u32 s2, $0xC4  }
0x48e: {  	v1 =	vld [tilespmem:s20+$0x0]  }
0x48f: {  	v2 =	vld [tilespmem:s20+$0x10]  }
0x490: {  	v3 =	vld [tilespmem:s20+$0x20]  }
0x491: {  	v4 =	vld [tilespmem:s20+$0x30]  }
0x492: {  	[tilespmem:s20+$0x195F0] =	vst.add.f32.msk $0xffff, v0  }
0x493: {  	v5 =	vld [tilespmem:s20+$0x40]  }
0x494: {  	v6 =	vld [tilespmem:s20+$0x50]  }
0x495: {  	v7 =	vld [tilespmem:s20+$0x60]  }
0x496: {  	v8 =	vld [tilespmem:s20+$0x70]  }
0x497: {  	v9 =	vld [tilespmem:s20+$0x80]  }
0x498: {  	v10 =	vld [tilespmem:s20+$0x90]  }
0x499: {  	v11 =	vld [tilespmem:s20+$0xA0]  }
0x49a: {  	v12 =	vld [tilespmem:s20+$0xB0]  }
0x49b: {  	v13 =	vld [tilespmem:s20+$0xC0]  }
0x49c: {  	v14 =	vld [tilespmem:s20+$0xD0]  }
0x49d: {  	v15 =	vld [tilespmem:s20+$0xE0]  }
0x49e: {  	v16 =	vld [tilespmem:s20+$0xF0]  }
0x49f: {  	v17 =	vld [tilespmem:s20+$0x100]  }
0x4a0: {  	v18 =	vld [tilespmem:s20+$0x110]  }
0x4a1: {  	v19 =	vld [tilespmem:s20+$0x120]  }
0x4a2: {  	v20 =	vld [tilespmem:s20+$0x130]  }
0x4a3: {  	v21 =	vld [tilespmem:s20+$0x140]  }
0x4a4: {  	v22 =	vld [tilespmem:s20+$0x150]  }
0x4a5: {  	v23 =	vld [tilespmem:s20+$0x160]  }
0x4a6: {  	v24 =	vld [tilespmem:s20+$0x170]  }
0x4a7: {  	v25 =	vld [tilespmem:s20+$0x180]  }
0x4a8: {  	v26 =	vld [tilespmem:s20+$0x190]  }
0x4a9: {  	v27 =	vld [tilespmem:s20+$0x1A0]  }
0x4aa: {  	v28 =	vld [tilespmem:s20+$0x1B0]  }
0x4ab: {  	v29 =	vld [tilespmem:s20+$0x1C0]  }
0x4ac: {  	v30 =	vld [tilespmem:s20+$0x1D0]  }
0x4ad: {  	v0 =	vld [tilespmem:s20+$0x1E0]  }
0x4ae: {  	[tilespmem:s20+$0x19400] =	vst.add.f32.msk $0xffff, v1  }
0x4af: {  	[tilespmem:s20+$0x19410] =	vst.add.f32.msk $0xffff, v2  }
0x4b0: {  	[tilespmem:s20+$0x19420] =	vst.add.f32.msk $0xffff, v3  }
0x4b1: {  	[tilespmem:s20+$0x19430] =	vst.add.f32.msk $0xffff, v4  }
0x4b2: {  	[tilespmem:s20+$0x19440] =	vst.add.f32.msk $0xffff, v5  }
0x4b3: {  	[tilespmem:s20+$0x19450] =	vst.add.f32.msk $0xffff, v6  }
0x4b4: {  	[tilespmem:s20+$0x19460] =	vst.add.f32.msk $0xffff, v7  }
0x4b5: {  	[tilespmem:s20+$0x19470] =	vst.add.f32.msk $0xffff, v8  }
0x4b6: {  	[tilespmem:s20+$0x19480] =	vst.add.f32.msk $0xffff, v9  }
0x4b7: {  	[tilespmem:s20+$0x19490] =	vst.add.f32.msk $0xffff, v10  }
0x4b8: {  	[tilespmem:s20+$0x194A0] =	vst.add.f32.msk $0xffff, v11  }
0x4b9: {  	[tilespmem:s20+$0x194B0] =	vst.add.f32.msk $0xffff, v12  }
0x4ba: {  	[tilespmem:s20+$0x194C0] =	vst.add.f32.msk $0xffff, v13  }
0x4bb: {  	[tilespmem:s20+$0x194D0] =	vst.add.f32.msk $0xffff, v14  }
0x4bc: {  	[tilespmem:s20+$0x194E0] =	vst.add.f32.msk $0xffff, v15  }
0x4bd: {  	[tilespmem:s20+$0x194F0] =	vst.add.f32.msk $0xffff, v16  }
0x4be: {  	[tilespmem:s20+$0x19500] =	vst.add.f32.msk $0xffff, v17  }
0x4bf: {  	[tilespmem:s20+$0x19510] =	vst.add.f32.msk $0xffff, v18  }
0x4c0: {  	[tilespmem:s20+$0x19520] =	vst.add.f32.msk $0xffff, v19  }
0x4c1: {  	[tilespmem:s20+$0x19530] =	vst.add.f32.msk $0xffff, v20  }
0x4c2: {  	[tilespmem:s20+$0x19540] =	vst.add.f32.msk $0xffff, v21  }
0x4c3: {  	[tilespmem:s20+$0x19550] =	vst.add.f32.msk $0xffff, v22  }
0x4c4: {  	[tilespmem:s20+$0x19560] =	vst.add.f32.msk $0xffff, v23  }
0x4c5: {  	[tilespmem:s20+$0x19570] =	vst.add.f32.msk $0xffff, v24  }
0x4c6: {  	[tilespmem:s20+$0x19580] =	vst.add.f32.msk $0xffff, v25  }
.Ltmp7:
0x4c7: {  	[tilespmem:s20+$0x19590] =	vst.add.f32.msk $0xffff, v26;
	(pc) =	sbr.rel @p0 .LBB2_17-.Ltmp7, $4  }
0x4c8: {  	[tilespmem:s20+$0x195A0] =	vst.add.f32.msk $0xffff, v27  }
0x4c9: {  	[tilespmem:s20+$0x195B0] =	vst.add.f32.msk $0xffff, v28  }
0x4ca: {  	[tilespmem:s20+$0x195C0] =	vst.add.f32.msk $0xffff, v29  }
0x4cb: {  	s12 =	sadd.s32 $0x800, s12;
	[tilespmem:s20+$0x195D0] =	vst.add.f32.msk $0xffff, v30  }
0x4cc: {  	s18 =	sadd.s32 $0x1, s18  }
0x4cd: {  	s2 =	smul.u32 $0xC8, s19;
	p0 =	sne.s32 s18, $0x1E  }
.Ltmp8:
0x4ce: {  	_ = 	snop;
	(pc) =	sbr.rel @p0 .LBB2_10-.Ltmp8, $4  }
0x4cf: {  	s2 =	sadd.s32 s7, s2  }
0x4d0: {  	s2 =	sshll.u32 s2, $0x4  }
0x4d1: {  	[tilespmem:s20+$0x195E0] =	vst.add.f32.msk $0xffff, v0;
	s19 =	simm.s32 $0x0;
	s2 =	sadd.s32 s3, s2  }
0x4d2: {  	[hbm4b:s2+s19] =	stream.linear.scatter [tilespmem:s30], [sflag:$0xC], $0x6400, $0x38;
	[tilespmem:$0x1F800] =	vst v63  }
0x4d3: {  	_ =	swait.ge [sflag:s25], $0x6400  }
0x4d4: {  	[sflag:s25] =	ssyncset.done $0x0  }
0x4d5: {  	[sflag:s25] =	ssyncadd.s32 $0xFFFF9C00  }
0x4d6: {  	_ =	swait.ge [sflag:s13], $0x100  }
0x4d7: {  	[sflag:s13] =	ssyncset.done $0x0  }
0x4d8: {  	s2 =	simm.s32 $0xCC00;
	[sflag:s13] =	ssyncadd.s32 $0xFFFFFF00  }
0x4d9: {  	[tilespmem:s2], [sflag:$0x6] =	stream.indirect.gather [hbm4b:s1+s4], $0x80, s26, s4, $0xb8;
	[tilespmem:$0x1F800] =	vst v63  }
0x4da: {  	s18 =	simm.s32 $0x6580;
	s5 =	simm.s32 $0xFE00  }
0x4db: {  	[tilespmem:s5], [sflag:$0x6] =	stream.indirect.gather [hbm4b:s1+s4], $0x80, s18, s4, $0xb8;
	[tilespmem:$0x1F800] =	vst v63  }
0x4dc: {  	s20 =	simm.s32 $0x0;
	s31 =	rddreg [dreg:$0x17]  }
0x4dd: {  	[tilespmem:s17], [sflag:$0x3] =	stream.linear.gather [hbm4b:s31+s20], $0x100, $0x38;
	[tilespmem:$0x1F800] =	vst v63  }
0x4de: {  	_ =	swait.ge [sflag:s21], $0x3200  }
0x4df: {  	[sflag:s21] =	ssyncset.done $0x0  }
0x4e0: {  	[sflag:s21] =	ssyncadd.s32 $0xFFFFCE00  }
0x4e1: {  	_ =	swait.ge [sflag:s21], $0x3200  }
0x4e2: {  	[sflag:s21] =	ssyncset.done $0x0  }
0x4e3: {  	s5 =	simm.s32 $0x0;
	[sflag:s21] =	ssyncadd.s32 $0xFFFFCE00  }
0x4e4: {  	v0 =	vld [tilespmem:s5+$0x1F0]  }
0x4e5: {  	v1 =	vld [tilespmem:s5+$0x0]  }
0x4e6: {  	v2 =	vld [tilespmem:s5+$0x10]  }
0x4e7: {  	v3 =	vld [tilespmem:s5+$0x20]  }
0x4e8: {  	v4 =	vld [tilespmem:s5+$0x30]  }
0x4e9: {  	v5 =	vld [tilespmem:s5+$0x40]  }
0x4ea: {  	v6 =	vld [tilespmem:s5+$0x50]  }
0x4eb: {  	v7 =	vld [tilespmem:s5+$0x60]  }
0x4ec: {  	v8 =	vld [tilespmem:s5+$0x70]  }
0x4ed: {  	v9 =	vld [tilespmem:s5+$0x80]  }
0x4ee: {  	v10 =	vld [tilespmem:s5+$0x90]  }
0x4ef: {  	v11 =	vld [tilespmem:s5+$0xA0]  }
0x4f0: {  	v12 =	vld [tilespmem:s5+$0xB0]  }
0x4f1: {  	v13 =	vld [tilespmem:s5+$0xC0]  }
0x4f2: {  	v14 =	vld [tilespmem:s5+$0xD0]  }
0x4f3: {  	v15 =	vld [tilespmem:s5+$0xE0]  }
0x4f4: {  	v16 =	vld [tilespmem:s5+$0xF0]  }
0x4f5: {  	v17 =	vld [tilespmem:s5+$0x100]  }
0x4f6: {  	v18 =	vld [tilespmem:s5+$0x110]  }
0x4f7: {  	v19 =	vld [tilespmem:s5+$0x120]  }
0x4f8: {  	v20 =	vld [tilespmem:s5+$0x130]  }
0x4f9: {  	v21 =	vld [tilespmem:s5+$0x140]  }
0x4fa: {  	v22 =	vld [tilespmem:s5+$0x150]  }
0x4fb: {  	v23 =	vld [tilespmem:s5+$0x160]  }
0x4fc: {  	v24 =	vld [tilespmem:s5+$0x170]  }
0x4fd: {  	v25 =	vld [tilespmem:s5+$0x180]  }
0x4fe: {  	v26 =	vld [tilespmem:s5+$0x190]  }
0x4ff: {  	v27 =	vld [tilespmem:s5+$0x1A0]  }
0x500: {  	v28 =	vld [tilespmem:s5+$0x1B0]  }
0x501: {  	v29 =	vld [tilespmem:s5+$0x1C0]  }
0x502: {  	v30 =	vld [tilespmem:s5+$0x1D0]  }
0x503: {  	[tilespmem:s5+$0x69F0] =	vst.add.f32.msk $0xffff, v0  }
0x504: {  	v0 =	vld [tilespmem:s5+$0x1E0]  }
0x505: {  	[tilespmem:s5+$0x6800] =	vst.add.f32.msk $0xffff, v1  }
0x506: {  	[tilespmem:s5+$0x6810] =	vst.add.f32.msk $0xffff, v2  }
0x507: {  	[tilespmem:s5+$0x6820] =	vst.add.f32.msk $0xffff, v3  }
0x508: {  	[tilespmem:s5+$0x6830] =	vst.add.f32.msk $0xffff, v4  }
0x509: {  	[tilespmem:s5+$0x6840] =	vst.add.f32.msk $0xffff, v5  }
0x50a: {  	[tilespmem:s5+$0x6850] =	vst.add.f32.msk $0xffff, v6  }
0x50b: {  	[tilespmem:s5+$0x6860] =	vst.add.f32.msk $0xffff, v7  }
0x50c: {  	[tilespmem:s5+$0x6870] =	vst.add.f32.msk $0xffff, v8  }
0x50d: {  	[tilespmem:s5+$0x6880] =	vst.add.f32.msk $0xffff, v9  }
0x50e: {  	[tilespmem:s5+$0x6890] =	vst.add.f32.msk $0xffff, v10  }
0x50f: {  	[tilespmem:s5+$0x68A0] =	vst.add.f32.msk $0xffff, v11  }
0x510: {  	[tilespmem:s5+$0x68B0] =	vst.add.f32.msk $0xffff, v12  }
0x511: {  	[tilespmem:s5+$0x68C0] =	vst.add.f32.msk $0xffff, v13  }
0x512: {  	[tilespmem:s5+$0x68D0] =	vst.add.f32.msk $0xffff, v14  }
0x513: {  	[tilespmem:s5+$0x68E0] =	vst.add.f32.msk $0xffff, v15  }
0x514: {  	[tilespmem:s5+$0x68F0] =	vst.add.f32.msk $0xffff, v16  }
0x515: {  	[tilespmem:s5+$0x6900] =	vst.add.f32.msk $0xffff, v17  }
0x516: {  	[tilespmem:s5+$0x6910] =	vst.add.f32.msk $0xffff, v18  }
0x517: {  	[tilespmem:s5+$0x6920] =	vst.add.f32.msk $0xffff, v19  }
0x518: {  	[tilespmem:s5+$0x6930] =	vst.add.f32.msk $0xffff, v20  }
0x519: {  	[tilespmem:s5+$0x6940] =	vst.add.f32.msk $0xffff, v21  }
0x51a: {  	[tilespmem:s5+$0x6950] =	vst.add.f32.msk $0xffff, v22  }
0x51b: {  	[tilespmem:s5+$0x6960] =	vst.add.f32.msk $0xffff, v23  }
0x51c: {  	[tilespmem:s5+$0x6970] =	vst.add.f32.msk $0xffff, v24  }
0x51d: {  	[tilespmem:s5+$0x6980] =	vst.add.f32.msk $0xffff, v25  }
0x51e: {  	[tilespmem:s5+$0x6990] =	vst.add.f32.msk $0xffff, v26  }
0x51f: {  	[tilespmem:s5+$0x69A0] =	vst.add.f32.msk $0xffff, v27  }
0x520: {  	[tilespmem:s5+$0x69B0] =	vst.add.f32.msk $0xffff, v28  }
0x521: {  	[tilespmem:s5+$0x69C0] =	vst.add.f32.msk $0xffff, v29  }
0x522: {  	s12 =	simm.s32 $0x800;
	s2 =	simm.s32 $0x0;
	[tilespmem:s5+$0x69D0] =	vst.add.f32.msk $0xffff, v30  }
.LBB2_20:
0x523: {  	s2 =	sadd.s32 $0x4, s2;
	[tilespmem:s5+$0x69E0] =	vst.add.f32.msk $0xffff, v0;
	s5 =	sshra.s32 s12, $0x2  }
0x524: {  	v0 =	vld [tilespmem:s5+$0x1F0];
	p0 =	slt.u32 s2, $0xC4  }
0x525: {  	v1 =	vld [tilespmem:s5+$0x0]  }
0x526: {  	v2 =	vld [tilespmem:s5+$0x10]  }
0x527: {  	v3 =	vld [tilespmem:s5+$0x20]  }
0x528: {  	v4 =	vld [tilespmem:s5+$0x30]  }
0x529: {  	[tilespmem:s5+$0x69F0] =	vst.add.f32.msk $0xffff, v0  }
0x52a: {  	v5 =	vld [tilespmem:s5+$0x40]  }
0x52b: {  	v6 =	vld [tilespmem:s5+$0x50]  }
0x52c: {  	v7 =	vld [tilespmem:s5+$0x60]  }
0x52d: {  	v8 =	vld [tilespmem:s5+$0x70]  }
0x52e: {  	v9 =	vld [tilespmem:s5+$0x80]  }
0x52f: {  	v10 =	vld [tilespmem:s5+$0x90]  }
0x530: {  	v11 =	vld [tilespmem:s5+$0xA0]  }
0x531: {  	v12 =	vld [tilespmem:s5+$0xB0]  }
0x532: {  	v13 =	vld [tilespmem:s5+$0xC0]  }
0x533: {  	v14 =	vld [tilespmem:s5+$0xD0]  }
0x534: {  	v15 =	vld [tilespmem:s5+$0xE0]  }
0x535: {  	v16 =	vld [tilespmem:s5+$0xF0]  }
0x536: {  	v17 =	vld [tilespmem:s5+$0x100]  }
0x537: {  	v18 =	vld [tilespmem:s5+$0x110]  }
0x538: {  	v19 =	vld [tilespmem:s5+$0x120]  }
0x539: {  	v20 =	vld [tilespmem:s5+$0x130]  }
0x53a: {  	v21 =	vld [tilespmem:s5+$0x140]  }
0x53b: {  	v22 =	vld [tilespmem:s5+$0x150]  }
0x53c: {  	v23 =	vld [tilespmem:s5+$0x160]  }
0x53d: {  	v24 =	vld [tilespmem:s5+$0x170]  }
0x53e: {  	v25 =	vld [tilespmem:s5+$0x180]  }
0x53f: {  	v26 =	vld [tilespmem:s5+$0x190]  }
0x540: {  	v27 =	vld [tilespmem:s5+$0x1A0]  }
0x541: {  	v28 =	vld [tilespmem:s5+$0x1B0]  }
0x542: {  	v29 =	vld [tilespmem:s5+$0x1C0]  }
0x543: {  	v30 =	vld [tilespmem:s5+$0x1D0]  }
0x544: {  	v0 =	vld [tilespmem:s5+$0x1E0]  }
0x545: {  	[tilespmem:s5+$0x6800] =	vst.add.f32.msk $0xffff, v1  }
0x546: {  	[tilespmem:s5+$0x6810] =	vst.add.f32.msk $0xffff, v2  }
0x547: {  	[tilespmem:s5+$0x6820] =	vst.add.f32.msk $0xffff, v3  }
0x548: {  	[tilespmem:s5+$0x6830] =	vst.add.f32.msk $0xffff, v4  }
0x549: {  	[tilespmem:s5+$0x6840] =	vst.add.f32.msk $0xffff, v5  }
0x54a: {  	[tilespmem:s5+$0x6850] =	vst.add.f32.msk $0xffff, v6  }
0x54b: {  	[tilespmem:s5+$0x6860] =	vst.add.f32.msk $0xffff, v7  }
0x54c: {  	[tilespmem:s5+$0x6870] =	vst.add.f32.msk $0xffff, v8  }
0x54d: {  	[tilespmem:s5+$0x6880] =	vst.add.f32.msk $0xffff, v9  }
0x54e: {  	[tilespmem:s5+$0x6890] =	vst.add.f32.msk $0xffff, v10  }
0x54f: {  	[tilespmem:s5+$0x68A0] =	vst.add.f32.msk $0xffff, v11  }
0x550: {  	[tilespmem:s5+$0x68B0] =	vst.add.f32.msk $0xffff, v12  }
0x551: {  	[tilespmem:s5+$0x68C0] =	vst.add.f32.msk $0xffff, v13  }
0x552: {  	[tilespmem:s5+$0x68D0] =	vst.add.f32.msk $0xffff, v14  }
0x553: {  	[tilespmem:s5+$0x68E0] =	vst.add.f32.msk $0xffff, v15  }
0x554: {  	[tilespmem:s5+$0x68F0] =	vst.add.f32.msk $0xffff, v16  }
0x555: {  	[tilespmem:s5+$0x6900] =	vst.add.f32.msk $0xffff, v17  }
0x556: {  	[tilespmem:s5+$0x6910] =	vst.add.f32.msk $0xffff, v18  }
0x557: {  	[tilespmem:s5+$0x6920] =	vst.add.f32.msk $0xffff, v19  }
0x558: {  	[tilespmem:s5+$0x6930] =	vst.add.f32.msk $0xffff, v20  }
0x559: {  	[tilespmem:s5+$0x6940] =	vst.add.f32.msk $0xffff, v21  }
0x55a: {  	[tilespmem:s5+$0x6950] =	vst.add.f32.msk $0xffff, v22  }
0x55b: {  	[tilespmem:s5+$0x6960] =	vst.add.f32.msk $0xffff, v23  }
0x55c: {  	[tilespmem:s5+$0x6970] =	vst.add.f32.msk $0xffff, v24  }
0x55d: {  	[tilespmem:s5+$0x6980] =	vst.add.f32.msk $0xffff, v25  }
.Ltmp9:
0x55e: {  	[tilespmem:s5+$0x6990] =	vst.add.f32.msk $0xffff, v26;
	(pc) =	sbr.rel @p0 .LBB2_20-.Ltmp9, $4  }
0x55f: {  	[tilespmem:s5+$0x69A0] =	vst.add.f32.msk $0xffff, v27  }
0x560: {  	[tilespmem:s5+$0x69B0] =	vst.add.f32.msk $0xffff, v28  }
0x561: {  	[tilespmem:s5+$0x69C0] =	vst.add.f32.msk $0xffff, v29  }
0x562: {  	s12 =	sadd.s32 $0x800, s12;
	[tilespmem:s5+$0x69D0] =	vst.add.f32.msk $0xffff, v30  }
0x563: {  	[tilespmem:s5+$0x69E0] =	vst.add.f32.msk $0xffff, v0  }
0x564: {  	s2 =	simm.s32 $0x0;
	s12 =	simm.s32 $0x6800;
	s5 =	rddreg [dreg:$0x11]  }
0x565: {  	[hbm4b:s5+s2] =	stream.linear.scatter [tilespmem:s12], [sflag:$0x9], $0x6400, $0x38;
	[tilespmem:$0x1F800] =	vst v63  }
0x566: {  	_ =	swait.ge [sflag:s9], $0x6400  }
0x567: {  	[sflag:s9] =	ssyncset.done $0x0  }
0x568: {  	[sflag:s9] =	ssyncadd.s32 $0xFFFF9C00  }
0x569: {  	_ =	swait.ge [sflag:s22], $0x100  }
0x56a: {  	[sflag:s22] =	ssyncset.done $0x0  }
0x56b: {  	[sflag:s22] =	ssyncadd.s32 $0xFFFFFF00  }
0x56c: {  	[tilespmem:s23], [sflag:$0x7] =	stream.indirect.gather [hbm4b:s1+s4], $0x80, s17, s4, $0xb8;
	[tilespmem:$0x1F800] =	vst v63  }
0x56d: {  	s18 =	simm.s32 $0x6680;
	s20 =	simm.s32 $0x16200  }
0x56e: {  	[tilespmem:s20], [sflag:$0x7] =	stream.indirect.gather [hbm4b:s1+s4], $0x80, s18, s4, $0xb8;
	[tilespmem:$0x1F800] =	vst v63  }
0x56f: {  	s31 =	rddreg [dreg:$0x18]  }
0x570: {  	[tilespmem:s28], [sflag:$0x4] =	stream.linear.gather [hbm4b:s31+s2], $0x100, $0x38;
	[tilespmem:$0x1F800] =	vst v63  }
0x571: {  	_ =	swait.ge [sflag:s29], $0x3200  }
0x572: {  	[sflag:s29] =	ssyncset.done $0x0  }
0x573: {  	[sflag:s29] =	ssyncadd.s32 $0xFFFFCE00  }
0x574: {  	_ =	swait.ge [sflag:s29], $0x3200  }
0x575: {  	[sflag:s29] =	ssyncset.done $0x0  }
0x576: {  	s5 =	simm.s32 $0x0;
	[sflag:s29] =	ssyncadd.s32 $0xFFFFCE00  }
0x577: {  	v0 =	vld [tilespmem:s5+$0x1F0]  }
0x578: {  	v1 =	vld [tilespmem:s5+$0x0]  }
0x579: {  	v2 =	vld [tilespmem:s5+$0x10]  }
0x57a: {  	v3 =	vld [tilespmem:s5+$0x20]  }
0x57b: {  	v4 =	vld [tilespmem:s5+$0x30]  }
0x57c: {  	v5 =	vld [tilespmem:s5+$0x40]  }
0x57d: {  	v6 =	vld [tilespmem:s5+$0x50]  }
0x57e: {  	v7 =	vld [tilespmem:s5+$0x60]  }
0x57f: {  	v8 =	vld [tilespmem:s5+$0x70]  }
0x580: {  	v9 =	vld [tilespmem:s5+$0x80]  }
0x581: {  	v10 =	vld [tilespmem:s5+$0x90]  }
0x582: {  	v11 =	vld [tilespmem:s5+$0xA0]  }
0x583: {  	v12 =	vld [tilespmem:s5+$0xB0]  }
0x584: {  	v13 =	vld [tilespmem:s5+$0xC0]  }
0x585: {  	v14 =	vld [tilespmem:s5+$0xD0]  }
0x586: {  	v15 =	vld [tilespmem:s5+$0xE0]  }
0x587: {  	v16 =	vld [tilespmem:s5+$0xF0]  }
0x588: {  	v17 =	vld [tilespmem:s5+$0x100]  }
0x589: {  	v18 =	vld [tilespmem:s5+$0x110]  }
0x58a: {  	v19 =	vld [tilespmem:s5+$0x120]  }
0x58b: {  	v20 =	vld [tilespmem:s5+$0x130]  }
0x58c: {  	v21 =	vld [tilespmem:s5+$0x140]  }
0x58d: {  	v22 =	vld [tilespmem:s5+$0x150]  }
0x58e: {  	v23 =	vld [tilespmem:s5+$0x160]  }
0x58f: {  	v24 =	vld [tilespmem:s5+$0x170]  }
0x590: {  	v25 =	vld [tilespmem:s5+$0x180]  }
0x591: {  	v26 =	vld [tilespmem:s5+$0x190]  }
0x592: {  	v27 =	vld [tilespmem:s5+$0x1A0]  }
0x593: {  	v28 =	vld [tilespmem:s5+$0x1B0]  }
0x594: {  	v29 =	vld [tilespmem:s5+$0x1C0]  }
0x595: {  	v30 =	vld [tilespmem:s5+$0x1D0]  }
0x596: {  	[tilespmem:s5+$0xCDF0] =	vst.add.f32.msk $0xffff, v0  }
0x597: {  	v0 =	vld [tilespmem:s5+$0x1E0]  }
0x598: {  	[tilespmem:s5+$0xCC00] =	vst.add.f32.msk $0xffff, v1  }
0x599: {  	[tilespmem:s5+$0xCC10] =	vst.add.f32.msk $0xffff, v2  }
0x59a: {  	[tilespmem:s5+$0xCC20] =	vst.add.f32.msk $0xffff, v3  }
0x59b: {  	[tilespmem:s5+$0xCC30] =	vst.add.f32.msk $0xffff, v4  }
0x59c: {  	[tilespmem:s5+$0xCC40] =	vst.add.f32.msk $0xffff, v5  }
0x59d: {  	[tilespmem:s5+$0xCC50] =	vst.add.f32.msk $0xffff, v6  }
0x59e: {  	[tilespmem:s5+$0xCC60] =	vst.add.f32.msk $0xffff, v7  }
0x59f: {  	[tilespmem:s5+$0xCC70] =	vst.add.f32.msk $0xffff, v8  }
0x5a0: {  	[tilespmem:s5+$0xCC80] =	vst.add.f32.msk $0xffff, v9  }
0x5a1: {  	[tilespmem:s5+$0xCC90] =	vst.add.f32.msk $0xffff, v10  }
0x5a2: {  	[tilespmem:s5+$0xCCA0] =	vst.add.f32.msk $0xffff, v11  }
0x5a3: {  	[tilespmem:s5+$0xCCB0] =	vst.add.f32.msk $0xffff, v12  }
0x5a4: {  	[tilespmem:s5+$0xCCC0] =	vst.add.f32.msk $0xffff, v13  }
0x5a5: {  	[tilespmem:s5+$0xCCD0] =	vst.add.f32.msk $0xffff, v14  }
0x5a6: {  	[tilespmem:s5+$0xCCE0] =	vst.add.f32.msk $0xffff, v15  }
0x5a7: {  	[tilespmem:s5+$0xCCF0] =	vst.add.f32.msk $0xffff, v16  }
0x5a8: {  	[tilespmem:s5+$0xCD00] =	vst.add.f32.msk $0xffff, v17  }
0x5a9: {  	[tilespmem:s5+$0xCD10] =	vst.add.f32.msk $0xffff, v18  }
0x5aa: {  	[tilespmem:s5+$0xCD20] =	vst.add.f32.msk $0xffff, v19  }
0x5ab: {  	[tilespmem:s5+$0xCD30] =	vst.add.f32.msk $0xffff, v20  }
0x5ac: {  	[tilespmem:s5+$0xCD40] =	vst.add.f32.msk $0xffff, v21  }
0x5ad: {  	[tilespmem:s5+$0xCD50] =	vst.add.f32.msk $0xffff, v22  }
0x5ae: {  	[tilespmem:s5+$0xCD60] =	vst.add.f32.msk $0xffff, v23  }
0x5af: {  	[tilespmem:s5+$0xCD70] =	vst.add.f32.msk $0xffff, v24  }
0x5b0: {  	[tilespmem:s5+$0xCD80] =	vst.add.f32.msk $0xffff, v25  }
0x5b1: {  	[tilespmem:s5+$0xCD90] =	vst.add.f32.msk $0xffff, v26  }
0x5b2: {  	[tilespmem:s5+$0xCDA0] =	vst.add.f32.msk $0xffff, v27  }
0x5b3: {  	[tilespmem:s5+$0xCDB0] =	vst.add.f32.msk $0xffff, v28  }
0x5b4: {  	[tilespmem:s5+$0xCDC0] =	vst.add.f32.msk $0xffff, v29  }
0x5b5: {  	s12 =	simm.s32 $0x800;
	s2 =	simm.s32 $0x0;
	[tilespmem:s5+$0xCDD0] =	vst.add.f32.msk $0xffff, v30  }
.LBB2_22:
0x5b6: {  	s2 =	sadd.s32 $0x4, s2;
	[tilespmem:s5+$0xCDE0] =	vst.add.f32.msk $0xffff, v0;
	s5 =	sshra.s32 s12, $0x2  }
0x5b7: {  	v0 =	vld [tilespmem:s5+$0x1F0];
	p0 =	slt.u32 s2, $0xC4  }
0x5b8: {  	v1 =	vld [tilespmem:s5+$0x0]  }
0x5b9: {  	v2 =	vld [tilespmem:s5+$0x10]  }
0x5ba: {  	v3 =	vld [tilespmem:s5+$0x20]  }
0x5bb: {  	v4 =	vld [tilespmem:s5+$0x30]  }
0x5bc: {  	[tilespmem:s5+$0xCDF0] =	vst.add.f32.msk $0xffff, v0  }
0x5bd: {  	v5 =	vld [tilespmem:s5+$0x40]  }
0x5be: {  	v6 =	vld [tilespmem:s5+$0x50]  }
0x5bf: {  	v7 =	vld [tilespmem:s5+$0x60]  }
0x5c0: {  	v8 =	vld [tilespmem:s5+$0x70]  }
0x5c1: {  	v9 =	vld [tilespmem:s5+$0x80]  }
0x5c2: {  	v10 =	vld [tilespmem:s5+$0x90]  }
0x5c3: {  	v11 =	vld [tilespmem:s5+$0xA0]  }
0x5c4: {  	v12 =	vld [tilespmem:s5+$0xB0]  }
0x5c5: {  	v13 =	vld [tilespmem:s5+$0xC0]  }
0x5c6: {  	v14 =	vld [tilespmem:s5+$0xD0]  }
0x5c7: {  	v15 =	vld [tilespmem:s5+$0xE0]  }
0x5c8: {  	v16 =	vld [tilespmem:s5+$0xF0]  }
0x5c9: {  	v17 =	vld [tilespmem:s5+$0x100]  }
0x5ca: {  	v18 =	vld [tilespmem:s5+$0x110]  }
0x5cb: {  	v19 =	vld [tilespmem:s5+$0x120]  }
0x5cc: {  	v20 =	vld [tilespmem:s5+$0x130]  }
0x5cd: {  	v21 =	vld [tilespmem:s5+$0x140]  }
0x5ce: {  	v22 =	vld [tilespmem:s5+$0x150]  }
0x5cf: {  	v23 =	vld [tilespmem:s5+$0x160]  }
0x5d0: {  	v24 =	vld [tilespmem:s5+$0x170]  }
0x5d1: {  	v25 =	vld [tilespmem:s5+$0x180]  }
0x5d2: {  	v26 =	vld [tilespmem:s5+$0x190]  }
0x5d3: {  	v27 =	vld [tilespmem:s5+$0x1A0]  }
0x5d4: {  	v28 =	vld [tilespmem:s5+$0x1B0]  }
0x5d5: {  	v29 =	vld [tilespmem:s5+$0x1C0]  }
0x5d6: {  	v30 =	vld [tilespmem:s5+$0x1D0]  }
0x5d7: {  	v0 =	vld [tilespmem:s5+$0x1E0]  }
0x5d8: {  	[tilespmem:s5+$0xCC00] =	vst.add.f32.msk $0xffff, v1  }
0x5d9: {  	[tilespmem:s5+$0xCC10] =	vst.add.f32.msk $0xffff, v2  }
0x5da: {  	[tilespmem:s5+$0xCC20] =	vst.add.f32.msk $0xffff, v3  }
0x5db: {  	[tilespmem:s5+$0xCC30] =	vst.add.f32.msk $0xffff, v4  }
0x5dc: {  	[tilespmem:s5+$0xCC40] =	vst.add.f32.msk $0xffff, v5  }
0x5dd: {  	[tilespmem:s5+$0xCC50] =	vst.add.f32.msk $0xffff, v6  }
0x5de: {  	[tilespmem:s5+$0xCC60] =	vst.add.f32.msk $0xffff, v7  }
0x5df: {  	[tilespmem:s5+$0xCC70] =	vst.add.f32.msk $0xffff, v8  }
0x5e0: {  	[tilespmem:s5+$0xCC80] =	vst.add.f32.msk $0xffff, v9  }
0x5e1: {  	[tilespmem:s5+$0xCC90] =	vst.add.f32.msk $0xffff, v10  }
0x5e2: {  	[tilespmem:s5+$0xCCA0] =	vst.add.f32.msk $0xffff, v11  }
0x5e3: {  	[tilespmem:s5+$0xCCB0] =	vst.add.f32.msk $0xffff, v12  }
0x5e4: {  	[tilespmem:s5+$0xCCC0] =	vst.add.f32.msk $0xffff, v13  }
0x5e5: {  	[tilespmem:s5+$0xCCD0] =	vst.add.f32.msk $0xffff, v14  }
0x5e6: {  	[tilespmem:s5+$0xCCE0] =	vst.add.f32.msk $0xffff, v15  }
0x5e7: {  	[tilespmem:s5+$0xCCF0] =	vst.add.f32.msk $0xffff, v16  }
0x5e8: {  	[tilespmem:s5+$0xCD00] =	vst.add.f32.msk $0xffff, v17  }
0x5e9: {  	[tilespmem:s5+$0xCD10] =	vst.add.f32.msk $0xffff, v18  }
0x5ea: {  	[tilespmem:s5+$0xCD20] =	vst.add.f32.msk $0xffff, v19  }
0x5eb: {  	[tilespmem:s5+$0xCD30] =	vst.add.f32.msk $0xffff, v20  }
0x5ec: {  	[tilespmem:s5+$0xCD40] =	vst.add.f32.msk $0xffff, v21  }
0x5ed: {  	[tilespmem:s5+$0xCD50] =	vst.add.f32.msk $0xffff, v22  }
0x5ee: {  	[tilespmem:s5+$0xCD60] =	vst.add.f32.msk $0xffff, v23  }
0x5ef: {  	[tilespmem:s5+$0xCD70] =	vst.add.f32.msk $0xffff, v24  }
0x5f0: {  	[tilespmem:s5+$0xCD80] =	vst.add.f32.msk $0xffff, v25  }
.Ltmp10:
0x5f1: {  	[tilespmem:s5+$0xCD90] =	vst.add.f32.msk $0xffff, v26;
	(pc) =	sbr.rel @p0 .LBB2_22-.Ltmp10, $4  }
0x5f2: {  	[tilespmem:s5+$0xCDA0] =	vst.add.f32.msk $0xffff, v27  }
0x5f3: {  	[tilespmem:s5+$0xCDB0] =	vst.add.f32.msk $0xffff, v28  }
0x5f4: {  	[tilespmem:s5+$0xCDC0] =	vst.add.f32.msk $0xffff, v29  }
0x5f5: {  	s12 =	sadd.s32 $0x800, s12;
	[tilespmem:s5+$0xCDD0] =	vst.add.f32.msk $0xffff, v30  }
0x5f6: {  	[tilespmem:s5+$0xCDE0] =	vst.add.f32.msk $0xffff, v0  }
0x5f7: {  	s2 =	simm.s32 $0x0;
	s12 =	simm.s32 $0xCC00;
	s5 =	rddreg [dreg:$0x12]  }
0x5f8: {  	[hbm4b:s5+s2] =	stream.linear.scatter [tilespmem:s12], [sflag:$0xA], $0x6400, $0x38;
	[tilespmem:$0x1F800] =	vst v63  }
0x5f9: {  	_ =	swait.ge [sflag:s10], $0x6400  }
0x5fa: {  	[sflag:s10] =	ssyncset.done $0x0  }
0x5fb: {  	[sflag:s10] =	ssyncadd.s32 $0xFFFF9C00  }
0x5fc: {  	_ =	swait.ge [sflag:s11], $0x100  }
0x5fd: {  	[sflag:s11] =	ssyncset.done $0x0  }
0x5fe: {  	[sflag:s11] =	ssyncadd.s32 $0xFFFFFF00  }
0x5ff: {  	[tilespmem:s30], [sflag:$0x8] =	stream.indirect.gather [hbm4b:s1+s4], $0x80, s28, s4, $0xb8;
	[tilespmem:$0x1F800] =	vst v63  }
0x600: {  	s20 =	simm.s32 $0x6780;
	s31 =	simm.s32 $0x1C600  }
0x601: {  	[tilespmem:s31], [sflag:$0x8] =	stream.indirect.gather [hbm4b:s1+s4], $0x80, s20, s4, $0xb8;
	[tilespmem:$0x1F800] =	vst v63  }
0x602: {  	_ =	swait.ge [sflag:s15], $0x3200  }
0x603: {  	[sflag:s15] =	ssyncset.done $0x0  }
0x604: {  	[sflag:s15] =	ssyncadd.s32 $0xFFFFCE00  }
0x605: {  	_ =	swait.ge [sflag:s15], $0x3200  }
0x606: {  	[sflag:s15] =	ssyncset.done $0x0  }
0x607: {  	s5 =	simm.s32 $0x0;
	[sflag:s15] =	ssyncadd.s32 $0xFFFFCE00  }
0x608: {  	v0 =	vld [tilespmem:s5+$0x1F0]  }
0x609: {  	v1 =	vld [tilespmem:s5+$0x0]  }
0x60a: {  	v2 =	vld [tilespmem:s5+$0x10]  }
0x60b: {  	v3 =	vld [tilespmem:s5+$0x20]  }
0x60c: {  	v4 =	vld [tilespmem:s5+$0x30]  }
0x60d: {  	v5 =	vld [tilespmem:s5+$0x40]  }
0x60e: {  	v6 =	vld [tilespmem:s5+$0x50]  }
0x60f: {  	v7 =	vld [tilespmem:s5+$0x60]  }
0x610: {  	v8 =	vld [tilespmem:s5+$0x70]  }
0x611: {  	v9 =	vld [tilespmem:s5+$0x80]  }
0x612: {  	v10 =	vld [tilespmem:s5+$0x90]  }
0x613: {  	v11 =	vld [tilespmem:s5+$0xA0]  }
0x614: {  	v12 =	vld [tilespmem:s5+$0xB0]  }
0x615: {  	v13 =	vld [tilespmem:s5+$0xC0]  }
0x616: {  	v14 =	vld [tilespmem:s5+$0xD0]  }
0x617: {  	v15 =	vld [tilespmem:s5+$0xE0]  }
0x618: {  	v16 =	vld [tilespmem:s5+$0xF0]  }
0x619: {  	v17 =	vld [tilespmem:s5+$0x100]  }
0x61a: {  	v18 =	vld [tilespmem:s5+$0x110]  }
0x61b: {  	v19 =	vld [tilespmem:s5+$0x120]  }
0x61c: {  	v20 =	vld [tilespmem:s5+$0x130]  }
0x61d: {  	v21 =	vld [tilespmem:s5+$0x140]  }
0x61e: {  	v22 =	vld [tilespmem:s5+$0x150]  }
0x61f: {  	v23 =	vld [tilespmem:s5+$0x160]  }
0x620: {  	v24 =	vld [tilespmem:s5+$0x170]  }
0x621: {  	v25 =	vld [tilespmem:s5+$0x180]  }
0x622: {  	v26 =	vld [tilespmem:s5+$0x190]  }
0x623: {  	v27 =	vld [tilespmem:s5+$0x1A0]  }
0x624: {  	v28 =	vld [tilespmem:s5+$0x1B0]  }
0x625: {  	v29 =	vld [tilespmem:s5+$0x1C0]  }
0x626: {  	v30 =	vld [tilespmem:s5+$0x1D0]  }
0x627: {  	[tilespmem:s5+$0x131F0] =	vst.add.f32.msk $0xffff, v0  }
0x628: {  	v0 =	vld [tilespmem:s5+$0x1E0]  }
0x629: {  	[tilespmem:s5+$0x13000] =	vst.add.f32.msk $0xffff, v1  }
0x62a: {  	[tilespmem:s5+$0x13010] =	vst.add.f32.msk $0xffff, v2  }
0x62b: {  	[tilespmem:s5+$0x13020] =	vst.add.f32.msk $0xffff, v3  }
0x62c: {  	[tilespmem:s5+$0x13030] =	vst.add.f32.msk $0xffff, v4  }
0x62d: {  	[tilespmem:s5+$0x13040] =	vst.add.f32.msk $0xffff, v5  }
0x62e: {  	[tilespmem:s5+$0x13050] =	vst.add.f32.msk $0xffff, v6  }
0x62f: {  	[tilespmem:s5+$0x13060] =	vst.add.f32.msk $0xffff, v7  }
0x630: {  	[tilespmem:s5+$0x13070] =	vst.add.f32.msk $0xffff, v8  }
0x631: {  	[tilespmem:s5+$0x13080] =	vst.add.f32.msk $0xffff, v9  }
0x632: {  	[tilespmem:s5+$0x13090] =	vst.add.f32.msk $0xffff, v10  }
0x633: {  	[tilespmem:s5+$0x130A0] =	vst.add.f32.msk $0xffff, v11  }
0x634: {  	[tilespmem:s5+$0x130B0] =	vst.add.f32.msk $0xffff, v12  }
0x635: {  	[tilespmem:s5+$0x130C0] =	vst.add.f32.msk $0xffff, v13  }
0x636: {  	[tilespmem:s5+$0x130D0] =	vst.add.f32.msk $0xffff, v14  }
0x637: {  	[tilespmem:s5+$0x130E0] =	vst.add.f32.msk $0xffff, v15  }
0x638: {  	[tilespmem:s5+$0x130F0] =	vst.add.f32.msk $0xffff, v16  }
0x639: {  	[tilespmem:s5+$0x13100] =	vst.add.f32.msk $0xffff, v17  }
0x63a: {  	[tilespmem:s5+$0x13110] =	vst.add.f32.msk $0xffff, v18  }
0x63b: {  	[tilespmem:s5+$0x13120] =	vst.add.f32.msk $0xffff, v19  }
0x63c: {  	[tilespmem:s5+$0x13130] =	vst.add.f32.msk $0xffff, v20  }
0x63d: {  	[tilespmem:s5+$0x13140] =	vst.add.f32.msk $0xffff, v21  }
0x63e: {  	[tilespmem:s5+$0x13150] =	vst.add.f32.msk $0xffff, v22  }
0x63f: {  	[tilespmem:s5+$0x13160] =	vst.add.f32.msk $0xffff, v23  }
0x640: {  	[tilespmem:s5+$0x13170] =	vst.add.f32.msk $0xffff, v24  }
0x641: {  	[tilespmem:s5+$0x13180] =	vst.add.f32.msk $0xffff, v25  }
0x642: {  	[tilespmem:s5+$0x13190] =	vst.add.f32.msk $0xffff, v26  }
0x643: {  	[tilespmem:s5+$0x131A0] =	vst.add.f32.msk $0xffff, v27  }
0x644: {  	[tilespmem:s5+$0x131B0] =	vst.add.f32.msk $0xffff, v28  }
0x645: {  	[tilespmem:s5+$0x131C0] =	vst.add.f32.msk $0xffff, v29  }
0x646: {  	s2 =	simm.s32 $0x0;
	s12 =	simm.s32 $0x800;
	[tilespmem:s5+$0x131D0] =	vst.add.f32.msk $0xffff, v30  }
.LBB2_24:
0x647: {  	s2 =	sadd.s32 $0x4, s2;
	[tilespmem:s5+$0x131E0] =	vst.add.f32.msk $0xffff, v0;
	s5 =	sshra.s32 s12, $0x2  }
0x648: {  	v0 =	vld [tilespmem:s5+$0x1F0];
	p0 =	slt.u32 s2, $0xC4  }
0x649: {  	v1 =	vld [tilespmem:s5+$0x0]  }
0x64a: {  	v2 =	vld [tilespmem:s5+$0x10]  }
0x64b: {  	v3 =	vld [tilespmem:s5+$0x20]  }
0x64c: {  	v4 =	vld [tilespmem:s5+$0x30]  }
0x64d: {  	[tilespmem:s5+$0x131F0] =	vst.add.f32.msk $0xffff, v0  }
0x64e: {  	v5 =	vld [tilespmem:s5+$0x40]  }
0x64f: {  	v6 =	vld [tilespmem:s5+$0x50]  }
0x650: {  	v7 =	vld [tilespmem:s5+$0x60]  }
0x651: {  	v8 =	vld [tilespmem:s5+$0x70]  }
0x652: {  	v9 =	vld [tilespmem:s5+$0x80]  }
0x653: {  	v10 =	vld [tilespmem:s5+$0x90]  }
0x654: {  	v11 =	vld [tilespmem:s5+$0xA0]  }
0x655: {  	v12 =	vld [tilespmem:s5+$0xB0]  }
0x656: {  	v13 =	vld [tilespmem:s5+$0xC0]  }
0x657: {  	v14 =	vld [tilespmem:s5+$0xD0]  }
0x658: {  	v15 =	vld [tilespmem:s5+$0xE0]  }
0x659: {  	v16 =	vld [tilespmem:s5+$0xF0]  }
0x65a: {  	v17 =	vld [tilespmem:s5+$0x100]  }
0x65b: {  	v18 =	vld [tilespmem:s5+$0x110]  }
0x65c: {  	v19 =	vld [tilespmem:s5+$0x120]  }
0x65d: {  	v20 =	vld [tilespmem:s5+$0x130]  }
0x65e: {  	v21 =	vld [tilespmem:s5+$0x140]  }
0x65f: {  	v22 =	vld [tilespmem:s5+$0x150]  }
0x660: {  	v23 =	vld [tilespmem:s5+$0x160]  }
0x661: {  	v24 =	vld [tilespmem:s5+$0x170]  }
0x662: {  	v25 =	vld [tilespmem:s5+$0x180]  }
0x663: {  	v26 =	vld [tilespmem:s5+$0x190]  }
0x664: {  	v27 =	vld [tilespmem:s5+$0x1A0]  }
0x665: {  	v28 =	vld [tilespmem:s5+$0x1B0]  }
0x666: {  	v29 =	vld [tilespmem:s5+$0x1C0]  }
0x667: {  	v30 =	vld [tilespmem:s5+$0x1D0]  }
0x668: {  	v0 =	vld [tilespmem:s5+$0x1E0]  }
0x669: {  	[tilespmem:s5+$0x13000] =	vst.add.f32.msk $0xffff, v1  }
0x66a: {  	[tilespmem:s5+$0x13010] =	vst.add.f32.msk $0xffff, v2  }
0x66b: {  	[tilespmem:s5+$0x13020] =	vst.add.f32.msk $0xffff, v3  }
0x66c: {  	[tilespmem:s5+$0x13030] =	vst.add.f32.msk $0xffff, v4  }
0x66d: {  	[tilespmem:s5+$0x13040] =	vst.add.f32.msk $0xffff, v5  }
0x66e: {  	[tilespmem:s5+$0x13050] =	vst.add.f32.msk $0xffff, v6  }
0x66f: {  	[tilespmem:s5+$0x13060] =	vst.add.f32.msk $0xffff, v7  }
0x670: {  	[tilespmem:s5+$0x13070] =	vst.add.f32.msk $0xffff, v8  }
0x671: {  	[tilespmem:s5+$0x13080] =	vst.add.f32.msk $0xffff, v9  }
0x672: {  	[tilespmem:s5+$0x13090] =	vst.add.f32.msk $0xffff, v10  }
0x673: {  	[tilespmem:s5+$0x130A0] =	vst.add.f32.msk $0xffff, v11  }
0x674: {  	[tilespmem:s5+$0x130B0] =	vst.add.f32.msk $0xffff, v12  }
0x675: {  	[tilespmem:s5+$0x130C0] =	vst.add.f32.msk $0xffff, v13  }
0x676: {  	[tilespmem:s5+$0x130D0] =	vst.add.f32.msk $0xffff, v14  }
0x677: {  	[tilespmem:s5+$0x130E0] =	vst.add.f32.msk $0xffff, v15  }
0x678: {  	[tilespmem:s5+$0x130F0] =	vst.add.f32.msk $0xffff, v16  }
0x679: {  	[tilespmem:s5+$0x13100] =	vst.add.f32.msk $0xffff, v17  }
0x67a: {  	[tilespmem:s5+$0x13110] =	vst.add.f32.msk $0xffff, v18  }
0x67b: {  	[tilespmem:s5+$0x13120] =	vst.add.f32.msk $0xffff, v19  }
0x67c: {  	[tilespmem:s5+$0x13130] =	vst.add.f32.msk $0xffff, v20  }
0x67d: {  	[tilespmem:s5+$0x13140] =	vst.add.f32.msk $0xffff, v21  }
0x67e: {  	[tilespmem:s5+$0x13150] =	vst.add.f32.msk $0xffff, v22  }
0x67f: {  	[tilespmem:s5+$0x13160] =	vst.add.f32.msk $0xffff, v23  }
0x680: {  	[tilespmem:s5+$0x13170] =	vst.add.f32.msk $0xffff, v24  }
0x681: {  	[tilespmem:s5+$0x13180] =	vst.add.f32.msk $0xffff, v25  }
.Ltmp11:
0x682: {  	[tilespmem:s5+$0x13190] =	vst.add.f32.msk $0xffff, v26;
	(pc) =	sbr.rel @p0 .LBB2_24-.Ltmp11, $4  }
0x683: {  	[tilespmem:s5+$0x131A0] =	vst.add.f32.msk $0xffff, v27  }
0x684: {  	[tilespmem:s5+$0x131B0] =	vst.add.f32.msk $0xffff, v28  }
0x685: {  	[tilespmem:s5+$0x131C0] =	vst.add.f32.msk $0xffff, v29  }
0x686: {  	s12 =	sadd.s32 $0x800, s12;
	[tilespmem:s5+$0x131D0] =	vst.add.f32.msk $0xffff, v30  }
0x687: {  	[tilespmem:s5+$0x131E0] =	vst.add.f32.msk $0xffff, v0  }
0x688: {  	s2 =	simm.s32 $0x0;
	s5 =	rddreg [dreg:$0x13]  }
0x689: {  	[hbm4b:s5+s2] =	stream.linear.scatter [tilespmem:s23], [sflag:$0xB], $0x6400, $0x38;
	[tilespmem:$0x1F800] =	vst v63  }
0x68a: {  	_ =	swait.ge [sflag:s16], $0x6400  }
0x68b: {  	[sflag:s16] =	ssyncset.done $0x0  }
0x68c: {  	[sflag:s16] =	ssyncadd.s32 $0xFFFF9C00  }
0x68d: {  	_ =	swait.ge [sflag:s24], $0x3200  }
0x68e: {  	[sflag:s24] =	ssyncset.done $0x0  }
0x68f: {  	[sflag:s24] =	ssyncadd.s32 $0xFFFFCE00  }
0x690: {  	_ =	swait.ge [sflag:s24], $0x3200  }
0x691: {  	[sflag:s24] =	ssyncset.done $0x0  }
0x692: {  	s5 =	simm.s32 $0x0;
	[sflag:s24] =	ssyncadd.s32 $0xFFFFCE00  }
0x693: {  	v0 =	vld [tilespmem:s5+$0x1F0]  }
0x694: {  	v1 =	vld [tilespmem:s5+$0x0]  }
0x695: {  	v2 =	vld [tilespmem:s5+$0x10]  }
0x696: {  	v3 =	vld [tilespmem:s5+$0x20]  }
0x697: {  	v4 =	vld [tilespmem:s5+$0x30]  }
0x698: {  	v5 =	vld [tilespmem:s5+$0x40]  }
0x699: {  	v6 =	vld [tilespmem:s5+$0x50]  }
0x69a: {  	v7 =	vld [tilespmem:s5+$0x60]  }
0x69b: {  	v8 =	vld [tilespmem:s5+$0x70]  }
0x69c: {  	v9 =	vld [tilespmem:s5+$0x80]  }
0x69d: {  	v10 =	vld [tilespmem:s5+$0x90]  }
0x69e: {  	v11 =	vld [tilespmem:s5+$0xA0]  }
0x69f: {  	v12 =	vld [tilespmem:s5+$0xB0]  }
0x6a0: {  	v13 =	vld [tilespmem:s5+$0xC0]  }
0x6a1: {  	v14 =	vld [tilespmem:s5+$0xD0]  }
0x6a2: {  	v15 =	vld [tilespmem:s5+$0xE0]  }
0x6a3: {  	v16 =	vld [tilespmem:s5+$0xF0]  }
0x6a4: {  	v17 =	vld [tilespmem:s5+$0x100]  }
0x6a5: {  	v18 =	vld [tilespmem:s5+$0x110]  }
0x6a6: {  	v19 =	vld [tilespmem:s5+$0x120]  }
0x6a7: {  	v20 =	vld [tilespmem:s5+$0x130]  }
0x6a8: {  	v21 =	vld [tilespmem:s5+$0x140]  }
0x6a9: {  	v22 =	vld [tilespmem:s5+$0x150]  }
0x6aa: {  	v23 =	vld [tilespmem:s5+$0x160]  }
0x6ab: {  	v24 =	vld [tilespmem:s5+$0x170]  }
0x6ac: {  	v25 =	vld [tilespmem:s5+$0x180]  }
0x6ad: {  	v26 =	vld [tilespmem:s5+$0x190]  }
0x6ae: {  	v27 =	vld [tilespmem:s5+$0x1A0]  }
0x6af: {  	v28 =	vld [tilespmem:s5+$0x1B0]  }
0x6b0: {  	v29 =	vld [tilespmem:s5+$0x1C0]  }
0x6b1: {  	v30 =	vld [tilespmem:s5+$0x1D0]  }
0x6b2: {  	[tilespmem:s5+$0x195F0] =	vst.add.f32.msk $0xffff, v0  }
0x6b3: {  	v0 =	vld [tilespmem:s5+$0x1E0]  }
0x6b4: {  	[tilespmem:s5+$0x19400] =	vst.add.f32.msk $0xffff, v1  }
0x6b5: {  	[tilespmem:s5+$0x19410] =	vst.add.f32.msk $0xffff, v2  }
0x6b6: {  	[tilespmem:s5+$0x19420] =	vst.add.f32.msk $0xffff, v3  }
0x6b7: {  	[tilespmem:s5+$0x19430] =	vst.add.f32.msk $0xffff, v4  }
0x6b8: {  	[tilespmem:s5+$0x19440] =	vst.add.f32.msk $0xffff, v5  }
0x6b9: {  	[tilespmem:s5+$0x19450] =	vst.add.f32.msk $0xffff, v6  }
0x6ba: {  	[tilespmem:s5+$0x19460] =	vst.add.f32.msk $0xffff, v7  }
0x6bb: {  	[tilespmem:s5+$0x19470] =	vst.add.f32.msk $0xffff, v8  }
0x6bc: {  	[tilespmem:s5+$0x19480] =	vst.add.f32.msk $0xffff, v9  }
0x6bd: {  	[tilespmem:s5+$0x19490] =	vst.add.f32.msk $0xffff, v10  }
0x6be: {  	[tilespmem:s5+$0x194A0] =	vst.add.f32.msk $0xffff, v11  }
0x6bf: {  	[tilespmem:s5+$0x194B0] =	vst.add.f32.msk $0xffff, v12  }
0x6c0: {  	[tilespmem:s5+$0x194C0] =	vst.add.f32.msk $0xffff, v13  }
0x6c1: {  	[tilespmem:s5+$0x194D0] =	vst.add.f32.msk $0xffff, v14  }
0x6c2: {  	[tilespmem:s5+$0x194E0] =	vst.add.f32.msk $0xffff, v15  }
0x6c3: {  	[tilespmem:s5+$0x194F0] =	vst.add.f32.msk $0xffff, v16  }
0x6c4: {  	[tilespmem:s5+$0x19500] =	vst.add.f32.msk $0xffff, v17  }
0x6c5: {  	[tilespmem:s5+$0x19510] =	vst.add.f32.msk $0xffff, v18  }
0x6c6: {  	[tilespmem:s5+$0x19520] =	vst.add.f32.msk $0xffff, v19  }
0x6c7: {  	[tilespmem:s5+$0x19530] =	vst.add.f32.msk $0xffff, v20  }
0x6c8: {  	[tilespmem:s5+$0x19540] =	vst.add.f32.msk $0xffff, v21  }
0x6c9: {  	[tilespmem:s5+$0x19550] =	vst.add.f32.msk $0xffff, v22  }
0x6ca: {  	[tilespmem:s5+$0x19560] =	vst.add.f32.msk $0xffff, v23  }
0x6cb: {  	[tilespmem:s5+$0x19570] =	vst.add.f32.msk $0xffff, v24  }
0x6cc: {  	[tilespmem:s5+$0x19580] =	vst.add.f32.msk $0xffff, v25  }
0x6cd: {  	[tilespmem:s5+$0x19590] =	vst.add.f32.msk $0xffff, v26  }
0x6ce: {  	[tilespmem:s5+$0x195A0] =	vst.add.f32.msk $0xffff, v27  }
0x6cf: {  	[tilespmem:s5+$0x195B0] =	vst.add.f32.msk $0xffff, v28  }
0x6d0: {  	[tilespmem:s5+$0x195C0] =	vst.add.f32.msk $0xffff, v29  }
0x6d1: {  	s12 =	simm.s32 $0x800;
	s2 =	simm.s32 $0x0;
	[tilespmem:s5+$0x195D0] =	vst.add.f32.msk $0xffff, v30  }
.LBB2_26:
0x6d2: {  	s2 =	sadd.s32 $0x4, s2;
	[tilespmem:s5+$0x195E0] =	vst.add.f32.msk $0xffff, v0;
	s5 =	sshra.s32 s12, $0x2  }
0x6d3: {  	v0 =	vld [tilespmem:s5+$0x1F0];
	p0 =	slt.u32 s2, $0xC4  }
0x6d4: {  	v1 =	vld [tilespmem:s5+$0x0]  }
0x6d5: {  	v2 =	vld [tilespmem:s5+$0x10]  }
0x6d6: {  	v3 =	vld [tilespmem:s5+$0x20]  }
0x6d7: {  	v4 =	vld [tilespmem:s5+$0x30]  }
0x6d8: {  	[tilespmem:s5+$0x195F0] =	vst.add.f32.msk $0xffff, v0  }
0x6d9: {  	v5 =	vld [tilespmem:s5+$0x40]  }
0x6da: {  	v6 =	vld [tilespmem:s5+$0x50]  }
0x6db: {  	v7 =	vld [tilespmem:s5+$0x60]  }
0x6dc: {  	v8 =	vld [tilespmem:s5+$0x70]  }
0x6dd: {  	v9 =	vld [tilespmem:s5+$0x80]  }
0x6de: {  	v10 =	vld [tilespmem:s5+$0x90]  }
0x6df: {  	v11 =	vld [tilespmem:s5+$0xA0]  }
0x6e0: {  	v12 =	vld [tilespmem:s5+$0xB0]  }
0x6e1: {  	v13 =	vld [tilespmem:s5+$0xC0]  }
0x6e2: {  	v14 =	vld [tilespmem:s5+$0xD0]  }
0x6e3: {  	v15 =	vld [tilespmem:s5+$0xE0]  }
0x6e4: {  	v16 =	vld [tilespmem:s5+$0xF0]  }
0x6e5: {  	v17 =	vld [tilespmem:s5+$0x100]  }
0x6e6: {  	v18 =	vld [tilespmem:s5+$0x110]  }
0x6e7: {  	v19 =	vld [tilespmem:s5+$0x120]  }
0x6e8: {  	v20 =	vld [tilespmem:s5+$0x130]  }
0x6e9: {  	v21 =	vld [tilespmem:s5+$0x140]  }
0x6ea: {  	v22 =	vld [tilespmem:s5+$0x150]  }
0x6eb: {  	v23 =	vld [tilespmem:s5+$0x160]  }
0x6ec: {  	v24 =	vld [tilespmem:s5+$0x170]  }
0x6ed: {  	v25 =	vld [tilespmem:s5+$0x180]  }
0x6ee: {  	v26 =	vld [tilespmem:s5+$0x190]  }
0x6ef: {  	v27 =	vld [tilespmem:s5+$0x1A0]  }
0x6f0: {  	v28 =	vld [tilespmem:s5+$0x1B0]  }
0x6f1: {  	v29 =	vld [tilespmem:s5+$0x1C0]  }
0x6f2: {  	v30 =	vld [tilespmem:s5+$0x1D0]  }
0x6f3: {  	v0 =	vld [tilespmem:s5+$0x1E0]  }
0x6f4: {  	[tilespmem:s5+$0x19400] =	vst.add.f32.msk $0xffff, v1  }
0x6f5: {  	[tilespmem:s5+$0x19410] =	vst.add.f32.msk $0xffff, v2  }
0x6f6: {  	[tilespmem:s5+$0x19420] =	vst.add.f32.msk $0xffff, v3  }
0x6f7: {  	[tilespmem:s5+$0x19430] =	vst.add.f32.msk $0xffff, v4  }
0x6f8: {  	[tilespmem:s5+$0x19440] =	vst.add.f32.msk $0xffff, v5  }
0x6f9: {  	[tilespmem:s5+$0x19450] =	vst.add.f32.msk $0xffff, v6  }
0x6fa: {  	[tilespmem:s5+$0x19460] =	vst.add.f32.msk $0xffff, v7  }
0x6fb: {  	[tilespmem:s5+$0x19470] =	vst.add.f32.msk $0xffff, v8  }
0x6fc: {  	[tilespmem:s5+$0x19480] =	vst.add.f32.msk $0xffff, v9  }
0x6fd: {  	[tilespmem:s5+$0x19490] =	vst.add.f32.msk $0xffff, v10  }
0x6fe: {  	[tilespmem:s5+$0x194A0] =	vst.add.f32.msk $0xffff, v11  }
0x6ff: {  	[tilespmem:s5+$0x194B0] =	vst.add.f32.msk $0xffff, v12  }
0x700: {  	[tilespmem:s5+$0x194C0] =	vst.add.f32.msk $0xffff, v13  }
0x701: {  	[tilespmem:s5+$0x194D0] =	vst.add.f32.msk $0xffff, v14  }
0x702: {  	[tilespmem:s5+$0x194E0] =	vst.add.f32.msk $0xffff, v15  }
0x703: {  	[tilespmem:s5+$0x194F0] =	vst.add.f32.msk $0xffff, v16  }
0x704: {  	[tilespmem:s5+$0x19500] =	vst.add.f32.msk $0xffff, v17  }
0x705: {  	[tilespmem:s5+$0x19510] =	vst.add.f32.msk $0xffff, v18  }
0x706: {  	[tilespmem:s5+$0x19520] =	vst.add.f32.msk $0xffff, v19  }
0x707: {  	[tilespmem:s5+$0x19530] =	vst.add.f32.msk $0xffff, v20  }
0x708: {  	[tilespmem:s5+$0x19540] =	vst.add.f32.msk $0xffff, v21  }
0x709: {  	[tilespmem:s5+$0x19550] =	vst.add.f32.msk $0xffff, v22  }
0x70a: {  	[tilespmem:s5+$0x19560] =	vst.add.f32.msk $0xffff, v23  }
0x70b: {  	[tilespmem:s5+$0x19570] =	vst.add.f32.msk $0xffff, v24  }
0x70c: {  	[tilespmem:s5+$0x19580] =	vst.add.f32.msk $0xffff, v25  }
.Ltmp12:
0x70d: {  	[tilespmem:s5+$0x19590] =	vst.add.f32.msk $0xffff, v26;
	(pc) =	sbr.rel @p0 .LBB2_26-.Ltmp12, $4  }
0x70e: {  	[tilespmem:s5+$0x195A0] =	vst.add.f32.msk $0xffff, v27  }
0x70f: {  	[tilespmem:s5+$0x195B0] =	vst.add.f32.msk $0xffff, v28  }
0x710: {  	[tilespmem:s5+$0x195C0] =	vst.add.f32.msk $0xffff, v29  }
0x711: {  	s12 =	sadd.s32 $0x800, s12;
	[tilespmem:s5+$0x195D0] =	vst.add.f32.msk $0xffff, v30  }
0x712: {  	[tilespmem:s5+$0x195E0] =	vst.add.f32.msk $0xffff, v0  }
0x713: {  	s2 =	rddreg [dreg:$0x14]  }
0x714: {  	[hbm4b:s2+s19] =	stream.linear.scatter [tilespmem:s30], [sflag:$0xC], $0x6400, $0x38;
	[tilespmem:$0x1F800] =	vst v63  }
0x715: {  	_ =	swait.ge [sflag:s25], $0x6400  }
0x716: {  	[sflag:s25] =	ssyncset.done $0x0  }
0x717: {  	[sflag:s25] =	ssyncadd.s32 $0xFFFF9C00  }
0x718: {  	_ =	swait.ge [sflag:s9], $0x6400  }
0x719: {  	[sflag:s9] =	ssyncset.done $0x0  }
0x71a: {  	[sflag:s9] =	ssyncadd.s32 $0xFFFF9C00  }
0x71b: {  	_ =	swait.ge [sflag:s10], $0x6400  }
0x71c: {  	s20 =	rddreg [dreg:$0x19]  }
0x71d: {  	s31 =	rddreg [dreg:$0x15];
	s5 =	sadd.s32 $0x1, s20  }
0x71e: {  	p0 =	sne.s32 s5, s31  }
.Ltmp13:
0x71f: {  	_ = 	snop;
	(pc) =	sbr.rel @p0 .LBB2_1-.Ltmp13, $3  }
0x720: {  	_ =	sdelay $0x1  }
0x721: {  	[sflag:s10] =	ssyncset.done $0x0  }
0x722: {  	[sflag:s10] =	ssyncadd.s32 $0xFFFF9C00  }
0x723: {  	_ =	sfence.sel $0x180000  }
0x724: {  	[bflag:$0x0] =	sbarrier.arrive $0xFFFF  }
0x725: {  	_ =	strace $0x90000047  }
0x726: {  	s0 =	stileid.u32;
	[bflag:$0x2] =	sbarrier.arrive $0xFFFF  }
0x727: {  	p0 =	sne.s32 s0, $0x0;
	s0 =	rddreg [dreg:$0x4]  }
0x728: {  	s0 =	sadd.s32 @!p0 $0x100000, s0  }
0x729: {  	[sflag:s0] =	ssyncadd.tile.s32 @!p0 $0x1;
	_ =	shalt  }
.Lfunc_end2:
_tile_overlayer_lowered:
.L_overlay_start_2:
0x72a: {  	(tag) =	ssettag $0x2  }
0x72b: {  	s0 =	rddreg [dreg:$0x0];
	s2 =	stileid.u32  }
0x72c: {  	s1 =	rddreg [dreg:$0x1];
	p0 =	sne.s32 s2, $0x0  }
0x72d: {  	s3 =	rddreg [dreg:$0x2];
	[bflag:$0x3] =	sbarrier.arrive $0xFFFF;
	s2 =	simm.s32 @!p0 $0x1C0D  }
0x72e: {  	[timem:s3], [sflag:s2] =	dma.local @!p0 [hbm:s0], s1  }
0x72f: {  	s0 =	simm.s32 @!p0 $0xD  }
0x730: {  	_ =	swait.ge @!p0 [sflag:s0], s1  }
0x731: {  	s1 =	ssub.s32 @!p0 $0x0, s1;
	[sflag:s0] =	ssyncset.done @!p0 $0x0  }
0x732: {  	[sflag:s0] =	ssyncadd.s32 @!p0 s1  }
0x733: {  	[bflag:$0x3] =	sbarrier.arrive $0xFFFF  }
0x734: {  	_ =	shalt  }

</sc_bundles>
